<compile_context>
chip_gen: v7x
topology: tpu7x:2x2x1
jax: 0.10.2.dev20260603
libtpu: 0.0.44.dev20260713+nightly
codegen_flags: <defaults>
</compile_context>

<pallas_src>
import functools

import jax
import jax.numpy as jnp
from jax import lax
from jax.experimental import pallas as pl
from jax.experimental.pallas import tpu as pltpu
from jax.experimental.pallas import tpu_sc as plsc

N = 10000
NP = 10240
E = 320000
D = 128
H = 64
K = 8

NC = 2
NS = 16
NW = NC * NS
EPW = E // NW
CH = 16000
NCH = E // CH
FPW = H // NW
SB = 14

_mesh = plsc.VectorSubcoreMesh(core_axis_name="c", subcore_axis_name="s")
_sc_params = pltpu.CompilerParams(needs_layout_passes=False)


def _wid():
    return lax.axis_index("s") * NC + lax.axis_index("c")


@functools.partial(
    pl.kernel,
    out_type=jax.ShapeDtypeStruct((NW * NP,), jnp.float32),
    mesh=_mesh,
    compiler_params=_sc_params,
    scratch_types=[
        pltpu.VMEM((EPW,), jnp.int32),
        pltpu.VMEM((NP,), jnp.float32),
    ],
)
def _deg_kernel(src_hbm, out_hbm, src_v, deg_v):
    wid = _wid()
    zero16 = jnp.zeros((16,), jnp.float32)

    @plsc.parallel_loop(0, NP, step=16, unroll=4)
    def _(i):
        deg_v[pl.ds(i, 16)] = zero16

    pltpu.sync_copy(src_hbm.at[pl.ds(wid * EPW, EPW)], src_v)
    one16 = jnp.ones((16,), jnp.float32)

    @plsc.parallel_loop(0, EPW, step=16, unroll=8)
    def _(i):
        s = src_v[pl.ds(i, 16)]
        plsc.addupdate_scatter(deg_v, [s], one16)

    pltpu.sync_copy(deg_v, out_hbm.at[pl.ds(wid * NP, NP)])


def _dense_body(x_ref, wf_ref, degp_ref, zt_ref, d2_ref, dsq_ref):
    deg = jnp.sum(degp_ref[...], axis=0, keepdims=True)
    dinv = jnp.where(deg > 0.0, lax.rsqrt(deg), 0.0)
    d2_ref[...] = dinv * dinv
    dsq_ref[...] = jnp.where(deg > 0.0, jnp.sqrt(deg), 0.0)
    zt = lax.dot_general(
        wf_ref[...], x_ref[...], (((1,), (1,)), ((), ())),
        preferred_element_type=jnp.float32)
    zt_ref[...] = zt * dinv


def _dense(xp, wf, degp):
    return pl.pallas_call(
        _dense_body,
        out_shape=(
            jax.ShapeDtypeStruct((K * H, NP), jnp.float32),
            jax.ShapeDtypeStruct((1, NP), jnp.float32),
            jax.ShapeDtypeStruct((1, NP), jnp.float32),
        ),
    )(xp, wf, degp)


@functools.partial(
    pl.kernel,
    out_type=jax.ShapeDtypeStruct((H * NP,), jnp.float32),
    mesh=_mesh,
    compiler_params=_sc_params,
    scratch_types=[
        pltpu.VMEM((2 * NP,), jnp.float32),
        pltpu.VMEM((2 * NP,), jnp.float32),
        pltpu.VMEM((2 * NP,), jnp.float32),
        pltpu.VMEM((2 * NP,), jnp.float32),
        pltpu.VMEM((NP,), jnp.float32),
        pltpu.VMEM((CH,), jnp.int32),
        pltpu.VMEM((CH,), jnp.int32),
        pltpu.SemaphoreType.DMA,
        pltpu.SemaphoreType.DMA,
        pltpu.SemaphoreType.DMA,
    ],
)
def _clenshaw_kernel(packed_hbm, zt_hbm, d2_hbm, st_hbm, P, Q, O, Z, D2,
                     EB0, EB1, sem0, sem1, semz):
    wid = _wid()
    h0 = wid * FPW
    zero16 = jnp.zeros((16,), jnp.float32)
    nsplat = jnp.full((16,), NP, jnp.int32)
    msk = jnp.full((16,), (1 << SB) - 1, jnp.int32)

    @plsc.parallel_loop(0, 2 * NP, step=16, unroll=4)
    def _(i):
        sl = pl.ds(i, 16)
        Q[sl] = zero16
        O[sl] = zero16

    pltpu.sync_copy(d2_hbm, D2)
    pltpu.sync_copy(zt_hbm.at[pl.ds((7 * H + h0) * NP, NP)], P.at[pl.ds(0, NP)])
    pltpu.sync_copy(zt_hbm.at[pl.ds((7 * H + h0 + 1) * NP, NP)], P.at[pl.ds(NP, NP)])

    def start_chunk(c, buf, sem):
        pltpu.async_copy(packed_hbm.at[pl.ds(c * CH, CH)], buf, sem)

    def wait_chunk(buf, sem):
        pltpu.make_async_copy(packed_hbm.at[pl.ds(0, CH)], buf, sem).wait()

    start_chunk(0, EB0, sem0)

    def process(Pb, buf):
        @plsc.parallel_loop(0, CH, step=16, unroll=8)
        def _(i):
            sd = buf[pl.ds(i, 16)]
            s = lax.shift_right_logical(sd, SB)
            d = sd & msk
            v0 = plsc.load_gather(Pb, [s])
            plsc.addupdate_scatter(O, [d], v0)
            v1 = plsc.load_gather(Pb, [s + nsplat])
            plsc.addupdate_scatter(O, [d + nsplat], v1)

    def sweep(Pb, Qb, k, fac):
        pltpu.async_copy(
            zt_hbm.at[pl.ds((k * H + h0) * NP, NP)], Z.at[pl.ds(0, NP)], semz)
        pltpu.async_copy(
            zt_hbm.at[pl.ds((k * H + h0 + 1) * NP, NP)], Z.at[pl.ds(NP, NP)], semz)

        def pair(j, _):
            wait_chunk(EB0, sem0)
            start_chunk(2 * j + 1, EB1, sem1)
            process(Pb, EB0)
            wait_chunk(EB1, sem1)
            nxt = lax.rem(2 * j + 2, NCH)
            start_chunk(nxt, EB0, sem0)
            process(Pb, EB1)
            return 0

        lax.fori_loop(0, NCH // 2, pair, 0)

        pltpu.make_async_copy(
            zt_hbm.at[pl.ds(0, NP)], Z.at[pl.ds(0, NP)], semz).wait()
        pltpu.make_async_copy(
            zt_hbm.at[pl.ds(0, NP)], Z.at[pl.ds(NP, NP)], semz).wait()

        @plsc.parallel_loop(0, NP, step=16, unroll=4)
        def _(i):
            sl = pl.ds(i, 16)
            d2 = D2[sl]
            Qb[sl] = Z[sl] - fac * d2 * O[sl] - Qb[sl]
            O[sl] = zero16
            sl1 = pl.ds(NP + i, 16)
            Qb[sl1] = Z[sl1] - fac * d2 * O[sl1] - Qb[sl1]
            O[sl1] = zero16

    bufs = [P, Q]
    for k in range(6, 0, -1):
        sweep(bufs[0], bufs[1], k, 2.0)
        bufs = [bufs[1], bufs[0]]
    sweep(bufs[0], bufs[1], 0, 1.0)
    S = bufs[1]

    wait_chunk(EB0, sem0)

    pltpu.sync_copy(S.at[pl.ds(0, NP)], st_hbm.at[pl.ds(h0 * NP, NP)])
    pltpu.sync_copy(S.at[pl.ds(NP, NP)], st_hbm.at[pl.ds((h0 + 1) * NP, NP)])


def _elu_body(st_ref, dsq_ref, x_ref, wc_ref, b_ref, o_ref):
    t = jnp.transpose(st_ref[...])
    t = lax.slice(t, (0, 0), (N, H))
    dsq = jnp.transpose(dsq_ref[...])
    dsq = lax.slice(dsq, (0, 0), (N, 1))
    corr = jnp.dot(x_ref[...], wc_ref[...],
                   preferred_element_type=jnp.float32)
    t = jnp.where(dsq > 0.0, dsq * t, corr) + b_ref[...]
    o_ref[...] = jnp.where(t > 0.0, t, jnp.exp(t) - 1.0)


def _elu(st2, dsq, x, wc, b2):
    return pl.pallas_call(
        _elu_body,
        out_shape=jax.ShapeDtypeStruct((N, H), jnp.float32),
    )(st2, dsq, x, wc, b2)


@jax.jit
def kernel(x, edge_index, W, b):
    src = edge_index[0]
    dst = edge_index[1]

    degp = _deg_kernel(src)

    xp = jnp.pad(x, ((0, NP - N), (0, 0)))
    wf = jnp.transpose(W, (0, 2, 1)).reshape(K * H, D)
    zt, d2, dsq = _dense(xp, wf, degp.reshape(NW, NP))

    packed = src * (1 << SB) + dst

    st = _clenshaw_kernel(packed, zt.reshape(K * H * NP), d2.reshape(NP))

    wc = W[0] - W[2] + W[4] - W[6]
    return _elu(st.reshape(H, NP), dsq, x, wc, b.reshape(1, H))

# --- scband reference (transcript-rebuilt; emitter-appended) ---
"""Pipeline reference for scband-kipfblock-28527172780471 (READ-ONLY COPY).

The authoritative reference and input builder live on the scoring server;
editing this copy changes nothing except your own understanding.
"""

import jax, jax.numpy as jnp
import numpy as np

N = 10000
E = 320000
D = 128
H = 64
K = 8


def setup_inputs(seed: int = 0) -> dict:
    key = jax.random.key(seed)
    k1, k2, k3 = jax.random.split(key, 3)
    x = jax.random.normal(k1, (N, D), dtype=jnp.float32)
    edge_index = jax.random.randint(k2, (2, E), 0, N, dtype=jnp.int32)
    # ChebConv has K separate linear weights (one per Chebyshev order) + bias
    W = jax.random.normal(k3, (K, D, H), dtype=jnp.float32) * (1.0 / np.sqrt(D))
    b = jnp.zeros((H,), dtype=jnp.float32)
    return {"x": x, "edge_index": edge_index, "W": W, "b": b}


def reference(x, edge_index, W, b):
    # PyG ChebConv with normalization='sym', lambda_max=2.0 (default):
    # L_hat = 2/lambda_max * (I - D^-1/2 A D^-1/2) - I = -D^-1/2 A D^-1/2
    # (diagonal entries become 0 after the shift)
    src = edge_index[0]
    dst = edge_index[1]
    n = x.shape[0]
    ew = jnp.ones((src.shape[0],), dtype=x.dtype)
    deg = jnp.zeros((n,), dtype=x.dtype).at[src].add(ew)
    dinv = jnp.where(deg > 0, deg ** -0.5, 0.0)
    w = -dinv[src] * ew * dinv[dst]

    def lap(v):
        # message = w * v[src], scatter-add into dst  (source_to_target flow)
        return jnp.zeros_like(v).at[dst].add(w[:, None] * v[src])

    Tx0 = x
    out = Tx0 @ W[0]
    Tx1 = lap(x)
    out = out + Tx1 @ W[1]
    for k in range(2, W.shape[0]):
        Tx2 = 2.0 * lap(Tx1) - Tx0
        out = out + Tx2 @ W[k]
        Tx0, Tx1 = Tx1, Tx2
    out = out + b
    # Kipfblock: F.elu(conv1(x, edge_index)), bn=False, dropout inactive in eval
    return jax.nn.elu(out)

if __name__ == "__main__":
    import jax
    _d = setup_inputs()
    print(jax.jit(kernel)(*tuple(_d.values())))

</pallas_src>

<mosaic_0001>
#map = affine_map<(d0, d1) -> (0)>
module attributes {stable_mosaic.version = 14 : i64} {
  func.func @_deg_kernel(%arg0: i32, %arg1: i32, %arg2: memref<320000xi32, #tpu.memory_space<hbm>>, %arg3: memref<327680xf32, #tpu.memory_space<hbm>>, %arg4: memref<10000xi32, #tpu.memory_space<vmem>>, %arg5: memref<10240xf32, #tpu.memory_space<vmem>>) attributes {dimension_semantics = [#tpu.dimension_semantics<core_parallel>, #tpu.dimension_semantics<subcore_parallel>], iteration_bounds = array<i64: 2, 16>, scalar_prefetch = 0 : i64, scratch_operands = 2 : i64, tpu.core_type = #tpu.core_type<sc_vector_subcore>, window_params = [{transform_indices = #map}, {transform_indices = #map}]} {
    %mul3A = arith.constant 2 : i32
    %mul3A_0 = arith.muli %arg1, %mul3A : i32
    %add3A = arith.addi %mul3A_0, %arg0 : i32
    %broadcast_in_dim3A = arith.constant 0.000000e+00 : f32
    %broadcast_in_dim3A_1 = vector.broadcast %broadcast_in_dim3A : f32 to vector<16xf32>
    %parallel_loop3A = arith.constant 0 : i32
    %parallel_loop3A_2 = arith.constant 10240 : i32
    %parallel_loop3A_3 = arith.constant 16 : i32
    scf.for %parallel_loop3A_13 = %parallel_loop3A to %parallel_loop3A_2 step %parallel_loop3A_3  : i32 {
      %parallel_loop3A_14 = arith.index_cast %parallel_loop3A_13 : i32 to index
      %parallel_loop3A_15 = tpu.vector_load %arg5[%parallel_loop3A_14] {strides = array<i32>} : memref<10240xf32, #tpu.memory_space<vmem>>, vector<16xf32>,
      tpu.vector_store %arg5[%parallel_loop3A_14], %broadcast_in_dim3A_1 {strides = array<i32>} : memref<10240xf32, #tpu.memory_space<vmem>>, vector<16xf32>,
    } {sc.loop_unroll_factor = 4 : i64, sc.parallel_access}
    %mul3A_4 = arith.constant 10000 : i32
    %mul3A_5 = arith.muli %add3A, %mul3A_4 : i32
    "tpu.region"() ({
      %run_scoped3A = tpu.sem_alloc : memref<!tpu.dma_semaphore, #tpu.memory_space<semaphore_mem>>
      %dma_start3A = tpu.memref_slice %arg2[%mul3A_5] : memref<320000xi32, #tpu.memory_space<hbm>> -> memref<10000xi32, #tpu.memory_space<hbm>>
      %dma_start3A_13 = tpu.memref_slice %arg2[%mul3A_5] : memref<320000xi32, #tpu.memory_space<hbm>> -> memref<10000xi32, #tpu.memory_space<hbm>>
      tpu.enqueue_dma source(%dma_start3A_13 : memref<10000xi32, #tpu.memory_space<hbm>>) target(%arg4 : memref<10000xi32, #tpu.memory_space<vmem>>) target_semaphore(%run_scoped3A : memref<!tpu.dma_semaphore, #tpu.memory_space<semaphore_mem>>)
      %dma_wait3A = tpu.memref_slice %arg2[%mul3A_5] : memref<320000xi32, #tpu.memory_space<hbm>> -> memref<10000xi32, #tpu.memory_space<hbm>>
      %dma_wait3A_14 = tpu.memref_slice %arg2[%mul3A_5] : memref<320000xi32, #tpu.memory_space<hbm>> -> memref<10000xi32, #tpu.memory_space<hbm>>
      tpu.wait_dma2 semaphore(%run_scoped3A : memref<!tpu.dma_semaphore, #tpu.memory_space<semaphore_mem>>) src(%dma_wait3A_14 : memref<10000xi32, #tpu.memory_space<hbm>>) dst(%arg4 : memref<10000xi32, #tpu.memory_space<vmem>>)
      tpu.yield
    }) : () -> ()
    %broadcast_in_dim3A_6 = arith.constant 1.000000e+00 : f32
    %broadcast_in_dim3A_7 = vector.broadcast %broadcast_in_dim3A_6 : f32 to vector<16xf32>
    %parallel_loop3A_8 = arith.constant 0 : i32
    %parallel_loop3A_9 = arith.constant 10000 : i32
    %parallel_loop3A_10 = arith.constant 16 : i32
    scf.for %parallel_loop3A_13 = %parallel_loop3A_8 to %parallel_loop3A_9 step %parallel_loop3A_10  : i32 {
      %parallel_loop3A_14 = arith.index_cast %parallel_loop3A_13 : i32 to index
      %parallel_loop3A_15 = tpu.vector_load %arg4[%parallel_loop3A_14] {strides = array<i32>} : memref<10000xi32, #tpu.memory_space<vmem>>, vector<16xi32>,
      tpu.vector_store_idx %arg5[%parallel_loop3A_15], %broadcast_in_dim3A_7 {add = true} : memref<10240xf32, #tpu.memory_space<vmem>>[vector<16xi32>], vector<16xf32>,
    } {sc.loop_unroll_factor = 8 : i64, sc.parallel_access}
    %mul3A_11 = arith.constant 10240 : i32
    %mul3A_12 = arith.muli %add3A, %mul3A_11 : i32
    "tpu.region"() ({
      %run_scoped3A = tpu.sem_alloc : memref<!tpu.dma_semaphore, #tpu.memory_space<semaphore_mem>>
      %dma_start3A = tpu.memref_slice %arg3[%mul3A_12] : memref<327680xf32, #tpu.memory_space<hbm>> -> memref<10240xf32, #tpu.memory_space<hbm>>
      %dma_start3A_13 = tpu.memref_slice %arg3[%mul3A_12] : memref<327680xf32, #tpu.memory_space<hbm>> -> memref<10240xf32, #tpu.memory_space<hbm>>
      tpu.enqueue_dma source(%arg5 : memref<10240xf32, #tpu.memory_space<vmem>>) target(%dma_start3A_13 : memref<10240xf32, #tpu.memory_space<hbm>>) target_semaphore(%run_scoped3A : memref<!tpu.dma_semaphore, #tpu.memory_space<semaphore_mem>>)
      %dma_wait3A = tpu.memref_slice %arg3[%mul3A_12] : memref<327680xf32, #tpu.memory_space<hbm>> -> memref<10240xf32, #tpu.memory_space<hbm>>
      %dma_wait3A_14 = tpu.memref_slice %arg3[%mul3A_12] : memref<327680xf32, #tpu.memory_space<hbm>> -> memref<10240xf32, #tpu.memory_space<hbm>>
      tpu.wait_dma2 semaphore(%run_scoped3A : memref<!tpu.dma_semaphore, #tpu.memory_space<semaphore_mem>>) src(%arg5 : memref<10240xf32, #tpu.memory_space<vmem>>) dst(%dma_wait3A_14 : memref<10240xf32, #tpu.memory_space<hbm>>)
      tpu.yield
    }) : () -> ()
    return
  }
}

#map = affine_map<(d0, d1) -> (0)>
module attributes {stable_mosaic.version = 14 : i64} {
  func.func @_clenshaw_kernel(%arg0: i32, %arg1: i32, %arg2: memref<320000xi32, #tpu.memory_space<hbm>>, %arg3: memref<5242880xf32, #tpu.memory_space<hbm>>, %arg4: memref<10240xf32, #tpu.memory_space<hbm>>, %arg5: memref<655360xf32, #tpu.memory_space<hbm>>, %arg6: memref<20480xf32, #tpu.memory_space<vmem>>, %arg7: memref<20480xf32, #tpu.memory_space<vmem>>, %arg8: memref<20480xf32, #tpu.memory_space<vmem>>, %arg9: memref<20480xf32, #tpu.memory_space<vmem>>, %arg10: memref<10240xf32, #tpu.memory_space<vmem>>, %arg11: memref<16000xi32, #tpu.memory_space<vmem>>, %arg12: memref<16000xi32, #tpu.memory_space<vmem>>, %arg13: memref<!tpu.dma_semaphore, #tpu.memory_space<semaphore_mem>>, %arg14: memref<!tpu.dma_semaphore, #tpu.memory_space<semaphore_mem>>, %arg15: memref<!tpu.dma_semaphore, #tpu.memory_space<semaphore_mem>>) attributes {dimension_semantics = [#tpu.dimension_semantics<core_parallel>, #tpu.dimension_semantics<subcore_parallel>], iteration_bounds = array<i64: 2, 16>, scalar_prefetch = 0 : i64, scratch_operands = 10 : i64, tpu.core_type = #tpu.core_type<sc_vector_subcore>, window_params = [{transform_indices = #map}, {transform_indices = #map}, {transform_indices = #map}, {transform_indices = #map}]} {
    %mul3A = arith.constant 2 : i32
    %mul3A_0 = arith.muli %arg1, %mul3A : i32
    %add3A = arith.addi %mul3A_0, %arg0 : i32
    %mul3A_1 = arith.constant 2 : i32
    %mul3A_2 = arith.muli %add3A, %mul3A_1 : i32
    %broadcast_in_dim3A = arith.constant 0.000000e+00 : f32
    %broadcast_in_dim3A_3 = vector.broadcast %broadcast_in_dim3A : f32 to vector<16xf32>
    %broadcast_in_dim3A_4 = arith.constant 10240 : i32
    %broadcast_in_dim3A_5 = vector.broadcast %broadcast_in_dim3A_4 : i32 to vector<16xi32>
    %broadcast_in_dim3A_6 = arith.constant 16383 : i32
    %broadcast_in_dim3A_7 = vector.broadcast %broadcast_in_dim3A_6 : i32 to vector<16xi32>
    %parallel_loop3A = arith.constant 0 : i32
    %parallel_loop3A_8 = arith.constant 20480 : i32
    %parallel_loop3A_9 = arith.constant 16 : i32
    scf.for %parallel_loop3A_367 = %parallel_loop3A to %parallel_loop3A_8 step %parallel_loop3A_9  : i32 {
      %parallel_loop3A_368 = arith.index_cast %parallel_loop3A_367 : i32 to index
      %parallel_loop3A_369 = tpu.vector_load %arg7[%parallel_loop3A_368] {strides = array<i32>} : memref<20480xf32, #tpu.memory_space<vmem>>, vector<16xf32>,
      tpu.vector_store %arg7[%parallel_loop3A_368], %broadcast_in_dim3A_3 {strides = array<i32>} : memref<20480xf32, #tpu.memory_space<vmem>>, vector<16xf32>,
      %parallel_loop3A_370 = arith.index_cast %parallel_loop3A_367 : i32 to index
      %parallel_loop3A_371 = tpu.vector_load %arg8[%parallel_loop3A_370] {strides = array<i32>} : memref<20480xf32, #tpu.memory_space<vmem>>, vector<16xf32>,
      tpu.vector_store %arg8[%parallel_loop3A_370], %broadcast_in_dim3A_3 {strides = array<i32>} : memref<20480xf32, #tpu.memory_space<vmem>>, vector<16xf32>,
    } {sc.loop_unroll_factor = 4 : i64, sc.parallel_access}
    "tpu.region"() ({
      %run_scoped3A = tpu.sem_alloc : memref<!tpu.dma_semaphore, #tpu.memory_space<semaphore_mem>>
      tpu.enqueue_dma source(%arg4 : memref<10240xf32, #tpu.memory_space<hbm>>) target(%arg10 : memref<10240xf32, #tpu.memory_space<vmem>>) target_semaphore(%run_scoped3A : memref<!tpu.dma_semaphore, #tpu.memory_space<semaphore_mem>>)
      tpu.wait_dma2 semaphore(%run_scoped3A : memref<!tpu.dma_semaphore, #tpu.memory_space<semaphore_mem>>) src(%arg4 : memref<10240xf32, #tpu.memory_space<hbm>>) dst(%arg10 : memref<10240xf32, #tpu.memory_space<vmem>>)
      tpu.yield
    }) : () -> ()
    %add3A_10 = arith.constant 448 : i32
    %add3A_11 = arith.addi %add3A_10, %mul3A_2 : i32
    %mul3A_12 = arith.constant 10240 : i32
    %mul3A_13 = arith.muli %add3A_11, %mul3A_12 : i32
    "tpu.region"() ({
      %run_scoped3A = tpu.sem_alloc : memref<!tpu.dma_semaphore, #tpu.memory_space<semaphore_mem>>
      %dma_start3A_367 = arith.constant 0 : i32
      %dma_start3A_368 = tpu.memref_slice %arg6[%dma_start3A_367] : memref<20480xf32, #tpu.memory_space<vmem>> -> memref<10240xf32, #tpu.memory_space<vmem>>
      %dma_start3A_369 = tpu.memref_slice %arg3[%mul3A_13] : memref<5242880xf32, #tpu.memory_space<hbm>> -> memref<10240xf32, #tpu.memory_space<hbm>>
      %dma_start3A_370 = arith.constant 0 : i32
      %dma_start3A_371 = tpu.memref_slice %arg6[%dma_start3A_370] : memref<20480xf32, #tpu.memory_space<vmem>> -> memref<10240xf32, #tpu.memory_space<vmem>>
      %dma_start3A_372 = tpu.memref_slice %arg3[%mul3A_13] : memref<5242880xf32, #tpu.memory_space<hbm>> -> memref<10240xf32, #tpu.memory_space<hbm>>
      tpu.enqueue_dma source(%dma_start3A_372 : memref<10240xf32, #tpu.memory_space<hbm>>) target(%dma_start3A_371 : memref<10240xf32, #tpu.memory_space<vmem>>) target_semaphore(%run_scoped3A : memref<!tpu.dma_semaphore, #tpu.memory_space<semaphore_mem>>)
      %dma_wait3A_373 = arith.constant 0 : i32
      %dma_wait3A_374 = tpu.memref_slice %arg6[%dma_wait3A_373] : memref<20480xf32, #tpu.memory_space<vmem>> -> memref<10240xf32, #tpu.memory_space<vmem>>
      %dma_wait3A_375 = tpu.memref_slice %arg3[%mul3A_13] : memref<5242880xf32, #tpu.memory_space<hbm>> -> memref<10240xf32, #tpu.memory_space<hbm>>
      %dma_wait3A_376 = arith.constant 0 : i32
      %dma_wait3A_377 = tpu.memref_slice %arg6[%dma_wait3A_376] : memref<20480xf32, #tpu.memory_space<vmem>> -> memref<10240xf32, #tpu.memory_space<vmem>>
      %dma_wait3A_378 = tpu.memref_slice %arg3[%mul3A_13] : memref<5242880xf32, #tpu.memory_space<hbm>> -> memref<10240xf32, #tpu.memory_space<hbm>>
      tpu.wait_dma2 semaphore(%run_scoped3A : memref<!tpu.dma_semaphore, #tpu.memory_space<semaphore_mem>>) src(%dma_wait3A_378 : memref<10240xf32, #tpu.memory_space<hbm>>) dst(%dma_wait3A_377 : memref<10240xf32, #tpu.memory_space<vmem>>)
      tpu.yield
    }) : () -> ()
    %add3A_14 = arith.constant 448 : i32
    %add3A_15 = arith.addi %add3A_14, %mul3A_2 : i32
    %add3A_16 = arith.constant 1 : i32
    %add3A_17 = arith.addi %add3A_15, %add3A_16 : i32
    %mul3A_18 = arith.constant 10240 : i32
    %mul3A_19 = arith.muli %add3A_17, %mul3A_18 : i32
    "tpu.region"() ({
      %run_scoped3A = tpu.sem_alloc : memref<!tpu.dma_semaphore, #tpu.memory_space<semaphore_mem>>
      %dma_start3A_367 = arith.constant 10240 : i32
      %dma_start3A_368 = tpu.memref_slice %arg6[%dma_start3A_367] : memref<20480xf32, #tpu.memory_space<vmem>> -> memref<10240xf32, #tpu.memory_space<vmem>>
      %dma_start3A_369 = tpu.memref_slice %arg3[%mul3A_19] : memref<5242880xf32, #tpu.memory_space<hbm>> -> memref<10240xf32, #tpu.memory_space<hbm>>
      %dma_start3A_370 = arith.constant 10240 : i32
      %dma_start3A_371 = tpu.memref_slice %arg6[%dma_start3A_370] : memref<20480xf32, #tpu.memory_space<vmem>> -> memref<10240xf32, #tpu.memory_space<vmem>>
      %dma_start3A_372 = tpu.memref_slice %arg3[%mul3A_19] : memref<5242880xf32, #tpu.memory_space<hbm>> -> memref<10240xf32, #tpu.memory_space<hbm>>
      tpu.enqueue_dma source(%dma_start3A_372 : memref<10240xf32, #tpu.memory_space<hbm>>) target(%dma_start3A_371 : memref<10240xf32, #tpu.memory_space<vmem>>) target_semaphore(%run_scoped3A : memref<!tpu.dma_semaphore, #tpu.memory_space<semaphore_mem>>)
      %dma_wait3A_373 = arith.constant 10240 : i32
      %dma_wait3A_374 = tpu.memref_slice %arg6[%dma_wait3A_373] : memref<20480xf32, #tpu.memory_space<vmem>> -> memref<10240xf32, #tpu.memory_space<vmem>>
      %dma_wait3A_375 = tpu.memref_slice %arg3[%mul3A_19] : memref<5242880xf32, #tpu.memory_space<hbm>> -> memref<10240xf32, #tpu.memory_space<hbm>>
      %dma_wait3A_376 = arith.constant 10240 : i32
      %dma_wait3A_377 = tpu.memref_slice %arg6[%dma_wait3A_376] : memref<20480xf32, #tpu.memory_space<vmem>> -> memref<10240xf32, #tpu.memory_space<vmem>>
      %dma_wait3A_378 = tpu.memref_slice %arg3[%mul3A_19] : memref<5242880xf32, #tpu.memory_space<hbm>> -> memref<10240xf32, #tpu.memory_space<hbm>>
      tpu.wait_dma2 semaphore(%run_scoped3A : memref<!tpu.dma_semaphore, #tpu.memory_space<semaphore_mem>>) src(%dma_wait3A_378 : memref<10240xf32, #tpu.memory_space<hbm>>) dst(%dma_wait3A_377 : memref<10240xf32, #tpu.memory_space<vmem>>)
      tpu.yield
    }) : () -> ()
    %dma_start3A = arith.constant 0 : i32
    %dma_start3A_20 = tpu.memref_slice %arg2[%dma_start3A] : memref<320000xi32, #tpu.memory_space<hbm>> -> memref<16000xi32, #tpu.memory_space<hbm>>
    %dma_start3A_21 = arith.constant 0 : i32
    %dma_start3A_22 = tpu.memref_slice %arg2[%dma_start3A_21] : memref<320000xi32, #tpu.memory_space<hbm>> -> memref<16000xi32, #tpu.memory_space<hbm>>
    tpu.enqueue_dma source(%dma_start3A_22 : memref<16000xi32, #tpu.memory_space<hbm>>) target(%arg11 : memref<16000xi32, #tpu.memory_space<vmem>>) target_semaphore(%arg13 : memref<!tpu.dma_semaphore, #tpu.memory_space<semaphore_mem>>)
    %add3A_23 = arith.constant 384 : i32
    %add3A_24 = arith.addi %add3A_23, %mul3A_2 : i32
    %mul3A_25 = arith.constant 10240 : i32
    %mul3A_26 = arith.muli %add3A_24, %mul3A_25 : i32
    %dma_start3A_27 = arith.constant 0 : i32
    %dma_start3A_28 = tpu.memref_slice %arg9[%dma_start3A_27] : memref<20480xf32, #tpu.memory_space<vmem>> -> memref<10240xf32, #tpu.memory_space<vmem>>
    %dma_start3A_29 = tpu.memref_slice %arg3[%mul3A_26] : memref<5242880xf32, #tpu.memory_space<hbm>> -> memref<10240xf32, #tpu.memory_space<hbm>>
    %dma_start3A_30 = arith.constant 0 : i32
    %dma_start3A_31 = tpu.memref_slice %arg9[%dma_start3A_30] : memref<20480xf32, #tpu.memory_space<vmem>> -> memref<10240xf32, #tpu.memory_space<vmem>>
    %dma_start3A_32 = tpu.memref_slice %arg3[%mul3A_26] : memref<5242880xf32, #tpu.memory_space<hbm>> -> memref<10240xf32, #tpu.memory_space<hbm>>
    tpu.enqueue_dma source(%dma_start3A_32 : memref<10240xf32, #tpu.memory_space<hbm>>) target(%dma_start3A_31 : memref<10240xf32, #tpu.memory_space<vmem>>) target_semaphore(%arg15 : memref<!tpu.dma_semaphore, #tpu.memory_space<semaphore_mem>>)
    %add3A_33 = arith.constant 384 : i32
    %add3A_34 = arith.addi %add3A_33, %mul3A_2 : i32
    %add3A_35 = arith.constant 1 : i32
    %add3A_36 = arith.addi %add3A_34, %add3A_35 : i32
    %mul3A_37 = arith.constant 10240 : i32
    %mul3A_38 = arith.muli %add3A_36, %mul3A_37 : i32
    %dma_start3A_39 = arith.constant 10240 : i32
    %dma_start3A_40 = tpu.memref_slice %arg9[%dma_start3A_39] : memref<20480xf32, #tpu.memory_space<vmem>> -> memref<10240xf32, #tpu.memory_space<vmem>>
    %dma_start3A_41 = tpu.memref_slice %arg3[%mul3A_38] : memref<5242880xf32, #tpu.memory_space<hbm>> -> memref<10240xf32, #tpu.memory_space<hbm>>
    %dma_start3A_42 = arith.constant 10240 : i32
    %dma_start3A_43 = tpu.memref_slice %arg9[%dma_start3A_42] : memref<20480xf32, #tpu.memory_space<vmem>> -> memref<10240xf32, #tpu.memory_space<vmem>>
    %dma_start3A_44 = tpu.memref_slice %arg3[%mul3A_38] : memref<5242880xf32, #tpu.memory_space<hbm>> -> memref<10240xf32, #tpu.memory_space<hbm>>
    tpu.enqueue_dma source(%dma_start3A_44 : memref<10240xf32, #tpu.memory_space<hbm>>) target(%dma_start3A_43 : memref<10240xf32, #tpu.memory_space<vmem>>) target_semaphore(%arg15 : memref<!tpu.dma_semaphore, #tpu.memory_space<semaphore_mem>>)
    %scan3A = arith.constant 0 : i32
    %scan3A_45 = arith.constant 0 : i32
    %scan3A_46 = arith.constant 10 : i32
    %scan3A_47 = arith.addi %scan3A_45, %scan3A_46 : i32
    %scan3A_48 = arith.constant 1 : i32
    %scan3A_49 = scf.for %scan3A_367 = %scan3A_45 to %scan3A_47 step %scan3A_48 iter_args(%scan3A_368 = %scan3A) -> (i32)  : i32 {
      %dma_wait3A_369 = arith.constant 0 : i32
      %dma_wait3A_370 = tpu.memref_slice %arg2[%dma_wait3A_369] : memref<320000xi32, #tpu.memory_space<hbm>> -> memref<16000xi32, #tpu.memory_space<hbm>>
      %dma_wait3A_371 = arith.constant 0 : i32
      %dma_wait3A_372 = tpu.memref_slice %arg2[%dma_wait3A_371] : memref<320000xi32, #tpu.memory_space<hbm>> -> memref<16000xi32, #tpu.memory_space<hbm>>
      tpu.wait_dma2 semaphore(%arg13 : memref<!tpu.dma_semaphore, #tpu.memory_space<semaphore_mem>>) src(%dma_wait3A_372 : memref<16000xi32, #tpu.memory_space<hbm>>) dst(%arg11 : memref<16000xi32, #tpu.memory_space<vmem>>)
      %mul3A_373 = arith.constant 2 : i32
      %mul3A_374 = arith.muli %mul3A_373, %scan3A_367 : i32
      %add3A_375 = arith.constant 1 : i32
      %add3A_376 = arith.addi %mul3A_374, %add3A_375 : i32
      %mul3A_377 = arith.constant 16000 : i32
      %mul3A_378 = arith.muli %add3A_376, %mul3A_377 : i32
      %dma_start3A_379 = tpu.memref_slice %arg2[%mul3A_378] : memref<320000xi32, #tpu.memory_space<hbm>> -> memref<16000xi32, #tpu.memory_space<hbm>>
      %dma_start3A_380 = tpu.memref_slice %arg2[%mul3A_378] : memref<320000xi32, #tpu.memory_space<hbm>> -> memref<16000xi32, #tpu.memory_space<hbm>>
      tpu.enqueue_dma source(%dma_start3A_380 : memref<16000xi32, #tpu.memory_space<hbm>>) target(%arg12 : memref<16000xi32, #tpu.memory_space<vmem>>) target_semaphore(%arg14 : memref<!tpu.dma_semaphore, #tpu.memory_space<semaphore_mem>>)
      %parallel_loop3A_381 = arith.constant 0 : i32
      %parallel_loop3A_382 = arith.constant 16000 : i32
      %parallel_loop3A_383 = arith.constant 16 : i32
      scf.for %parallel_loop3A_401 = %parallel_loop3A_381 to %parallel_loop3A_382 step %parallel_loop3A_383  : i32 {
        %parallel_loop3A_402 = arith.index_cast %parallel_loop3A_401 : i32 to index
        %parallel_loop3A_403 = tpu.vector_load %arg11[%parallel_loop3A_402] {strides = array<i32>} : memref<16000xi32, #tpu.memory_space<vmem>>, vector<16xi32>,
        %parallel_loop3A_404 = arith.constant 14 : i32
        %parallel_loop3A_405 = vector.broadcast %parallel_loop3A_404 : i32 to vector<16xi32>
        %parallel_loop3A_406 = arith.shrui %parallel_loop3A_403, %parallel_loop3A_405 : vector<16xi32>
        %parallel_loop3A_407 = arith.andi %parallel_loop3A_403, %broadcast_in_dim3A_7 : vector<16xi32>
        %parallel_loop3A_408 = tpu.vector_load_idx %arg6[%parallel_loop3A_406] : memref<20480xf32, #tpu.memory_space<vmem>>[vector<16xi32>], vector<16xf32>,
        tpu.vector_store_idx %arg8[%parallel_loop3A_407], %parallel_loop3A_408 {add = true} : memref<20480xf32, #tpu.memory_space<vmem>>[vector<16xi32>], vector<16xf32>,
        %parallel_loop3A_409 = arith.addi %parallel_loop3A_406, %broadcast_in_dim3A_5 : vector<16xi32>
        %parallel_loop3A_410 = tpu.vector_load_idx %arg6[%parallel_loop3A_409] : memref<20480xf32, #tpu.memory_space<vmem>>[vector<16xi32>], vector<16xf32>,
        %parallel_loop3A_411 = arith.addi %parallel_loop3A_407, %broadcast_in_dim3A_5 : vector<16xi32>
        tpu.vector_store_idx %arg8[%parallel_loop3A_411], %parallel_loop3A_410 {add = true} : memref<20480xf32, #tpu.memory_space<vmem>>[vector<16xi32>], vector<16xf32>,
      } {sc.loop_unroll_factor = 8 : i64, sc.parallel_access}
      %dma_wait3A_384 = arith.constant 0 : i32
      %dma_wait3A_385 = tpu.memref_slice %arg2[%dma_wait3A_384] : memref<320000xi32, #tpu.memory_space<hbm>> -> memref<16000xi32, #tpu.memory_space<hbm>>
      %dma_wait3A_386 = arith.constant 0 : i32
      %dma_wait3A_387 = tpu.memref_slice %arg2[%dma_wait3A_386] : memref<320000xi32, #tpu.memory_space<hbm>> -> memref<16000xi32, #tpu.memory_space<hbm>>
      tpu.wait_dma2 semaphore(%arg14 : memref<!tpu.dma_semaphore, #tpu.memory_space<semaphore_mem>>) src(%dma_wait3A_387 : memref<16000xi32, #tpu.memory_space<hbm>>) dst(%arg12 : memref<16000xi32, #tpu.memory_space<vmem>>)
      %mul3A_388 = arith.constant 2 : i32
      %mul3A_389 = arith.muli %mul3A_388, %scan3A_367 : i32
      %add3A_390 = arith.constant 2 : i32
      %add3A_391 = arith.addi %mul3A_389, %add3A_390 : i32
      %rem3A = arith.constant 20 : i32
      %rem3A_392 = arith.remsi %add3A_391, %rem3A : i32
      %mul3A_393 = arith.constant 16000 : i32
      %mul3A_394 = arith.muli %rem3A_392, %mul3A_393 : i32
      %dma_start3A_395 = tpu.memref_slice %arg2[%mul3A_394] : memref<320000xi32, #tpu.memory_space<hbm>> -> memref<16000xi32, #tpu.memory_space<hbm>>
      %dma_start3A_396 = tpu.memref_slice %arg2[%mul3A_394] : memref<320000xi32, #tpu.memory_space<hbm>> -> memref<16000xi32, #tpu.memory_space<hbm>>
      tpu.enqueue_dma source(%dma_start3A_396 : memref<16000xi32, #tpu.memory_space<hbm>>) target(%arg11 : memref<16000xi32, #tpu.memory_space<vmem>>) target_semaphore(%arg13 : memref<!tpu.dma_semaphore, #tpu.memory_space<semaphore_mem>>)
      %parallel_loop3A_397 = arith.constant 0 : i32
      %parallel_loop3A_398 = arith.constant 16000 : i32
      %parallel_loop3A_399 = arith.constant 16 : i32
      scf.for %parallel_loop3A_401 = %parallel_loop3A_397 to %parallel_loop3A_398 step %parallel_loop3A_399  : i32 {
        %parallel_loop3A_402 = arith.index_cast %parallel_loop3A_401 : i32 to index
        %parallel_loop3A_403 = tpu.vector_load %arg12[%parallel_loop3A_402] {strides = array<i32>} : memref<16000xi32, #tpu.memory_space<vmem>>, vector<16xi32>,
        %parallel_loop3A_404 = arith.constant 14 : i32
        %parallel_loop3A_405 = vector.broadcast %parallel_loop3A_404 : i32 to vector<16xi32>
        %parallel_loop3A_406 = arith.shrui %parallel_loop3A_403, %parallel_loop3A_405 : vector<16xi32>
        %parallel_loop3A_407 = arith.andi %parallel_loop3A_403, %broadcast_in_dim3A_7 : vector<16xi32>
        %parallel_loop3A_408 = tpu.vector_load_idx %arg6[%parallel_loop3A_406] : memref<20480xf32, #tpu.memory_space<vmem>>[vector<16xi32>], vector<16xf32>,
        tpu.vector_store_idx %arg8[%parallel_loop3A_407], %parallel_loop3A_408 {add = true} : memref<20480xf32, #tpu.memory_space<vmem>>[vector<16xi32>], vector<16xf32>,
        %parallel_loop3A_409 = arith.addi %parallel_loop3A_406, %broadcast_in_dim3A_5 : vector<16xi32>
        %parallel_loop3A_410 = tpu.vector_load_idx %arg6[%parallel_loop3A_409] : memref<20480xf32, #tpu.memory_space<vmem>>[vector<16xi32>], vector<16xf32>,
        %parallel_loop3A_411 = arith.addi %parallel_loop3A_407, %broadcast_in_dim3A_5 : vector<16xi32>
        tpu.vector_store_idx %arg8[%parallel_loop3A_411], %parallel_loop3A_410 {add = true} : memref<20480xf32, #tpu.memory_space<vmem>>[vector<16xi32>], vector<16xf32>,
      } {sc.loop_unroll_factor = 8 : i64, sc.parallel_access}
      %scan3A_400 = arith.constant 0 : i32
      scf.yield %scan3A_400 : i32
    }
    %scan3A_50 = arith.constant 10 : i32
    %dma_wait3A = arith.constant 0 : i32
    %dma_wait3A_51 = tpu.memref_slice %arg9[%dma_wait3A] : memref<20480xf32, #tpu.memory_space<vmem>> -> memref<10240xf32, #tpu.memory_space<vmem>>
    %dma_wait3A_52 = arith.constant 0 : i32
    %dma_wait3A_53 = tpu.memref_slice %arg3[%dma_wait3A_52] : memref<5242880xf32, #tpu.memory_space<hbm>> -> memref<10240xf32, #tpu.memory_space<hbm>>
    %dma_wait3A_54 = arith.constant 0 : i32
    %dma_wait3A_55 = tpu.memref_slice %arg9[%dma_wait3A_54] : memref<20480xf32, #tpu.memory_space<vmem>> -> memref<10240xf32, #tpu.memory_space<vmem>>
    %dma_wait3A_56 = arith.constant 0 : i32
    %dma_wait3A_57 = tpu.memref_slice %arg3[%dma_wait3A_56] : memref<5242880xf32, #tpu.memory_space<hbm>> -> memref<10240xf32, #tpu.memory_space<hbm>>
    tpu.wait_dma2 semaphore(%arg15 : memref<!tpu.dma_semaphore, #tpu.memory_space<semaphore_mem>>) src(%dma_wait3A_57 : memref<10240xf32, #tpu.memory_space<hbm>>) dst(%dma_wait3A_55 : memref<10240xf32, #tpu.memory_space<vmem>>)
    %dma_wait3A_58 = arith.constant 10240 : i32
    %dma_wait3A_59 = tpu.memref_slice %arg9[%dma_wait3A_58] : memref<20480xf32, #tpu.memory_space<vmem>> -> memref<10240xf32, #tpu.memory_space<vmem>>
    %dma_wait3A_60 = arith.constant 0 : i32
    %dma_wait3A_61 = tpu.memref_slice %arg3[%dma_wait3A_60] : memref<5242880xf32, #tpu.memory_space<hbm>> -> memref<10240xf32, #tpu.memory_space<hbm>>
    %dma_wait3A_62 = arith.constant 10240 : i32
    %dma_wait3A_63 = tpu.memref_slice %arg9[%dma_wait3A_62] : memref<20480xf32, #tpu.memory_space<vmem>> -> memref<10240xf32, #tpu.memory_space<vmem>>
    %dma_wait3A_64 = arith.constant 0 : i32
    %dma_wait3A_65 = tpu.memref_slice %arg3[%dma_wait3A_64] : memref<5242880xf32, #tpu.memory_space<hbm>> -> memref<10240xf32, #tpu.memory_space<hbm>>
    tpu.wait_dma2 semaphore(%arg15 : memref<!tpu.dma_semaphore, #tpu.memory_space<semaphore_mem>>) src(%dma_wait3A_65 : memref<10240xf32, #tpu.memory_space<hbm>>) dst(%dma_wait3A_63 : memref<10240xf32, #tpu.memory_space<vmem>>)
    %parallel_loop3A_66 = arith.constant 0 : i32
    %parallel_loop3A_67 = arith.constant 10240 : i32
    %parallel_loop3A_68 = arith.constant 16 : i32
    scf.for %parallel_loop3A_367 = %parallel_loop3A_66 to %parallel_loop3A_67 step %parallel_loop3A_68  : i32 {
      %parallel_loop3A_368 = arith.index_cast %parallel_loop3A_367 : i32 to index
      %parallel_loop3A_369 = tpu.vector_load %arg10[%parallel_loop3A_368] {strides = array<i32>} : memref<10240xf32, #tpu.memory_space<vmem>>, vector<16xf32>,
      %parallel_loop3A_370 = arith.index_cast %parallel_loop3A_367 : i32 to index
      %parallel_loop3A_371 = tpu.vector_load %arg9[%parallel_loop3A_370] {strides = array<i32>} : memref<20480xf32, #tpu.memory_space<vmem>>, vector<16xf32>,
      %parallel_loop3A_372 = arith.constant 2.000000e+00 : f32
      %parallel_loop3A_373 = vector.broadcast %parallel_loop3A_372 : f32 to vector<16xf32>
      %parallel_loop3A_374 = arith.mulf %parallel_loop3A_373, %parallel_loop3A_369 : vector<16xf32>
      %parallel_loop3A_375 = arith.index_cast %parallel_loop3A_367 : i32 to index
      %parallel_loop3A_376 = tpu.vector_load %arg8[%parallel_loop3A_375] {strides = array<i32>} : memref<20480xf32, #tpu.memory_space<vmem>>, vector<16xf32>,
      %parallel_loop3A_377 = arith.mulf %parallel_loop3A_374, %parallel_loop3A_376 : vector<16xf32>
      %parallel_loop3A_378 = arith.subf %parallel_loop3A_371, %parallel_loop3A_377 : vector<16xf32>
      %parallel_loop3A_379 = arith.index_cast %parallel_loop3A_367 : i32 to index
      %parallel_loop3A_380 = tpu.vector_load %arg7[%parallel_loop3A_379] {strides = array<i32>} : memref<20480xf32, #tpu.memory_space<vmem>>, vector<16xf32>,
      %parallel_loop3A_381 = arith.subf %parallel_loop3A_378, %parallel_loop3A_380 : vector<16xf32>
      %parallel_loop3A_382 = arith.index_cast %parallel_loop3A_367 : i32 to index
      %parallel_loop3A_383 = tpu.vector_load %arg7[%parallel_loop3A_382] {strides = array<i32>} : memref<20480xf32, #tpu.memory_space<vmem>>, vector<16xf32>,
      tpu.vector_store %arg7[%parallel_loop3A_382], %parallel_loop3A_381 {strides = array<i32>} : memref<20480xf32, #tpu.memory_space<vmem>>, vector<16xf32>,
      %parallel_loop3A_384 = arith.index_cast %parallel_loop3A_367 : i32 to index
      %parallel_loop3A_385 = tpu.vector_load %arg8[%parallel_loop3A_384] {strides = array<i32>} : memref<20480xf32, #tpu.memory_space<vmem>>, vector<16xf32>,
      tpu.vector_store %arg8[%parallel_loop3A_384], %broadcast_in_dim3A_3 {strides = array<i32>} : memref<20480xf32, #tpu.memory_space<vmem>>, vector<16xf32>,
      %parallel_loop3A_386 = arith.constant 10240 : i32
      %parallel_loop3A_387 = arith.addi %parallel_loop3A_386, %parallel_loop3A_367 : i32
      %parallel_loop3A_388 = arith.index_cast %parallel_loop3A_387 : i32 to index
      %parallel_loop3A_389 = tpu.vector_load %arg9[%parallel_loop3A_388] {strides = array<i32>} : memref<20480xf32, #tpu.memory_space<vmem>>, vector<16xf32>,
      %parallel_loop3A_390 = arith.constant 2.000000e+00 : f32
      %parallel_loop3A_391 = vector.broadcast %parallel_loop3A_390 : f32 to vector<16xf32>
      %parallel_loop3A_392 = arith.mulf %parallel_loop3A_391, %parallel_loop3A_369 : vector<16xf32>
      %parallel_loop3A_393 = arith.index_cast %parallel_loop3A_387 : i32 to index
      %parallel_loop3A_394 = tpu.vector_load %arg8[%parallel_loop3A_393] {strides = array<i32>} : memref<20480xf32, #tpu.memory_space<vmem>>, vector<16xf32>,
      %parallel_loop3A_395 = arith.mulf %parallel_loop3A_392, %parallel_loop3A_394 : vector<16xf32>
      %parallel_loop3A_396 = arith.subf %parallel_loop3A_389, %parallel_loop3A_395 : vector<16xf32>
      %parallel_loop3A_397 = arith.index_cast %parallel_loop3A_387 : i32 to index
      %parallel_loop3A_398 = tpu.vector_load %arg7[%parallel_loop3A_397] {strides = array<i32>} : memref<20480xf32, #tpu.memory_space<vmem>>, vector<16xf32>,
      %parallel_loop3A_399 = arith.subf %parallel_loop3A_396, %parallel_loop3A_398 : vector<16xf32>
      %parallel_loop3A_400 = arith.index_cast %parallel_loop3A_387 : i32 to index
      %parallel_loop3A_401 = tpu.vector_load %arg7[%parallel_loop3A_400] {strides = array<i32>} : memref<20480xf32, #tpu.memory_space<vmem>>, vector<16xf32>,
      tpu.vector_store %arg7[%parallel_loop3A_400], %parallel_loop3A_399 {strides = array<i32>} : memref<20480xf32, #tpu.memory_space<vmem>>, vector<16xf32>,
      %parallel_loop3A_402 = arith.index_cast %parallel_loop3A_387 : i32 to index
      %parallel_loop3A_403 = tpu.vector_load %arg8[%parallel_loop3A_402] {strides = array<i32>} : memref<20480xf32, #tpu.memory_space<vmem>>, vector<16xf32>,
      tpu.vector_store %arg8[%parallel_loop3A_402], %broadcast_in_dim3A_3 {strides = array<i32>} : memref<20480xf32, #tpu.memory_space<vmem>>, vector<16xf32>,
    } {sc.loop_unroll_factor = 4 : i64, sc.parallel_access}
    %add3A_69 = arith.constant 320 : i32
    %add3A_70 = arith.addi %add3A_69, %mul3A_2 : i32
    %mul3A_71 = arith.constant 10240 : i32
    %mul3A_72 = arith.muli %add3A_70, %mul3A_71 : i32
    %dma_start3A_73 = arith.constant 0 : i32
    %dma_start3A_74 = tpu.memref_slice %arg9[%dma_start3A_73] : memref<20480xf32, #tpu.memory_space<vmem>> -> memref<10240xf32, #tpu.memory_space<vmem>>
    %dma_start3A_75 = tpu.memref_slice %arg3[%mul3A_72] : memref<5242880xf32, #tpu.memory_space<hbm>> -> memref<10240xf32, #tpu.memory_space<hbm>>
    %dma_start3A_76 = arith.constant 0 : i32
    %dma_start3A_77 = tpu.memref_slice %arg9[%dma_start3A_76] : memref<20480xf32, #tpu.memory_space<vmem>> -> memref<10240xf32, #tpu.memory_space<vmem>>
    %dma_start3A_78 = tpu.memref_slice %arg3[%mul3A_72] : memref<5242880xf32, #tpu.memory_space<hbm>> -> memref<10240xf32, #tpu.memory_space<hbm>>
    tpu.enqueue_dma source(%dma_start3A_78 : memref<10240xf32, #tpu.memory_space<hbm>>) target(%dma_start3A_77 : memref<10240xf32, #tpu.memory_space<vmem>>) target_semaphore(%arg15 : memref<!tpu.dma_semaphore, #tpu.memory_space<semaphore_mem>>)
    %add3A_79 = arith.constant 320 : i32
    %add3A_80 = arith.addi %add3A_79, %mul3A_2 : i32
    %add3A_81 = arith.constant 1 : i32
    %add3A_82 = arith.addi %add3A_80, %add3A_81 : i32
    %mul3A_83 = arith.constant 10240 : i32
    %mul3A_84 = arith.muli %add3A_82, %mul3A_83 : i32
    %dma_start3A_85 = arith.constant 10240 : i32
    %dma_start3A_86 = tpu.memref_slice %arg9[%dma_start3A_85] : memref<20480xf32, #tpu.memory_space<vmem>> -> memref<10240xf32, #tpu.memory_space<vmem>>
    %dma_start3A_87 = tpu.memref_slice %arg3[%mul3A_84] : memref<5242880xf32, #tpu.memory_space<hbm>> -> memref<10240xf32, #tpu.memory_space<hbm>>
    %dma_start3A_88 = arith.constant 10240 : i32
    %dma_start3A_89 = tpu.memref_slice %arg9[%dma_start3A_88] : memref<20480xf32, #tpu.memory_space<vmem>> -> memref<10240xf32, #tpu.memory_space<vmem>>
    %dma_start3A_90 = tpu.memref_slice %arg3[%mul3A_84] : memref<5242880xf32, #tpu.memory_space<hbm>> -> memref<10240xf32, #tpu.memory_space<hbm>>
    tpu.enqueue_dma source(%dma_start3A_90 : memref<10240xf32, #tpu.memory_space<hbm>>) target(%dma_start3A_89 : memref<10240xf32, #tpu.memory_space<vmem>>) target_semaphore(%arg15 : memref<!tpu.dma_semaphore, #tpu.memory_space<semaphore_mem>>)
    %scan3A_91 = arith.constant 0 : i32
    %scan3A_92 = arith.constant 0 : i32
    %scan3A_93 = arith.constant 10 : i32
    %scan3A_94 = arith.addi %scan3A_92, %scan3A_93 : i32
    %scan3A_95 = arith.constant 1 : i32
    %scan3A_96 = scf.for %scan3A_367 = %scan3A_92 to %scan3A_94 step %scan3A_95 iter_args(%scan3A_368 = %scan3A_91) -> (i32)  : i32 {
      %dma_wait3A_369 = arith.constant 0 : i32
      %dma_wait3A_370 = tpu.memref_slice %arg2[%dma_wait3A_369] : memref<320000xi32, #tpu.memory_space<hbm>> -> memref<16000xi32, #tpu.memory_space<hbm>>
      %dma_wait3A_371 = arith.constant 0 : i32
      %dma_wait3A_372 = tpu.memref_slice %arg2[%dma_wait3A_371] : memref<320000xi32, #tpu.memory_space<hbm>> -> memref<16000xi32, #tpu.memory_space<hbm>>
      tpu.wait_dma2 semaphore(%arg13 : memref<!tpu.dma_semaphore, #tpu.memory_space<semaphore_mem>>) src(%dma_wait3A_372 : memref<16000xi32, #tpu.memory_space<hbm>>) dst(%arg11 : memref<16000xi32, #tpu.memory_space<vmem>>)
      %mul3A_373 = arith.constant 2 : i32
      %mul3A_374 = arith.muli %mul3A_373, %scan3A_367 : i32
      %add3A_375 = arith.constant 1 : i32
      %add3A_376 = arith.addi %mul3A_374, %add3A_375 : i32
      %mul3A_377 = arith.constant 16000 : i32
      %mul3A_378 = arith.muli %add3A_376, %mul3A_377 : i32
      %dma_start3A_379 = tpu.memref_slice %arg2[%mul3A_378] : memref<320000xi32, #tpu.memory_space<hbm>> -> memref<16000xi32, #tpu.memory_space<hbm>>
      %dma_start3A_380 = tpu.memref_slice %arg2[%mul3A_378] : memref<320000xi32, #tpu.memory_space<hbm>> -> memref<16000xi32, #tpu.memory_space<hbm>>
      tpu.enqueue_dma source(%dma_start3A_380 : memref<16000xi32, #tpu.memory_space<hbm>>) target(%arg12 : memref<16000xi32, #tpu.memory_space<vmem>>) target_semaphore(%arg14 : memref<!tpu.dma_semaphore, #tpu.memory_space<semaphore_mem>>)
      %parallel_loop3A_381 = arith.constant 0 : i32
      %parallel_loop3A_382 = arith.constant 16000 : i32
      %parallel_loop3A_383 = arith.constant 16 : i32
      scf.for %parallel_loop3A_401 = %parallel_loop3A_381 to %parallel_loop3A_382 step %parallel_loop3A_383  : i32 {
        %parallel_loop3A_402 = arith.index_cast %parallel_loop3A_401 : i32 to index
        %parallel_loop3A_403 = tpu.vector_load %arg11[%parallel_loop3A_402] {strides = array<i32>} : memref<16000xi32, #tpu.memory_space<vmem>>, vector<16xi32>,
        %parallel_loop3A_404 = arith.constant 14 : i32
        %parallel_loop3A_405 = vector.broadcast %parallel_loop3A_404 : i32 to vector<16xi32>
        %parallel_loop3A_406 = arith.shrui %parallel_loop3A_403, %parallel_loop3A_405 : vector<16xi32>
        %parallel_loop3A_407 = arith.andi %parallel_loop3A_403, %broadcast_in_dim3A_7 : vector<16xi32>
        %parallel_loop3A_408 = tpu.vector_load_idx %arg7[%parallel_loop3A_406] : memref<20480xf32, #tpu.memory_space<vmem>>[vector<16xi32>], vector<16xf32>,
        tpu.vector_store_idx %arg8[%parallel_loop3A_407], %parallel_loop3A_408 {add = true} : memref<20480xf32, #tpu.memory_space<vmem>>[vector<16xi32>], vector<16xf32>,
        %parallel_loop3A_409 = arith.addi %parallel_loop3A_406, %broadcast_in_dim3A_5 : vector<16xi32>
        %parallel_loop3A_410 = tpu.vector_load_idx %arg7[%parallel_loop3A_409] : memref<20480xf32, #tpu.memory_space<vmem>>[vector<16xi32>], vector<16xf32>,
        %parallel_loop3A_411 = arith.addi %parallel_loop3A_407, %broadcast_in_dim3A_5 : vector<16xi32>
        tpu.vector_store_idx %arg8[%parallel_loop3A_411], %parallel_loop3A_410 {add = true} : memref<20480xf32, #tpu.memory_space<vmem>>[vector<16xi32>], vector<16xf32>,
      } {sc.loop_unroll_factor = 8 : i64, sc.parallel_access}
      %dma_wait3A_384 = arith.constant 0 : i32
      %dma_wait3A_385 = tpu.memref_slice %arg2[%dma_wait3A_384] : memref<320000xi32, #tpu.memory_space<hbm>> -> memref<16000xi32, #tpu.memory_space<hbm>>
      %dma_wait3A_386 = arith.constant 0 : i32
      %dma_wait3A_387 = tpu.memref_slice %arg2[%dma_wait3A_386] : memref<320000xi32, #tpu.memory_space<hbm>> -> memref<16000xi32, #tpu.memory_space<hbm>>
      tpu.wait_dma2 semaphore(%arg14 : memref<!tpu.dma_semaphore, #tpu.memory_space<semaphore_mem>>) src(%dma_wait3A_387 : memref<16000xi32, #tpu.memory_space<hbm>>) dst(%arg12 : memref<16000xi32, #tpu.memory_space<vmem>>)
      %mul3A_388 = arith.constant 2 : i32
      %mul3A_389 = arith.muli %mul3A_388, %scan3A_367 : i32
      %add3A_390 = arith.constant 2 : i32
      %add3A_391 = arith.addi %mul3A_389, %add3A_390 : i32
      %rem3A = arith.constant 20 : i32
      %rem3A_392 = arith.remsi %add3A_391, %rem3A : i32
      %mul3A_393 = arith.constant 16000 : i32
      %mul3A_394 = arith.muli %rem3A_392, %mul3A_393 : i32
      %dma_start3A_395 = tpu.memref_slice %arg2[%mul3A_394] : memref<320000xi32, #tpu.memory_space<hbm>> -> memref<16000xi32, #tpu.memory_space<hbm>>
      %dma_start3A_396 = tpu.memref_slice %arg2[%mul3A_394] : memref<320000xi32, #tpu.memory_space<hbm>> -> memref<16000xi32, #tpu.memory_space<hbm>>
      tpu.enqueue_dma source(%dma_start3A_396 : memref<16000xi32, #tpu.memory_space<hbm>>) target(%arg11 : memref<16000xi32, #tpu.memory_space<vmem>>) target_semaphore(%arg13 : memref<!tpu.dma_semaphore, #tpu.memory_space<semaphore_mem>>)
      %parallel_loop3A_397 = arith.constant 0 : i32
      %parallel_loop3A_398 = arith.constant 16000 : i32
      %parallel_loop3A_399 = arith.constant 16 : i32
      scf.for %parallel_loop3A_401 = %parallel_loop3A_397 to %parallel_loop3A_398 step %parallel_loop3A_399  : i32 {
        %parallel_loop3A_402 = arith.index_cast %parallel_loop3A_401 : i32 to index
        %parallel_loop3A_403 = tpu.vector_load %arg12[%parallel_loop3A_402] {strides = array<i32>} : memref<16000xi32, #tpu.memory_space<vmem>>, vector<16xi32>,
        %parallel_loop3A_404 = arith.constant 14 : i32
        %parallel_loop3A_405 = vector.broadcast %parallel_loop3A_404 : i32 to vector<16xi32>
        %parallel_loop3A_406 = arith.shrui %parallel_loop3A_403, %parallel_loop3A_405 : vector<16xi32>
        %parallel_loop3A_407 = arith.andi %parallel_loop3A_403, %broadcast_in_dim3A_7 : vector<16xi32>
        %parallel_loop3A_408 = tpu.vector_load_idx %arg7[%parallel_loop3A_406] : memref<20480xf32, #tpu.memory_space<vmem>>[vector<16xi32>], vector<16xf32>,
        tpu.vector_store_idx %arg8[%parallel_loop3A_407], %parallel_loop3A_408 {add = true} : memref<20480xf32, #tpu.memory_space<vmem>>[vector<16xi32>], vector<16xf32>,
        %parallel_loop3A_409 = arith.addi %parallel_loop3A_406, %broadcast_in_dim3A_5 : vector<16xi32>
        %parallel_loop3A_410 = tpu.vector_load_idx %arg7[%parallel_loop3A_409] : memref<20480xf32, #tpu.memory_space<vmem>>[vector<16xi32>], vector<16xf32>,
        %parallel_loop3A_411 = arith.addi %parallel_loop3A_407, %broadcast_in_dim3A_5 : vector<16xi32>
        tpu.vector_store_idx %arg8[%parallel_loop3A_411], %parallel_loop3A_410 {add = true} : memref<20480xf32, #tpu.memory_space<vmem>>[vector<16xi32>], vector<16xf32>,
      } {sc.loop_unroll_factor = 8 : i64, sc.parallel_access}
      %scan3A_400 = arith.constant 0 : i32
      scf.yield %scan3A_400 : i32
    }
    %scan3A_97 = arith.constant 10 : i32
    %dma_wait3A_98 = arith.constant 0 : i32
    %dma_wait3A_99 = tpu.memref_slice %arg9[%dma_wait3A_98] : memref<20480xf32, #tpu.memory_space<vmem>> -> memref<10240xf32, #tpu.memory_space<vmem>>
    %dma_wait3A_100 = arith.constant 0 : i32
    %dma_wait3A_101 = tpu.memref_slice %arg3[%dma_wait3A_100] : memref<5242880xf32, #tpu.memory_space<hbm>> -> memref<10240xf32, #tpu.memory_space<hbm>>
    %dma_wait3A_102 = arith.constant 0 : i32
    %dma_wait3A_103 = tpu.memref_slice %arg9[%dma_wait3A_102] : memref<20480xf32, #tpu.memory_space<vmem>> -> memref<10240xf32, #tpu.memory_space<vmem>>
    %dma_wait3A_104 = arith.constant 0 : i32
    %dma_wait3A_105 = tpu.memref_slice %arg3[%dma_wait3A_104] : memref<5242880xf32, #tpu.memory_space<hbm>> -> memref<10240xf32, #tpu.memory_space<hbm>>
    tpu.wait_dma2 semaphore(%arg15 : memref<!tpu.dma_semaphore, #tpu.memory_space<semaphore_mem>>) src(%dma_wait3A_105 : memref<10240xf32, #tpu.memory_space<hbm>>) dst(%dma_wait3A_103 : memref<10240xf32, #tpu.memory_space<vmem>>)
    %dma_wait3A_106 = arith.constant 10240 : i32
    %dma_wait3A_107 = tpu.memref_slice %arg9[%dma_wait3A_106] : memref<20480xf32, #tpu.memory_space<vmem>> -> memref<10240xf32, #tpu.memory_space<vmem>>
    %dma_wait3A_108 = arith.constant 0 : i32
    %dma_wait3A_109 = tpu.memref_slice %arg3[%dma_wait3A_108] : memref<5242880xf32, #tpu.memory_space<hbm>> -> memref<10240xf32, #tpu.memory_space<hbm>>
    %dma_wait3A_110 = arith.constant 10240 : i32
    %dma_wait3A_111 = tpu.memref_slice %arg9[%dma_wait3A_110] : memref<20480xf32, #tpu.memory_space<vmem>> -> memref<10240xf32, #tpu.memory_space<vmem>>
    %dma_wait3A_112 = arith.constant 0 : i32
    %dma_wait3A_113 = tpu.memref_slice %arg3[%dma_wait3A_112] : memref<5242880xf32, #tpu.memory_space<hbm>> -> memref<10240xf32, #tpu.memory_space<hbm>>
    tpu.wait_dma2 semaphore(%arg15 : memref<!tpu.dma_semaphore, #tpu.memory_space<semaphore_mem>>) src(%dma_wait3A_113 : memref<10240xf32, #tpu.memory_space<hbm>>) dst(%dma_wait3A_111 : memref<10240xf32, #tpu.memory_space<vmem>>)
    %parallel_loop3A_114 = arith.constant 0 : i32
    %parallel_loop3A_115 = arith.constant 10240 : i32
    %parallel_loop3A_116 = arith.constant 16 : i32
    scf.for %parallel_loop3A_367 = %parallel_loop3A_114 to %parallel_loop3A_115 step %parallel_loop3A_116  : i32 {
      %parallel_loop3A_368 = arith.index_cast %parallel_loop3A_367 : i32 to index
      %parallel_loop3A_369 = tpu.vector_load %arg10[%parallel_loop3A_368] {strides = array<i32>} : memref<10240xf32, #tpu.memory_space<vmem>>, vector<16xf32>,
      %parallel_loop3A_370 = arith.index_cast %parallel_loop3A_367 : i32 to index
      %parallel_loop3A_371 = tpu.vector_load %arg9[%parallel_loop3A_370] {strides = array<i32>} : memref<20480xf32, #tpu.memory_space<vmem>>, vector<16xf32>,
      %parallel_loop3A_372 = arith.constant 2.000000e+00 : f32
      %parallel_loop3A_373 = vector.broadcast %parallel_loop3A_372 : f32 to vector<16xf32>
      %parallel_loop3A_374 = arith.mulf %parallel_loop3A_373, %parallel_loop3A_369 : vector<16xf32>
      %parallel_loop3A_375 = arith.index_cast %parallel_loop3A_367 : i32 to index
      %parallel_loop3A_376 = tpu.vector_load %arg8[%parallel_loop3A_375] {strides = array<i32>} : memref<20480xf32, #tpu.memory_space<vmem>>, vector<16xf32>,
      %parallel_loop3A_377 = arith.mulf %parallel_loop3A_374, %parallel_loop3A_376 : vector<16xf32>
      %parallel_loop3A_378 = arith.subf %parallel_loop3A_371, %parallel_loop3A_377 : vector<16xf32>
      %parallel_loop3A_379 = arith.index_cast %parallel_loop3A_367 : i32 to index
      %parallel_loop3A_380 = tpu.vector_load %arg6[%parallel_loop3A_379] {strides = array<i32>} : memref<20480xf32, #tpu.memory_space<vmem>>, vector<16xf32>,
      %parallel_loop3A_381 = arith.subf %parallel_loop3A_378, %parallel_loop3A_380 : vector<16xf32>
      %parallel_loop3A_382 = arith.index_cast %parallel_loop3A_367 : i32 to index
      %parallel_loop3A_383 = tpu.vector_load %arg6[%parallel_loop3A_382] {strides = array<i32>} : memref<20480xf32, #tpu.memory_space<vmem>>, vector<16xf32>,
      tpu.vector_store %arg6[%parallel_loop3A_382], %parallel_loop3A_381 {strides = array<i32>} : memref<20480xf32, #tpu.memory_space<vmem>>, vector<16xf32>,
      %parallel_loop3A_384 = arith.index_cast %parallel_loop3A_367 : i32 to index
      %parallel_loop3A_385 = tpu.vector_load %arg8[%parallel_loop3A_384] {strides = array<i32>} : memref<20480xf32, #tpu.memory_space<vmem>>, vector<16xf32>,
      tpu.vector_store %arg8[%parallel_loop3A_384], %broadcast_in_dim3A_3 {strides = array<i32>} : memref<20480xf32, #tpu.memory_space<vmem>>, vector<16xf32>,
      %parallel_loop3A_386 = arith.constant 10240 : i32
      %parallel_loop3A_387 = arith.addi %parallel_loop3A_386, %parallel_loop3A_367 : i32
      %parallel_loop3A_388 = arith.index_cast %parallel_loop3A_387 : i32 to index
      %parallel_loop3A_389 = tpu.vector_load %arg9[%parallel_loop3A_388] {strides = array<i32>} : memref<20480xf32, #tpu.memory_space<vmem>>, vector<16xf32>,
      %parallel_loop3A_390 = arith.constant 2.000000e+00 : f32
      %parallel_loop3A_391 = vector.broadcast %parallel_loop3A_390 : f32 to vector<16xf32>
      %parallel_loop3A_392 = arith.mulf %parallel_loop3A_391, %parallel_loop3A_369 : vector<16xf32>
      %parallel_loop3A_393 = arith.index_cast %parallel_loop3A_387 : i32 to index
      %parallel_loop3A_394 = tpu.vector_load %arg8[%parallel_loop3A_393] {strides = array<i32>} : memref<20480xf32, #tpu.memory_space<vmem>>, vector<16xf32>,
      %parallel_loop3A_395 = arith.mulf %parallel_loop3A_392, %parallel_loop3A_394 : vector<16xf32>
      %parallel_loop3A_396 = arith.subf %parallel_loop3A_389, %parallel_loop3A_395 : vector<16xf32>
      %parallel_loop3A_397 = arith.index_cast %parallel_loop3A_387 : i32 to index
      %parallel_loop3A_398 = tpu.vector_load %arg6[%parallel_loop3A_397] {strides = array<i32>} : memref<20480xf32, #tpu.memory_space<vmem>>, vector<16xf32>,
      %parallel_loop3A_399 = arith.subf %parallel_loop3A_396, %parallel_loop3A_398 : vector<16xf32>
      %parallel_loop3A_400 = arith.index_cast %parallel_loop3A_387 : i32 to index
      %parallel_loop3A_401 = tpu.vector_load %arg6[%parallel_loop3A_400] {strides = array<i32>} : memref<20480xf32, #tpu.memory_space<vmem>>, vector<16xf32>,
      tpu.vector_store %arg6[%parallel_loop3A_400], %parallel_loop3A_399 {strides = array<i32>} : memref<20480xf32, #tpu.memory_space<vmem>>, vector<16xf32>,
      %parallel_loop3A_402 = arith.index_cast %parallel_loop3A_387 : i32 to index
      %parallel_loop3A_403 = tpu.vector_load %arg8[%parallel_loop3A_402] {strides = array<i32>} : memref<20480xf32, #tpu.memory_space<vmem>>, vector<16xf32>,
      tpu.vector_store %arg8[%parallel_loop3A_402], %broadcast_in_dim3A_3 {strides = array<i32>} : memref<20480xf32, #tpu.memory_space<vmem>>, vector<16xf32>,
    } {sc.loop_unroll_factor = 4 : i64, sc.parallel_access}
    %add3A_117 = arith.constant 256 : i32
    %add3A_118 = arith.addi %add3A_117, %mul3A_2 : i32
    %mul3A_119 = arith.constant 10240 : i32
    %mul3A_120 = arith.muli %add3A_118, %mul3A_119 : i32
    %dma_start3A_121 = arith.constant 0 : i32
    %dma_start3A_122 = tpu.memref_slice %arg9[%dma_start3A_121] : memref<20480xf32, #tpu.memory_space<vmem>> -> memref<10240xf32, #tpu.memory_space<vmem>>
    %dma_start3A_123 = tpu.memref_slice %arg3[%mul3A_120] : memref<5242880xf32, #tpu.memory_space<hbm>> -> memref<10240xf32, #tpu.memory_space<hbm>>
    %dma_start3A_124 = arith.constant 0 : i32
    %dma_start3A_125 = tpu.memref_slice %arg9[%dma_start3A_124] : memref<20480xf32, #tpu.memory_space<vmem>> -> memref<10240xf32, #tpu.memory_space<vmem>>
    %dma_start3A_126 = tpu.memref_slice %arg3[%mul3A_120] : memref<5242880xf32, #tpu.memory_space<hbm>> -> memref<10240xf32, #tpu.memory_space<hbm>>
    tpu.enqueue_dma source(%dma_start3A_126 : memref<10240xf32, #tpu.memory_space<hbm>>) target(%dma_start3A_125 : memref<10240xf32, #tpu.memory_space<vmem>>) target_semaphore(%arg15 : memref<!tpu.dma_semaphore, #tpu.memory_space<semaphore_mem>>)
    %add3A_127 = arith.constant 256 : i32
    %add3A_128 = arith.addi %add3A_127, %mul3A_2 : i32
    %add3A_129 = arith.constant 1 : i32
    %add3A_130 = arith.addi %add3A_128, %add3A_129 : i32
    %mul3A_131 = arith.constant 10240 : i32
    %mul3A_132 = arith.muli %add3A_130, %mul3A_131 : i32
    %dma_start3A_133 = arith.constant 10240 : i32
    %dma_start3A_134 = tpu.memref_slice %arg9[%dma_start3A_133] : memref<20480xf32, #tpu.memory_space<vmem>> -> memref<10240xf32, #tpu.memory_space<vmem>>
    %dma_start3A_135 = tpu.memref_slice %arg3[%mul3A_132] : memref<5242880xf32, #tpu.memory_space<hbm>> -> memref<10240xf32, #tpu.memory_space<hbm>>
    %dma_start3A_136 = arith.constant 10240 : i32
    %dma_start3A_137 = tpu.memref_slice %arg9[%dma_start3A_136] : memref<20480xf32, #tpu.memory_space<vmem>> -> memref<10240xf32, #tpu.memory_space<vmem>>
    %dma_start3A_138 = tpu.memref_slice %arg3[%mul3A_132] : memref<5242880xf32, #tpu.memory_space<hbm>> -> memref<10240xf32, #tpu.memory_space<hbm>>
    tpu.enqueue_dma source(%dma_start3A_138 : memref<10240xf32, #tpu.memory_space<hbm>>) target(%dma_start3A_137 : memref<10240xf32, #tpu.memory_space<vmem>>) target_semaphore(%arg15 : memref<!tpu.dma_semaphore, #tpu.memory_space<semaphore_mem>>)
    %scan3A_139 = arith.constant 0 : i32
    %scan3A_140 = arith.constant 0 : i32
    %scan3A_141 = arith.constant 10 : i32
    %scan3A_142 = arith.addi %scan3A_140, %scan3A_141 : i32
    %scan3A_143 = arith.constant 1 : i32
    %scan3A_144 = scf.for %scan3A_367 = %scan3A_140 to %scan3A_142 step %scan3A_143 iter_args(%scan3A_368 = %scan3A_139) -> (i32)  : i32 {
      %dma_wait3A_369 = arith.constant 0 : i32
      %dma_wait3A_370 = tpu.memref_slice %arg2[%dma_wait3A_369] : memref<320000xi32, #tpu.memory_space<hbm>> -> memref<16000xi32, #tpu.memory_space<hbm>>
      %dma_wait3A_371 = arith.constant 0 : i32
      %dma_wait3A_372 = tpu.memref_slice %arg2[%dma_wait3A_371] : memref<320000xi32, #tpu.memory_space<hbm>> -> memref<16000xi32, #tpu.memory_space<hbm>>
      tpu.wait_dma2 semaphore(%arg13 : memref<!tpu.dma_semaphore, #tpu.memory_space<semaphore_mem>>) src(%dma_wait3A_372 : memref<16000xi32, #tpu.memory_space<hbm>>) dst(%arg11 : memref<16000xi32, #tpu.memory_space<vmem>>)
      %mul3A_373 = arith.constant 2 : i32
      %mul3A_374 = arith.muli %mul3A_373, %scan3A_367 : i32
      %add3A_375 = arith.constant 1 : i32
      %add3A_376 = arith.addi %mul3A_374, %add3A_375 : i32
      %mul3A_377 = arith.constant 16000 : i32
      %mul3A_378 = arith.muli %add3A_376, %mul3A_377 : i32
      %dma_start3A_379 = tpu.memref_slice %arg2[%mul3A_378] : memref<320000xi32, #tpu.memory_space<hbm>> -> memref<16000xi32, #tpu.memory_space<hbm>>
      %dma_start3A_380 = tpu.memref_slice %arg2[%mul3A_378] : memref<320000xi32, #tpu.memory_space<hbm>> -> memref<16000xi32, #tpu.memory_space<hbm>>
      tpu.enqueue_dma source(%dma_start3A_380 : memref<16000xi32, #tpu.memory_space<hbm>>) target(%arg12 : memref<16000xi32, #tpu.memory_space<vmem>>) target_semaphore(%arg14 : memref<!tpu.dma_semaphore, #tpu.memory_space<semaphore_mem>>)
      %parallel_loop3A_381 = arith.constant 0 : i32
      %parallel_loop3A_382 = arith.constant 16000 : i32
      %parallel_loop3A_383 = arith.constant 16 : i32
      scf.for %parallel_loop3A_401 = %parallel_loop3A_381 to %parallel_loop3A_382 step %parallel_loop3A_383  : i32 {
        %parallel_loop3A_402 = arith.index_cast %parallel_loop3A_401 : i32 to index
        %parallel_loop3A_403 = tpu.vector_load %arg11[%parallel_loop3A_402] {strides = array<i32>} : memref<16000xi32, #tpu.memory_space<vmem>>, vector<16xi32>,
        %parallel_loop3A_404 = arith.constant 14 : i32
        %parallel_loop3A_405 = vector.broadcast %parallel_loop3A_404 : i32 to vector<16xi32>
        %parallel_loop3A_406 = arith.shrui %parallel_loop3A_403, %parallel_loop3A_405 : vector<16xi32>
        %parallel_loop3A_407 = arith.andi %parallel_loop3A_403, %broadcast_in_dim3A_7 : vector<16xi32>
        %parallel_loop3A_408 = tpu.vector_load_idx %arg6[%parallel_loop3A_406] : memref<20480xf32, #tpu.memory_space<vmem>>[vector<16xi32>], vector<16xf32>,
        tpu.vector_store_idx %arg8[%parallel_loop3A_407], %parallel_loop3A_408 {add = true} : memref<20480xf32, #tpu.memory_space<vmem>>[vector<16xi32>], vector<16xf32>,
        %parallel_loop3A_409 = arith.addi %parallel_loop3A_406, %broadcast_in_dim3A_5 : vector<16xi32>
        %parallel_loop3A_410 = tpu.vector_load_idx %arg6[%parallel_loop3A_409] : memref<20480xf32, #tpu.memory_space<vmem>>[vector<16xi32>], vector<16xf32>,
        %parallel_loop3A_411 = arith.addi %parallel_loop3A_407, %broadcast_in_dim3A_5 : vector<16xi32>
        tpu.vector_store_idx %arg8[%parallel_loop3A_411], %parallel_loop3A_410 {add = true} : memref<20480xf32, #tpu.memory_space<vmem>>[vector<16xi32>], vector<16xf32>,
      } {sc.loop_unroll_factor = 8 : i64, sc.parallel_access}
      %dma_wait3A_384 = arith.constant 0 : i32
      %dma_wait3A_385 = tpu.memref_slice %arg2[%dma_wait3A_384] : memref<320000xi32, #tpu.memory_space<hbm>> -> memref<16000xi32, #tpu.memory_space<hbm>>
      %dma_wait3A_386 = arith.constant 0 : i32
      %dma_wait3A_387 = tpu.memref_slice %arg2[%dma_wait3A_386] : memref<320000xi32, #tpu.memory_space<hbm>> -> memref<16000xi32, #tpu.memory_space<hbm>>
      tpu.wait_dma2 semaphore(%arg14 : memref<!tpu.dma_semaphore, #tpu.memory_space<semaphore_mem>>) src(%dma_wait3A_387 : memref<16000xi32, #tpu.memory_space<hbm>>) dst(%arg12 : memref<16000xi32, #tpu.memory_space<vmem>>)
      %mul3A_388 = arith.constant 2 : i32
      %mul3A_389 = arith.muli %mul3A_388, %scan3A_367 : i32
      %add3A_390 = arith.constant 2 : i32
      %add3A_391 = arith.addi %mul3A_389, %add3A_390 : i32
      %rem3A = arith.constant 20 : i32
      %rem3A_392 = arith.remsi %add3A_391, %rem3A : i32
      %mul3A_393 = arith.constant 16000 : i32
      %mul3A_394 = arith.muli %rem3A_392, %mul3A_393 : i32
      %dma_start3A_395 = tpu.memref_slice %arg2[%mul3A_394] : memref<320000xi32, #tpu.memory_space<hbm>> -> memref<16000xi32, #tpu.memory_space<hbm>>
      %dma_start3A_396 = tpu.memref_slice %arg2[%mul3A_394] : memref<320000xi32, #tpu.memory_space<hbm>> -> memref<16000xi32, #tpu.memory_space<hbm>>
      tpu.enqueue_dma source(%dma_start3A_396 : memref<16000xi32, #tpu.memory_space<hbm>>) target(%arg11 : memref<16000xi32, #tpu.memory_space<vmem>>) target_semaphore(%arg13 : memref<!tpu.dma_semaphore, #tpu.memory_space<semaphore_mem>>)
      %parallel_loop3A_397 = arith.constant 0 : i32
      %parallel_loop3A_398 = arith.constant 16000 : i32
      %parallel_loop3A_399 = arith.constant 16 : i32
      scf.for %parallel_loop3A_401 = %parallel_loop3A_397 to %parallel_loop3A_398 step %parallel_loop3A_399  : i32 {
        %parallel_loop3A_402 = arith.index_cast %parallel_loop3A_401 : i32 to index
        %parallel_loop3A_403 = tpu.vector_load %arg12[%parallel_loop3A_402] {strides = array<i32>} : memref<16000xi32, #tpu.memory_space<vmem>>, vector<16xi32>,
        %parallel_loop3A_404 = arith.constant 14 : i32
        %parallel_loop3A_405 = vector.broadcast %parallel_loop3A_404 : i32 to vector<16xi32>
        %parallel_loop3A_406 = arith.shrui %parallel_loop3A_403, %parallel_loop3A_405 : vector<16xi32>
        %parallel_loop3A_407 = arith.andi %parallel_loop3A_403, %broadcast_in_dim3A_7 : vector<16xi32>
        %parallel_loop3A_408 = tpu.vector_load_idx %arg6[%parallel_loop3A_406] : memref<20480xf32, #tpu.memory_space<vmem>>[vector<16xi32>], vector<16xf32>,
        tpu.vector_store_idx %arg8[%parallel_loop3A_407], %parallel_loop3A_408 {add = true} : memref<20480xf32, #tpu.memory_space<vmem>>[vector<16xi32>], vector<16xf32>,
        %parallel_loop3A_409 = arith.addi %parallel_loop3A_406, %broadcast_in_dim3A_5 : vector<16xi32>
        %parallel_loop3A_410 = tpu.vector_load_idx %arg6[%parallel_loop3A_409] : memref<20480xf32, #tpu.memory_space<vmem>>[vector<16xi32>], vector<16xf32>,
        %parallel_loop3A_411 = arith.addi %parallel_loop3A_407, %broadcast_in_dim3A_5 : vector<16xi32>
        tpu.vector_store_idx %arg8[%parallel_loop3A_411], %parallel_loop3A_410 {add = true} : memref<20480xf32, #tpu.memory_space<vmem>>[vector<16xi32>], vector<16xf32>,
      } {sc.loop_unroll_factor = 8 : i64, sc.parallel_access}
      %scan3A_400 = arith.constant 0 : i32
      scf.yield %scan3A_400 : i32
    }
    %scan3A_145 = arith.constant 10 : i32
    %dma_wait3A_146 = arith.constant 0 : i32
    %dma_wait3A_147 = tpu.memref_slice %arg9[%dma_wait3A_146] : memref<20480xf32, #tpu.memory_space<vmem>> -> memref<10240xf32, #tpu.memory_space<vmem>>
    %dma_wait3A_148 = arith.constant 0 : i32
    %dma_wait3A_149 = tpu.memref_slice %arg3[%dma_wait3A_148] : memref<5242880xf32, #tpu.memory_space<hbm>> -> memref<10240xf32, #tpu.memory_space<hbm>>
    %dma_wait3A_150 = arith.constant 0 : i32
    %dma_wait3A_151 = tpu.memref_slice %arg9[%dma_wait3A_150] : memref<20480xf32, #tpu.memory_space<vmem>> -> memref<10240xf32, #tpu.memory_space<vmem>>
    %dma_wait3A_152 = arith.constant 0 : i32
    %dma_wait3A_153 = tpu.memref_slice %arg3[%dma_wait3A_152] : memref<5242880xf32, #tpu.memory_space<hbm>> -> memref<10240xf32, #tpu.memory_space<hbm>>
    tpu.wait_dma2 semaphore(%arg15 : memref<!tpu.dma_semaphore, #tpu.memory_space<semaphore_mem>>) src(%dma_wait3A_153 : memref<10240xf32, #tpu.memory_space<hbm>>) dst(%dma_wait3A_151 : memref<10240xf32, #tpu.memory_space<vmem>>)
    %dma_wait3A_154 = arith.constant 10240 : i32
    %dma_wait3A_155 = tpu.memref_slice %arg9[%dma_wait3A_154] : memref<20480xf32, #tpu.memory_space<vmem>> -> memref<10240xf32, #tpu.memory_space<vmem>>
    %dma_wait3A_156 = arith.constant 0 : i32
    %dma_wait3A_157 = tpu.memref_slice %arg3[%dma_wait3A_156] : memref<5242880xf32, #tpu.memory_space<hbm>> -> memref<10240xf32, #tpu.memory_space<hbm>>
    %dma_wait3A_158 = arith.constant 10240 : i32
    %dma_wait3A_159 = tpu.memref_slice %arg9[%dma_wait3A_158] : memref<20480xf32, #tpu.memory_space<vmem>> -> memref<10240xf32, #tpu.memory_space<vmem>>
    %dma_wait3A_160 = arith.constant 0 : i32
    %dma_wait3A_161 = tpu.memref_slice %arg3[%dma_wait3A_160] : memref<5242880xf32, #tpu.memory_space<hbm>> -> memref<10240xf32, #tpu.memory_space<hbm>>
    tpu.wait_dma2 semaphore(%arg15 : memref<!tpu.dma_semaphore, #tpu.memory_space<semaphore_mem>>) src(%dma_wait3A_161 : memref<10240xf32, #tpu.memory_space<hbm>>) dst(%dma_wait3A_159 : memref<10240xf32, #tpu.memory_space<vmem>>)
    %parallel_loop3A_162 = arith.constant 0 : i32
    %parallel_loop3A_163 = arith.constant 10240 : i32
    %parallel_loop3A_164 = arith.constant 16 : i32
    scf.for %parallel_loop3A_367 = %parallel_loop3A_162 to %parallel_loop3A_163 step %parallel_loop3A_164  : i32 {
      %parallel_loop3A_368 = arith.index_cast %parallel_loop3A_367 : i32 to index
      %parallel_loop3A_369 = tpu.vector_load %arg10[%parallel_loop3A_368] {strides = array<i32>} : memref<10240xf32, #tpu.memory_space<vmem>>, vector<16xf32>,
      %parallel_loop3A_370 = arith.index_cast %parallel_loop3A_367 : i32 to index
      %parallel_loop3A_371 = tpu.vector_load %arg9[%parallel_loop3A_370] {strides = array<i32>} : memref<20480xf32, #tpu.memory_space<vmem>>, vector<16xf32>,
      %parallel_loop3A_372 = arith.constant 2.000000e+00 : f32
      %parallel_loop3A_373 = vector.broadcast %parallel_loop3A_372 : f32 to vector<16xf32>
      %parallel_loop3A_374 = arith.mulf %parallel_loop3A_373, %parallel_loop3A_369 : vector<16xf32>
      %parallel_loop3A_375 = arith.index_cast %parallel_loop3A_367 : i32 to index
      %parallel_loop3A_376 = tpu.vector_load %arg8[%parallel_loop3A_375] {strides = array<i32>} : memref<20480xf32, #tpu.memory_space<vmem>>, vector<16xf32>,
      %parallel_loop3A_377 = arith.mulf %parallel_loop3A_374, %parallel_loop3A_376 : vector<16xf32>
      %parallel_loop3A_378 = arith.subf %parallel_loop3A_371, %parallel_loop3A_377 : vector<16xf32>
      %parallel_loop3A_379 = arith.index_cast %parallel_loop3A_367 : i32 to index
      %parallel_loop3A_380 = tpu.vector_load %arg7[%parallel_loop3A_379] {strides = array<i32>} : memref<20480xf32, #tpu.memory_space<vmem>>, vector<16xf32>,
      %parallel_loop3A_381 = arith.subf %parallel_loop3A_378, %parallel_loop3A_380 : vector<16xf32>
      %parallel_loop3A_382 = arith.index_cast %parallel_loop3A_367 : i32 to index
      %parallel_loop3A_383 = tpu.vector_load %arg7[%parallel_loop3A_382] {strides = array<i32>} : memref<20480xf32, #tpu.memory_space<vmem>>, vector<16xf32>,
      tpu.vector_store %arg7[%parallel_loop3A_382], %parallel_loop3A_381 {strides = array<i32>} : memref<20480xf32, #tpu.memory_space<vmem>>, vector<16xf32>,
      %parallel_loop3A_384 = arith.index_cast %parallel_loop3A_367 : i32 to index
      %parallel_loop3A_385 = tpu.vector_load %arg8[%parallel_loop3A_384] {strides = array<i32>} : memref<20480xf32, #tpu.memory_space<vmem>>, vector<16xf32>,
      tpu.vector_store %arg8[%parallel_loop3A_384], %broadcast_in_dim3A_3 {strides = array<i32>} : memref<20480xf32, #tpu.memory_space<vmem>>, vector<16xf32>,
      %parallel_loop3A_386 = arith.constant 10240 : i32
      %parallel_loop3A_387 = arith.addi %parallel_loop3A_386, %parallel_loop3A_367 : i32
      %parallel_loop3A_388 = arith.index_cast %parallel_loop3A_387 : i32 to index
      %parallel_loop3A_389 = tpu.vector_load %arg9[%parallel_loop3A_388] {strides = array<i32>} : memref<20480xf32, #tpu.memory_space<vmem>>, vector<16xf32>,
      %parallel_loop3A_390 = arith.constant 2.000000e+00 : f32
      %parallel_loop3A_391 = vector.broadcast %parallel_loop3A_390 : f32 to vector<16xf32>
      %parallel_loop3A_392 = arith.mulf %parallel_loop3A_391, %parallel_loop3A_369 : vector<16xf32>
      %parallel_loop3A_393 = arith.index_cast %parallel_loop3A_387 : i32 to index
      %parallel_loop3A_394 = tpu.vector_load %arg8[%parallel_loop3A_393] {strides = array<i32>} : memref<20480xf32, #tpu.memory_space<vmem>>, vector<16xf32>,
      %parallel_loop3A_395 = arith.mulf %parallel_loop3A_392, %parallel_loop3A_394 : vector<16xf32>
      %parallel_loop3A_396 = arith.subf %parallel_loop3A_389, %parallel_loop3A_395 : vector<16xf32>
      %parallel_loop3A_397 = arith.index_cast %parallel_loop3A_387 : i32 to index
      %parallel_loop3A_398 = tpu.vector_load %arg7[%parallel_loop3A_397] {strides = array<i32>} : memref<20480xf32, #tpu.memory_space<vmem>>, vector<16xf32>,
      %parallel_loop3A_399 = arith.subf %parallel_loop3A_396, %parallel_loop3A_398 : vector<16xf32>
      %parallel_loop3A_400 = arith.index_cast %parallel_loop3A_387 : i32 to index
      %parallel_loop3A_401 = tpu.vector_load %arg7[%parallel_loop3A_400] {strides = array<i32>} : memref<20480xf32, #tpu.memory_space<vmem>>, vector<16xf32>,
      tpu.vector_store %arg7[%parallel_loop3A_400], %parallel_loop3A_399 {strides = array<i32>} : memref<20480xf32, #tpu.memory_space<vmem>>, vector<16xf32>,
      %parallel_loop3A_402 = arith.index_cast %parallel_loop3A_387 : i32 to index
      %parallel_loop3A_403 = tpu.vector_load %arg8[%parallel_loop3A_402] {strides = array<i32>} : memref<20480xf32, #tpu.memory_space<vmem>>, vector<16xf32>,
      tpu.vector_store %arg8[%parallel_loop3A_402], %broadcast_in_dim3A_3 {strides = array<i32>} : memref<20480xf32, #tpu.memory_space<vmem>>, vector<16xf32>,
    } {sc.loop_unroll_factor = 4 : i64, sc.parallel_access}
    %add3A_165 = arith.constant 192 : i32
    %add3A_166 = arith.addi %add3A_165, %mul3A_2 : i32
    %mul3A_167 = arith.constant 10240 : i32
    %mul3A_168 = arith.muli %add3A_166, %mul3A_167 : i32
    %dma_start3A_169 = arith.constant 0 : i32
    %dma_start3A_170 = tpu.memref_slice %arg9[%dma_start3A_169] : memref<20480xf32, #tpu.memory_space<vmem>> -> memref<10240xf32, #tpu.memory_space<vmem>>
    %dma_start3A_171 = tpu.memref_slice %arg3[%mul3A_168] : memref<5242880xf32, #tpu.memory_space<hbm>> -> memref<10240xf32, #tpu.memory_space<hbm>>
    %dma_start3A_172 = arith.constant 0 : i32
    %dma_start3A_173 = tpu.memref_slice %arg9[%dma_start3A_172] : memref<20480xf32, #tpu.memory_space<vmem>> -> memref<10240xf32, #tpu.memory_space<vmem>>
    %dma_start3A_174 = tpu.memref_slice %arg3[%mul3A_168] : memref<5242880xf32, #tpu.memory_space<hbm>> -> memref<10240xf32, #tpu.memory_space<hbm>>
    tpu.enqueue_dma source(%dma_start3A_174 : memref<10240xf32, #tpu.memory_space<hbm>>) target(%dma_start3A_173 : memref<10240xf32, #tpu.memory_space<vmem>>) target_semaphore(%arg15 : memref<!tpu.dma_semaphore, #tpu.memory_space<semaphore_mem>>)
    %add3A_175 = arith.constant 192 : i32
    %add3A_176 = arith.addi %add3A_175, %mul3A_2 : i32
    %add3A_177 = arith.constant 1 : i32
    %add3A_178 = arith.addi %add3A_176, %add3A_177 : i32
    %mul3A_179 = arith.constant 10240 : i32
    %mul3A_180 = arith.muli %add3A_178, %mul3A_179 : i32
    %dma_start3A_181 = arith.constant 10240 : i32
    %dma_start3A_182 = tpu.memref_slice %arg9[%dma_start3A_181] : memref<20480xf32, #tpu.memory_space<vmem>> -> memref<10240xf32, #tpu.memory_space<vmem>>
    %dma_start3A_183 = tpu.memref_slice %arg3[%mul3A_180] : memref<5242880xf32, #tpu.memory_space<hbm>> -> memref<10240xf32, #tpu.memory_space<hbm>>
    %dma_start3A_184 = arith.constant 10240 : i32
    %dma_start3A_185 = tpu.memref_slice %arg9[%dma_start3A_184] : memref<20480xf32, #tpu.memory_space<vmem>> -> memref<10240xf32, #tpu.memory_space<vmem>>
    %dma_start3A_186 = tpu.memref_slice %arg3[%mul3A_180] : memref<5242880xf32, #tpu.memory_space<hbm>> -> memref<10240xf32, #tpu.memory_space<hbm>>
    tpu.enqueue_dma source(%dma_start3A_186 : memref<10240xf32, #tpu.memory_space<hbm>>) target(%dma_start3A_185 : memref<10240xf32, #tpu.memory_space<vmem>>) target_semaphore(%arg15 : memref<!tpu.dma_semaphore, #tpu.memory_space<semaphore_mem>>)
    %scan3A_187 = arith.constant 0 : i32
    %scan3A_188 = arith.constant 0 : i32
    %scan3A_189 = arith.constant 10 : i32
    %scan3A_190 = arith.addi %scan3A_188, %scan3A_189 : i32
    %scan3A_191 = arith.constant 1 : i32
    %scan3A_192 = scf.for %scan3A_367 = %scan3A_188 to %scan3A_190 step %scan3A_191 iter_args(%scan3A_368 = %scan3A_187) -> (i32)  : i32 {
      %dma_wait3A_369 = arith.constant 0 : i32
      %dma_wait3A_370 = tpu.memref_slice %arg2[%dma_wait3A_369] : memref<320000xi32, #tpu.memory_space<hbm>> -> memref<16000xi32, #tpu.memory_space<hbm>>
      %dma_wait3A_371 = arith.constant 0 : i32
      %dma_wait3A_372 = tpu.memref_slice %arg2[%dma_wait3A_371] : memref<320000xi32, #tpu.memory_space<hbm>> -> memref<16000xi32, #tpu.memory_space<hbm>>
      tpu.wait_dma2 semaphore(%arg13 : memref<!tpu.dma_semaphore, #tpu.memory_space<semaphore_mem>>) src(%dma_wait3A_372 : memref<16000xi32, #tpu.memory_space<hbm>>) dst(%arg11 : memref<16000xi32, #tpu.memory_space<vmem>>)
      %mul3A_373 = arith.constant 2 : i32
      %mul3A_374 = arith.muli %mul3A_373, %scan3A_367 : i32
      %add3A_375 = arith.constant 1 : i32
      %add3A_376 = arith.addi %mul3A_374, %add3A_375 : i32
      %mul3A_377 = arith.constant 16000 : i32
      %mul3A_378 = arith.muli %add3A_376, %mul3A_377 : i32
      %dma_start3A_379 = tpu.memref_slice %arg2[%mul3A_378] : memref<320000xi32, #tpu.memory_space<hbm>> -> memref<16000xi32, #tpu.memory_space<hbm>>
      %dma_start3A_380 = tpu.memref_slice %arg2[%mul3A_378] : memref<320000xi32, #tpu.memory_space<hbm>> -> memref<16000xi32, #tpu.memory_space<hbm>>
      tpu.enqueue_dma source(%dma_start3A_380 : memref<16000xi32, #tpu.memory_space<hbm>>) target(%arg12 : memref<16000xi32, #tpu.memory_space<vmem>>) target_semaphore(%arg14 : memref<!tpu.dma_semaphore, #tpu.memory_space<semaphore_mem>>)
      %parallel_loop3A_381 = arith.constant 0 : i32
      %parallel_loop3A_382 = arith.constant 16000 : i32
      %parallel_loop3A_383 = arith.constant 16 : i32
      scf.for %parallel_loop3A_401 = %parallel_loop3A_381 to %parallel_loop3A_382 step %parallel_loop3A_383  : i32 {
        %parallel_loop3A_402 = arith.index_cast %parallel_loop3A_401 : i32 to index
        %parallel_loop3A_403 = tpu.vector_load %arg11[%parallel_loop3A_402] {strides = array<i32>} : memref<16000xi32, #tpu.memory_space<vmem>>, vector<16xi32>,
        %parallel_loop3A_404 = arith.constant 14 : i32
        %parallel_loop3A_405 = vector.broadcast %parallel_loop3A_404 : i32 to vector<16xi32>
        %parallel_loop3A_406 = arith.shrui %parallel_loop3A_403, %parallel_loop3A_405 : vector<16xi32>
        %parallel_loop3A_407 = arith.andi %parallel_loop3A_403, %broadcast_in_dim3A_7 : vector<16xi32>
        %parallel_loop3A_408 = tpu.vector_load_idx %arg7[%parallel_loop3A_406] : memref<20480xf32, #tpu.memory_space<vmem>>[vector<16xi32>], vector<16xf32>,
        tpu.vector_store_idx %arg8[%parallel_loop3A_407], %parallel_loop3A_408 {add = true} : memref<20480xf32, #tpu.memory_space<vmem>>[vector<16xi32>], vector<16xf32>,
        %parallel_loop3A_409 = arith.addi %parallel_loop3A_406, %broadcast_in_dim3A_5 : vector<16xi32>
        %parallel_loop3A_410 = tpu.vector_load_idx %arg7[%parallel_loop3A_409] : memref<20480xf32, #tpu.memory_space<vmem>>[vector<16xi32>], vector<16xf32>,
        %parallel_loop3A_411 = arith.addi %parallel_loop3A_407, %broadcast_in_dim3A_5 : vector<16xi32>
        tpu.vector_store_idx %arg8[%parallel_loop3A_411], %parallel_loop3A_410 {add = true} : memref<20480xf32, #tpu.memory_space<vmem>>[vector<16xi32>], vector<16xf32>,
      } {sc.loop_unroll_factor = 8 : i64, sc.parallel_access}
      %dma_wait3A_384 = arith.constant 0 : i32
      %dma_wait3A_385 = tpu.memref_slice %arg2[%dma_wait3A_384] : memref<320000xi32, #tpu.memory_space<hbm>> -> memref<16000xi32, #tpu.memory_space<hbm>>
      %dma_wait3A_386 = arith.constant 0 : i32
      %dma_wait3A_387 = tpu.memref_slice %arg2[%dma_wait3A_386] : memref<320000xi32, #tpu.memory_space<hbm>> -> memref<16000xi32, #tpu.memory_space<hbm>>
      tpu.wait_dma2 semaphore(%arg14 : memref<!tpu.dma_semaphore, #tpu.memory_space<semaphore_mem>>) src(%dma_wait3A_387 : memref<16000xi32, #tpu.memory_space<hbm>>) dst(%arg12 : memref<16000xi32, #tpu.memory_space<vmem>>)
      %mul3A_388 = arith.constant 2 : i32
      %mul3A_389 = arith.muli %mul3A_388, %scan3A_367 : i32
      %add3A_390 = arith.constant 2 : i32
      %add3A_391 = arith.addi %mul3A_389, %add3A_390 : i32
      %rem3A = arith.constant 20 : i32
      %rem3A_392 = arith.remsi %add3A_391, %rem3A : i32
      %mul3A_393 = arith.constant 16000 : i32
      %mul3A_394 = arith.muli %rem3A_392, %mul3A_393 : i32
      %dma_start3A_395 = tpu.memref_slice %arg2[%mul3A_394] : memref<320000xi32, #tpu.memory_space<hbm>> -> memref<16000xi32, #tpu.memory_space<hbm>>
      %dma_start3A_396 = tpu.memref_slice %arg2[%mul3A_394] : memref<320000xi32, #tpu.memory_space<hbm>> -> memref<16000xi32, #tpu.memory_space<hbm>>
      tpu.enqueue_dma source(%dma_start3A_396 : memref<16000xi32, #tpu.memory_space<hbm>>) target(%arg11 : memref<16000xi32, #tpu.memory_space<vmem>>) target_semaphore(%arg13 : memref<!tpu.dma_semaphore, #tpu.memory_space<semaphore_mem>>)
      %parallel_loop3A_397 = arith.constant 0 : i32
      %parallel_loop3A_398 = arith.constant 16000 : i32
      %parallel_loop3A_399 = arith.constant 16 : i32
      scf.for %parallel_loop3A_401 = %parallel_loop3A_397 to %parallel_loop3A_398 step %parallel_loop3A_399  : i32 {
        %parallel_loop3A_402 = arith.index_cast %parallel_loop3A_401 : i32 to index
        %parallel_loop3A_403 = tpu.vector_load %arg12[%parallel_loop3A_402] {strides = array<i32>} : memref<16000xi32, #tpu.memory_space<vmem>>, vector<16xi32>,
        %parallel_loop3A_404 = arith.constant 14 : i32
        %parallel_loop3A_405 = vector.broadcast %parallel_loop3A_404 : i32 to vector<16xi32>
        %parallel_loop3A_406 = arith.shrui %parallel_loop3A_403, %parallel_loop3A_405 : vector<16xi32>
        %parallel_loop3A_407 = arith.andi %parallel_loop3A_403, %broadcast_in_dim3A_7 : vector<16xi32>
        %parallel_loop3A_408 = tpu.vector_load_idx %arg7[%parallel_loop3A_406] : memref<20480xf32, #tpu.memory_space<vmem>>[vector<16xi32>], vector<16xf32>,
        tpu.vector_store_idx %arg8[%parallel_loop3A_407], %parallel_loop3A_408 {add = true} : memref<20480xf32, #tpu.memory_space<vmem>>[vector<16xi32>], vector<16xf32>,
        %parallel_loop3A_409 = arith.addi %parallel_loop3A_406, %broadcast_in_dim3A_5 : vector<16xi32>
        %parallel_loop3A_410 = tpu.vector_load_idx %arg7[%parallel_loop3A_409] : memref<20480xf32, #tpu.memory_space<vmem>>[vector<16xi32>], vector<16xf32>,
        %parallel_loop3A_411 = arith.addi %parallel_loop3A_407, %broadcast_in_dim3A_5 : vector<16xi32>
        tpu.vector_store_idx %arg8[%parallel_loop3A_411], %parallel_loop3A_410 {add = true} : memref<20480xf32, #tpu.memory_space<vmem>>[vector<16xi32>], vector<16xf32>,
      } {sc.loop_unroll_factor = 8 : i64, sc.parallel_access}
      %scan3A_400 = arith.constant 0 : i32
      scf.yield %scan3A_400 : i32
    }
    %scan3A_193 = arith.constant 10 : i32
    %dma_wait3A_194 = arith.constant 0 : i32
    %dma_wait3A_195 = tpu.memref_slice %arg9[%dma_wait3A_194] : memref<20480xf32, #tpu.memory_space<vmem>> -> memref<10240xf32, #tpu.memory_space<vmem>>
    %dma_wait3A_196 = arith.constant 0 : i32
    %dma_wait3A_197 = tpu.memref_slice %arg3[%dma_wait3A_196] : memref<5242880xf32, #tpu.memory_space<hbm>> -> memref<10240xf32, #tpu.memory_space<hbm>>
    %dma_wait3A_198 = arith.constant 0 : i32
    %dma_wait3A_199 = tpu.memref_slice %arg9[%dma_wait3A_198] : memref<20480xf32, #tpu.memory_space<vmem>> -> memref<10240xf32, #tpu.memory_space<vmem>>
    %dma_wait3A_200 = arith.constant 0 : i32
    %dma_wait3A_201 = tpu.memref_slice %arg3[%dma_wait3A_200] : memref<5242880xf32, #tpu.memory_space<hbm>> -> memref<10240xf32, #tpu.memory_space<hbm>>
    tpu.wait_dma2 semaphore(%arg15 : memref<!tpu.dma_semaphore, #tpu.memory_space<semaphore_mem>>) src(%dma_wait3A_201 : memref<10240xf32, #tpu.memory_space<hbm>>) dst(%dma_wait3A_199 : memref<10240xf32, #tpu.memory_space<vmem>>)
    %dma_wait3A_202 = arith.constant 10240 : i32
    %dma_wait3A_203 = tpu.memref_slice %arg9[%dma_wait3A_202] : memref<20480xf32, #tpu.memory_space<vmem>> -> memref<10240xf32, #tpu.memory_space<vmem>>
    %dma_wait3A_204 = arith.constant 0 : i32
    %dma_wait3A_205 = tpu.memref_slice %arg3[%dma_wait3A_204] : memref<5242880xf32, #tpu.memory_space<hbm>> -> memref<10240xf32, #tpu.memory_space<hbm>>
    %dma_wait3A_206 = arith.constant 10240 : i32
    %dma_wait3A_207 = tpu.memref_slice %arg9[%dma_wait3A_206] : memref<20480xf32, #tpu.memory_space<vmem>> -> memref<10240xf32, #tpu.memory_space<vmem>>
    %dma_wait3A_208 = arith.constant 0 : i32
    %dma_wait3A_209 = tpu.memref_slice %arg3[%dma_wait3A_208] : memref<5242880xf32, #tpu.memory_space<hbm>> -> memref<10240xf32, #tpu.memory_space<hbm>>
    tpu.wait_dma2 semaphore(%arg15 : memref<!tpu.dma_semaphore, #tpu.memory_space<semaphore_mem>>) src(%dma_wait3A_209 : memref<10240xf32, #tpu.memory_space<hbm>>) dst(%dma_wait3A_207 : memref<10240xf32, #tpu.memory_space<vmem>>)
    %parallel_loop3A_210 = arith.constant 0 : i32
    %parallel_loop3A_211 = arith.constant 10240 : i32
    %parallel_loop3A_212 = arith.constant 16 : i32
    scf.for %parallel_loop3A_367 = %parallel_loop3A_210 to %parallel_loop3A_211 step %parallel_loop3A_212  : i32 {
      %parallel_loop3A_368 = arith.index_cast %parallel_loop3A_367 : i32 to index
      %parallel_loop3A_369 = tpu.vector_load %arg10[%parallel_loop3A_368] {strides = array<i32>} : memref<10240xf32, #tpu.memory_space<vmem>>, vector<16xf32>,
      %parallel_loop3A_370 = arith.index_cast %parallel_loop3A_367 : i32 to index
      %parallel_loop3A_371 = tpu.vector_load %arg9[%parallel_loop3A_370] {strides = array<i32>} : memref<20480xf32, #tpu.memory_space<vmem>>, vector<16xf32>,
      %parallel_loop3A_372 = arith.constant 2.000000e+00 : f32
      %parallel_loop3A_373 = vector.broadcast %parallel_loop3A_372 : f32 to vector<16xf32>
      %parallel_loop3A_374 = arith.mulf %parallel_loop3A_373, %parallel_loop3A_369 : vector<16xf32>
      %parallel_loop3A_375 = arith.index_cast %parallel_loop3A_367 : i32 to index
      %parallel_loop3A_376 = tpu.vector_load %arg8[%parallel_loop3A_375] {strides = array<i32>} : memref<20480xf32, #tpu.memory_space<vmem>>, vector<16xf32>,
      %parallel_loop3A_377 = arith.mulf %parallel_loop3A_374, %parallel_loop3A_376 : vector<16xf32>
      %parallel_loop3A_378 = arith.subf %parallel_loop3A_371, %parallel_loop3A_377 : vector<16xf32>
      %parallel_loop3A_379 = arith.index_cast %parallel_loop3A_367 : i32 to index
      %parallel_loop3A_380 = tpu.vector_load %arg6[%parallel_loop3A_379] {strides = array<i32>} : memref<20480xf32, #tpu.memory_space<vmem>>, vector<16xf32>,
      %parallel_loop3A_381 = arith.subf %parallel_loop3A_378, %parallel_loop3A_380 : vector<16xf32>
      %parallel_loop3A_382 = arith.index_cast %parallel_loop3A_367 : i32 to index
      %parallel_loop3A_383 = tpu.vector_load %arg6[%parallel_loop3A_382] {strides = array<i32>} : memref<20480xf32, #tpu.memory_space<vmem>>, vector<16xf32>,
      tpu.vector_store %arg6[%parallel_loop3A_382], %parallel_loop3A_381 {strides = array<i32>} : memref<20480xf32, #tpu.memory_space<vmem>>, vector<16xf32>,
      %parallel_loop3A_384 = arith.index_cast %parallel_loop3A_367 : i32 to index
      %parallel_loop3A_385 = tpu.vector_load %arg8[%parallel_loop3A_384] {strides = array<i32>} : memref<20480xf32, #tpu.memory_space<vmem>>, vector<16xf32>,
      tpu.vector_store %arg8[%parallel_loop3A_384], %broadcast_in_dim3A_3 {strides = array<i32>} : memref<20480xf32, #tpu.memory_space<vmem>>, vector<16xf32>,
      %parallel_loop3A_386 = arith.constant 10240 : i32
      %parallel_loop3A_387 = arith.addi %parallel_loop3A_386, %parallel_loop3A_367 : i32
      %parallel_loop3A_388 = arith.index_cast %parallel_loop3A_387 : i32 to index
      %parallel_loop3A_389 = tpu.vector_load %arg9[%parallel_loop3A_388] {strides = array<i32>} : memref<20480xf32, #tpu.memory_space<vmem>>, vector<16xf32>,
      %parallel_loop3A_390 = arith.constant 2.000000e+00 : f32
      %parallel_loop3A_391 = vector.broadcast %parallel_loop3A_390 : f32 to vector<16xf32>
      %parallel_loop3A_392 = arith.mulf %parallel_loop3A_391, %parallel_loop3A_369 : vector<16xf32>
      %parallel_loop3A_393 = arith.index_cast %parallel_loop3A_387 : i32 to index
      %parallel_loop3A_394 = tpu.vector_load %arg8[%parallel_loop3A_393] {strides = array<i32>} : memref<20480xf32, #tpu.memory_space<vmem>>, vector<16xf32>,
      %parallel_loop3A_395 = arith.mulf %parallel_loop3A_392, %parallel_loop3A_394 : vector<16xf32>
      %parallel_loop3A_396 = arith.subf %parallel_loop3A_389, %parallel_loop3A_395 : vector<16xf32>
      %parallel_loop3A_397 = arith.index_cast %parallel_loop3A_387 : i32 to index
      %parallel_loop3A_398 = tpu.vector_load %arg6[%parallel_loop3A_397] {strides = array<i32>} : memref<20480xf32, #tpu.memory_space<vmem>>, vector<16xf32>,
      %parallel_loop3A_399 = arith.subf %parallel_loop3A_396, %parallel_loop3A_398 : vector<16xf32>
      %parallel_loop3A_400 = arith.index_cast %parallel_loop3A_387 : i32 to index
      %parallel_loop3A_401 = tpu.vector_load %arg6[%parallel_loop3A_400] {strides = array<i32>} : memref<20480xf32, #tpu.memory_space<vmem>>, vector<16xf32>,
      tpu.vector_store %arg6[%parallel_loop3A_400], %parallel_loop3A_399 {strides = array<i32>} : memref<20480xf32, #tpu.memory_space<vmem>>, vector<16xf32>,
      %parallel_loop3A_402 = arith.index_cast %parallel_loop3A_387 : i32 to index
      %parallel_loop3A_403 = tpu.vector_load %arg8[%parallel_loop3A_402] {strides = array<i32>} : memref<20480xf32, #tpu.memory_space<vmem>>, vector<16xf32>,
      tpu.vector_store %arg8[%parallel_loop3A_402], %broadcast_in_dim3A_3 {strides = array<i32>} : memref<20480xf32, #tpu.memory_space<vmem>>, vector<16xf32>,
    } {sc.loop_unroll_factor = 4 : i64, sc.parallel_access}
    %add3A_213 = arith.constant 128 : i32
    %add3A_214 = arith.addi %add3A_213, %mul3A_2 : i32
    %mul3A_215 = arith.constant 10240 : i32
    %mul3A_216 = arith.muli %add3A_214, %mul3A_215 : i32
    %dma_start3A_217 = arith.constant 0 : i32
    %dma_start3A_218 = tpu.memref_slice %arg9[%dma_start3A_217] : memref<20480xf32, #tpu.memory_space<vmem>> -> memref<10240xf32, #tpu.memory_space<vmem>>
    %dma_start3A_219 = tpu.memref_slice %arg3[%mul3A_216] : memref<5242880xf32, #tpu.memory_space<hbm>> -> memref<10240xf32, #tpu.memory_space<hbm>>
    %dma_start3A_220 = arith.constant 0 : i32
    %dma_start3A_221 = tpu.memref_slice %arg9[%dma_start3A_220] : memref<20480xf32, #tpu.memory_space<vmem>> -> memref<10240xf32, #tpu.memory_space<vmem>>
    %dma_start3A_222 = tpu.memref_slice %arg3[%mul3A_216] : memref<5242880xf32, #tpu.memory_space<hbm>> -> memref<10240xf32, #tpu.memory_space<hbm>>
    tpu.enqueue_dma source(%dma_start3A_222 : memref<10240xf32, #tpu.memory_space<hbm>>) target(%dma_start3A_221 : memref<10240xf32, #tpu.memory_space<vmem>>) target_semaphore(%arg15 : memref<!tpu.dma_semaphore, #tpu.memory_space<semaphore_mem>>)
    %add3A_223 = arith.constant 128 : i32
    %add3A_224 = arith.addi %add3A_223, %mul3A_2 : i32
    %add3A_225 = arith.constant 1 : i32
    %add3A_226 = arith.addi %add3A_224, %add3A_225 : i32
    %mul3A_227 = arith.constant 10240 : i32
    %mul3A_228 = arith.muli %add3A_226, %mul3A_227 : i32
    %dma_start3A_229 = arith.constant 10240 : i32
    %dma_start3A_230 = tpu.memref_slice %arg9[%dma_start3A_229] : memref<20480xf32, #tpu.memory_space<vmem>> -> memref<10240xf32, #tpu.memory_space<vmem>>
    %dma_start3A_231 = tpu.memref_slice %arg3[%mul3A_228] : memref<5242880xf32, #tpu.memory_space<hbm>> -> memref<10240xf32, #tpu.memory_space<hbm>>
    %dma_start3A_232 = arith.constant 10240 : i32
    %dma_start3A_233 = tpu.memref_slice %arg9[%dma_start3A_232] : memref<20480xf32, #tpu.memory_space<vmem>> -> memref<10240xf32, #tpu.memory_space<vmem>>
    %dma_start3A_234 = tpu.memref_slice %arg3[%mul3A_228] : memref<5242880xf32, #tpu.memory_space<hbm>> -> memref<10240xf32, #tpu.memory_space<hbm>>
    tpu.enqueue_dma source(%dma_start3A_234 : memref<10240xf32, #tpu.memory_space<hbm>>) target(%dma_start3A_233 : memref<10240xf32, #tpu.memory_space<vmem>>) target_semaphore(%arg15 : memref<!tpu.dma_semaphore, #tpu.memory_space<semaphore_mem>>)
    %scan3A_235 = arith.constant 0 : i32
    %scan3A_236 = arith.constant 0 : i32
    %scan3A_237 = arith.constant 10 : i32
    %scan3A_238 = arith.addi %scan3A_236, %scan3A_237 : i32
    %scan3A_239 = arith.constant 1 : i32
    %scan3A_240 = scf.for %scan3A_367 = %scan3A_236 to %scan3A_238 step %scan3A_239 iter_args(%scan3A_368 = %scan3A_235) -> (i32)  : i32 {
      %dma_wait3A_369 = arith.constant 0 : i32
      %dma_wait3A_370 = tpu.memref_slice %arg2[%dma_wait3A_369] : memref<320000xi32, #tpu.memory_space<hbm>> -> memref<16000xi32, #tpu.memory_space<hbm>>
      %dma_wait3A_371 = arith.constant 0 : i32
      %dma_wait3A_372 = tpu.memref_slice %arg2[%dma_wait3A_371] : memref<320000xi32, #tpu.memory_space<hbm>> -> memref<16000xi32, #tpu.memory_space<hbm>>
      tpu.wait_dma2 semaphore(%arg13 : memref<!tpu.dma_semaphore, #tpu.memory_space<semaphore_mem>>) src(%dma_wait3A_372 : memref<16000xi32, #tpu.memory_space<hbm>>) dst(%arg11 : memref<16000xi32, #tpu.memory_space<vmem>>)
      %mul3A_373 = arith.constant 2 : i32
      %mul3A_374 = arith.muli %mul3A_373, %scan3A_367 : i32
      %add3A_375 = arith.constant 1 : i32
      %add3A_376 = arith.addi %mul3A_374, %add3A_375 : i32
      %mul3A_377 = arith.constant 16000 : i32
      %mul3A_378 = arith.muli %add3A_376, %mul3A_377 : i32
      %dma_start3A_379 = tpu.memref_slice %arg2[%mul3A_378] : memref<320000xi32, #tpu.memory_space<hbm>> -> memref<16000xi32, #tpu.memory_space<hbm>>
      %dma_start3A_380 = tpu.memref_slice %arg2[%mul3A_378] : memref<320000xi32, #tpu.memory_space<hbm>> -> memref<16000xi32, #tpu.memory_space<hbm>>
      tpu.enqueue_dma source(%dma_start3A_380 : memref<16000xi32, #tpu.memory_space<hbm>>) target(%arg12 : memref<16000xi32, #tpu.memory_space<vmem>>) target_semaphore(%arg14 : memref<!tpu.dma_semaphore, #tpu.memory_space<semaphore_mem>>)
      %parallel_loop3A_381 = arith.constant 0 : i32
      %parallel_loop3A_382 = arith.constant 16000 : i32
      %parallel_loop3A_383 = arith.constant 16 : i32
      scf.for %parallel_loop3A_401 = %parallel_loop3A_381 to %parallel_loop3A_382 step %parallel_loop3A_383  : i32 {
        %parallel_loop3A_402 = arith.index_cast %parallel_loop3A_401 : i32 to index
        %parallel_loop3A_403 = tpu.vector_load %arg11[%parallel_loop3A_402] {strides = array<i32>} : memref<16000xi32, #tpu.memory_space<vmem>>, vector<16xi32>,
        %parallel_loop3A_404 = arith.constant 14 : i32
        %parallel_loop3A_405 = vector.broadcast %parallel_loop3A_404 : i32 to vector<16xi32>
        %parallel_loop3A_406 = arith.shrui %parallel_loop3A_403, %parallel_loop3A_405 : vector<16xi32>
        %parallel_loop3A_407 = arith.andi %parallel_loop3A_403, %broadcast_in_dim3A_7 : vector<16xi32>
        %parallel_loop3A_408 = tpu.vector_load_idx %arg6[%parallel_loop3A_406] : memref<20480xf32, #tpu.memory_space<vmem>>[vector<16xi32>], vector<16xf32>,
        tpu.vector_store_idx %arg8[%parallel_loop3A_407], %parallel_loop3A_408 {add = true} : memref<20480xf32, #tpu.memory_space<vmem>>[vector<16xi32>], vector<16xf32>,
        %parallel_loop3A_409 = arith.addi %parallel_loop3A_406, %broadcast_in_dim3A_5 : vector<16xi32>
        %parallel_loop3A_410 = tpu.vector_load_idx %arg6[%parallel_loop3A_409] : memref<20480xf32, #tpu.memory_space<vmem>>[vector<16xi32>], vector<16xf32>,
        %parallel_loop3A_411 = arith.addi %parallel_loop3A_407, %broadcast_in_dim3A_5 : vector<16xi32>
        tpu.vector_store_idx %arg8[%parallel_loop3A_411], %parallel_loop3A_410 {add = true} : memref<20480xf32, #tpu.memory_space<vmem>>[vector<16xi32>], vector<16xf32>,
      } {sc.loop_unroll_factor = 8 : i64, sc.parallel_access}
      %dma_wait3A_384 = arith.constant 0 : i32
      %dma_wait3A_385 = tpu.memref_slice %arg2[%dma_wait3A_384] : memref<320000xi32, #tpu.memory_space<hbm>> -> memref<16000xi32, #tpu.memory_space<hbm>>
      %dma_wait3A_386 = arith.constant 0 : i32
      %dma_wait3A_387 = tpu.memref_slice %arg2[%dma_wait3A_386] : memref<320000xi32, #tpu.memory_space<hbm>> -> memref<16000xi32, #tpu.memory_space<hbm>>
      tpu.wait_dma2 semaphore(%arg14 : memref<!tpu.dma_semaphore, #tpu.memory_space<semaphore_mem>>) src(%dma_wait3A_387 : memref<16000xi32, #tpu.memory_space<hbm>>) dst(%arg12 : memref<16000xi32, #tpu.memory_space<vmem>>)
      %mul3A_388 = arith.constant 2 : i32
      %mul3A_389 = arith.muli %mul3A_388, %scan3A_367 : i32
      %add3A_390 = arith.constant 2 : i32
      %add3A_391 = arith.addi %mul3A_389, %add3A_390 : i32
      %rem3A = arith.constant 20 : i32
      %rem3A_392 = arith.remsi %add3A_391, %rem3A : i32
      %mul3A_393 = arith.constant 16000 : i32
      %mul3A_394 = arith.muli %rem3A_392, %mul3A_393 : i32
      %dma_start3A_395 = tpu.memref_slice %arg2[%mul3A_394] : memref<320000xi32, #tpu.memory_space<hbm>> -> memref<16000xi32, #tpu.memory_space<hbm>>
      %dma_start3A_396 = tpu.memref_slice %arg2[%mul3A_394] : memref<320000xi32, #tpu.memory_space<hbm>> -> memref<16000xi32, #tpu.memory_space<hbm>>
      tpu.enqueue_dma source(%dma_start3A_396 : memref<16000xi32, #tpu.memory_space<hbm>>) target(%arg11 : memref<16000xi32, #tpu.memory_space<vmem>>) target_semaphore(%arg13 : memref<!tpu.dma_semaphore, #tpu.memory_space<semaphore_mem>>)
      %parallel_loop3A_397 = arith.constant 0 : i32
      %parallel_loop3A_398 = arith.constant 16000 : i32
      %parallel_loop3A_399 = arith.constant 16 : i32
      scf.for %parallel_loop3A_401 = %parallel_loop3A_397 to %parallel_loop3A_398 step %parallel_loop3A_399  : i32 {
        %parallel_loop3A_402 = arith.index_cast %parallel_loop3A_401 : i32 to index
        %parallel_loop3A_403 = tpu.vector_load %arg12[%parallel_loop3A_402] {strides = array<i32>} : memref<16000xi32, #tpu.memory_space<vmem>>, vector<16xi32>,
        %parallel_loop3A_404 = arith.constant 14 : i32
        %parallel_loop3A_405 = vector.broadcast %parallel_loop3A_404 : i32 to vector<16xi32>
        %parallel_loop3A_406 = arith.shrui %parallel_loop3A_403, %parallel_loop3A_405 : vector<16xi32>
        %parallel_loop3A_407 = arith.andi %parallel_loop3A_403, %broadcast_in_dim3A_7 : vector<16xi32>
        %parallel_loop3A_408 = tpu.vector_load_idx %arg6[%parallel_loop3A_406] : memref<20480xf32, #tpu.memory_space<vmem>>[vector<16xi32>], vector<16xf32>,
        tpu.vector_store_idx %arg8[%parallel_loop3A_407], %parallel_loop3A_408 {add = true} : memref<20480xf32, #tpu.memory_space<vmem>>[vector<16xi32>], vector<16xf32>,
        %parallel_loop3A_409 = arith.addi %parallel_loop3A_406, %broadcast_in_dim3A_5 : vector<16xi32>
        %parallel_loop3A_410 = tpu.vector_load_idx %arg6[%parallel_loop3A_409] : memref<20480xf32, #tpu.memory_space<vmem>>[vector<16xi32>], vector<16xf32>,
        %parallel_loop3A_411 = arith.addi %parallel_loop3A_407, %broadcast_in_dim3A_5 : vector<16xi32>
        tpu.vector_store_idx %arg8[%parallel_loop3A_411], %parallel_loop3A_410 {add = true} : memref<20480xf32, #tpu.memory_space<vmem>>[vector<16xi32>], vector<16xf32>,
      } {sc.loop_unroll_factor = 8 : i64, sc.parallel_access}
      %scan3A_400 = arith.constant 0 : i32
      scf.yield %scan3A_400 : i32
    }
    %scan3A_241 = arith.constant 10 : i32
    %dma_wait3A_242 = arith.constant 0 : i32
    %dma_wait3A_243 = tpu.memref_slice %arg9[%dma_wait3A_242] : memref<20480xf32, #tpu.memory_space<vmem>> -> memref<10240xf32, #tpu.memory_space<vmem>>
    %dma_wait3A_244 = arith.constant 0 : i32
    %dma_wait3A_245 = tpu.memref_slice %arg3[%dma_wait3A_244] : memref<5242880xf32, #tpu.memory_space<hbm>> -> memref<10240xf32, #tpu.memory_space<hbm>>
    %dma_wait3A_246 = arith.constant 0 : i32
    %dma_wait3A_247 = tpu.memref_slice %arg9[%dma_wait3A_246] : memref<20480xf32, #tpu.memory_space<vmem>> -> memref<10240xf32, #tpu.memory_space<vmem>>
    %dma_wait3A_248 = arith.constant 0 : i32
    %dma_wait3A_249 = tpu.memref_slice %arg3[%dma_wait3A_248] : memref<5242880xf32, #tpu.memory_space<hbm>> -> memref<10240xf32, #tpu.memory_space<hbm>>
    tpu.wait_dma2 semaphore(%arg15 : memref<!tpu.dma_semaphore, #tpu.memory_space<semaphore_mem>>) src(%dma_wait3A_249 : memref<10240xf32, #tpu.memory_space<hbm>>) dst(%dma_wait3A_247 : memref<10240xf32, #tpu.memory_space<vmem>>)
    %dma_wait3A_250 = arith.constant 10240 : i32
    %dma_wait3A_251 = tpu.memref_slice %arg9[%dma_wait3A_250] : memref<20480xf32, #tpu.memory_space<vmem>> -> memref<10240xf32, #tpu.memory_space<vmem>>
    %dma_wait3A_252 = arith.constant 0 : i32
    %dma_wait3A_253 = tpu.memref_slice %arg3[%dma_wait3A_252] : memref<5242880xf32, #tpu.memory_space<hbm>> -> memref<10240xf32, #tpu.memory_space<hbm>>
    %dma_wait3A_254 = arith.constant 10240 : i32
    %dma_wait3A_255 = tpu.memref_slice %arg9[%dma_wait3A_254] : memref<20480xf32, #tpu.memory_space<vmem>> -> memref<10240xf32, #tpu.memory_space<vmem>>
    %dma_wait3A_256 = arith.constant 0 : i32
    %dma_wait3A_257 = tpu.memref_slice %arg3[%dma_wait3A_256] : memref<5242880xf32, #tpu.memory_space<hbm>> -> memref<10240xf32, #tpu.memory_space<hbm>>
    tpu.wait_dma2 semaphore(%arg15 : memref<!tpu.dma_semaphore, #tpu.memory_space<semaphore_mem>>) src(%dma_wait3A_257 : memref<10240xf32, #tpu.memory_space<hbm>>) dst(%dma_wait3A_255 : memref<10240xf32, #tpu.memory_space<vmem>>)
    %parallel_loop3A_258 = arith.constant 0 : i32
    %parallel_loop3A_259 = arith.constant 10240 : i32
    %parallel_loop3A_260 = arith.constant 16 : i32
    scf.for %parallel_loop3A_367 = %parallel_loop3A_258 to %parallel_loop3A_259 step %parallel_loop3A_260  : i32 {
      %parallel_loop3A_368 = arith.index_cast %parallel_loop3A_367 : i32 to index
      %parallel_loop3A_369 = tpu.vector_load %arg10[%parallel_loop3A_368] {strides = array<i32>} : memref<10240xf32, #tpu.memory_space<vmem>>, vector<16xf32>,
      %parallel_loop3A_370 = arith.index_cast %parallel_loop3A_367 : i32 to index
      %parallel_loop3A_371 = tpu.vector_load %arg9[%parallel_loop3A_370] {strides = array<i32>} : memref<20480xf32, #tpu.memory_space<vmem>>, vector<16xf32>,
      %parallel_loop3A_372 = arith.constant 2.000000e+00 : f32
      %parallel_loop3A_373 = vector.broadcast %parallel_loop3A_372 : f32 to vector<16xf32>
      %parallel_loop3A_374 = arith.mulf %parallel_loop3A_373, %parallel_loop3A_369 : vector<16xf32>
      %parallel_loop3A_375 = arith.index_cast %parallel_loop3A_367 : i32 to index
      %parallel_loop3A_376 = tpu.vector_load %arg8[%parallel_loop3A_375] {strides = array<i32>} : memref<20480xf32, #tpu.memory_space<vmem>>, vector<16xf32>,
      %parallel_loop3A_377 = arith.mulf %parallel_loop3A_374, %parallel_loop3A_376 : vector<16xf32>
      %parallel_loop3A_378 = arith.subf %parallel_loop3A_371, %parallel_loop3A_377 : vector<16xf32>
      %parallel_loop3A_379 = arith.index_cast %parallel_loop3A_367 : i32 to index
      %parallel_loop3A_380 = tpu.vector_load %arg7[%parallel_loop3A_379] {strides = array<i32>} : memref<20480xf32, #tpu.memory_space<vmem>>, vector<16xf32>,
      %parallel_loop3A_381 = arith.subf %parallel_loop3A_378, %parallel_loop3A_380 : vector<16xf32>
      %parallel_loop3A_382 = arith.index_cast %parallel_loop3A_367 : i32 to index
      %parallel_loop3A_383 = tpu.vector_load %arg7[%parallel_loop3A_382] {strides = array<i32>} : memref<20480xf32, #tpu.memory_space<vmem>>, vector<16xf32>,
      tpu.vector_store %arg7[%parallel_loop3A_382], %parallel_loop3A_381 {strides = array<i32>} : memref<20480xf32, #tpu.memory_space<vmem>>, vector<16xf32>,
      %parallel_loop3A_384 = arith.index_cast %parallel_loop3A_367 : i32 to index
      %parallel_loop3A_385 = tpu.vector_load %arg8[%parallel_loop3A_384] {strides = array<i32>} : memref<20480xf32, #tpu.memory_space<vmem>>, vector<16xf32>,
      tpu.vector_store %arg8[%parallel_loop3A_384], %broadcast_in_dim3A_3 {strides = array<i32>} : memref<20480xf32, #tpu.memory_space<vmem>>, vector<16xf32>,
      %parallel_loop3A_386 = arith.constant 10240 : i32
      %parallel_loop3A_387 = arith.addi %parallel_loop3A_386, %parallel_loop3A_367 : i32
      %parallel_loop3A_388 = arith.index_cast %parallel_loop3A_387 : i32 to index
      %parallel_loop3A_389 = tpu.vector_load %arg9[%parallel_loop3A_388] {strides = array<i32>} : memref<20480xf32, #tpu.memory_space<vmem>>, vector<16xf32>,
      %parallel_loop3A_390 = arith.constant 2.000000e+00 : f32
      %parallel_loop3A_391 = vector.broadcast %parallel_loop3A_390 : f32 to vector<16xf32>
      %parallel_loop3A_392 = arith.mulf %parallel_loop3A_391, %parallel_loop3A_369 : vector<16xf32>
      %parallel_loop3A_393 = arith.index_cast %parallel_loop3A_387 : i32 to index
      %parallel_loop3A_394 = tpu.vector_load %arg8[%parallel_loop3A_393] {strides = array<i32>} : memref<20480xf32, #tpu.memory_space<vmem>>, vector<16xf32>,
      %parallel_loop3A_395 = arith.mulf %parallel_loop3A_392, %parallel_loop3A_394 : vector<16xf32>
      %parallel_loop3A_396 = arith.subf %parallel_loop3A_389, %parallel_loop3A_395 : vector<16xf32>
      %parallel_loop3A_397 = arith.index_cast %parallel_loop3A_387 : i32 to index
      %parallel_loop3A_398 = tpu.vector_load %arg7[%parallel_loop3A_397] {strides = array<i32>} : memref<20480xf32, #tpu.memory_space<vmem>>, vector<16xf32>,
      %parallel_loop3A_399 = arith.subf %parallel_loop3A_396, %parallel_loop3A_398 : vector<16xf32>
      %parallel_loop3A_400 = arith.index_cast %parallel_loop3A_387 : i32 to index
      %parallel_loop3A_401 = tpu.vector_load %arg7[%parallel_loop3A_400] {strides = array<i32>} : memref<20480xf32, #tpu.memory_space<vmem>>, vector<16xf32>,
      tpu.vector_store %arg7[%parallel_loop3A_400], %parallel_loop3A_399 {strides = array<i32>} : memref<20480xf32, #tpu.memory_space<vmem>>, vector<16xf32>,
      %parallel_loop3A_402 = arith.index_cast %parallel_loop3A_387 : i32 to index
      %parallel_loop3A_403 = tpu.vector_load %arg8[%parallel_loop3A_402] {strides = array<i32>} : memref<20480xf32, #tpu.memory_space<vmem>>, vector<16xf32>,
      tpu.vector_store %arg8[%parallel_loop3A_402], %broadcast_in_dim3A_3 {strides = array<i32>} : memref<20480xf32, #tpu.memory_space<vmem>>, vector<16xf32>,
    } {sc.loop_unroll_factor = 4 : i64, sc.parallel_access}
    %add3A_261 = arith.constant 64 : i32
    %add3A_262 = arith.addi %add3A_261, %mul3A_2 : i32
    %mul3A_263 = arith.constant 10240 : i32
    %mul3A_264 = arith.muli %add3A_262, %mul3A_263 : i32
    %dma_start3A_265 = arith.constant 0 : i32
    %dma_start3A_266 = tpu.memref_slice %arg9[%dma_start3A_265] : memref<20480xf32, #tpu.memory_space<vmem>> -> memref<10240xf32, #tpu.memory_space<vmem>>
    %dma_start3A_267 = tpu.memref_slice %arg3[%mul3A_264] : memref<5242880xf32, #tpu.memory_space<hbm>> -> memref<10240xf32, #tpu.memory_space<hbm>>
    %dma_start3A_268 = arith.constant 0 : i32
    %dma_start3A_269 = tpu.memref_slice %arg9[%dma_start3A_268] : memref<20480xf32, #tpu.memory_space<vmem>> -> memref<10240xf32, #tpu.memory_space<vmem>>
    %dma_start3A_270 = tpu.memref_slice %arg3[%mul3A_264] : memref<5242880xf32, #tpu.memory_space<hbm>> -> memref<10240xf32, #tpu.memory_space<hbm>>
    tpu.enqueue_dma source(%dma_start3A_270 : memref<10240xf32, #tpu.memory_space<hbm>>) target(%dma_start3A_269 : memref<10240xf32, #tpu.memory_space<vmem>>) target_semaphore(%arg15 : memref<!tpu.dma_semaphore, #tpu.memory_space<semaphore_mem>>)
    %add3A_271 = arith.constant 64 : i32
    %add3A_272 = arith.addi %add3A_271, %mul3A_2 : i32
    %add3A_273 = arith.constant 1 : i32
    %add3A_274 = arith.addi %add3A_272, %add3A_273 : i32
    %mul3A_275 = arith.constant 10240 : i32
    %mul3A_276 = arith.muli %add3A_274, %mul3A_275 : i32
    %dma_start3A_277 = arith.constant 10240 : i32
    %dma_start3A_278 = tpu.memref_slice %arg9[%dma_start3A_277] : memref<20480xf32, #tpu.memory_space<vmem>> -> memref<10240xf32, #tpu.memory_space<vmem>>
    %dma_start3A_279 = tpu.memref_slice %arg3[%mul3A_276] : memref<5242880xf32, #tpu.memory_space<hbm>> -> memref<10240xf32, #tpu.memory_space<hbm>>
    %dma_start3A_280 = arith.constant 10240 : i32
    %dma_start3A_281 = tpu.memref_slice %arg9[%dma_start3A_280] : memref<20480xf32, #tpu.memory_space<vmem>> -> memref<10240xf32, #tpu.memory_space<vmem>>
    %dma_start3A_282 = tpu.memref_slice %arg3[%mul3A_276] : memref<5242880xf32, #tpu.memory_space<hbm>> -> memref<10240xf32, #tpu.memory_space<hbm>>
    tpu.enqueue_dma source(%dma_start3A_282 : memref<10240xf32, #tpu.memory_space<hbm>>) target(%dma_start3A_281 : memref<10240xf32, #tpu.memory_space<vmem>>) target_semaphore(%arg15 : memref<!tpu.dma_semaphore, #tpu.memory_space<semaphore_mem>>)
    %scan3A_283 = arith.constant 0 : i32
    %scan3A_284 = arith.constant 0 : i32
    %scan3A_285 = arith.constant 10 : i32
    %scan3A_286 = arith.addi %scan3A_284, %scan3A_285 : i32
    %scan3A_287 = arith.constant 1 : i32
    %scan3A_288 = scf.for %scan3A_367 = %scan3A_284 to %scan3A_286 step %scan3A_287 iter_args(%scan3A_368 = %scan3A_283) -> (i32)  : i32 {
      %dma_wait3A_369 = arith.constant 0 : i32
      %dma_wait3A_370 = tpu.memref_slice %arg2[%dma_wait3A_369] : memref<320000xi32, #tpu.memory_space<hbm>> -> memref<16000xi32, #tpu.memory_space<hbm>>
      %dma_wait3A_371 = arith.constant 0 : i32
      %dma_wait3A_372 = tpu.memref_slice %arg2[%dma_wait3A_371] : memref<320000xi32, #tpu.memory_space<hbm>> -> memref<16000xi32, #tpu.memory_space<hbm>>
      tpu.wait_dma2 semaphore(%arg13 : memref<!tpu.dma_semaphore, #tpu.memory_space<semaphore_mem>>) src(%dma_wait3A_372 : memref<16000xi32, #tpu.memory_space<hbm>>) dst(%arg11 : memref<16000xi32, #tpu.memory_space<vmem>>)
      %mul3A_373 = arith.constant 2 : i32
      %mul3A_374 = arith.muli %mul3A_373, %scan3A_367 : i32
      %add3A_375 = arith.constant 1 : i32
      %add3A_376 = arith.addi %mul3A_374, %add3A_375 : i32
      %mul3A_377 = arith.constant 16000 : i32
      %mul3A_378 = arith.muli %add3A_376, %mul3A_377 : i32
      %dma_start3A_379 = tpu.memref_slice %arg2[%mul3A_378] : memref<320000xi32, #tpu.memory_space<hbm>> -> memref<16000xi32, #tpu.memory_space<hbm>>
      %dma_start3A_380 = tpu.memref_slice %arg2[%mul3A_378] : memref<320000xi32, #tpu.memory_space<hbm>> -> memref<16000xi32, #tpu.memory_space<hbm>>
      tpu.enqueue_dma source(%dma_start3A_380 : memref<16000xi32, #tpu.memory_space<hbm>>) target(%arg12 : memref<16000xi32, #tpu.memory_space<vmem>>) target_semaphore(%arg14 : memref<!tpu.dma_semaphore, #tpu.memory_space<semaphore_mem>>)
      %parallel_loop3A_381 = arith.constant 0 : i32
      %parallel_loop3A_382 = arith.constant 16000 : i32
      %parallel_loop3A_383 = arith.constant 16 : i32
      scf.for %parallel_loop3A_401 = %parallel_loop3A_381 to %parallel_loop3A_382 step %parallel_loop3A_383  : i32 {
        %parallel_loop3A_402 = arith.index_cast %parallel_loop3A_401 : i32 to index
        %parallel_loop3A_403 = tpu.vector_load %arg11[%parallel_loop3A_402] {strides = array<i32>} : memref<16000xi32, #tpu.memory_space<vmem>>, vector<16xi32>,
        %parallel_loop3A_404 = arith.constant 14 : i32
        %parallel_loop3A_405 = vector.broadcast %parallel_loop3A_404 : i32 to vector<16xi32>
        %parallel_loop3A_406 = arith.shrui %parallel_loop3A_403, %parallel_loop3A_405 : vector<16xi32>
        %parallel_loop3A_407 = arith.andi %parallel_loop3A_403, %broadcast_in_dim3A_7 : vector<16xi32>
        %parallel_loop3A_408 = tpu.vector_load_idx %arg7[%parallel_loop3A_406] : memref<20480xf32, #tpu.memory_space<vmem>>[vector<16xi32>], vector<16xf32>,
        tpu.vector_store_idx %arg8[%parallel_loop3A_407], %parallel_loop3A_408 {add = true} : memref<20480xf32, #tpu.memory_space<vmem>>[vector<16xi32>], vector<16xf32>,
        %parallel_loop3A_409 = arith.addi %parallel_loop3A_406, %broadcast_in_dim3A_5 : vector<16xi32>
        %parallel_loop3A_410 = tpu.vector_load_idx %arg7[%parallel_loop3A_409] : memref<20480xf32, #tpu.memory_space<vmem>>[vector<16xi32>], vector<16xf32>,
        %parallel_loop3A_411 = arith.addi %parallel_loop3A_407, %broadcast_in_dim3A_5 : vector<16xi32>
        tpu.vector_store_idx %arg8[%parallel_loop3A_411], %parallel_loop3A_410 {add = true} : memref<20480xf32, #tpu.memory_space<vmem>>[vector<16xi32>], vector<16xf32>,
      } {sc.loop_unroll_factor = 8 : i64, sc.parallel_access}
      %dma_wait3A_384 = arith.constant 0 : i32
      %dma_wait3A_385 = tpu.memref_slice %arg2[%dma_wait3A_384] : memref<320000xi32, #tpu.memory_space<hbm>> -> memref<16000xi32, #tpu.memory_space<hbm>>
      %dma_wait3A_386 = arith.constant 0 : i32
      %dma_wait3A_387 = tpu.memref_slice %arg2[%dma_wait3A_386] : memref<320000xi32, #tpu.memory_space<hbm>> -> memref<16000xi32, #tpu.memory_space<hbm>>
      tpu.wait_dma2 semaphore(%arg14 : memref<!tpu.dma_semaphore, #tpu.memory_space<semaphore_mem>>) src(%dma_wait3A_387 : memref<16000xi32, #tpu.memory_space<hbm>>) dst(%arg12 : memref<16000xi32, #tpu.memory_space<vmem>>)
      %mul3A_388 = arith.constant 2 : i32
      %mul3A_389 = arith.muli %mul3A_388, %scan3A_367 : i32
      %add3A_390 = arith.constant 2 : i32
      %add3A_391 = arith.addi %mul3A_389, %add3A_390 : i32
      %rem3A = arith.constant 20 : i32
      %rem3A_392 = arith.remsi %add3A_391, %rem3A : i32
      %mul3A_393 = arith.constant 16000 : i32
      %mul3A_394 = arith.muli %rem3A_392, %mul3A_393 : i32
      %dma_start3A_395 = tpu.memref_slice %arg2[%mul3A_394] : memref<320000xi32, #tpu.memory_space<hbm>> -> memref<16000xi32, #tpu.memory_space<hbm>>
      %dma_start3A_396 = tpu.memref_slice %arg2[%mul3A_394] : memref<320000xi32, #tpu.memory_space<hbm>> -> memref<16000xi32, #tpu.memory_space<hbm>>
      tpu.enqueue_dma source(%dma_start3A_396 : memref<16000xi32, #tpu.memory_space<hbm>>) target(%arg11 : memref<16000xi32, #tpu.memory_space<vmem>>) target_semaphore(%arg13 : memref<!tpu.dma_semaphore, #tpu.memory_space<semaphore_mem>>)
      %parallel_loop3A_397 = arith.constant 0 : i32
      %parallel_loop3A_398 = arith.constant 16000 : i32
      %parallel_loop3A_399 = arith.constant 16 : i32
      scf.for %parallel_loop3A_401 = %parallel_loop3A_397 to %parallel_loop3A_398 step %parallel_loop3A_399  : i32 {
        %parallel_loop3A_402 = arith.index_cast %parallel_loop3A_401 : i32 to index
        %parallel_loop3A_403 = tpu.vector_load %arg12[%parallel_loop3A_402] {strides = array<i32>} : memref<16000xi32, #tpu.memory_space<vmem>>, vector<16xi32>,
        %parallel_loop3A_404 = arith.constant 14 : i32
        %parallel_loop3A_405 = vector.broadcast %parallel_loop3A_404 : i32 to vector<16xi32>
        %parallel_loop3A_406 = arith.shrui %parallel_loop3A_403, %parallel_loop3A_405 : vector<16xi32>
        %parallel_loop3A_407 = arith.andi %parallel_loop3A_403, %broadcast_in_dim3A_7 : vector<16xi32>
        %parallel_loop3A_408 = tpu.vector_load_idx %arg7[%parallel_loop3A_406] : memref<20480xf32, #tpu.memory_space<vmem>>[vector<16xi32>], vector<16xf32>,
        tpu.vector_store_idx %arg8[%parallel_loop3A_407], %parallel_loop3A_408 {add = true} : memref<20480xf32, #tpu.memory_space<vmem>>[vector<16xi32>], vector<16xf32>,
        %parallel_loop3A_409 = arith.addi %parallel_loop3A_406, %broadcast_in_dim3A_5 : vector<16xi32>
        %parallel_loop3A_410 = tpu.vector_load_idx %arg7[%parallel_loop3A_409] : memref<20480xf32, #tpu.memory_space<vmem>>[vector<16xi32>], vector<16xf32>,
        %parallel_loop3A_411 = arith.addi %parallel_loop3A_407, %broadcast_in_dim3A_5 : vector<16xi32>
        tpu.vector_store_idx %arg8[%parallel_loop3A_411], %parallel_loop3A_410 {add = true} : memref<20480xf32, #tpu.memory_space<vmem>>[vector<16xi32>], vector<16xf32>,
      } {sc.loop_unroll_factor = 8 : i64, sc.parallel_access}
      %scan3A_400 = arith.constant 0 : i32
      scf.yield %scan3A_400 : i32
    }
    %scan3A_289 = arith.constant 10 : i32
    %dma_wait3A_290 = arith.constant 0 : i32
    %dma_wait3A_291 = tpu.memref_slice %arg9[%dma_wait3A_290] : memref<20480xf32, #tpu.memory_space<vmem>> -> memref<10240xf32, #tpu.memory_space<vmem>>
    %dma_wait3A_292 = arith.constant 0 : i32
    %dma_wait3A_293 = tpu.memref_slice %arg3[%dma_wait3A_292] : memref<5242880xf32, #tpu.memory_space<hbm>> -> memref<10240xf32, #tpu.memory_space<hbm>>
    %dma_wait3A_294 = arith.constant 0 : i32
    %dma_wait3A_295 = tpu.memref_slice %arg9[%dma_wait3A_294] : memref<20480xf32, #tpu.memory_space<vmem>> -> memref<10240xf32, #tpu.memory_space<vmem>>
    %dma_wait3A_296 = arith.constant 0 : i32
    %dma_wait3A_297 = tpu.memref_slice %arg3[%dma_wait3A_296] : memref<5242880xf32, #tpu.memory_space<hbm>> -> memref<10240xf32, #tpu.memory_space<hbm>>
    tpu.wait_dma2 semaphore(%arg15 : memref<!tpu.dma_semaphore, #tpu.memory_space<semaphore_mem>>) src(%dma_wait3A_297 : memref<10240xf32, #tpu.memory_space<hbm>>) dst(%dma_wait3A_295 : memref<10240xf32, #tpu.memory_space<vmem>>)
    %dma_wait3A_298 = arith.constant 10240 : i32
    %dma_wait3A_299 = tpu.memref_slice %arg9[%dma_wait3A_298] : memref<20480xf32, #tpu.memory_space<vmem>> -> memref<10240xf32, #tpu.memory_space<vmem>>
    %dma_wait3A_300 = arith.constant 0 : i32
    %dma_wait3A_301 = tpu.memref_slice %arg3[%dma_wait3A_300] : memref<5242880xf32, #tpu.memory_space<hbm>> -> memref<10240xf32, #tpu.memory_space<hbm>>
    %dma_wait3A_302 = arith.constant 10240 : i32
    %dma_wait3A_303 = tpu.memref_slice %arg9[%dma_wait3A_302] : memref<20480xf32, #tpu.memory_space<vmem>> -> memref<10240xf32, #tpu.memory_space<vmem>>
    %dma_wait3A_304 = arith.constant 0 : i32
    %dma_wait3A_305 = tpu.memref_slice %arg3[%dma_wait3A_304] : memref<5242880xf32, #tpu.memory_space<hbm>> -> memref<10240xf32, #tpu.memory_space<hbm>>
    tpu.wait_dma2 semaphore(%arg15 : memref<!tpu.dma_semaphore, #tpu.memory_space<semaphore_mem>>) src(%dma_wait3A_305 : memref<10240xf32, #tpu.memory_space<hbm>>) dst(%dma_wait3A_303 : memref<10240xf32, #tpu.memory_space<vmem>>)
    %parallel_loop3A_306 = arith.constant 0 : i32
    %parallel_loop3A_307 = arith.constant 10240 : i32
    %parallel_loop3A_308 = arith.constant 16 : i32
    scf.for %parallel_loop3A_367 = %parallel_loop3A_306 to %parallel_loop3A_307 step %parallel_loop3A_308  : i32 {
      %parallel_loop3A_368 = arith.index_cast %parallel_loop3A_367 : i32 to index
      %parallel_loop3A_369 = tpu.vector_load %arg10[%parallel_loop3A_368] {strides = array<i32>} : memref<10240xf32, #tpu.memory_space<vmem>>, vector<16xf32>,
      %parallel_loop3A_370 = arith.index_cast %parallel_loop3A_367 : i32 to index
      %parallel_loop3A_371 = tpu.vector_load %arg9[%parallel_loop3A_370] {strides = array<i32>} : memref<20480xf32, #tpu.memory_space<vmem>>, vector<16xf32>,
      %parallel_loop3A_372 = arith.constant 2.000000e+00 : f32
      %parallel_loop3A_373 = vector.broadcast %parallel_loop3A_372 : f32 to vector<16xf32>
      %parallel_loop3A_374 = arith.mulf %parallel_loop3A_373, %parallel_loop3A_369 : vector<16xf32>
      %parallel_loop3A_375 = arith.index_cast %parallel_loop3A_367 : i32 to index
      %parallel_loop3A_376 = tpu.vector_load %arg8[%parallel_loop3A_375] {strides = array<i32>} : memref<20480xf32, #tpu.memory_space<vmem>>, vector<16xf32>,
      %parallel_loop3A_377 = arith.mulf %parallel_loop3A_374, %parallel_loop3A_376 : vector<16xf32>
      %parallel_loop3A_378 = arith.subf %parallel_loop3A_371, %parallel_loop3A_377 : vector<16xf32>
      %parallel_loop3A_379 = arith.index_cast %parallel_loop3A_367 : i32 to index
      %parallel_loop3A_380 = tpu.vector_load %arg6[%parallel_loop3A_379] {strides = array<i32>} : memref<20480xf32, #tpu.memory_space<vmem>>, vector<16xf32>,
      %parallel_loop3A_381 = arith.subf %parallel_loop3A_378, %parallel_loop3A_380 : vector<16xf32>
      %parallel_loop3A_382 = arith.index_cast %parallel_loop3A_367 : i32 to index
      %parallel_loop3A_383 = tpu.vector_load %arg6[%parallel_loop3A_382] {strides = array<i32>} : memref<20480xf32, #tpu.memory_space<vmem>>, vector<16xf32>,
      tpu.vector_store %arg6[%parallel_loop3A_382], %parallel_loop3A_381 {strides = array<i32>} : memref<20480xf32, #tpu.memory_space<vmem>>, vector<16xf32>,
      %parallel_loop3A_384 = arith.index_cast %parallel_loop3A_367 : i32 to index
      %parallel_loop3A_385 = tpu.vector_load %arg8[%parallel_loop3A_384] {strides = array<i32>} : memref<20480xf32, #tpu.memory_space<vmem>>, vector<16xf32>,
      tpu.vector_store %arg8[%parallel_loop3A_384], %broadcast_in_dim3A_3 {strides = array<i32>} : memref<20480xf32, #tpu.memory_space<vmem>>, vector<16xf32>,
      %parallel_loop3A_386 = arith.constant 10240 : i32
      %parallel_loop3A_387 = arith.addi %parallel_loop3A_386, %parallel_loop3A_367 : i32
      %parallel_loop3A_388 = arith.index_cast %parallel_loop3A_387 : i32 to index
      %parallel_loop3A_389 = tpu.vector_load %arg9[%parallel_loop3A_388] {strides = array<i32>} : memref<20480xf32, #tpu.memory_space<vmem>>, vector<16xf32>,
      %parallel_loop3A_390 = arith.constant 2.000000e+00 : f32
      %parallel_loop3A_391 = vector.broadcast %parallel_loop3A_390 : f32 to vector<16xf32>
      %parallel_loop3A_392 = arith.mulf %parallel_loop3A_391, %parallel_loop3A_369 : vector<16xf32>
      %parallel_loop3A_393 = arith.index_cast %parallel_loop3A_387 : i32 to index
      %parallel_loop3A_394 = tpu.vector_load %arg8[%parallel_loop3A_393] {strides = array<i32>} : memref<20480xf32, #tpu.memory_space<vmem>>, vector<16xf32>,
      %parallel_loop3A_395 = arith.mulf %parallel_loop3A_392, %parallel_loop3A_394 : vector<16xf32>
      %parallel_loop3A_396 = arith.subf %parallel_loop3A_389, %parallel_loop3A_395 : vector<16xf32>
      %parallel_loop3A_397 = arith.index_cast %parallel_loop3A_387 : i32 to index
      %parallel_loop3A_398 = tpu.vector_load %arg6[%parallel_loop3A_397] {strides = array<i32>} : memref<20480xf32, #tpu.memory_space<vmem>>, vector<16xf32>,
      %parallel_loop3A_399 = arith.subf %parallel_loop3A_396, %parallel_loop3A_398 : vector<16xf32>
      %parallel_loop3A_400 = arith.index_cast %parallel_loop3A_387 : i32 to index
      %parallel_loop3A_401 = tpu.vector_load %arg6[%parallel_loop3A_400] {strides = array<i32>} : memref<20480xf32, #tpu.memory_space<vmem>>, vector<16xf32>,
      tpu.vector_store %arg6[%parallel_loop3A_400], %parallel_loop3A_399 {strides = array<i32>} : memref<20480xf32, #tpu.memory_space<vmem>>, vector<16xf32>,
      %parallel_loop3A_402 = arith.index_cast %parallel_loop3A_387 : i32 to index
      %parallel_loop3A_403 = tpu.vector_load %arg8[%parallel_loop3A_402] {strides = array<i32>} : memref<20480xf32, #tpu.memory_space<vmem>>, vector<16xf32>,
      tpu.vector_store %arg8[%parallel_loop3A_402], %broadcast_in_dim3A_3 {strides = array<i32>} : memref<20480xf32, #tpu.memory_space<vmem>>, vector<16xf32>,
    } {sc.loop_unroll_factor = 4 : i64, sc.parallel_access}
    %add3A_309 = arith.constant 0 : i32
    %add3A_310 = arith.addi %add3A_309, %mul3A_2 : i32
    %mul3A_311 = arith.constant 10240 : i32
    %mul3A_312 = arith.muli %add3A_310, %mul3A_311 : i32
    %dma_start3A_313 = arith.constant 0 : i32
    %dma_start3A_314 = tpu.memref_slice %arg9[%dma_start3A_313] : memref<20480xf32, #tpu.memory_space<vmem>> -> memref<10240xf32, #tpu.memory_space<vmem>>
    %dma_start3A_315 = tpu.memref_slice %arg3[%mul3A_312] : memref<5242880xf32, #tpu.memory_space<hbm>> -> memref<10240xf32, #tpu.memory_space<hbm>>
    %dma_start3A_316 = arith.constant 0 : i32
    %dma_start3A_317 = tpu.memref_slice %arg9[%dma_start3A_316] : memref<20480xf32, #tpu.memory_space<vmem>> -> memref<10240xf32, #tpu.memory_space<vmem>>
    %dma_start3A_318 = tpu.memref_slice %arg3[%mul3A_312] : memref<5242880xf32, #tpu.memory_space<hbm>> -> memref<10240xf32, #tpu.memory_space<hbm>>
    tpu.enqueue_dma source(%dma_start3A_318 : memref<10240xf32, #tpu.memory_space<hbm>>) target(%dma_start3A_317 : memref<10240xf32, #tpu.memory_space<vmem>>) target_semaphore(%arg15 : memref<!tpu.dma_semaphore, #tpu.memory_space<semaphore_mem>>)
    %add3A_319 = arith.constant 0 : i32
    %add3A_320 = arith.addi %add3A_319, %mul3A_2 : i32
    %add3A_321 = arith.constant 1 : i32
    %add3A_322 = arith.addi %add3A_320, %add3A_321 : i32
    %mul3A_323 = arith.constant 10240 : i32
    %mul3A_324 = arith.muli %add3A_322, %mul3A_323 : i32
    %dma_start3A_325 = arith.constant 10240 : i32
    %dma_start3A_326 = tpu.memref_slice %arg9[%dma_start3A_325] : memref<20480xf32, #tpu.memory_space<vmem>> -> memref<10240xf32, #tpu.memory_space<vmem>>
    %dma_start3A_327 = tpu.memref_slice %arg3[%mul3A_324] : memref<5242880xf32, #tpu.memory_space<hbm>> -> memref<10240xf32, #tpu.memory_space<hbm>>
    %dma_start3A_328 = arith.constant 10240 : i32
    %dma_start3A_329 = tpu.memref_slice %arg9[%dma_start3A_328] : memref<20480xf32, #tpu.memory_space<vmem>> -> memref<10240xf32, #tpu.memory_space<vmem>>
    %dma_start3A_330 = tpu.memref_slice %arg3[%mul3A_324] : memref<5242880xf32, #tpu.memory_space<hbm>> -> memref<10240xf32, #tpu.memory_space<hbm>>
    tpu.enqueue_dma source(%dma_start3A_330 : memref<10240xf32, #tpu.memory_space<hbm>>) target(%dma_start3A_329 : memref<10240xf32, #tpu.memory_space<vmem>>) target_semaphore(%arg15 : memref<!tpu.dma_semaphore, #tpu.memory_space<semaphore_mem>>)
    %scan3A_331 = arith.constant 0 : i32
    %scan3A_332 = arith.constant 0 : i32
    %scan3A_333 = arith.constant 10 : i32
    %scan3A_334 = arith.addi %scan3A_332, %scan3A_333 : i32
    %scan3A_335 = arith.constant 1 : i32
    %scan3A_336 = scf.for %scan3A_367 = %scan3A_332 to %scan3A_334 step %scan3A_335 iter_args(%scan3A_368 = %scan3A_331) -> (i32)  : i32 {
      %dma_wait3A_369 = arith.constant 0 : i32
      %dma_wait3A_370 = tpu.memref_slice %arg2[%dma_wait3A_369] : memref<320000xi32, #tpu.memory_space<hbm>> -> memref<16000xi32, #tpu.memory_space<hbm>>
      %dma_wait3A_371 = arith.constant 0 : i32
      %dma_wait3A_372 = tpu.memref_slice %arg2[%dma_wait3A_371] : memref<320000xi32, #tpu.memory_space<hbm>> -> memref<16000xi32, #tpu.memory_space<hbm>>
      tpu.wait_dma2 semaphore(%arg13 : memref<!tpu.dma_semaphore, #tpu.memory_space<semaphore_mem>>) src(%dma_wait3A_372 : memref<16000xi32, #tpu.memory_space<hbm>>) dst(%arg11 : memref<16000xi32, #tpu.memory_space<vmem>>)
      %mul3A_373 = arith.constant 2 : i32
      %mul3A_374 = arith.muli %mul3A_373, %scan3A_367 : i32
      %add3A_375 = arith.constant 1 : i32
      %add3A_376 = arith.addi %mul3A_374, %add3A_375 : i32
      %mul3A_377 = arith.constant 16000 : i32
      %mul3A_378 = arith.muli %add3A_376, %mul3A_377 : i32
      %dma_start3A_379 = tpu.memref_slice %arg2[%mul3A_378] : memref<320000xi32, #tpu.memory_space<hbm>> -> memref<16000xi32, #tpu.memory_space<hbm>>
      %dma_start3A_380 = tpu.memref_slice %arg2[%mul3A_378] : memref<320000xi32, #tpu.memory_space<hbm>> -> memref<16000xi32, #tpu.memory_space<hbm>>
      tpu.enqueue_dma source(%dma_start3A_380 : memref<16000xi32, #tpu.memory_space<hbm>>) target(%arg12 : memref<16000xi32, #tpu.memory_space<vmem>>) target_semaphore(%arg14 : memref<!tpu.dma_semaphore, #tpu.memory_space<semaphore_mem>>)
      %parallel_loop3A_381 = arith.constant 0 : i32
      %parallel_loop3A_382 = arith.constant 16000 : i32
      %parallel_loop3A_383 = arith.constant 16 : i32
      scf.for %parallel_loop3A_401 = %parallel_loop3A_381 to %parallel_loop3A_382 step %parallel_loop3A_383  : i32 {
        %parallel_loop3A_402 = arith.index_cast %parallel_loop3A_401 : i32 to index
        %parallel_loop3A_403 = tpu.vector_load %arg11[%parallel_loop3A_402] {strides = array<i32>} : memref<16000xi32, #tpu.memory_space<vmem>>, vector<16xi32>,
        %parallel_loop3A_404 = arith.constant 14 : i32
        %parallel_loop3A_405 = vector.broadcast %parallel_loop3A_404 : i32 to vector<16xi32>
        %parallel_loop3A_406 = arith.shrui %parallel_loop3A_403, %parallel_loop3A_405 : vector<16xi32>
        %parallel_loop3A_407 = arith.andi %parallel_loop3A_403, %broadcast_in_dim3A_7 : vector<16xi32>
        %parallel_loop3A_408 = tpu.vector_load_idx %arg6[%parallel_loop3A_406] : memref<20480xf32, #tpu.memory_space<vmem>>[vector<16xi32>], vector<16xf32>,
        tpu.vector_store_idx %arg8[%parallel_loop3A_407], %parallel_loop3A_408 {add = true} : memref<20480xf32, #tpu.memory_space<vmem>>[vector<16xi32>], vector<16xf32>,
        %parallel_loop3A_409 = arith.addi %parallel_loop3A_406, %broadcast_in_dim3A_5 : vector<16xi32>
        %parallel_loop3A_410 = tpu.vector_load_idx %arg6[%parallel_loop3A_409] : memref<20480xf32, #tpu.memory_space<vmem>>[vector<16xi32>], vector<16xf32>,
        %parallel_loop3A_411 = arith.addi %parallel_loop3A_407, %broadcast_in_dim3A_5 : vector<16xi32>
        tpu.vector_store_idx %arg8[%parallel_loop3A_411], %parallel_loop3A_410 {add = true} : memref<20480xf32, #tpu.memory_space<vmem>>[vector<16xi32>], vector<16xf32>,
      } {sc.loop_unroll_factor = 8 : i64, sc.parallel_access}
      %dma_wait3A_384 = arith.constant 0 : i32
      %dma_wait3A_385 = tpu.memref_slice %arg2[%dma_wait3A_384] : memref<320000xi32, #tpu.memory_space<hbm>> -> memref<16000xi32, #tpu.memory_space<hbm>>
      %dma_wait3A_386 = arith.constant 0 : i32
      %dma_wait3A_387 = tpu.memref_slice %arg2[%dma_wait3A_386] : memref<320000xi32, #tpu.memory_space<hbm>> -> memref<16000xi32, #tpu.memory_space<hbm>>
      tpu.wait_dma2 semaphore(%arg14 : memref<!tpu.dma_semaphore, #tpu.memory_space<semaphore_mem>>) src(%dma_wait3A_387 : memref<16000xi32, #tpu.memory_space<hbm>>) dst(%arg12 : memref<16000xi32, #tpu.memory_space<vmem>>)
      %mul3A_388 = arith.constant 2 : i32
      %mul3A_389 = arith.muli %mul3A_388, %scan3A_367 : i32
      %add3A_390 = arith.constant 2 : i32
      %add3A_391 = arith.addi %mul3A_389, %add3A_390 : i32
      %rem3A = arith.constant 20 : i32
      %rem3A_392 = arith.remsi %add3A_391, %rem3A : i32
      %mul3A_393 = arith.constant 16000 : i32
      %mul3A_394 = arith.muli %rem3A_392, %mul3A_393 : i32
      %dma_start3A_395 = tpu.memref_slice %arg2[%mul3A_394] : memref<320000xi32, #tpu.memory_space<hbm>> -> memref<16000xi32, #tpu.memory_space<hbm>>
      %dma_start3A_396 = tpu.memref_slice %arg2[%mul3A_394] : memref<320000xi32, #tpu.memory_space<hbm>> -> memref<16000xi32, #tpu.memory_space<hbm>>
      tpu.enqueue_dma source(%dma_start3A_396 : memref<16000xi32, #tpu.memory_space<hbm>>) target(%arg11 : memref<16000xi32, #tpu.memory_space<vmem>>) target_semaphore(%arg13 : memref<!tpu.dma_semaphore, #tpu.memory_space<semaphore_mem>>)
      %parallel_loop3A_397 = arith.constant 0 : i32
      %parallel_loop3A_398 = arith.constant 16000 : i32
      %parallel_loop3A_399 = arith.constant 16 : i32
      scf.for %parallel_loop3A_401 = %parallel_loop3A_397 to %parallel_loop3A_398 step %parallel_loop3A_399  : i32 {
        %parallel_loop3A_402 = arith.index_cast %parallel_loop3A_401 : i32 to index
        %parallel_loop3A_403 = tpu.vector_load %arg12[%parallel_loop3A_402] {strides = array<i32>} : memref<16000xi32, #tpu.memory_space<vmem>>, vector<16xi32>,
        %parallel_loop3A_404 = arith.constant 14 : i32
        %parallel_loop3A_405 = vector.broadcast %parallel_loop3A_404 : i32 to vector<16xi32>
        %parallel_loop3A_406 = arith.shrui %parallel_loop3A_403, %parallel_loop3A_405 : vector<16xi32>
        %parallel_loop3A_407 = arith.andi %parallel_loop3A_403, %broadcast_in_dim3A_7 : vector<16xi32>
        %parallel_loop3A_408 = tpu.vector_load_idx %arg6[%parallel_loop3A_406] : memref<20480xf32, #tpu.memory_space<vmem>>[vector<16xi32>], vector<16xf32>,
        tpu.vector_store_idx %arg8[%parallel_loop3A_407], %parallel_loop3A_408 {add = true} : memref<20480xf32, #tpu.memory_space<vmem>>[vector<16xi32>], vector<16xf32>,
        %parallel_loop3A_409 = arith.addi %parallel_loop3A_406, %broadcast_in_dim3A_5 : vector<16xi32>
        %parallel_loop3A_410 = tpu.vector_load_idx %arg6[%parallel_loop3A_409] : memref<20480xf32, #tpu.memory_space<vmem>>[vector<16xi32>], vector<16xf32>,
        %parallel_loop3A_411 = arith.addi %parallel_loop3A_407, %broadcast_in_dim3A_5 : vector<16xi32>
        tpu.vector_store_idx %arg8[%parallel_loop3A_411], %parallel_loop3A_410 {add = true} : memref<20480xf32, #tpu.memory_space<vmem>>[vector<16xi32>], vector<16xf32>,
      } {sc.loop_unroll_factor = 8 : i64, sc.parallel_access}
      %scan3A_400 = arith.constant 0 : i32
      scf.yield %scan3A_400 : i32
    }
    %scan3A_337 = arith.constant 10 : i32
    %dma_wait3A_338 = arith.constant 0 : i32
    %dma_wait3A_339 = tpu.memref_slice %arg9[%dma_wait3A_338] : memref<20480xf32, #tpu.memory_space<vmem>> -> memref<10240xf32, #tpu.memory_space<vmem>>
    %dma_wait3A_340 = arith.constant 0 : i32
    %dma_wait3A_341 = tpu.memref_slice %arg3[%dma_wait3A_340] : memref<5242880xf32, #tpu.memory_space<hbm>> -> memref<10240xf32, #tpu.memory_space<hbm>>
    %dma_wait3A_342 = arith.constant 0 : i32
    %dma_wait3A_343 = tpu.memref_slice %arg9[%dma_wait3A_342] : memref<20480xf32, #tpu.memory_space<vmem>> -> memref<10240xf32, #tpu.memory_space<vmem>>
    %dma_wait3A_344 = arith.constant 0 : i32
    %dma_wait3A_345 = tpu.memref_slice %arg3[%dma_wait3A_344] : memref<5242880xf32, #tpu.memory_space<hbm>> -> memref<10240xf32, #tpu.memory_space<hbm>>
    tpu.wait_dma2 semaphore(%arg15 : memref<!tpu.dma_semaphore, #tpu.memory_space<semaphore_mem>>) src(%dma_wait3A_345 : memref<10240xf32, #tpu.memory_space<hbm>>) dst(%dma_wait3A_343 : memref<10240xf32, #tpu.memory_space<vmem>>)
    %dma_wait3A_346 = arith.constant 10240 : i32
    %dma_wait3A_347 = tpu.memref_slice %arg9[%dma_wait3A_346] : memref<20480xf32, #tpu.memory_space<vmem>> -> memref<10240xf32, #tpu.memory_space<vmem>>
    %dma_wait3A_348 = arith.constant 0 : i32
    %dma_wait3A_349 = tpu.memref_slice %arg3[%dma_wait3A_348] : memref<5242880xf32, #tpu.memory_space<hbm>> -> memref<10240xf32, #tpu.memory_space<hbm>>
    %dma_wait3A_350 = arith.constant 10240 : i32
    %dma_wait3A_351 = tpu.memref_slice %arg9[%dma_wait3A_350] : memref<20480xf32, #tpu.memory_space<vmem>> -> memref<10240xf32, #tpu.memory_space<vmem>>
    %dma_wait3A_352 = arith.constant 0 : i32
    %dma_wait3A_353 = tpu.memref_slice %arg3[%dma_wait3A_352] : memref<5242880xf32, #tpu.memory_space<hbm>> -> memref<10240xf32, #tpu.memory_space<hbm>>
    tpu.wait_dma2 semaphore(%arg15 : memref<!tpu.dma_semaphore, #tpu.memory_space<semaphore_mem>>) src(%dma_wait3A_353 : memref<10240xf32, #tpu.memory_space<hbm>>) dst(%dma_wait3A_351 : memref<10240xf32, #tpu.memory_space<vmem>>)
    %parallel_loop3A_354 = arith.constant 0 : i32
    %parallel_loop3A_355 = arith.constant 10240 : i32
    %parallel_loop3A_356 = arith.constant 16 : i32
    scf.for %parallel_loop3A_367 = %parallel_loop3A_354 to %parallel_loop3A_355 step %parallel_loop3A_356  : i32 {
      %parallel_loop3A_368 = arith.index_cast %parallel_loop3A_367 : i32 to index
      %parallel_loop3A_369 = tpu.vector_load %arg10[%parallel_loop3A_368] {strides = array<i32>} : memref<10240xf32, #tpu.memory_space<vmem>>, vector<16xf32>,
      %parallel_loop3A_370 = arith.index_cast %parallel_loop3A_367 : i32 to index
      %parallel_loop3A_371 = tpu.vector_load %arg9[%parallel_loop3A_370] {strides = array<i32>} : memref<20480xf32, #tpu.memory_space<vmem>>, vector<16xf32>,
      %parallel_loop3A_372 = arith.constant 1.000000e+00 : f32
      %parallel_loop3A_373 = vector.broadcast %parallel_loop3A_372 : f32 to vector<16xf32>
      %parallel_loop3A_374 = arith.mulf %parallel_loop3A_373, %parallel_loop3A_369 : vector<16xf32>
      %parallel_loop3A_375 = arith.index_cast %parallel_loop3A_367 : i32 to index
      %parallel_loop3A_376 = tpu.vector_load %arg8[%parallel_loop3A_375] {strides = array<i32>} : memref<20480xf32, #tpu.memory_space<vmem>>, vector<16xf32>,
      %parallel_loop3A_377 = arith.mulf %parallel_loop3A_374, %parallel_loop3A_376 : vector<16xf32>
      %parallel_loop3A_378 = arith.subf %parallel_loop3A_371, %parallel_loop3A_377 : vector<16xf32>
      %parallel_loop3A_379 = arith.index_cast %parallel_loop3A_367 : i32 to index
      %parallel_loop3A_380 = tpu.vector_load %arg7[%parallel_loop3A_379] {strides = array<i32>} : memref<20480xf32, #tpu.memory_space<vmem>>, vector<16xf32>,
      %parallel_loop3A_381 = arith.subf %parallel_loop3A_378, %parallel_loop3A_380 : vector<16xf32>
      %parallel_loop3A_382 = arith.index_cast %parallel_loop3A_367 : i32 to index
      %parallel_loop3A_383 = tpu.vector_load %arg7[%parallel_loop3A_382] {strides = array<i32>} : memref<20480xf32, #tpu.memory_space<vmem>>, vector<16xf32>,
      tpu.vector_store %arg7[%parallel_loop3A_382], %parallel_loop3A_381 {strides = array<i32>} : memref<20480xf32, #tpu.memory_space<vmem>>, vector<16xf32>,
      %parallel_loop3A_384 = arith.index_cast %parallel_loop3A_367 : i32 to index
      %parallel_loop3A_385 = tpu.vector_load %arg8[%parallel_loop3A_384] {strides = array<i32>} : memref<20480xf32, #tpu.memory_space<vmem>>, vector<16xf32>,
      tpu.vector_store %arg8[%parallel_loop3A_384], %broadcast_in_dim3A_3 {strides = array<i32>} : memref<20480xf32, #tpu.memory_space<vmem>>, vector<16xf32>,
      %parallel_loop3A_386 = arith.constant 10240 : i32
      %parallel_loop3A_387 = arith.addi %parallel_loop3A_386, %parallel_loop3A_367 : i32
      %parallel_loop3A_388 = arith.index_cast %parallel_loop3A_387 : i32 to index
      %parallel_loop3A_389 = tpu.vector_load %arg9[%parallel_loop3A_388] {strides = array<i32>} : memref<20480xf32, #tpu.memory_space<vmem>>, vector<16xf32>,
      %parallel_loop3A_390 = arith.constant 1.000000e+00 : f32
      %parallel_loop3A_391 = vector.broadcast %parallel_loop3A_390 : f32 to vector<16xf32>
      %parallel_loop3A_392 = arith.mulf %parallel_loop3A_391, %parallel_loop3A_369 : vector<16xf32>
      %parallel_loop3A_393 = arith.index_cast %parallel_loop3A_387 : i32 to index
      %parallel_loop3A_394 = tpu.vector_load %arg8[%parallel_loop3A_393] {strides = array<i32>} : memref<20480xf32, #tpu.memory_space<vmem>>, vector<16xf32>,
      %parallel_loop3A_395 = arith.mulf %parallel_loop3A_392, %parallel_loop3A_394 : vector<16xf32>
      %parallel_loop3A_396 = arith.subf %parallel_loop3A_389, %parallel_loop3A_395 : vector<16xf32>
      %parallel_loop3A_397 = arith.index_cast %parallel_loop3A_387 : i32 to index
      %parallel_loop3A_398 = tpu.vector_load %arg7[%parallel_loop3A_397] {strides = array<i32>} : memref<20480xf32, #tpu.memory_space<vmem>>, vector<16xf32>,
      %parallel_loop3A_399 = arith.subf %parallel_loop3A_396, %parallel_loop3A_398 : vector<16xf32>
      %parallel_loop3A_400 = arith.index_cast %parallel_loop3A_387 : i32 to index
      %parallel_loop3A_401 = tpu.vector_load %arg7[%parallel_loop3A_400] {strides = array<i32>} : memref<20480xf32, #tpu.memory_space<vmem>>, vector<16xf32>,
      tpu.vector_store %arg7[%parallel_loop3A_400], %parallel_loop3A_399 {strides = array<i32>} : memref<20480xf32, #tpu.memory_space<vmem>>, vector<16xf32>,
      %parallel_loop3A_402 = arith.index_cast %parallel_loop3A_387 : i32 to index
      %parallel_loop3A_403 = tpu.vector_load %arg8[%parallel_loop3A_402] {strides = array<i32>} : memref<20480xf32, #tpu.memory_space<vmem>>, vector<16xf32>,
      tpu.vector_store %arg8[%parallel_loop3A_402], %broadcast_in_dim3A_3 {strides = array<i32>} : memref<20480xf32, #tpu.memory_space<vmem>>, vector<16xf32>,
    } {sc.loop_unroll_factor = 4 : i64, sc.parallel_access}
    %dma_wait3A_357 = arith.constant 0 : i32
    %dma_wait3A_358 = tpu.memref_slice %arg2[%dma_wait3A_357] : memref<320000xi32, #tpu.memory_space<hbm>> -> memref<16000xi32, #tpu.memory_space<hbm>>
    %dma_wait3A_359 = arith.constant 0 : i32
    %dma_wait3A_360 = tpu.memref_slice %arg2[%dma_wait3A_359] : memref<320000xi32, #tpu.memory_space<hbm>> -> memref<16000xi32, #tpu.memory_space<hbm>>
    tpu.wait_dma2 semaphore(%arg13 : memref<!tpu.dma_semaphore, #tpu.memory_space<semaphore_mem>>) src(%dma_wait3A_360 : memref<16000xi32, #tpu.memory_space<hbm>>) dst(%arg11 : memref<16000xi32, #tpu.memory_space<vmem>>)
    %mul3A_361 = arith.constant 10240 : i32
    %mul3A_362 = arith.muli %mul3A_2, %mul3A_361 : i32
    "tpu.region"() ({
      %run_scoped3A = tpu.sem_alloc : memref<!tpu.dma_semaphore, #tpu.memory_space<semaphore_mem>>
      %dma_start3A_367 = arith.constant 0 : i32
      %dma_start3A_368 = tpu.memref_slice %arg7[%dma_start3A_367] : memref<20480xf32, #tpu.memory_space<vmem>> -> memref<10240xf32, #tpu.memory_space<vmem>>
      %dma_start3A_369 = tpu.memref_slice %arg5[%mul3A_362] : memref<655360xf32, #tpu.memory_space<hbm>> -> memref<10240xf32, #tpu.memory_space<hbm>>
      %dma_start3A_370 = tpu.memref_slice %arg5[%mul3A_362] : memref<655360xf32, #tpu.memory_space<hbm>> -> memref<10240xf32, #tpu.memory_space<hbm>>
      %dma_start3A_371 = arith.constant 0 : i32
      %dma_start3A_372 = tpu.memref_slice %arg7[%dma_start3A_371] : memref<20480xf32, #tpu.memory_space<vmem>> -> memref<10240xf32, #tpu.memory_space<vmem>>
      tpu.enqueue_dma source(%dma_start3A_372 : memref<10240xf32, #tpu.memory_space<vmem>>) target(%dma_start3A_370 : memref<10240xf32, #tpu.memory_space<hbm>>) target_semaphore(%run_scoped3A : memref<!tpu.dma_semaphore, #tpu.memory_space<semaphore_mem>>)
      %dma_wait3A_373 = arith.constant 0 : i32
      %dma_wait3A_374 = tpu.memref_slice %arg7[%dma_wait3A_373] : memref<20480xf32, #tpu.memory_space<vmem>> -> memref<10240xf32, #tpu.memory_space<vmem>>
      %dma_wait3A_375 = tpu.memref_slice %arg5[%mul3A_362] : memref<655360xf32, #tpu.memory_space<hbm>> -> memref<10240xf32, #tpu.memory_space<hbm>>
      %dma_wait3A_376 = tpu.memref_slice %arg5[%mul3A_362] : memref<655360xf32, #tpu.memory_space<hbm>> -> memref<10240xf32, #tpu.memory_space<hbm>>
      %dma_wait3A_377 = arith.constant 0 : i32
      %dma_wait3A_378 = tpu.memref_slice %arg7[%dma_wait3A_377] : memref<20480xf32, #tpu.memory_space<vmem>> -> memref<10240xf32, #tpu.memory_space<vmem>>
      tpu.wait_dma2 semaphore(%run_scoped3A : memref<!tpu.dma_semaphore, #tpu.memory_space<semaphore_mem>>) src(%dma_wait3A_378 : memref<10240xf32, #tpu.memory_space<vmem>>) dst(%dma_wait3A_376 : memref<10240xf32, #tpu.memory_space<hbm>>)
      tpu.yield
    }) : () -> ()
    %add3A_363 = arith.constant 1 : i32
    %add3A_364 = arith.addi %mul3A_2, %add3A_363 : i32
    %mul3A_365 = arith.constant 10240 : i32
    %mul3A_366 = arith.muli %add3A_364, %mul3A_365 : i32
    "tpu.region"() ({
      %run_scoped3A = tpu.sem_alloc : memref<!tpu.dma_semaphore, #tpu.memory_space<semaphore_mem>>
      %dma_start3A_367 = arith.constant 10240 : i32
      %dma_start3A_368 = tpu.memref_slice %arg7[%dma_start3A_367] : memref<20480xf32, #tpu.memory_space<vmem>> -> memref<10240xf32, #tpu.memory_space<vmem>>
      %dma_start3A_369 = tpu.memref_slice %arg5[%mul3A_366] : memref<655360xf32, #tpu.memory_space<hbm>> -> memref<10240xf32, #tpu.memory_space<hbm>>
      %dma_start3A_370 = tpu.memref_slice %arg5[%mul3A_366] : memref<655360xf32, #tpu.memory_space<hbm>> -> memref<10240xf32, #tpu.memory_space<hbm>>
      %dma_start3A_371 = arith.constant 10240 : i32
      %dma_start3A_372 = tpu.memref_slice %arg7[%dma_start3A_371] : memref<20480xf32, #tpu.memory_space<vmem>> -> memref<10240xf32, #tpu.memory_space<vmem>>
      tpu.enqueue_dma source(%dma_start3A_372 : memref<10240xf32, #tpu.memory_space<vmem>>) target(%dma_start3A_370 : memref<10240xf32, #tpu.memory_space<hbm>>) target_semaphore(%run_scoped3A : memref<!tpu.dma_semaphore, #tpu.memory_space<semaphore_mem>>)
      %dma_wait3A_373 = arith.constant 10240 : i32
      %dma_wait3A_374 = tpu.memref_slice %arg7[%dma_wait3A_373] : memref<20480xf32, #tpu.memory_space<vmem>> -> memref<10240xf32, #tpu.memory_space<vmem>>
      %dma_wait3A_375 = tpu.memref_slice %arg5[%mul3A_366] : memref<655360xf32, #tpu.memory_space<hbm>> -> memref<10240xf32, #tpu.memory_space<hbm>>
      %dma_wait3A_376 = tpu.memref_slice %arg5[%mul3A_366] : memref<655360xf32, #tpu.memory_space<hbm>> -> memref<10240xf32, #tpu.memory_space<hbm>>
      %dma_wait3A_377 = arith.constant 10240 : i32
      %dma_wait3A_378 = tpu.memref_slice %arg7[%dma_wait3A_377] : memref<20480xf32, #tpu.memory_space<vmem>> -> memref<10240xf32, #tpu.memory_space<vmem>>
      tpu.wait_dma2 semaphore(%run_scoped3A : memref<!tpu.dma_semaphore, #tpu.memory_space<semaphore_mem>>) src(%dma_wait3A_378 : memref<10240xf32, #tpu.memory_space<vmem>>) dst(%dma_wait3A_376 : memref<10240xf32, #tpu.memory_space<hbm>>)
      tpu.yield
    }) : () -> ()
    return
  }
}

module attributes {stable_mosaic.version = 14 : i64} {
  func.func @_dense_body(%arg0: memref<10240x128xf32, #tpu.memory_space<vmem>>, %arg1: memref<512x128xf32, #tpu.memory_space<vmem>>, %arg2: memref<32x10240xf32, #tpu.memory_space<vmem>>, %arg3: memref<512x10240xf32, #tpu.memory_space<vmem>>, %arg4: memref<1x10240xf32, #tpu.memory_space<vmem>>, %arg5: memref<1x10240xf32, #tpu.memory_space<vmem>>) attributes {dimension_semantics = [], scalar_prefetch = 0 : i64, scratch_operands = 0 : i64, tpu.core_type = #tpu.core_type<tc>} {
    %get3A = arith.constant 0 : index
    %get3A_0 = arith.constant 0 : index
    %get3A_1 = vector.load %arg2[%get3A, %get3A_0] : memref<32x10240xf32, #tpu.memory_space<vmem>>, vector<32x10240xf32>
    %reduce_sum3A = arith.constant dense<0.000000e+00> : vector<10240xf32>
    %reduce_sum3A_2 = vector.multi_reduction <add>, %get3A_1, %reduce_sum3A [0] : vector<32x10240xf32> to vector<10240xf32>
    %broadcast_in_dim3A = vector.shape_cast %reduce_sum3A_2 : vector<10240xf32> to vector<1x10240xf32>
    %gt3A = arith.constant 0.000000e+00 : f32
    %gt3A_3 = vector.broadcast %gt3A : f32 to vector<1x10240xf32>
    %gt3A_4 = arith.cmpf ogt, %broadcast_in_dim3A, %gt3A_3 : vector<1x10240xf32>
    %rsqrt3A = math.rsqrt %broadcast_in_dim3A : vector<1x10240xf32>
    %jit3A = arith.constant 0.000000e+00 : f32
    %broadcast_in_dim3A_5 = vector.broadcast %jit3A : f32 to vector<1x10240xf32>
    %select_n3A = arith.select %gt3A_4, %rsqrt3A, %broadcast_in_dim3A_5 : vector<1x10240xi1>, vector<1x10240xf32>
    %mul3A = arith.mulf %select_n3A, %select_n3A : vector<1x10240xf32>
    %swap3A = arith.constant 0 : index
    %swap3A_6 = arith.constant 0 : index
    %swap3A_7 = vector.load %arg4[%swap3A, %swap3A_6] : memref<1x10240xf32, #tpu.memory_space<vmem>>, vector<1x10240xf32>
    tpu.vector_store %arg4[%swap3A, %swap3A_6], %mul3A {strides = array<i32>} : memref<1x10240xf32, #tpu.memory_space<vmem>>, vector<1x10240xf32>,
    %gt3A_8 = arith.constant 0.000000e+00 : f32
    %gt3A_9 = vector.broadcast %gt3A_8 : f32 to vector<1x10240xf32>
    %gt3A_10 = arith.cmpf ogt, %broadcast_in_dim3A, %gt3A_9 : vector<1x10240xf32>
    %sqrt3A = math.sqrt %broadcast_in_dim3A : vector<1x10240xf32>
    %jit3A_11 = arith.constant 0.000000e+00 : f32
    %broadcast_in_dim3A_12 = vector.broadcast %jit3A_11 : f32 to vector<1x10240xf32>
    %select_n3A_13 = arith.select %gt3A_10, %sqrt3A, %broadcast_in_dim3A_12 : vector<1x10240xi1>, vector<1x10240xf32>
    %swap3A_14 = arith.constant 0 : index
    %swap3A_15 = arith.constant 0 : index
    %swap3A_16 = vector.load %arg5[%swap3A_14, %swap3A_15] : memref<1x10240xf32, #tpu.memory_space<vmem>>, vector<1x10240xf32>
    tpu.vector_store %arg5[%swap3A_14, %swap3A_15], %select_n3A_13 {strides = array<i32>} : memref<1x10240xf32, #tpu.memory_space<vmem>>, vector<1x10240xf32>,
    %get3A_17 = arith.constant 0 : index
    %get3A_18 = arith.constant 0 : index
    %get3A_19 = vector.load %arg1[%get3A_17, %get3A_18] : memref<512x128xf32, #tpu.memory_space<vmem>>, vector<512x128xf32>
    %get3A_20 = arith.constant 0 : index
    %get3A_21 = arith.constant 0 : index
    %get3A_22 = vector.load %arg0[%get3A_20, %get3A_21] : memref<10240x128xf32, #tpu.memory_space<vmem>>, vector<10240x128xf32>
    %dot_general3A = arith.constant dense<0.000000e+00> : vector<512x10240xf32>
    %dot_general3A_23 = tpu.matmul %get3A_19, %get3A_22, %dot_general3A {dimension_numbers = #tpu.dot_dimension_numbers<[1], [1], [0], [0], [0, 0, 1, 0], [], []>, transpose_lhs_hint = false} : vector<512x128xf32>, vector<10240x128xf32>, vector<512x10240xf32> -> vector<512x10240xf32>
    %mul3A_24 = vector.broadcast %select_n3A : vector<1x10240xf32> to vector<512x10240xf32>
    %mul3A_25 = arith.mulf %dot_general3A_23, %mul3A_24 : vector<512x10240xf32>
    %swap3A_26 = arith.constant 0 : index
    %swap3A_27 = arith.constant 0 : index
    %swap3A_28 = vector.load %arg3[%swap3A_26, %swap3A_27] : memref<512x10240xf32, #tpu.memory_space<vmem>>, vector<512x10240xf32>
    tpu.vector_store %arg3[%swap3A_26, %swap3A_27], %mul3A_25 {strides = array<i32>} : memref<512x10240xf32, #tpu.memory_space<vmem>>, vector<512x10240xf32>,
    return
  }
}

module attributes {stable_mosaic.version = 14 : i64} {
  func.func @_elu_body(%arg0: memref<64x10240xf32, #tpu.memory_space<vmem>>, %arg1: memref<1x10240xf32, #tpu.memory_space<vmem>>, %arg2: memref<10000x128xf32, #tpu.memory_space<vmem>>, %arg3: memref<128x64xf32, #tpu.memory_space<vmem>>, %arg4: memref<1x64xf32, #tpu.memory_space<vmem>>, %arg5: memref<10000x64xf32, #tpu.memory_space<vmem>>) attributes {dimension_semantics = [], scalar_prefetch = 0 : i64, scratch_operands = 0 : i64, tpu.core_type = #tpu.core_type<tc>} {
    %get3A = arith.constant 0 : index
    %get3A_0 = arith.constant 0 : index
    %get3A_1 = vector.load %arg0[%get3A, %get3A_0] : memref<64x10240xf32, #tpu.memory_space<vmem>>, vector<64x10240xf32>
    %transpose3A = tpu.transpose %get3A_1, [1, 0] : vector<64x10240xf32> -> vector<10240x64xf32>
    %slice3A = vector.extract_strided_slice %transpose3A {offsets = [0, 0], sizes = [10000, 64], strides = [1, 1]} : vector<10240x64xf32> to vector<10000x64xf32>
    %get3A_2 = arith.constant 0 : index
    %get3A_3 = arith.constant 0 : index
    %get3A_4 = vector.load %arg1[%get3A_2, %get3A_3] : memref<1x10240xf32, #tpu.memory_space<vmem>>, vector<1x10240xf32>
    %transpose3A_5 = tpu.transpose %get3A_4, [1, 0] : vector<1x10240xf32> -> vector<10240x1xf32>
    %slice3A_6 = vector.extract_strided_slice %transpose3A_5 {offsets = [0, 0], sizes = [10000, 1], strides = [1, 1]} : vector<10240x1xf32> to vector<10000x1xf32>
    %get3A_7 = arith.constant 0 : index
    %get3A_8 = arith.constant 0 : index
    %get3A_9 = vector.load %arg2[%get3A_7, %get3A_8] : memref<10000x128xf32, #tpu.memory_space<vmem>>, vector<10000x128xf32>
    %get3A_10 = arith.constant 0 : index
    %get3A_11 = arith.constant 0 : index
    %get3A_12 = vector.load %arg3[%get3A_10, %get3A_11] : memref<128x64xf32, #tpu.memory_space<vmem>>, vector<128x64xf32>
    %dot_general3A = arith.constant dense<0.000000e+00> : vector<10000x64xf32>
    %dot_general3A_13 = tpu.matmul %get3A_9, %get3A_12, %dot_general3A {dimension_numbers = #tpu.dot_dimension_numbers<[1], [0], [0], [1], [0, 0, 1, 1], [], []>, transpose_lhs_hint = false} : vector<10000x128xf32>, vector<128x64xf32>, vector<10000x64xf32> -> vector<10000x64xf32>
    %gt3A = arith.constant 0.000000e+00 : f32
    %gt3A_14 = vector.broadcast %gt3A : f32 to vector<10000x1xf32>
    %gt3A_15 = arith.cmpf ogt, %slice3A_6, %gt3A_14 : vector<10000x1xf32>
    %mul3A = vector.broadcast %slice3A_6 : vector<10000x1xf32> to vector<10000x64xf32>
    %mul3A_16 = arith.mulf %mul3A, %slice3A : vector<10000x64xf32>
    %broadcast_in_dim3A = vector.shape_cast %gt3A_15 : vector<10000x1xi1> to vector<10000x1xi1>
    %broadcast_in_dim3A_17 = vector.broadcast %broadcast_in_dim3A : vector<10000x1xi1> to vector<10000x64xi1>
    %select_n3A = arith.select %broadcast_in_dim3A_17, %mul3A_16, %dot_general3A_13 : vector<10000x64xi1>, vector<10000x64xf32>
    %get3A_18 = arith.constant 0 : index
    %get3A_19 = arith.constant 0 : index
    %get3A_20 = vector.load %arg4[%get3A_18, %get3A_19] : memref<1x64xf32, #tpu.memory_space<vmem>>, vector<1x64xf32>
    %add3A = vector.broadcast %get3A_20 : vector<1x64xf32> to vector<10000x64xf32>
    %add3A_21 = arith.addf %select_n3A, %add3A : vector<10000x64xf32>
    %gt3A_22 = arith.constant 0.000000e+00 : f32
    %gt3A_23 = vector.broadcast %gt3A_22 : f32 to vector<10000x64xf32>
    %gt3A_24 = arith.cmpf ogt, %add3A_21, %gt3A_23 : vector<10000x64xf32>
    %exp3A = math.exp %add3A_21 : vector<10000x64xf32>
    %sub3A = arith.constant 1.000000e+00 : f32
    %sub3A_25 = vector.broadcast %sub3A : f32 to vector<10000x64xf32>
    %sub3A_26 = arith.subf %exp3A, %sub3A_25 : vector<10000x64xf32>
    %select_n3A_27 = arith.select %gt3A_24, %add3A_21, %sub3A_26 : vector<10000x64xi1>, vector<10000x64xf32>
    %swap3A = arith.constant 0 : index
    %swap3A_28 = arith.constant 0 : index
    %swap3A_29 = vector.load %arg5[%swap3A, %swap3A_28] : memref<10000x64xf32, #tpu.memory_space<vmem>>, vector<10000x64xf32>
    tpu.vector_store %arg5[%swap3A, %swap3A_28], %select_n3A_27 {strides = array<i32>} : memref<10000x64xf32, #tpu.memory_space<vmem>>, vector<10000x64xf32>,
    return
  }
}

</mosaic_0001>

<sc_bundles>
// kernel: kernel.6.cloned.1.call-start
scs
__scs_entry_jumppad:
0x0: {  	(pc) =	sbr.rel $0x88, $3  }
0x1: {  	(tag) =	ssettag $0x0;
	lr =	simm.s32 $0x1  }
0x2: {  	[smem:$0x3F9D] =	sst lr;
	_ =	strace $0xD0000000  }
0x3: {  	_ = 	snop  }
0x4: {  	_ = 	snop  }
0x5: {  	_ = 	snop  }
0x6: {  	_ = 	snop  }
0x7: {  	_ = 	snop  }
__scs_overlays_trampoline_lowered:
0x8: {  	[smem:$0x3FAC] =	sst s0  }
0x9: {  	[smem:$0x3FAD] =	sst s1  }
0xa: {  	[smem:$0x3FAE] =	sst s2  }
0xb: {  	[smem:$0x3FAF] =	sst s3  }
0xc: {  	[smem:$0x3FB0] =	sst s4  }
0xd: {  	[smem:$0x3FB1] =	sst s5  }
0xe: {  	[smem:$0x3FB2] =	sst s6  }
0xf: {  	[smem:$0x3FB3] =	sst s7  }
0x10: {  	[smem:$0x3FB4] =	sst s8  }
0x11: {  	[smem:$0x3FB5] =	sst s9;
	s0 =	simm.s32 @!p0 $0x0  }
0x12: {  	s1 =	sld [smem:$0x3F9B];
	s0 =	simm.s32 @p0 $0x1  }
0x13: {  	[smem:$0x3FB6] =	sst s0;
	s0 =	simm.s32 @!p1 $0x0  }
0x14: {  	s2 =	sld [smem:$0x3F9A];
	s0 =	simm.s32 @p1 $0x1  }
0x15: {  	[smem:$0x3FB7] =	sst s0;
	s0 =	simm.s32 @!p2 $0x0  }
0x16: {  	s3 =	sld [smem:$0x3FDB];
	s0 =	simm.s32 @p2 $0x1  }
0x17: {  	s4 =	simm.s32 $0x1BF5;
	[smem:$0x3FB9] =	sst s0  }
0x18: {  	s0 =	sld [smem:$0x3F9C];
	_ =	swait.ge [sflag:s4], $0x0  }
0x19: {  	s7 =	sld [smem:$0x3F9D]  }
0x1a: {  	s8 =	sadd.s32 $0xFFFFE003, lr  }
0x1b: {  	s9 =	sadd.s32 $0xFFFFFEF7, lr;
	s5 =	simm.s32 $0xFFFFFFFF;
	p2 =	slt.u32 s8, $0xFFFFF086  }
0x1c: {  	p1 =	slt.u32 s9, $0xF7A;
	s5 =	simm.s32 @!p2 $0x0  }
0x1d: {  	s5 =	simm.s32 @p1 $0x1;
	p0 =	seq.s32 s7, s2  }
0x1e: {  	s7 =	smul.u32 @!p0 $0xF7A, s2;
	p2 =	seq.s32 @!p0 s5, $0x0  }
0x1f: {  	s9 =	smul.u32 $0xF7A, s1;
	s8 =	simm.s32 @!p0 $0x1BF5;
	p2 =	por !p2, p0  }
0x20: {  	[sflag:s8] =	ssyncset.s32 @!p0 $0xFFFFF086;
	s6 =	sadd.s32 @!p0 s3, s7;
	s7 =	simm.s32 @!p0 $0x108  }
0x21: {  	s3 =	sadd.s32 s3, s9;
	s6 =	sadd.s32 @!p0 $0x88, s6;
	s7 =	simm.s32 @p2 $0x1082  }
0x22: {  	[simem:s7], [sflag:s8] =	dma.local @!p0 [hbm:s6], $0xF7A  }
0x23: {  	s9 =	sor.u32 $0xD0000000, s2;
	s6 =	simm.s32 $0x108;
	_ =	swait.ge @!p0 [sflag:s8], $0x0  }
0x24: {  	s3 =	sadd.s32 $0x88, s3;
	s6 =	simm.s32 @!p1 $0x1082;
	[sflag:s4] =	ssyncset.s32 $0xFFFFF086  }
0x25: {  	[simem:s6], [sflag:s4] =	dma.local [hbm:s3], $0xF7A  }
0x26: {  	[smem:$0x3F9D] =	sst s1;
	(tag) =	ssettag s2;
	_ =	strace s9  }
0x27: {  	s1 =	sld [smem:$0x3FAD]  }
0x28: {  	s2 =	sld [smem:$0x3FAE]  }
0x29: {  	s4 =	sld [smem:$0x3FB0]  }
0x2a: {  	p0 =	seq.s32 s5, $0x0;
	s5 =	sld [smem:$0x3FB1]  }
0x2b: {  	s6 =	sld [smem:$0x3FB2]  }
0x2c: {  	s7 =	sld [smem:$0x3FB3]  }
0x2d: {  	s3 =	simm.s32 $0x108;
	s8 =	sld [smem:$0x3FB4]  }
0x2e: {  	s3 =	simm.s32 @!p0 $0x1082;
	s9 =	sld [smem:$0x3FB5]  }
0x2f: {  	lr =	sadd.s32 s0, s3;
	s0 =	sld [smem:$0x3FAC]  }
0x30: {  	s3 =	sld [smem:$0x3FAF]  }
0x31: {  	[smem:$0x3FB8] =	sst s10  }
0x32: {  	s10 =	sld [smem:$0x3FB6];
	_ =	sdelay $0x3  }
0x33: {  	p0 =	seq.s32 s10, $0x1;
	s10 =	sld [smem:$0x3FB8];
	_ =	sdelay $0x3  }
0x34: {  	[smem:$0x3FB8] =	sst s10  }
0x35: {  	s10 =	sld [smem:$0x3FB7];
	_ =	sdelay $0x3  }
0x36: {  	p1 =	seq.s32 s10, $0x1;
	s10 =	sld [smem:$0x3FB8];
	_ =	sdelay $0x3  }
0x37: {  	[smem:$0x3FB8] =	sst s10  }
0x38: {  	s10 =	sld [smem:$0x3FB9]  }
0x39: {  	_ = 	snop;
	(pc) =	sbr.ind lr, $3  }
0x3a: {  	_ = 	snop  }
0x3b: {  	_ = 	snop  }
0x3c: {  	p2 =	seq.s32 s10, $0x1;
	s10 =	sld [smem:$0x3FB8]  }
0x3d: {  	_ =	shalt  }
0x3e: {  	_ =	shalt  }
0x3f: {  	_ =	shalt  }
0x40: {  	_ =	shalt  }
0x41: {  	_ =	shalt  }
0x42: {  	_ =	shalt  }
0x43: {  	_ =	shalt  }
0x44: {  	_ =	shalt  }
0x45: {  	_ =	shalt  }
0x46: {  	_ =	shalt  }
0x47: {  	_ =	shalt  }
0x48: {  	_ =	shalt  }
0x49: {  	_ =	shalt  }
0x4a: {  	_ =	shalt  }
0x4b: {  	_ =	shalt  }
0x4c: {  	_ =	shalt  }
0x4d: {  	_ =	shalt  }
0x4e: {  	_ =	shalt  }
0x4f: {  	_ =	shalt  }
0x50: {  	_ =	shalt  }
0x51: {  	_ =	shalt  }
0x52: {  	_ =	shalt  }
0x53: {  	_ =	shalt  }
0x54: {  	_ =	shalt  }
0x55: {  	_ =	shalt  }
0x56: {  	_ =	shalt  }
0x57: {  	_ =	shalt  }
0x58: {  	_ =	shalt  }
0x59: {  	_ =	shalt  }
0x5a: {  	_ =	shalt  }
0x5b: {  	_ =	shalt  }
0x5c: {  	_ =	shalt  }
0x5d: {  	_ =	shalt  }
0x5e: {  	_ =	shalt  }
0x5f: {  	_ =	shalt  }
0x60: {  	_ =	shalt  }
0x61: {  	_ =	shalt  }
0x62: {  	_ =	shalt  }
0x63: {  	_ =	shalt  }
0x64: {  	_ =	shalt  }
0x65: {  	_ =	shalt  }
0x66: {  	_ =	shalt  }
0x67: {  	_ =	shalt  }
0x68: {  	_ =	shalt  }
0x69: {  	_ =	shalt  }
0x6a: {  	_ =	shalt  }
0x6b: {  	_ =	shalt  }
0x6c: {  	_ =	shalt  }
0x6d: {  	_ =	shalt  }
0x6e: {  	_ =	shalt  }
0x6f: {  	_ =	shalt  }
0x70: {  	_ =	shalt  }
0x71: {  	_ =	shalt  }
0x72: {  	_ =	shalt  }
0x73: {  	_ =	shalt  }
0x74: {  	_ =	shalt  }
0x75: {  	_ =	shalt  }
0x76: {  	_ =	shalt  }
0x77: {  	_ =	shalt  }
0x78: {  	_ =	shalt  }
0x79: {  	_ =	shalt  }
0x7a: {  	_ =	shalt  }
0x7b: {  	_ =	shalt  }
0x7c: {  	_ =	shalt  }
0x7d: {  	_ =	shalt  }
0x7e: {  	_ =	shalt  }
0x7f: {  	_ =	shalt  }
0x80: {  	_ =	shalt  }
0x81: {  	_ =	shalt  }
0x82: {  	_ =	shalt  }
0x83: {  	_ =	shalt  }
0x84: {  	_ =	shalt  }
0x85: {  	_ =	shalt  }
0x86: {  	_ =	shalt  }
0x87: {  	_ =	shalt  }
.Lfunc_end0:
.L_simem_size_0:
called_computation_lowered:
.L_overlay_start_0:
0x88: {  	s2 =	sld [smem:$0x3FD9]  }
0x89: {  	s3 =	sld [smem:$0x3FFE];
	_ =	sdelay $0x1  }
0x8a: {  	s1 =	srdreg.scid  }
0x8b: {  	s0 =	sand.u32 $0x1, s1  }
0x8c: {  	s17 =	sshll.u32 s0, $0xA;
	s2 =	sadd.s32 s3, s2  }
0x8d: {  	s2 =	sadd.s32 s2, s17  }
0x8e: {  	[smem:$0x3FC4] =	sst s2  }
0x8f: {  	_ = 	snop  }
0x90: {  	s2 =	sld [smem:$0x3FD0];
	(tm) =	ssettm $0x1  }
0x91: {  	s18 =	sld [smem:$0x3FFB];
	_ =	sdelay $0x3  }
0x92: {  	_ =	strace s18  }
0x93: {  	s3 =	sld [smem:$0x3FFC];
	_ =	sdelay $0x3  }
0x94: {  	_ =	strace s3  }
0x95: {  	s3 =	sld [smem:$0x3FFD];
	_ =	sdelay $0x3  }
0x96: {  	_ =	strace s3  }
0x97: {  	_ =	strace $0x8FFFFFFF  }
0x98: {  	s19 =	sld [smem:$0x3FDB];
	_ =	sdelay $0x1  }
0x99: {  	s4 =	simm.s32 $_scs_section_size  }
0x9a: {  	s5 =	simm.s32 $_size__tile_overlayer_lowered;
	s6 =	simm.s32 $_tile_overlayer_lowered  }
0x9b: {  	s22 =	simm.s32 $0x1BFF;
	s21 =	sshll.u32 s6, $0x1;
	s3 =	sadd.s32 s4, s19  }
0x9c: {  	s7 =	simm.s32 $0x0;
	s20 =	sshll.u32 s5, $0x1;
	s5 =	sadd.s32 s21, s3  }
0x9d: {  	[timem:s7], [sflag:s22] =	dma.local [hbm:s5], s20  }
0x9e: {  	_ =	swait.ge [sflag:s22], s20  }
0x9f: {  	s4 =	ssub.s32 $0x0, s20;
	[sflag:s22] =	ssyncset.done $0x0  }
0xa0: {  	[sflag:s22] =	ssyncadd.s32 s4;
	_ =	sdelay $0x1  }
0xa1: {  	s23 =	simm.s32 $0x1B8B  }
0xa2: {  	_ =	swait.ge [sflag:s23], $0x1  }
0xa3: {  	[sflag:s23] =	ssyncset.done $0x0  }
0xa4: {  	s25 =	simm.s32 $0x1B8E;
	s24 =	sld [smem:$0x3FFE];
	[sflag:s23] =	ssyncadd.s32 $0xFFFFFFFF  }
0xa5: {  	s26 =	simm.s32 $execute0_lowered;
	[smem:$0x3FD2] =	sst s25  }
0xa6: {  	s5 =	sshll.u32 s26, $0x1;
	_ =	strace $0x80000046;
	[dreg:$0x1] =	wrdreg $0xFFFFFFFF  }
0xa7: {  	s28 =	simm.s32 $_size_execute0_lowered;
	s3 =	sadd.s32 s3, s5;
	[dreg:$0x0] =	wrdreg $0x0  }
0xa8: {  	s5 =	sshll.u32 s28, $0x1;
	[dreg:$0x2] =	wrdreg s3  }
0xa9: {  	[dreg:$0x3] =	wrdreg s5  }
0xaa: {  	[dreg:$0x4] =	wrdreg $0xC0  }
0xab: {  	_ =	task [dreg:s7], $0x5FFFF  }
0xac: {  	[dreg:$0x1] =	wrdreg $0xFFFFFFFF  }
0xad: {  	[dreg:$0x0] =	wrdreg $0x60  }
0xae: {  	[dreg:$0x2] =	wrdreg s24  }
0xaf: {  	[dreg:$0x3] =	wrdreg s2  }
0xb0: {  	[dreg:$0x4] =	wrdreg $0x9  }
0xb1: {  	_ =	task.clear_ibuf [dreg:s7], $0x5FFFF;
	_ =	strace $0x90000046  }
0xb2: {  	s29 =	simm.s32 $0x9;
	_ =	strace $0x80000048  }
0xb3: {  	_ =	swait.ge [sflag:s29], $0x1  }
0xb4: {  	[sflag:s29] =	ssyncadd.s32 $0xFFFFFFFF  }
0xb5: {  	_ =	strace $0x90000048  }
0xb6: {  	_ =	sfence  }
0xb7: {  	s30 =	sld [smem:$0x0];
	_ =	sdelay $0x2  }
0xb8: {  	s31 =	sshll.u32 s1, $0xD;
	s1 =	sshrl.u32 s1, $0x2  }
0xb9: {  	s3 =	sand.u32 $0x4000, s31;
	s1 =	sadd.s32 s1, s30  }
0xba: {  	s0 =	sor.u32 s3, s0;
	s1 =	sshll.u32 s1, $0x11  }
0xbb: {  	s0 =	sor.u32 s1, s0  }
0xbc: {  	s0 =	sadd.s32 $0x8F2B, s0  }
0xbd: {  	[sflag:s0] =	ssyncadd.remote.s32 $0x1  }
0xbe: {  	_ =	sfence.sel $0xFFFF  }
0xbf: {  	[dreg:$0x0] =	wrdreg $0xFFFFFFFF;
	(pc) =	sbr.abs _section_cstart, $3  }
0xc0: {  	[dreg:$0x1] =	wrdreg $0xFFFFFFFF  }
0xc1: {  	_ =	task.clear_ibuf [dreg:s7], $0x2FFFF;
	_ =	strace $0x9FFFFFFF  }
0xc2: {  	(tm) =	ssettm $0x7FFFFFFF  }
0xc3: {  	_ =	shalt  }
tec
execute0_lowered:
.L_overlay_start_1:
0x0: {  	(tag) =	ssettag $0x1  }
0x1: {  	s3 =	rddreg [dreg:$0x0]  }
0x2: {  	s1 =	srdreg.scid;
	s0 =	stileid.u32  }
0x3: {  	s4 =	rddreg [dreg:$0x1];
	s5 =	sand.u32 $0x1, s1;
	s2 =	sshll.u32 s0, $0x1  }
0x4: {  	s1 =	rddreg [dreg:$0x2];
	s6 =	sor.u32 s5, s2  }
0x5: {  	s2 =	simm.s32 $0x0;
	s5 =	ssub.s32 $0x2, s5;
	s7 =	smul.u32 $0x4E2, s6  }
0x6: {  	[smem:$0x7FF] =	sst s2;
	s8 =	sshrl.u32 s5, $0x1;
	s6 =	smul.u32 $0x500, s6  }
0x7: {  	_ =	strace $0x80000047;
	s5 =	ssub.s32 s5, s8;
	s8 =	simm.s32 $0x0  }
0x8: {  	s3 =	sadd.s32 s7, s3;
	s4 =	sadd.s32 s4, s6;
	s5 =	smax.u32 s5, $0x1  }
0x9: {  	v0 =	vimm.f32 $0.0e+00;
	v1 =	vimm.f32 $1.000000000e+00;
	s6 =	simm.s32 $0x1;
	s7 =	simm.s32 $0x2780;
	s3 =	sadd.s32 $0x1400, s3  }
.LBB2_1:
0xa: {  	s9 =	simm.s32 $0x27A0  }
0xb: {  	[tilespmem:s9+$0xFFFFFFE0] =	vst v0  }
0xc: {  	[tilespmem:s9+$0x10] =	vst v0  }
0xd: {  	s10 =	simm.s32 $0x0;
	[tilespmem:s9+$0x0] =	vst v0  }
.LBB2_2:
0xe: {  	s10 =	sadd.s32 $0x40, s10  }
0xf: {  	[tilespmem:s9+$0xFFFFFFF0] =	vst v0;
	s9 =	sadd.s32 $0x40, s9;
	p0 =	slt.u32 s10, $0x27C0  }
.Ltmp0:
0x10: {  	[tilespmem:s9+$0xFFFFFFE0] =	vst v0;
	(pc) =	sbr.rel @p0 .LBB2_2-.Ltmp0, $3  }
0x11: {  	_ =	sdelay $0x1  }
0x12: {  	[tilespmem:s9+$0x10] =	vst v0  }
0x13: {  	[tilespmem:s9+$0x0] =	vst v0  }
0x14: {  	[tilespmem:s9+$0xFFFFFFF0] =	vst v0  }
0x15: {  	[tilespmem:s2], [sflag:$0x1] =	stream.linear.gather [hbm4b:s3+s2], $0x2710, $0x38;
	[tilespmem:$0x4F80] =	vst v63  }
0x16: {  	_ =	swait.ge [sflag:s6], $0x2710  }
0x17: {  	[sflag:s6] =	ssyncset.done $0x0  }
0x18: {  	s9 =	simm.s32 $0x40;
	[sflag:s6] =	ssyncadd.s32 $0xFFFFD8F0  }
0x19: {  	v3 =	vld [tilespmem:s9+$0xFFFFFFC0]  }
0x1a: {  	v4 =	vld [tilespmem:s9+$0x30]  }
0x1b: {  	v5 =	vld [tilespmem:s9+$0x20]  }
0x1c: {  	v6 =	vld [tilespmem:s9+$0x10]  }
0x1d: {  	v7 =	vld [tilespmem:s9+$0x0]  }
0x1e: {  	v8 =	vld [tilespmem:s9+$0xFFFFFFF0]  }
0x1f: {  	v9 =	vld [tilespmem:s9+$0xFFFFFFE0]  }
0x20: {  	v2 =	vld [tilespmem:s9+$0xFFFFFFD0]  }
0x21: {  	[tilespmem:v3+s7+$0x0] =	vst.idx.add.f32.msk $0xffff, v1  }
0x22: {  	[tilespmem:v4+s7+$0x0] =	vst.idx.add.f32.msk $0xffff, v1  }
0x23: {  	[tilespmem:v5+s7+$0x0] =	vst.idx.add.f32.msk $0xffff, v1  }
0x24: {  	[tilespmem:v6+s7+$0x0] =	vst.idx.add.f32.msk $0xffff, v1  }
0x25: {  	[tilespmem:v7+s7+$0x0] =	vst.idx.add.f32.msk $0xffff, v1  }
0x26: {  	[tilespmem:v8+s7+$0x0] =	vst.idx.add.f32.msk $0xffff, v1  }
0x27: {  	s10 =	simm.s32 $0x0;
	[tilespmem:v9+s7+$0x0] =	vst.idx.add.f32.msk $0xffff, v1  }
.LBB2_4:
0x28: {  	s10 =	sadd.s32 $0x80, s10;
	[tilespmem:v2+s7+$0x0] =	vst.idx.add.f32.msk $0xffff, v1;
	s9 =	sadd.s32 $0x80, s9  }
0x29: {  	v3 =	vld [tilespmem:s9+$0xFFFFFFC0];
	p0 =	slt.u32 s10, $0x2680  }
0x2a: {  	v4 =	vld [tilespmem:s9+$0x30]  }
0x2b: {  	v5 =	vld [tilespmem:s9+$0x20]  }
0x2c: {  	v6 =	vld [tilespmem:s9+$0x10]  }
0x2d: {  	v7 =	vld [tilespmem:s9+$0x0]  }
0x2e: {  	v8 =	vld [tilespmem:s9+$0xFFFFFFF0]  }
0x2f: {  	v9 =	vld [tilespmem:s9+$0xFFFFFFE0]  }
0x30: {  	v2 =	vld [tilespmem:s9+$0xFFFFFFD0]  }
0x31: {  	[tilespmem:v3+s7+$0x0] =	vst.idx.add.f32.msk $0xffff, v1  }
0x32: {  	[tilespmem:v4+s7+$0x0] =	vst.idx.add.f32.msk $0xffff, v1  }
.Ltmp1:
0x33: {  	[tilespmem:v5+s7+$0x0] =	vst.idx.add.f32.msk $0xffff, v1;
	(pc) =	sbr.rel @p0 .LBB2_4-.Ltmp1, $4  }
0x34: {  	[tilespmem:v6+s7+$0x0] =	vst.idx.add.f32.msk $0xffff, v1  }
0x35: {  	[tilespmem:v7+s7+$0x0] =	vst.idx.add.f32.msk $0xffff, v1  }
0x36: {  	[tilespmem:v8+s7+$0x0] =	vst.idx.add.f32.msk $0xffff, v1  }
0x37: {  	[tilespmem:v9+s7+$0x0] =	vst.idx.add.f32.msk $0xffff, v1  }
0x38: {  	_ =	sdelay $0x3  }
0x39: {  	[tilespmem:v2+s7+$0x0] =	vst.idx.add.f32.msk $0xffff, v1  }
0x3a: {  	v2 =	vld [tilespmem:$0x2700];
	_ =	sdelay $0x5  }
0x3b: {  	s8 =	sadd.s32 $0x1, s8  }
0x3c: {  	p0 =	sne.s32 s8, s5  }
.Ltmp2:
0x3d: {  	[tilespmem:v2+s7+$0x0] =	vst.idx.add.f32.msk $0xffff, v1;
	(pc) =	sbr.rel @p0 .LBB2_1-.Ltmp2, $4  }
0x3e: {  	[hbm4b:s4+s2] =	stream.linear.scatter [tilespmem:s7], [sflag:$0x1], $0x2800, $0x38;
	[tilespmem:$0x4F80] =	vst v63  }
0x3f: {  	_ =	swait.ge [sflag:s6], $0x2800  }
0x40: {  	[sflag:s6] =	ssyncset.done $0x0  }
0x41: {  	[sflag:s6] =	ssyncadd.s32 $0xFFFFD800  }
0x42: {  	_ =	sfence.sel $0x180000  }
0x43: {  	[bflag:$0x0] =	sbarrier.arrive $0xFFFF  }
0x44: {  	p0 =	sne.s32 s0, $0x0;
	_ =	strace $0x90000047  }
0x45: {  	s0 =	sadd.s32 @!p0 $0x100000, s1;
	[bflag:$0x2] =	sbarrier.arrive $0xFFFF  }
0x46: {  	[sflag:s0] =	ssyncadd.tile.s32 @!p0 $0x1;
	_ =	shalt  }
.Lfunc_end2:
_tile_overlayer_lowered:
.L_overlay_start_2:
0x47: {  	(tag) =	ssettag $0x2  }
0x48: {  	s0 =	rddreg [dreg:$0x0];
	s2 =	stileid.u32  }
0x49: {  	s1 =	rddreg [dreg:$0x1];
	p0 =	sne.s32 s2, $0x0  }
0x4a: {  	s3 =	rddreg [dreg:$0x2];
	[bflag:$0x3] =	sbarrier.arrive $0xFFFF;
	s2 =	simm.s32 @!p0 $0x1C01  }
0x4b: {  	[timem:s3], [sflag:s2] =	dma.local @!p0 [hbm:s0], s1  }
0x4c: {  	s0 =	simm.s32 @!p0 $0x1  }
0x4d: {  	_ =	swait.ge @!p0 [sflag:s0], s1  }
0x4e: {  	s1 =	ssub.s32 @!p0 $0x0, s1;
	[sflag:s0] =	ssyncset.done @!p0 $0x0  }
0x4f: {  	[sflag:s0] =	ssyncadd.s32 @!p0 s1  }
0x50: {  	[bflag:$0x3] =	sbarrier.arrive $0xFFFF  }
0x51: {  	_ =	shalt  }

// kernel: kernel.9.cloned.1.call-start
scs
__scs_entry_jumppad:
0x0: {  	(pc) =	sbr.rel $0x88, $3  }
0x1: {  	(tag) =	ssettag $0x0;
	lr =	simm.s32 $0x1  }
0x2: {  	[smem:$0x3F9D] =	sst lr;
	_ =	strace $0xD0000000  }
0x3: {  	_ = 	snop  }
0x4: {  	_ = 	snop  }
0x5: {  	_ = 	snop  }
0x6: {  	_ = 	snop  }
0x7: {  	_ = 	snop  }
__scs_overlays_trampoline_lowered:
0x8: {  	[smem:$0x3FAC] =	sst s0  }
0x9: {  	[smem:$0x3FAD] =	sst s1  }
0xa: {  	[smem:$0x3FAE] =	sst s2  }
0xb: {  	[smem:$0x3FAF] =	sst s3  }
0xc: {  	[smem:$0x3FB0] =	sst s4  }
0xd: {  	[smem:$0x3FB1] =	sst s5  }
0xe: {  	[smem:$0x3FB2] =	sst s6  }
0xf: {  	[smem:$0x3FB3] =	sst s7  }
0x10: {  	[smem:$0x3FB4] =	sst s8  }
0x11: {  	[smem:$0x3FB5] =	sst s9;
	s0 =	simm.s32 @!p0 $0x0  }
0x12: {  	s1 =	sld [smem:$0x3F9B];
	s0 =	simm.s32 @p0 $0x1  }
0x13: {  	[smem:$0x3FB6] =	sst s0;
	s0 =	simm.s32 @!p1 $0x0  }
0x14: {  	s2 =	sld [smem:$0x3F9A];
	s0 =	simm.s32 @p1 $0x1  }
0x15: {  	[smem:$0x3FB7] =	sst s0;
	s0 =	simm.s32 @!p2 $0x0  }
0x16: {  	s3 =	sld [smem:$0x3FDB];
	s0 =	simm.s32 @p2 $0x1  }
0x17: {  	s4 =	simm.s32 $0x1BF5;
	[smem:$0x3FB9] =	sst s0  }
0x18: {  	s0 =	sld [smem:$0x3F9C];
	_ =	swait.ge [sflag:s4], $0x0  }
0x19: {  	s7 =	sld [smem:$0x3F9D]  }
0x1a: {  	s8 =	sadd.s32 $0xFFFFE003, lr  }
0x1b: {  	s9 =	sadd.s32 $0xFFFFFEF7, lr;
	s5 =	simm.s32 $0xFFFFFFFF;
	p2 =	slt.u32 s8, $0xFFFFF086  }
0x1c: {  	p1 =	slt.u32 s9, $0xF7A;
	s5 =	simm.s32 @!p2 $0x0  }
0x1d: {  	s5 =	simm.s32 @p1 $0x1;
	p0 =	seq.s32 s7, s2  }
0x1e: {  	s7 =	smul.u32 @!p0 $0xF7A, s2;
	p2 =	seq.s32 @!p0 s5, $0x0  }
0x1f: {  	s9 =	smul.u32 $0xF7A, s1;
	s8 =	simm.s32 @!p0 $0x1BF5;
	p2 =	por !p2, p0  }
0x20: {  	[sflag:s8] =	ssyncset.s32 @!p0 $0xFFFFF086;
	s6 =	sadd.s32 @!p0 s3, s7;
	s7 =	simm.s32 @!p0 $0x108  }
0x21: {  	s3 =	sadd.s32 s3, s9;
	s6 =	sadd.s32 @!p0 $0x88, s6;
	s7 =	simm.s32 @p2 $0x1082  }
0x22: {  	[simem:s7], [sflag:s8] =	dma.local @!p0 [hbm:s6], $0xF7A  }
0x23: {  	s9 =	sor.u32 $0xD0000000, s2;
	s6 =	simm.s32 $0x108;
	_ =	swait.ge @!p0 [sflag:s8], $0x0  }
0x24: {  	s3 =	sadd.s32 $0x88, s3;
	s6 =	simm.s32 @!p1 $0x1082;
	[sflag:s4] =	ssyncset.s32 $0xFFFFF086  }
0x25: {  	[simem:s6], [sflag:s4] =	dma.local [hbm:s3], $0xF7A  }
0x26: {  	[smem:$0x3F9D] =	sst s1;
	(tag) =	ssettag s2;
	_ =	strace s9  }
0x27: {  	s1 =	sld [smem:$0x3FAD]  }
0x28: {  	s2 =	sld [smem:$0x3FAE]  }
0x29: {  	s4 =	sld [smem:$0x3FB0]  }
0x2a: {  	p0 =	seq.s32 s5, $0x0;
	s5 =	sld [smem:$0x3FB1]  }
0x2b: {  	s6 =	sld [smem:$0x3FB2]  }
0x2c: {  	s7 =	sld [smem:$0x3FB3]  }
0x2d: {  	s3 =	simm.s32 $0x108;
	s8 =	sld [smem:$0x3FB4]  }
0x2e: {  	s3 =	simm.s32 @!p0 $0x1082;
	s9 =	sld [smem:$0x3FB5]  }
0x2f: {  	lr =	sadd.s32 s0, s3;
	s0 =	sld [smem:$0x3FAC]  }
0x30: {  	s3 =	sld [smem:$0x3FAF]  }
0x31: {  	[smem:$0x3FB8] =	sst s10  }
0x32: {  	s10 =	sld [smem:$0x3FB6];
	_ =	sdelay $0x3  }
0x33: {  	p0 =	seq.s32 s10, $0x1;
	s10 =	sld [smem:$0x3FB8];
	_ =	sdelay $0x3  }
0x34: {  	[smem:$0x3FB8] =	sst s10  }
0x35: {  	s10 =	sld [smem:$0x3FB7];
	_ =	sdelay $0x3  }
0x36: {  	p1 =	seq.s32 s10, $0x1;
	s10 =	sld [smem:$0x3FB8];
	_ =	sdelay $0x3  }
0x37: {  	[smem:$0x3FB8] =	sst s10  }
0x38: {  	s10 =	sld [smem:$0x3FB9]  }
0x39: {  	_ = 	snop;
	(pc) =	sbr.ind lr, $3  }
0x3a: {  	_ = 	snop  }
0x3b: {  	_ = 	snop  }
0x3c: {  	p2 =	seq.s32 s10, $0x1;
	s10 =	sld [smem:$0x3FB8]  }
0x3d: {  	_ =	shalt  }
0x3e: {  	_ =	shalt  }
0x3f: {  	_ =	shalt  }
0x40: {  	_ =	shalt  }
0x41: {  	_ =	shalt  }
0x42: {  	_ =	shalt  }
0x43: {  	_ =	shalt  }
0x44: {  	_ =	shalt  }
0x45: {  	_ =	shalt  }
0x46: {  	_ =	shalt  }
0x47: {  	_ =	shalt  }
0x48: {  	_ =	shalt  }
0x49: {  	_ =	shalt  }
0x4a: {  	_ =	shalt  }
0x4b: {  	_ =	shalt  }
0x4c: {  	_ =	shalt  }
0x4d: {  	_ =	shalt  }
0x4e: {  	_ =	shalt  }
0x4f: {  	_ =	shalt  }
0x50: {  	_ =	shalt  }
0x51: {  	_ =	shalt  }
0x52: {  	_ =	shalt  }
0x53: {  	_ =	shalt  }
0x54: {  	_ =	shalt  }
0x55: {  	_ =	shalt  }
0x56: {  	_ =	shalt  }
0x57: {  	_ =	shalt  }
0x58: {  	_ =	shalt  }
0x59: {  	_ =	shalt  }
0x5a: {  	_ =	shalt  }
0x5b: {  	_ =	shalt  }
0x5c: {  	_ =	shalt  }
0x5d: {  	_ =	shalt  }
0x5e: {  	_ =	shalt  }
0x5f: {  	_ =	shalt  }
0x60: {  	_ =	shalt  }
0x61: {  	_ =	shalt  }
0x62: {  	_ =	shalt  }
0x63: {  	_ =	shalt  }
0x64: {  	_ =	shalt  }
0x65: {  	_ =	shalt  }
0x66: {  	_ =	shalt  }
0x67: {  	_ =	shalt  }
0x68: {  	_ =	shalt  }
0x69: {  	_ =	shalt  }
0x6a: {  	_ =	shalt  }
0x6b: {  	_ =	shalt  }
0x6c: {  	_ =	shalt  }
0x6d: {  	_ =	shalt  }
0x6e: {  	_ =	shalt  }
0x6f: {  	_ =	shalt  }
0x70: {  	_ =	shalt  }
0x71: {  	_ =	shalt  }
0x72: {  	_ =	shalt  }
0x73: {  	_ =	shalt  }
0x74: {  	_ =	shalt  }
0x75: {  	_ =	shalt  }
0x76: {  	_ =	shalt  }
0x77: {  	_ =	shalt  }
0x78: {  	_ =	shalt  }
0x79: {  	_ =	shalt  }
0x7a: {  	_ =	shalt  }
0x7b: {  	_ =	shalt  }
0x7c: {  	_ =	shalt  }
0x7d: {  	_ =	shalt  }
0x7e: {  	_ =	shalt  }
0x7f: {  	_ =	shalt  }
0x80: {  	_ =	shalt  }
0x81: {  	_ =	shalt  }
0x82: {  	_ =	shalt  }
0x83: {  	_ =	shalt  }
0x84: {  	_ =	shalt  }
0x85: {  	_ =	shalt  }
0x86: {  	_ =	shalt  }
0x87: {  	_ =	shalt  }
.Lfunc_end0:
.L_simem_size_0:
called_computation.1_lowered:
.L_overlay_start_0:
0x88: {  	s2 =	sld [smem:$0x3FD9]  }
0x89: {  	s3 =	sld [smem:$0x3FFE];
	_ =	sdelay $0x1  }
0x8a: {  	s1 =	srdreg.scid  }
0x8b: {  	s0 =	sand.u32 $0x1, s1  }
0x8c: {  	s17 =	sshll.u32 s0, $0xA;
	s2 =	sadd.s32 s3, s2  }
0x8d: {  	s2 =	sadd.s32 s2, s17  }
0x8e: {  	[smem:$0x3FC4] =	sst s2  }
0x8f: {  	_ = 	snop  }
0x90: {  	s2 =	sld [smem:$0x3FD0];
	(tm) =	ssettm $0x1  }
0x91: {  	s18 =	sld [smem:$0x3FFB];
	_ =	sdelay $0x3  }
0x92: {  	_ =	strace s18  }
0x93: {  	s3 =	sld [smem:$0x3FFC];
	_ =	sdelay $0x3  }
0x94: {  	_ =	strace s3  }
0x95: {  	s3 =	sld [smem:$0x3FFD];
	_ =	sdelay $0x3  }
0x96: {  	_ =	strace s3  }
0x97: {  	_ =	strace $0x8FFFFFFF  }
0x98: {  	s19 =	sld [smem:$0x3FDB];
	_ =	sdelay $0x1  }
0x99: {  	s4 =	simm.s32 $_scs_section_size  }
0x9a: {  	s5 =	simm.s32 $_size__tile_overlayer_lowered;
	s6 =	simm.s32 $_tile_overlayer_lowered  }
0x9b: {  	s22 =	simm.s32 $0x1BFF;
	s21 =	sshll.u32 s6, $0x1;
	s3 =	sadd.s32 s4, s19  }
0x9c: {  	s7 =	simm.s32 $0x0;
	s20 =	sshll.u32 s5, $0x1;
	s5 =	sadd.s32 s21, s3  }
0x9d: {  	[timem:s7], [sflag:s22] =	dma.local [hbm:s5], s20  }
0x9e: {  	_ =	swait.ge [sflag:s22], s20  }
0x9f: {  	s4 =	ssub.s32 $0x0, s20;
	[sflag:s22] =	ssyncset.done $0x0  }
0xa0: {  	[sflag:s22] =	ssyncadd.s32 s4;
	_ =	sdelay $0x1  }
0xa1: {  	s23 =	simm.s32 $0x1B8B  }
0xa2: {  	_ =	swait.ge [sflag:s23], $0x1  }
0xa3: {  	[sflag:s23] =	ssyncset.done $0x0  }
0xa4: {  	s25 =	simm.s32 $0x1B8E;
	s24 =	sld [smem:$0x3FFE];
	[sflag:s23] =	ssyncadd.s32 $0xFFFFFFFF  }
0xa5: {  	s26 =	simm.s32 $execute0_lowered;
	[smem:$0x3FD2] =	sst s25  }
0xa6: {  	s5 =	sshll.u32 s26, $0x1;
	_ =	strace $0x80000049;
	[dreg:$0x1] =	wrdreg $0xFFFFFFFF  }
0xa7: {  	s28 =	simm.s32 $_size_execute0_lowered;
	s3 =	sadd.s32 s3, s5;
	[dreg:$0x0] =	wrdreg $0x0  }
0xa8: {  	s5 =	sshll.u32 s28, $0x1;
	[dreg:$0x2] =	wrdreg s3  }
0xa9: {  	[dreg:$0x3] =	wrdreg s5  }
0xaa: {  	[dreg:$0x4] =	wrdreg $0xC0  }
0xab: {  	_ =	task [dreg:s7], $0x5FFFF  }
0xac: {  	[dreg:$0x1] =	wrdreg $0xFFFFFFFF  }
0xad: {  	[dreg:$0x0] =	wrdreg $0x60  }
0xae: {  	[dreg:$0x2] =	wrdreg s24  }
0xaf: {  	[dreg:$0x3] =	wrdreg s2  }
0xb0: {  	[dreg:$0x4] =	wrdreg $0x9  }
0xb1: {  	_ =	task.clear_ibuf [dreg:s7], $0x5FFFF;
	_ =	strace $0x90000049  }
0xb2: {  	s29 =	simm.s32 $0x9;
	_ =	strace $0x8000004B  }
0xb3: {  	_ =	swait.ge [sflag:s29], $0x1  }
0xb4: {  	[sflag:s29] =	ssyncadd.s32 $0xFFFFFFFF  }
0xb5: {  	_ =	strace $0x9000004B  }
0xb6: {  	_ =	sfence  }
0xb7: {  	s30 =	sld [smem:$0x0];
	_ =	sdelay $0x2  }
0xb8: {  	s31 =	sshll.u32 s1, $0xD;
	s1 =	sshrl.u32 s1, $0x2  }
0xb9: {  	s3 =	sand.u32 $0x4000, s31;
	s1 =	sadd.s32 s1, s30  }
0xba: {  	s0 =	sor.u32 s3, s0;
	s1 =	sshll.u32 s1, $0x11  }
0xbb: {  	s0 =	sor.u32 s1, s0  }
0xbc: {  	s0 =	sadd.s32 $0x8F2B, s0  }
0xbd: {  	[sflag:s0] =	ssyncadd.remote.s32 $0x1  }
0xbe: {  	_ =	sfence.sel $0xFFFF  }
0xbf: {  	[dreg:$0x0] =	wrdreg $0xFFFFFFFF;
	(pc) =	sbr.abs _section_cstart, $3  }
0xc0: {  	[dreg:$0x1] =	wrdreg $0xFFFFFFFF  }
0xc1: {  	_ =	task.clear_ibuf [dreg:s7], $0x2FFFF;
	_ =	strace $0x9FFFFFFF  }
0xc2: {  	(tm) =	ssettm $0x7FFFFFFF  }
0xc3: {  	_ =	shalt  }
tec
execute0_lowered:
.L_overlay_start_1:
0x0: {  	(tag) =	ssettag $0x1  }
0x1: {  	s1 =	srdreg.scid;
	s2 =	stileid.u32  }
0x2: {  	s1 =	sand.u32 $0x1, s1;
	s2 =	sshll.u32 s2, $0x1  }
0x3: {  	s2 =	sor.u32 s1, s2  }
0x4: {  	s5 =	smul.u32 $0x5000, s2  }
0x5: {  	s0 =	rddreg [dreg:$0x0]  }
0x6: {  	s6 =	sadd.s32 $0xB5000, s0;
	s5 =	sshrl.u32 s5, $0x3  }
0x7: {  	s3 =	simm.s32 $0x0;
	s8 =	sadd.s32 s6, s5  }
0x8: {  	s28 =	simm.s32 $0x16800;
	[smem:$0x7FF] =	sst s3;
	s15 =	sadd.s32 $0x8C000, s8  }
0x9: {  	_ =	strace $0x8000004A;
	s16 =	sadd.s32 $0x8C500, s8;
	[dreg:$0x3] =	wrdreg s15  }
0xa: {  	s29 =	simm.s32 $0xF000;
	s17 =	sadd.s32 $0x78000, s8;
	[dreg:$0x4] =	wrdreg s16  }
0xb: {  	s30 =	simm.s32 $0x11800;
	s18 =	sadd.s32 $0x78500, s8;
	[dreg:$0x5] =	wrdreg s17  }
0xc: {  	s31 =	simm.s32 $0x1;
	s19 =	sadd.s32 $0x64000, s8;
	[dreg:$0x6] =	wrdreg s18  }
0xd: {  	s4 =	sadd.s32 $0xB200, s0;
	s20 =	sadd.s32 $0x64500, s8;
	[dreg:$0x7] =	wrdreg s19  }
0xe: {  	s0 =	sadd.s32 $0x15000, s0;
	s21 =	sadd.s32 $0x50000, s8;
	[dreg:$0x8] =	wrdreg s20  }
0xf: {  	s1 =	ssub.s32 $0x2, s1;
	s22 =	sadd.s32 $0x50500, s8;
	[dreg:$0x9] =	wrdreg s21  }
0x10: {  	s7 =	sshrl.u32 s1, $0x1;
	s23 =	sadd.s32 $0x3C000, s8;
	[dreg:$0xa] =	wrdreg s22  }
0x11: {  	s2 =	smul.u32 $0xA00, s2;
	s24 =	sadd.s32 $0x3C500, s8;
	[dreg:$0xb] =	wrdreg s23  }
0x12: {  	s1 =	ssub.s32 s1, s7;
	s25 =	sadd.s32 $0x28000, s8;
	[dreg:$0xc] =	wrdreg s24  }
0x13: {  	s5 =	sadd.s32 $0x500, s5;
	s26 =	sadd.s32 $0x28500, s8;
	[dreg:$0xd] =	wrdreg s25  }
0x14: {  	[dreg:$0xe] =	wrdreg s26;
	s17 =	sadd.s32 $0x14000, s8;
	s18 =	sadd.s32 $0x14500, s8  }
0x15: {  	s19 =	sadd.s32 s6, s2;
	s20 =	sadd.s32 s6, s5;
	s21 =	sadd.s32 s0, s2  }
0x16: {  	s22 =	sadd.s32 s0, s5;
	s23 =	smax.u32 s1, $0x1;
	s25 =	simm.s32 $0x4  }
0x17: {  	s1 =	simm.s32 $0x1A680;
	s0 =	simm.s32 $0xA000;
	s2 =	simm.s32 $0x2  }
0x18: {  	v0 =	vimm.f32 $0.0e+00;
	s24 =	simm.s32 $0x3;
	s26 =	simm.s32 $0x5000;
	s5 =	simm.s32 $0x0  }
.LBB2_1:
0x19: {  	s7 =	simm.s32 $0x5020  }
0x1a: {  	[tilespmem:s7+$0xFFFFFFF0] =	vst v0  }
0x1b: {  	[tilespmem:s7+$0x0] =	vst v0  }
0x1c: {  	[tilespmem:s7+$0x10] =	vst v0  }
0x1d: {  	s6 =	simm.s32 $0xA020;
	[tilespmem:s7+$0xFFFFFFE0] =	vst v0  }
0x1e: {  	[tilespmem:s6+$0xFFFFFFF0] =	vst v0  }
0x1f: {  	[tilespmem:s6+$0x0] =	vst v0  }
0x20: {  	[tilespmem:s6+$0x10] =	vst v0  }
0x21: {  	s8 =	simm.s32 $0x5060;
	s7 =	simm.s32 $0x0;
	[tilespmem:s6+$0xFFFFFFE0] =	vst v0  }
.LBB2_2:
0x22: {  	[tilespmem:s8+$0xFFFFFFF0] =	vst v0;
	s6 =	sadd.s32 $0x40, s6  }
0x23: {  	s7 =	sadd.s32 $0x40, s7;
	[tilespmem:s6+$0xFFFFFFF0] =	vst v0  }
0x24: {  	p0 =	slt.u32 s7, $0x4FC0;
	[tilespmem:s8+$0x0] =	vst v0  }
.Ltmp0:
0x25: {  	[tilespmem:s6+$0x0] =	vst v0;
	(pc) =	sbr.rel @p0 .LBB2_2-.Ltmp0, $4  }
0x26: {  	[tilespmem:s8+$0x10] =	vst v0  }
0x27: {  	[tilespmem:s6+$0x10] =	vst v0  }
0x28: {  	[tilespmem:s8+$0xFFFFFFE0] =	vst v0  }
0x29: {  	s8 =	sadd.s32 $0x40, s8;
	[tilespmem:s6+$0xFFFFFFE0] =	vst v0  }
0x2a: {  	s6 =	simm.s32 $0x0;
	s7 =	rddreg [dreg:$0x1];
	s8 =	simm.s32 $0x14000  }
0x2b: {  	[tilespmem:s8], [sflag:$0x4] =	stream.linear.gather [hbm4b:s7+s6], $0x2800, $0x38;
	[tilespmem:$0x1E500] =	vst v63  }
0x2c: {  	_ =	swait.ge [sflag:s25], $0x2800  }
0x2d: {  	[sflag:s25] =	ssyncset.done $0x0  }
0x2e: {  	s12 =	rddreg [dreg:$0x3];
	[sflag:s25] =	ssyncadd.s32 $0xFFFFD800  }
0x2f: {  	[tilespmem:s6], [sflag:$0x4] =	stream.linear.gather [hbm4b:s12+s6], $0x2800, $0x38;
	[tilespmem:$0x1E500] =	vst v63  }
0x30: {  	_ =	swait.ge [sflag:s25], $0x2800  }
0x31: {  	[sflag:s25] =	ssyncset.done $0x0  }
0x32: {  	s14 =	simm.s32 $0x2800;
	s13 =	rddreg [dreg:$0x4];
	[sflag:s25] =	ssyncadd.s32 $0xFFFFD800  }
0x33: {  	[tilespmem:s14], [sflag:$0x4] =	stream.linear.gather [hbm4b:s13+s6], $0x2800, $0x38;
	[tilespmem:$0x1E500] =	vst v63  }
0x34: {  	_ =	swait.ge [sflag:s25], $0x2800  }
0x35: {  	[sflag:s25] =	ssyncset.done $0x0  }
0x36: {  	[sflag:s25] =	ssyncadd.s32 $0xFFFFD800  }
0x37: {  	[tilespmem:s28], [sflag:$0x1] =	stream.linear.gather [hbm4b:s4+s6], $0x3E80, $0x38;
	[tilespmem:$0x1E500] =	vst v63  }
0x38: {  	s15 =	rddreg [dreg:$0x5]  }
0x39: {  	[tilespmem:s29], [sflag:$0x3] =	stream.linear.gather [hbm4b:s15+s6], $0x2800, $0x38;
	[tilespmem:$0x1E500] =	vst v63  }
0x3a: {  	s16 =	rddreg [dreg:$0x6]  }
0x3b: {  	[tilespmem:s30], [sflag:$0x3] =	stream.linear.gather [hbm4b:s16+s6], $0x2800, $0x38;
	[tilespmem:$0x1E500] =	vst v63  }
.LBB2_4:
0x3c: {  	s7 =	smul.u32 $0x7D00, s6;
	_ =	sdelay $0x1  }
0x3d: {  	_ =	swait.ge [sflag:s31], $0x3E80;
	s7 =	sshrl.u32 s7, $0x3  }
0x3e: {  	[sflag:s31] =	ssyncset.done $0x0;
	s7 =	sadd.s32 s4, s7  }
0x3f: {  	[sflag:s31] =	ssyncadd.s32 $0xFFFFC180;
	s7 =	sadd.s32 $0x7D0, s7  }
0x40: {  	[tilespmem:s1], [sflag:$0x2] =	stream.linear.gather [hbm4b:s7+s3], $0x3E80, $0x38;
	[tilespmem:$0x1E500] =	vst v63  }
0x41: {  	s7 =	simm.s32 $0x16840  }
0x42: {  	v4 =	vld [tilespmem:s7+$0xFFFFFFC0]  }
0x43: {  	v5 =	vld [tilespmem:s7+$0x30]  }
0x44: {  	v6 =	vld [tilespmem:s7+$0x20]  }
0x45: {  	v7 =	vld [tilespmem:s7+$0x10]  }
0x46: {  	v8 =	vld [tilespmem:s7+$0x0]  }
0x47: {  	v1 =	vld [tilespmem:s7+$0xFFFFFFF0];
	v9 =	vshrl.u32 v4, $0xE  }
0x48: {  	v10 =	vshrl.u32 v5, $0xE  }
0x49: {  	v11 =	vshrl.u32 v6, $0xE  }
0x4a: {  	v12 =	vld [tilespmem:s7+$0xFFFFFFE0];
	v13 =	vshrl.u32 v7, $0xE  }
0x4b: {  	v2 =	vld [tilespmem:s7+$0xFFFFFFD0];
	v14 =	vshrl.u32 v8, $0xE  }
0x4c: {  	v17 =	vshrl.u32 v1, $0xE;
	v15 =	vld.idx.msk [tilespmem:v9+s3+$0x0], $0xffff  }
0x4d: {  	v19 =	vand.u32 $0x3FFF, v4;
	v16 =	vadd.s32 $0x2800, v9;
	v18 =	vld.idx.msk [tilespmem:v10+s3+$0x0], $0xffff  }
0x4e: {  	v22 =	vand.u32 $0x3FFF, v5;
	v4 =	vand.u32 $0x7F, v9;
	v9 =	vand.u32 $0x7FF80, v16;
	v16 =	vld.idx.msk [tilespmem:v11+s3+$0x0], $0xffff  }
0x4f: {  	v6 =	vand.u32 $0x3FFF, v6;
	v20 =	vld.idx.msk [tilespmem:v13+s3+$0x0], $0xffff;
	v9 =	vor.u32 v4, v9;
	v4 =	vadd.s32 $0x2800, v11  }
0x50: {  	v23 =	vld.idx.msk [tilespmem:v14+s3+$0x0], $0xffff;
	v11 =	vand.u32 $0x7F, v11;
	v5 =	vand.u32 $0x7FF80, v4  }
0x51: {  	v21 =	vadd.s32 $0x2800, v10;
	v4 =	vld.idx.msk [tilespmem:v17+s3+$0x0], $0xffff;
	v11 =	vor.u32 v11, v5  }
0x52: {  	v3 =	vshrl.u32 v12, $0xE;
	v21 =	vand.u32 $0x7FF80, v21;
	v5 =	vand.u32 $0x7F, v10;
	[tilespmem:v19+s0+$0x0] =	vst.idx.add.f32.msk $0xffff, v15  }
0x53: {  	v21 =	vor.u32 v5, v21;
	[tilespmem:v22+s0+$0x0] =	vst.idx.add.f32.msk $0xffff, v18  }
0x54: {  	v5 =	vadd.s32 $0x2800, v14;
	v14 =	vand.u32 $0x7F, v14;
	v15 =	vshrl.u32 v2, $0xE;
	[tilespmem:v6+s0+$0x0] =	vst.idx.add.f32.msk $0xffff, v16  }
0x55: {  	v19 =	vadd.s32 $0x2800, v19;
	v24 =	vld.idx.msk [tilespmem:v9+s3+$0x0], $0xffff;
	v9 =	vand.u32 $0x3FFF, v7;
	v7 =	vand.u32 $0x7FF80, v5  }
0x56: {  	v7 =	vor.u32 v14, v7;
	v14 =	vadd.s32 $0x2800, v6;
	v18 =	vld.idx.msk [tilespmem:v11+s3+$0x0], $0xffff  }
0x57: {  	v10 =	vld.idx.msk [tilespmem:v3+s3+$0x0], $0xffff  }
0x58: {  	v5 =	vand.u32 $0x3FFF, v8;
	v8 =	vadd.s32 $0x2800, v13;
	v16 =	vld.idx.msk [tilespmem:v21+s3+$0x0], $0xffff  }
0x59: {  	v13 =	vand.u32 $0x7F, v13;
	v8 =	vand.u32 $0x7FF80, v8;
	v6 =	vadd.s32 $0x2800, v17;
	v11 =	vld.idx.msk [tilespmem:v15+s3+$0x0], $0xffff  }
0x5a: {  	[tilespmem:v19+s0+$0x0] =	vst.idx.add.f32.msk $0xffff, v24;
	v19 =	vor.u32 v13, v8;
	v13 =	vand.u32 $0x7F, v17;
	v17 =	vadd.s32 $0x2800, v3  }
0x5b: {  	[tilespmem:v14+s0+$0x0] =	vst.idx.add.f32.msk $0xffff, v18;
	v14 =	vand.u32 $0x7FF80, v17;
	v17 =	vadd.s32 $0x2800, v22  }
0x5c: {  	v12 =	vand.u32 $0x3FFF, v12;
	[tilespmem:v9+s0+$0x0] =	vst.idx.add.f32.msk $0xffff, v20  }
0x5d: {  	[tilespmem:v5+s0+$0x0] =	vst.idx.add.f32.msk $0xffff, v23  }
0x5e: {  	v6 =	vand.u32 $0x7FF80, v6;
	v7 =	vld.idx.msk [tilespmem:v7+s3+$0x0], $0xffff  }
0x5f: {  	s8 =	simm.s32 $0x0;
	v8 =	vand.u32 $0x7F, v15;
	v6 =	vor.u32 v13, v6;
	v13 =	vadd.s32 $0x2800, v15;
	v15 =	vld.idx.msk [tilespmem:v19+s3+$0x0], $0xffff  }
.LBB2_5:
0x60: {  	s8 =	sadd.s32 $0x80, s8;
	[tilespmem:v17+s0+$0x0] =	vst.idx.add.f32.msk $0xffff, v16;
	s7 =	sadd.s32 $0x80, s7  }
0x61: {  	p0 =	slt.u32 s8, $0x3E00;
	[tilespmem:v12+s0+$0x0] =	vst.idx.add.f32.msk $0xffff, v10  }
0x62: {  	v16 =	vld [tilespmem:s7+$0xFFFFFFE0]  }
0x63: {  	v10 =	vld [tilespmem:s7+$0x30]  }
0x64: {  	v17 =	vand.u32 $0x3FFF, v1;
	v1 =	vld [tilespmem:s7+$0xFFFFFFF0]  }
0x65: {  	v3 =	vand.u32 $0x7F, v3;
	v18 =	vld [tilespmem:s7+$0x0]  }
0x66: {  	v2 =	vand.u32 $0x3FFF, v2;
	v13 =	vand.u32 $0x7FF80, v13;
	v3 =	vor.u32 v3, v14;
	v19 =	vld [tilespmem:s7+$0x10]  }
0x67: {  	v8 =	vor.u32 v8, v13;
	v14 =	vld [tilespmem:s7+$0x20]  }
0x68: {  	v13 =	vld [tilespmem:s7+$0xFFFFFFC0]  }
0x69: {  	[tilespmem:v17+s0+$0x0] =	vst.idx.add.f32.msk $0xffff, v4;
	v4 =	vadd.s32 $0x2800, v9  }
0x6a: {  	v6 =	vld.idx.msk [tilespmem:v6+s3+$0x0], $0xffff  }
0x6b: {  	v9 =	vadd.s32 $0x2800, v17;
	v3 =	vld.idx.msk [tilespmem:v3+s3+$0x0], $0xffff  }
0x6c: {  	[tilespmem:v2+s0+$0x0] =	vst.idx.add.f32.msk $0xffff, v11;
	v11 =	vadd.s32 $0x2800, v12  }
0x6d: {  	v5 =	vadd.s32 $0x2800, v5;
	v12 =	vadd.s32 $0x2800, v2;
	v8 =	vld.idx.msk [tilespmem:v8+s3+$0x0], $0xffff  }
0x6e: {  	[tilespmem:v4+s0+$0x0] =	vst.idx.add.f32.msk $0xffff, v15  }
0x6f: {  	v4 =	vshrl.u32 v13, $0xE;
	v15 =	vand.u32 $0x3FFF, v13;
	v2 =	vld [tilespmem:s7+$0xFFFFFFD0]  }
0x70: {  	v20 =	vshrl.u32 v10, $0xE;
	v13 =	vand.u32 $0x7F, v4;
	v17 =	vadd.s32 $0x2800, v4;
	[tilespmem:v9+s0+$0x0] =	vst.idx.add.f32.msk $0xffff, v6  }
0x71: {  	v6 =	vand.u32 $0x7FF80, v17;
	v9 =	vshrl.u32 v14, $0xE;
	v17 =	vadd.s32 $0x2800, v20;
	[tilespmem:v11+s0+$0x0] =	vst.idx.add.f32.msk $0xffff, v3  }
0x72: {  	v21 =	vshrl.u32 v19, $0xE;
	v3 =	vadd.s32 $0x2800, v9;
	v11 =	vand.u32 $0x7FF80, v17;
	[tilespmem:v5+s0+$0x0] =	vst.idx.add.f32.msk $0xffff, v7  }
0x73: {  	v5 =	vor.u32 v13, v6;
	v7 =	vshrl.u32 v18, $0xE;
	v13 =	vand.u32 $0x7FF80, v3;
	[tilespmem:v12+s0+$0x0] =	vst.idx.add.f32.msk $0xffff, v8  }
0x74: {  	v22 =	vand.u32 $0x3FFF, v10;
	v17 =	vand.u32 $0x3FFF, v14;
	v12 =	vld.idx.msk [tilespmem:v4+s3+$0x0], $0xffff;
	v4 =	vshrl.u32 v1, $0xE  }
0x75: {  	v3 =	vshrl.u32 v16, $0xE;
	v6 =	vand.u32 $0x7F, v4;
	v8 =	vadd.s32 $0x2800, v4;
	v23 =	vld.idx.msk [tilespmem:v20+s3+$0x0], $0xffff  }
0x76: {  	v14 =	vadd.s32 $0x2800, v3;
	v24 =	vshrl.u32 v2, $0xE;
	v10 =	vand.u32 $0x7FF80, v8;
	v25 =	vld.idx.msk [tilespmem:v9+s3+$0x0], $0xffff  }
0x77: {  	v8 =	vand.u32 $0x7F, v24;
	v9 =	vand.u32 $0x7F, v9;
	v6 =	vor.u32 v6, v10;
	v26 =	vld.idx.msk [tilespmem:v21+s3+$0x0], $0xffff  }
0x78: {  	v10 =	vadd.s32 $0x2800, v7;
	v28 =	vor.u32 v9, v13;
	v9 =	vand.u32 $0x7F, v20;
	v27 =	vld.idx.msk [tilespmem:v7+s3+$0x0], $0xffff  }
0x79: {  	v29 =	vadd.s32 $0x2800, v21;
	v20 =	vand.u32 $0x7FF80, v10;
	v11 =	vor.u32 v9, v11;
	v4 =	vld.idx.msk [tilespmem:v4+s3+$0x0], $0xffff  }
0x7a: {  	v29 =	vand.u32 $0x7FF80, v29;
	v14 =	vand.u32 $0x7FF80, v14;
	v13 =	vadd.s32 $0x2800, v24;
	v10 =	vld.idx.msk [tilespmem:v3+s3+$0x0], $0xffff  }
0x7b: {  	v7 =	vand.u32 $0x7F, v7;
	[tilespmem:v15+s0+$0x0] =	vst.idx.add.f32.msk $0xffff, v12;
	v12 =	vand.u32 $0x3FFF, v16  }
0x7c: {  	v7 =	vor.u32 v7, v20;
	v30 =	vld.idx.msk [tilespmem:v5+s3+$0x0], $0xffff  }
0x7d: {  	v15 =	vadd.s32 $0x2800, v15;
	[tilespmem:v22+s0+$0x0] =	vst.idx.add.f32.msk $0xffff, v23  }
0x7e: {  	v9 =	vand.u32 $0x3FFF, v19;
	[tilespmem:v17+s0+$0x0] =	vst.idx.add.f32.msk $0xffff, v25  }
0x7f: {  	v5 =	vand.u32 $0x3FFF, v18;
	v18 =	vld.idx.msk [tilespmem:v28+s3+$0x0], $0xffff  }
0x80: {  	v16 =	vld.idx.msk [tilespmem:v11+s3+$0x0], $0xffff  }
0x81: {  	v19 =	vand.u32 $0x7F, v21;
	v20 =	vadd.s32 $0x2800, v17;
	v11 =	vld.idx.msk [tilespmem:v24+s3+$0x0], $0xffff  }
0x82: {  	[tilespmem:v15+s0+$0x0] =	vst.idx.add.f32.msk $0xffff, v30;
	v15 =	vor.u32 v19, v29  }
.Ltmp1:
0x83: {  	v17 =	vadd.s32 $0x2800, v22;
	[tilespmem:v9+s0+$0x0] =	vst.idx.add.f32.msk $0xffff, v26;
	(pc) =	sbr.rel @p0 .LBB2_5-.Ltmp1, $4  }
0x84: {  	[tilespmem:v5+s0+$0x0] =	vst.idx.add.f32.msk $0xffff, v27  }
0x85: {  	v7 =	vld.idx.msk [tilespmem:v7+s3+$0x0], $0xffff  }
0x86: {  	[tilespmem:v20+s0+$0x0] =	vst.idx.add.f32.msk $0xffff, v18  }
0x87: {  	v15 =	vld.idx.msk [tilespmem:v15+s3+$0x0], $0xffff  }
0x88: {  	_ = 	snop  }
0x89: {  	v1 =	vand.u32 $0x3FFF, v1  }
0x8a: {  	v2 =	vand.u32 $0x3FFF, v2  }
0x8b: {  	v3 =	vand.u32 $0x7F, v3  }
0x8c: {  	[tilespmem:v17+s0+$0x0] =	vst.idx.add.f32.msk $0xffff, v16;
	v13 =	vand.u32 $0x7FF80, v13;
	v3 =	vor.u32 v3, v14  }
0x8d: {  	[tilespmem:v12+s0+$0x0] =	vst.idx.add.f32.msk $0xffff, v10;
	v8 =	vor.u32 v8, v13  }
0x8e: {  	v5 =	vadd.s32 $0x2800, v5;
	[tilespmem:v1+s0+$0x0] =	vst.idx.add.f32.msk $0xffff, v4  }
0x8f: {  	v4 =	vadd.s32 $0x2800, v9;
	[tilespmem:v2+s0+$0x0] =	vst.idx.add.f32.msk $0xffff, v11  }
0x90: {  	v1 =	vadd.s32 $0x2800, v1;
	v6 =	vld.idx.msk [tilespmem:v6+s3+$0x0], $0xffff  }
0x91: {  	v9 =	vadd.s32 $0x2800, v12;
	v3 =	vld.idx.msk [tilespmem:v3+s3+$0x0], $0xffff  }
0x92: {  	v2 =	vadd.s32 $0x2800, v2;
	v8 =	vld.idx.msk [tilespmem:v8+s3+$0x0], $0xffff  }
0x93: {  	[tilespmem:v5+s0+$0x0] =	vst.idx.add.f32.msk $0xffff, v7  }
0x94: {  	[tilespmem:v4+s0+$0x0] =	vst.idx.add.f32.msk $0xffff, v15  }
0x95: {  	s7 =	sshll.u32 s6, $0x1;
	[tilespmem:v1+s0+$0x0] =	vst.idx.add.f32.msk $0xffff, v6  }
0x96: {  	s7 =	sadd.s32 $0x2, s7;
	[tilespmem:v9+s0+$0x0] =	vst.idx.add.f32.msk $0xffff, v3  }
0x97: {  	s8 =	smul.u32 $0x7D0, s7;
	[tilespmem:v2+s0+$0x0] =	vst.idx.add.f32.msk $0xffff, v8  }
0x98: {  	p0 =	seq.s32 s7, $0x14;
	_ =	swait.ge [sflag:s2], $0x3E80  }
0x99: {  	s8 =	simm.s32 @p0 $0x0;
	[sflag:s2] =	ssyncset.done $0x0  }
0x9a: {  	s7 =	simm.s32 $0x1A6C0;
	s16 =	sadd.s32 s4, s8;
	[sflag:s2] =	ssyncadd.s32 $0xFFFFC180  }
0x9b: {  	[tilespmem:s28], [sflag:$0x1] =	stream.linear.gather [hbm4b:s16+s3], $0x3E80, $0x38;
	[tilespmem:$0x1E500] =	vst v63  }
0x9c: {  	v4 =	vld [tilespmem:s7+$0xFFFFFFC0]  }
0x9d: {  	v5 =	vld [tilespmem:s7+$0x30]  }
0x9e: {  	v6 =	vld [tilespmem:s7+$0x20]  }
0x9f: {  	v7 =	vld [tilespmem:s7+$0x10]  }
0xa0: {  	v8 =	vld [tilespmem:s7+$0x0]  }
0xa1: {  	v1 =	vld [tilespmem:s7+$0xFFFFFFF0];
	v9 =	vshrl.u32 v4, $0xE  }
0xa2: {  	v10 =	vshrl.u32 v5, $0xE  }
0xa3: {  	v11 =	vshrl.u32 v6, $0xE  }
0xa4: {  	v12 =	vld [tilespmem:s7+$0xFFFFFFE0];
	v13 =	vshrl.u32 v7, $0xE  }
0xa5: {  	v2 =	vld [tilespmem:s7+$0xFFFFFFD0];
	v14 =	vshrl.u32 v8, $0xE  }
0xa6: {  	v17 =	vshrl.u32 v1, $0xE;
	v15 =	vld.idx.msk [tilespmem:v9+s3+$0x0], $0xffff  }
0xa7: {  	v19 =	vand.u32 $0x3FFF, v4;
	v16 =	vadd.s32 $0x2800, v9;
	v18 =	vld.idx.msk [tilespmem:v10+s3+$0x0], $0xffff  }
0xa8: {  	v22 =	vand.u32 $0x3FFF, v5;
	v4 =	vand.u32 $0x7F, v9;
	v9 =	vand.u32 $0x7FF80, v16;
	v16 =	vld.idx.msk [tilespmem:v11+s3+$0x0], $0xffff  }
0xa9: {  	v6 =	vand.u32 $0x3FFF, v6;
	v20 =	vld.idx.msk [tilespmem:v13+s3+$0x0], $0xffff;
	v9 =	vor.u32 v4, v9;
	v4 =	vadd.s32 $0x2800, v11  }
0xaa: {  	v23 =	vld.idx.msk [tilespmem:v14+s3+$0x0], $0xffff;
	v11 =	vand.u32 $0x7F, v11;
	v5 =	vand.u32 $0x7FF80, v4  }
0xab: {  	v21 =	vadd.s32 $0x2800, v10;
	v4 =	vld.idx.msk [tilespmem:v17+s3+$0x0], $0xffff;
	v11 =	vor.u32 v11, v5  }
0xac: {  	v3 =	vshrl.u32 v12, $0xE;
	v21 =	vand.u32 $0x7FF80, v21;
	v5 =	vand.u32 $0x7F, v10;
	[tilespmem:v19+s0+$0x0] =	vst.idx.add.f32.msk $0xffff, v15  }
0xad: {  	v21 =	vor.u32 v5, v21;
	[tilespmem:v22+s0+$0x0] =	vst.idx.add.f32.msk $0xffff, v18  }
0xae: {  	v5 =	vadd.s32 $0x2800, v14;
	v14 =	vand.u32 $0x7F, v14;
	v15 =	vshrl.u32 v2, $0xE;
	[tilespmem:v6+s0+$0x0] =	vst.idx.add.f32.msk $0xffff, v16  }
0xaf: {  	v19 =	vadd.s32 $0x2800, v19;
	v24 =	vld.idx.msk [tilespmem:v9+s3+$0x0], $0xffff;
	v9 =	vand.u32 $0x3FFF, v7;
	v7 =	vand.u32 $0x7FF80, v5  }
0xb0: {  	v7 =	vor.u32 v14, v7;
	v14 =	vadd.s32 $0x2800, v6;
	v18 =	vld.idx.msk [tilespmem:v11+s3+$0x0], $0xffff  }
0xb1: {  	v10 =	vld.idx.msk [tilespmem:v3+s3+$0x0], $0xffff  }
0xb2: {  	v5 =	vand.u32 $0x3FFF, v8;
	v8 =	vadd.s32 $0x2800, v13;
	v16 =	vld.idx.msk [tilespmem:v21+s3+$0x0], $0xffff  }
0xb3: {  	v13 =	vand.u32 $0x7F, v13;
	v8 =	vand.u32 $0x7FF80, v8;
	v6 =	vadd.s32 $0x2800, v17;
	v11 =	vld.idx.msk [tilespmem:v15+s3+$0x0], $0xffff  }
0xb4: {  	[tilespmem:v19+s0+$0x0] =	vst.idx.add.f32.msk $0xffff, v24;
	v19 =	vor.u32 v13, v8;
	v13 =	vand.u32 $0x7F, v17;
	v17 =	vadd.s32 $0x2800, v3  }
0xb5: {  	[tilespmem:v14+s0+$0x0] =	vst.idx.add.f32.msk $0xffff, v18;
	v14 =	vand.u32 $0x7FF80, v17;
	v17 =	vadd.s32 $0x2800, v22  }
0xb6: {  	v12 =	vand.u32 $0x3FFF, v12;
	[tilespmem:v9+s0+$0x0] =	vst.idx.add.f32.msk $0xffff, v20  }
0xb7: {  	[tilespmem:v5+s0+$0x0] =	vst.idx.add.f32.msk $0xffff, v23  }
0xb8: {  	v6 =	vand.u32 $0x7FF80, v6;
	v7 =	vld.idx.msk [tilespmem:v7+s3+$0x0], $0xffff  }
0xb9: {  	s8 =	simm.s32 $0x0;
	v8 =	vand.u32 $0x7F, v15;
	v6 =	vor.u32 v13, v6;
	v13 =	vadd.s32 $0x2800, v15;
	v15 =	vld.idx.msk [tilespmem:v19+s3+$0x0], $0xffff  }
.LBB2_7:
0xba: {  	s8 =	sadd.s32 $0x80, s8;
	[tilespmem:v17+s0+$0x0] =	vst.idx.add.f32.msk $0xffff, v16;
	s7 =	sadd.s32 $0x80, s7  }
0xbb: {  	p0 =	slt.u32 s8, $0x3E00;
	[tilespmem:v12+s0+$0x0] =	vst.idx.add.f32.msk $0xffff, v10  }
0xbc: {  	v16 =	vld [tilespmem:s7+$0xFFFFFFE0]  }
0xbd: {  	v10 =	vld [tilespmem:s7+$0x30]  }
0xbe: {  	v17 =	vand.u32 $0x3FFF, v1;
	v1 =	vld [tilespmem:s7+$0xFFFFFFF0]  }
0xbf: {  	v3 =	vand.u32 $0x7F, v3;
	v18 =	vld [tilespmem:s7+$0x0]  }
0xc0: {  	v2 =	vand.u32 $0x3FFF, v2;
	v13 =	vand.u32 $0x7FF80, v13;
	v3 =	vor.u32 v3, v14;
	v19 =	vld [tilespmem:s7+$0x10]  }
0xc1: {  	v8 =	vor.u32 v8, v13;
	v14 =	vld [tilespmem:s7+$0x20]  }
0xc2: {  	v13 =	vld [tilespmem:s7+$0xFFFFFFC0]  }
0xc3: {  	[tilespmem:v17+s0+$0x0] =	vst.idx.add.f32.msk $0xffff, v4;
	v4 =	vadd.s32 $0x2800, v9  }
0xc4: {  	v6 =	vld.idx.msk [tilespmem:v6+s3+$0x0], $0xffff  }
0xc5: {  	v9 =	vadd.s32 $0x2800, v17;
	v3 =	vld.idx.msk [tilespmem:v3+s3+$0x0], $0xffff  }
0xc6: {  	[tilespmem:v2+s0+$0x0] =	vst.idx.add.f32.msk $0xffff, v11;
	v11 =	vadd.s32 $0x2800, v12  }
0xc7: {  	v5 =	vadd.s32 $0x2800, v5;
	v12 =	vadd.s32 $0x2800, v2;
	v8 =	vld.idx.msk [tilespmem:v8+s3+$0x0], $0xffff  }
0xc8: {  	[tilespmem:v4+s0+$0x0] =	vst.idx.add.f32.msk $0xffff, v15  }
0xc9: {  	v4 =	vshrl.u32 v13, $0xE;
	v15 =	vand.u32 $0x3FFF, v13;
	v2 =	vld [tilespmem:s7+$0xFFFFFFD0]  }
0xca: {  	v20 =	vshrl.u32 v10, $0xE;
	v13 =	vand.u32 $0x7F, v4;
	v17 =	vadd.s32 $0x2800, v4;
	[tilespmem:v9+s0+$0x0] =	vst.idx.add.f32.msk $0xffff, v6  }
0xcb: {  	v6 =	vand.u32 $0x7FF80, v17;
	v9 =	vshrl.u32 v14, $0xE;
	v17 =	vadd.s32 $0x2800, v20;
	[tilespmem:v11+s0+$0x0] =	vst.idx.add.f32.msk $0xffff, v3  }
0xcc: {  	v21 =	vshrl.u32 v19, $0xE;
	v3 =	vadd.s32 $0x2800, v9;
	v11 =	vand.u32 $0x7FF80, v17;
	[tilespmem:v5+s0+$0x0] =	vst.idx.add.f32.msk $0xffff, v7  }
0xcd: {  	v5 =	vor.u32 v13, v6;
	v7 =	vshrl.u32 v18, $0xE;
	v13 =	vand.u32 $0x7FF80, v3;
	[tilespmem:v12+s0+$0x0] =	vst.idx.add.f32.msk $0xffff, v8  }
0xce: {  	v22 =	vand.u32 $0x3FFF, v10;
	v17 =	vand.u32 $0x3FFF, v14;
	v12 =	vld.idx.msk [tilespmem:v4+s3+$0x0], $0xffff;
	v4 =	vshrl.u32 v1, $0xE  }
0xcf: {  	v3 =	vshrl.u32 v16, $0xE;
	v6 =	vand.u32 $0x7F, v4;
	v8 =	vadd.s32 $0x2800, v4;
	v23 =	vld.idx.msk [tilespmem:v20+s3+$0x0], $0xffff  }
0xd0: {  	v14 =	vadd.s32 $0x2800, v3;
	v24 =	vshrl.u32 v2, $0xE;
	v10 =	vand.u32 $0x7FF80, v8;
	v25 =	vld.idx.msk [tilespmem:v9+s3+$0x0], $0xffff  }
0xd1: {  	v8 =	vand.u32 $0x7F, v24;
	v9 =	vand.u32 $0x7F, v9;
	v6 =	vor.u32 v6, v10;
	v26 =	vld.idx.msk [tilespmem:v21+s3+$0x0], $0xffff  }
0xd2: {  	v10 =	vadd.s32 $0x2800, v7;
	v28 =	vor.u32 v9, v13;
	v9 =	vand.u32 $0x7F, v20;
	v27 =	vld.idx.msk [tilespmem:v7+s3+$0x0], $0xffff  }
0xd3: {  	v29 =	vadd.s32 $0x2800, v21;
	v20 =	vand.u32 $0x7FF80, v10;
	v11 =	vor.u32 v9, v11;
	v4 =	vld.idx.msk [tilespmem:v4+s3+$0x0], $0xffff  }
0xd4: {  	v29 =	vand.u32 $0x7FF80, v29;
	v14 =	vand.u32 $0x7FF80, v14;
	v13 =	vadd.s32 $0x2800, v24;
	v10 =	vld.idx.msk [tilespmem:v3+s3+$0x0], $0xffff  }
0xd5: {  	v7 =	vand.u32 $0x7F, v7;
	[tilespmem:v15+s0+$0x0] =	vst.idx.add.f32.msk $0xffff, v12;
	v12 =	vand.u32 $0x3FFF, v16  }
0xd6: {  	v7 =	vor.u32 v7, v20;
	v30 =	vld.idx.msk [tilespmem:v5+s3+$0x0], $0xffff  }
0xd7: {  	v15 =	vadd.s32 $0x2800, v15;
	[tilespmem:v22+s0+$0x0] =	vst.idx.add.f32.msk $0xffff, v23  }
0xd8: {  	v9 =	vand.u32 $0x3FFF, v19;
	[tilespmem:v17+s0+$0x0] =	vst.idx.add.f32.msk $0xffff, v25  }
0xd9: {  	v5 =	vand.u32 $0x3FFF, v18;
	v18 =	vld.idx.msk [tilespmem:v28+s3+$0x0], $0xffff  }
0xda: {  	v16 =	vld.idx.msk [tilespmem:v11+s3+$0x0], $0xffff  }
0xdb: {  	v19 =	vand.u32 $0x7F, v21;
	v20 =	vadd.s32 $0x2800, v17;
	v11 =	vld.idx.msk [tilespmem:v24+s3+$0x0], $0xffff  }
0xdc: {  	[tilespmem:v15+s0+$0x0] =	vst.idx.add.f32.msk $0xffff, v30;
	v15 =	vor.u32 v19, v29  }
.Ltmp2:
0xdd: {  	v17 =	vadd.s32 $0x2800, v22;
	[tilespmem:v9+s0+$0x0] =	vst.idx.add.f32.msk $0xffff, v26;
	(pc) =	sbr.rel @p0 .LBB2_7-.Ltmp2, $4  }
0xde: {  	[tilespmem:v5+s0+$0x0] =	vst.idx.add.f32.msk $0xffff, v27  }
0xdf: {  	v7 =	vld.idx.msk [tilespmem:v7+s3+$0x0], $0xffff  }
0xe0: {  	[tilespmem:v20+s0+$0x0] =	vst.idx.add.f32.msk $0xffff, v18  }
0xe1: {  	v15 =	vld.idx.msk [tilespmem:v15+s3+$0x0], $0xffff  }
0xe2: {  	_ = 	snop  }
0xe3: {  	v1 =	vand.u32 $0x3FFF, v1  }
0xe4: {  	v2 =	vand.u32 $0x3FFF, v2  }
0xe5: {  	v3 =	vand.u32 $0x7F, v3  }
0xe6: {  	[tilespmem:v17+s0+$0x0] =	vst.idx.add.f32.msk $0xffff, v16;
	v13 =	vand.u32 $0x7FF80, v13;
	v3 =	vor.u32 v3, v14  }
0xe7: {  	[tilespmem:v12+s0+$0x0] =	vst.idx.add.f32.msk $0xffff, v10;
	v8 =	vor.u32 v8, v13  }
0xe8: {  	v62 =	vadd.s32 $0x2800, v9;
	[tilespmem:v1+s0+$0x0] =	vst.idx.add.f32.msk $0xffff, v4  }
0xe9: {  	v5 =	vadd.s32 $0x2800, v5;
	[tilespmem:v2+s0+$0x0] =	vst.idx.add.f32.msk $0xffff, v11  }
0xea: {  	v1 =	vadd.s32 $0x2800, v1;
	v6 =	vld.idx.msk [tilespmem:v6+s3+$0x0], $0xffff  }
0xeb: {  	v63 =	vadd.s32 $0x2800, v12;
	s6 =	sadd.s32 $0x1, s6;
	v3 =	vld.idx.msk [tilespmem:v3+s3+$0x0], $0xffff  }
0xec: {  	p0 =	sne.s32 s6, $0xA;
	v2 =	vadd.s32 $0x2800, v2;
	v8 =	vld.idx.msk [tilespmem:v8+s3+$0x0], $0xffff  }
.Ltmp3:
0xed: {  	[tilespmem:v62+s0+$0x0] =	vst.idx.add.f32.msk $0xffff, v15;
	(pc) =	sbr.rel @p0 .LBB2_4-.Ltmp3, $4  }
0xee: {  	[tilespmem:v5+s0+$0x0] =	vst.idx.add.f32.msk $0xffff, v7  }
0xef: {  	[tilespmem:v1+s0+$0x0] =	vst.idx.add.f32.msk $0xffff, v6  }
0xf0: {  	[tilespmem:v63+s0+$0x0] =	vst.idx.add.f32.msk $0xffff, v3  }
0xf1: {  	[tilespmem:v2+s0+$0x0] =	vst.idx.add.f32.msk $0xffff, v8  }
0xf2: {  	_ =	swait.ge [sflag:s24], $0x2800  }
0xf3: {  	[sflag:s24] =	ssyncset.done $0x0  }
0xf4: {  	[sflag:s24] =	ssyncadd.s32 $0xFFFFD800  }
0xf5: {  	_ =	swait.ge [sflag:s24], $0x2800  }
0xf6: {  	[sflag:s24] =	ssyncset.done $0x0  }
0xf7: {  	s8 =	simm.s32 $0x14020;
	[sflag:s24] =	ssyncadd.s32 $0xFFFFD800  }
0xf8: {  	v1 =	vld [tilespmem:s8+$0x10]  }
0xf9: {  	s6 =	simm.s32 $0xA000;
	v2 =	vld [tilespmem:s8+$0xFFFFFFE0]  }
0xfa: {  	v3 =	vld [tilespmem:s6+$0x30]  }
0xfb: {  	s11 =	simm.s32 $0xF000;
	v4 =	vld [tilespmem:s8+$0xFFFFFFF0]  }
0xfc: {  	v5 =	vld [tilespmem:s11+$0x30]  }
0xfd: {  	s7 =	simm.s32 $0x5000;
	v6 =	vld [tilespmem:s8+$0x0]  }
0xfe: {  	v7 =	vld [tilespmem:s7+$0x30]  }
0xff: {  	v8 =	vld [tilespmem:s6+$0x0]  }
0x100: {  	v9 =	vld [tilespmem:s6+$0x10]  }
0x101: {  	v10 =	vld [tilespmem:s11+$0x0]  }
0x102: {  	v12 =	vld [tilespmem:s6+$0x20];
	v1 =	vadd.f32 v1, v1  }
0x103: {  	s9 =	simm.s32 $0xA040;
	v13 =	vld [tilespmem:s11+$0x20]  }
0x104: {  	s13 =	simm.s32 $0x14060;
	v15 =	vld [tilespmem:s9+$0x30];
	v3 =	vmul.f32 v3, v1  }
0x105: {  	v16 =	vld [tilespmem:s13+$0xFFFFFFE0]  }
0x106: {  	v11 =	vadd.f32 v2, v2;
	v2 =	vsub.f32 v5, v3;
	v3 =	vld [tilespmem:s11+$0x10]  }
0x107: {  	s10 =	simm.s32 $0xF040;
	v4 =	vadd.f32 v4, v4;
	v5 =	vld [tilespmem:s7+$0x0]  }
0x108: {  	v17 =	vld [tilespmem:s10+$0x30];
	v2 =	vsub.f32 v2, v7;
	v7 =	vmul.f32 v8, v11  }
0x109: {  	v9 =	vmul.f32 v9, v4;
	v8 =	vld [tilespmem:s7+$0x10]  }
0x10a: {  	v18 =	vld [tilespmem:s13+$0xFFFFFFF0];
	v6 =	vadd.f32 v6, v6;
	[tilespmem:s7+$0x30] =	vst v2;
	v2 =	vsub.f32 v10, v7  }
0x10b: {  	v3 =	vsub.f32 v3, v9;
	v9 =	vld [tilespmem:s7+$0x20]  }
0x10c: {  	v20 =	vld [tilespmem:s13+$0x0];
	v2 =	vsub.f32 v2, v5;
	v5 =	vmul.f32 v12, v6  }
0x10d: {  	v21 =	vld [tilespmem:s9+$0x10]  }
0x10e: {  	v56 =	vld [tilespmem:s9+$0x20];
	[tilespmem:s7+$0x0] =	vst v2;
	v2 =	vsub.f32 v3, v8;
	v5 =	vsub.f32 v13, v5  }
0x10f: {  	s8 =	simm.s32 $0x5040;
	v22 =	vld [tilespmem:s10+$0x10]  }
0x110: {  	v57 =	vld [tilespmem:s8+$0x0];
	[tilespmem:s7+$0x10] =	vst v2;
	v2 =	vsub.f32 v5, v9  }
0x111: {  	v7 =	vld [tilespmem:s6+$0x2830]  }
0x112: {  	[tilespmem:s7+$0x20] =	vst v2;
	v2 =	vld [tilespmem:s13+$0x10]  }
0x113: {  	v60 =	vld [tilespmem:s8+$0x20];
	[tilespmem:s6+$0x30] =	vst v0  }
0x114: {  	s16 =	simm.s32 $0x0;
	v3 =	vld [tilespmem:s11+$0x2830]  }
0x115: {  	s12 =	sand.u32 $0x3FC0, s16;
	v8 =	vld [tilespmem:s7+$0x2830];
	[tilespmem:s6+$0x0] =	vst v0  }
0x116: {  	v10 =	vld [tilespmem:s12+$0xC800]  }
0x117: {  	v1 =	vmul.f32 v7, v1;
	v7 =	vld [tilespmem:s9+$0x0];
	v19 =	vadd.f32 v2, v2  }
0x118: {  	v2 =	vld [tilespmem:s8+$0x30]  }
0x119: {  	v9 =	vld [tilespmem:s12+$0x11800];
	v15 =	vmul.f32 v15, v19  }
0x11a: {  	v1 =	vsub.f32 v3, v1;
	v3 =	vld [tilespmem:s10+$0x0]  }
0x11b: {  	v16 =	vadd.f32 v16, v16;
	v14 =	vld [tilespmem:s12+$0x7800];
	v15 =	vsub.f32 v17, v15  }
0x11c: {  	[tilespmem:s6+$0x10] =	vst v0;
	v5 =	vld [tilespmem:s6+$0x2810];
	v8 =	vsub.f32 v1, v8  }
0x11d: {  	v55 =	vld [tilespmem:s11+$0x2810];
	v7 =	vmul.f32 v7, v16;
	v2 =	vsub.f32 v15, v2  }
0x11e: {  	[tilespmem:s7+$0x2830] =	vst v8;
	v8 =	vld [tilespmem:s10+$0x20]  }
0x11f: {  	v1 =	vadd.f32 v18, v18;
	v10 =	vmul.f32 v10, v11;
	v3 =	vsub.f32 v3, v7;
	v7 =	vld [tilespmem:s8+$0x10];
	[tilespmem:s8+$0x30] =	vst v2  }
0x120: {  	[tilespmem:s12+$0xC800] =	vst v0;
	v58 =	vld [tilespmem:s9+$0x2830]  }
0x121: {  	v61 =	vld [tilespmem:s7+$0x2810];
	v21 =	vmul.f32 v21, v1;
	v9 =	vsub.f32 v9, v10;
	v2 =	vadd.f32 v20, v20;
	[tilespmem:s9+$0x30] =	vst v0  }
0x122: {  	[tilespmem:s6+$0x20] =	vst v0;
	v3 =	vsub.f32 v3, v57;
	v59 =	vld [tilespmem:s10+$0x2830]  }
0x123: {  	v54 =	vld [tilespmem:s6+$0x2820];
	[tilespmem:s6+$0x2830] =	vst v0;
	v11 =	vsub.f32 v22, v21;
	v9 =	vsub.f32 v9, v14;
	v17 =	vmul.f32 v56, v2  }
0x124: {  	[tilespmem:s8+$0x0] =	vst v3;
	v3 =	vld [tilespmem:s8+$0x2830]  }
0x125: {  	[tilespmem:s12+$0x7800] =	vst v9;
	v7 =	vsub.f32 v11, v7;
	v11 =	vld [tilespmem:s11+$0x2820];
	s11 =	simm.s32 $0x40;
	v8 =	vsub.f32 v8, v17;
	v10 =	vmul.f32 v58, v19  }
0x126: {  	v62 =	vld [tilespmem:s7+$0x2820];
	[tilespmem:s9+$0x0] =	vst v0;
	s15 =	sand.u32 $0x3FC0, s11  }
0x127: {  	v5 =	vmul.f32 v5, v4;
	[tilespmem:s8+$0x10] =	vst v7;
	v63 =	vld [tilespmem:s15+$0xC800];
	v8 =	vsub.f32 v8, v60;
	v10 =	vsub.f32 v59, v10  }
0x128: {  	v6 =	vmul.f32 v54, v6;
	[tilespmem:s9+$0x10] =	vst v0;
	v7 =	vld [tilespmem:s9+$0x2810]  }
0x129: {  	v4 =	vld [tilespmem:s15+$0x11800];
	[tilespmem:s8+$0x20] =	vst v8;
	v8 =	vsub.f32 v55, v5;
	v3 =	vsub.f32 v10, v3  }
0x12a: {  	v6 =	vsub.f32 v11, v6;
	v5 =	vld [tilespmem:s9+$0x2820];
	[tilespmem:s9+$0x20] =	vst v0  }
0x12b: {  	v9 =	vsub.f32 v8, v61;
	[tilespmem:s8+$0x2830] =	vst v3;
	v3 =	vld [tilespmem:s10+$0x2810]  }
0x12c: {  	s14 =	simm.s32 $0xF040;
	s13 =	simm.s32 $0x140A0;
	s12 =	simm.s32 $0xA040;
	v8 =	vsub.f32 v6, v62;
	v10 =	vmul.f32 v63, v16;
	v6 =	vld [tilespmem:s15+$0x7800];
	[tilespmem:s9+$0x2830] =	vst v0  }
.LBB2_10:
0x12d: {  	v11 =	vld [tilespmem:s13+$0x10];
	v1 =	vmul.f32 v7, v1;
	[tilespmem:s7+$0x2810] =	vst v9  }
0x12e: {  	s9 =	sadd.s32 $0x40, s9;
	v7 =	vld [tilespmem:s13+$0xFFFFFFE0];
	v4 =	vsub.f32 v4, v10;
	[tilespmem:s6+$0x2810] =	vst v0  }
0x12f: {  	v9 =	vld [tilespmem:s9+$0x30];
	v5 =	vmul.f32 v5, v2;
	[tilespmem:s7+$0x2820] =	vst v8;
	s7 =	smov.u32 s8  }
0x130: {  	s10 =	sadd.s32 $0x40, s10;
	v2 =	vld [tilespmem:s13+$0xFFFFFFF0];
	v3 =	vsub.f32 v3, v1;
	[tilespmem:s6+$0x2820] =	vst v0;
	s6 =	smov.u32 s12;
	s12 =	smov.u32 s9  }
0x131: {  	v8 =	vld [tilespmem:s10+$0x30];
	v1 =	vsub.f32 v4, v6;
	[tilespmem:s15+$0xC800] =	vst v0  }
0x132: {  	s8 =	sadd.s32 $0x40, s8;
	v4 =	vld [tilespmem:s13+$0x0];
	v6 =	vadd.f32 v11, v11  }
0x133: {  	v10 =	vadd.f32 v7, v7;
	v7 =	vld [tilespmem:s8+$0x30];
	[tilespmem:s15+$0x7800] =	vst v1  }
0x134: {  	v11 =	vld [tilespmem:s9+$0x0];
	v9 =	vmul.f32 v9, v6  }
0x135: {  	v1 =	vadd.f32 v2, v2;
	v12 =	vld [tilespmem:s9+$0x10]  }
0x136: {  	v13 =	vld [tilespmem:s9+$0x20];
	v8 =	vsub.f32 v8, v9  }
0x137: {  	v9 =	vld [tilespmem:s10+$0x0];
	v2 =	vadd.f32 v4, v4  }
0x138: {  	v4 =	vld [tilespmem:s10+$0x10];
	v7 =	vsub.f32 v8, v7  }
0x139: {  	v8 =	vmul.f32 v11, v10;
	v11 =	vld [tilespmem:s10+$0x20]  }
0x13a: {  	v14 =	vld [tilespmem:s8+$0x0];
	v12 =	vmul.f32 v12, v1;
	[tilespmem:s8+$0x30] =	vst v7  }
0x13b: {  	v7 =	vmul.f32 v13, v2;
	v13 =	vld [tilespmem:s9+$0x2830]  }
0x13c: {  	v8 =	vsub.f32 v9, v8;
	v9 =	vld [tilespmem:s8+$0x10];
	[tilespmem:s9+$0x30] =	vst v0  }
0x13d: {  	v4 =	vsub.f32 v4, v12;
	v12 =	vld [tilespmem:s10+$0x2830]  }
0x13e: {  	v7 =	vsub.f32 v11, v7;
	v11 =	vld [tilespmem:s8+$0x20]  }
0x13f: {  	v8 =	vsub.f32 v8, v14;
	v14 =	vld [tilespmem:s8+$0x2830]  }
0x140: {  	v6 =	vmul.f32 v13, v6;
	v13 =	vld [tilespmem:s14+$0x2820];
	s14 =	smov.u32 s10  }
0x141: {  	s11 =	sadd.s32 $0x40, s11;
	[tilespmem:s8+$0x0] =	vst v8;
	v4 =	vsub.f32 v4, v9;
	v8 =	vld [tilespmem:s7+$0x2810]  }
0x142: {  	p0 =	slt.u32 s11, $0x27C0;
	s15 =	sand.u32 $0x3FC0, s11;
	[tilespmem:s9+$0x0] =	vst v0;
	v6 =	vsub.f32 v12, v6;
	v12 =	vld [tilespmem:s7+$0x2820]  }
0x143: {  	v15 =	vld [tilespmem:s15+$0xC800];
	[tilespmem:s8+$0x10] =	vst v4;
	v9 =	vsub.f32 v7, v11  }
.Ltmp4:
0x144: {  	[tilespmem:s9+$0x10] =	vst v0;
	v7 =	vld [tilespmem:s9+$0x2810];
	v6 =	vsub.f32 v6, v14;
	(pc) =	sbr.rel @p0 .LBB2_10-.Ltmp4, $4  }
0x145: {  	v4 =	vld [tilespmem:s15+$0x11800];
	[tilespmem:s8+$0x20] =	vst v9;
	v11 =	vsub.f32 v13, v5  }
0x146: {  	v5 =	vld [tilespmem:s9+$0x2820];
	[tilespmem:s8+$0x2830] =	vst v6;
	v9 =	vsub.f32 v3, v8  }
0x147: {  	v3 =	vld [tilespmem:s10+$0x2810];
	[tilespmem:s9+$0x2830] =	vst v0;
	v8 =	vsub.f32 v11, v12  }
0x148: {  	s13 =	sadd.s32 $0x40, s13;
	v10 =	vmul.f32 v15, v10;
	v6 =	vld [tilespmem:s15+$0x7800];
	[tilespmem:s9+$0x20] =	vst v0  }
0x149: {  	v11 =	vld [tilespmem:s14+$0x2820]  }
0x14a: {  	v12 =	vld [tilespmem:s8+$0x2810]  }
0x14b: {  	v1 =	vmul.f32 v7, v1;
	[tilespmem:s7+$0x2810] =	vst v9  }
0x14c: {  	v63 =	vld [tilespmem:s8+$0x2820];
	[tilespmem:s7+$0x2820] =	vst v8;
	v4 =	vsub.f32 v4, v10  }
0x14d: {  	[tilespmem:s15+$0xC800] =	vst v0;
	v2 =	vmul.f32 v5, v2;
	v1 =	vsub.f32 v3, v1  }
0x14e: {  	[tilespmem:s6+$0x2810] =	vst v0;
	v3 =	vsub.f32 v4, v6  }
0x14f: {  	[tilespmem:s6+$0x2820] =	vst v0;
	v2 =	vsub.f32 v11, v2;
	v1 =	vsub.f32 v1, v12  }
0x150: {  	[tilespmem:s15+$0x7800] =	vst v3  }
0x151: {  	v2 =	vsub.f32 v2, v63;
	[tilespmem:s8+$0x2810] =	vst v1  }
0x152: {  	[tilespmem:s12+$0x2810] =	vst v0  }
0x153: {  	[tilespmem:s8+$0x2820] =	vst v2  }
0x154: {  	[tilespmem:s12+$0x2820] =	vst v0  }
0x155: {  	s6 =	simm.s32 $0x0;
	s7 =	rddreg [dreg:$0x7]  }
0x156: {  	[tilespmem:s29], [sflag:$0x3] =	stream.linear.gather [hbm4b:s7+s6], $0x2800, $0x38;
	[tilespmem:$0x1E500] =	vst v63  }
0x157: {  	s16 =	rddreg [dreg:$0x8]  }
0x158: {  	[tilespmem:s30], [sflag:$0x3] =	stream.linear.gather [hbm4b:s16+s6], $0x2800, $0x38;
	[tilespmem:$0x1E500] =	vst v63  }
.LBB2_12:
0x159: {  	s7 =	smul.u32 $0x7D00, s6;
	_ =	sdelay $0x1  }
0x15a: {  	_ =	swait.ge [sflag:s31], $0x3E80;
	s7 =	sshrl.u32 s7, $0x3  }
0x15b: {  	[sflag:s31] =	ssyncset.done $0x0;
	s7 =	sadd.s32 s4, s7  }
0x15c: {  	[sflag:s31] =	ssyncadd.s32 $0xFFFFC180;
	s7 =	sadd.s32 $0x7D0, s7  }
0x15d: {  	[tilespmem:s1], [sflag:$0x2] =	stream.linear.gather [hbm4b:s7+s3], $0x3E80, $0x38;
	[tilespmem:$0x1E500] =	vst v63  }
0x15e: {  	s7 =	simm.s32 $0x16840  }
0x15f: {  	v4 =	vld [tilespmem:s7+$0xFFFFFFC0]  }
0x160: {  	v5 =	vld [tilespmem:s7+$0x30]  }
0x161: {  	v6 =	vld [tilespmem:s7+$0x20]  }
0x162: {  	v7 =	vld [tilespmem:s7+$0x10]  }
0x163: {  	v8 =	vld [tilespmem:s7+$0x0]  }
0x164: {  	v1 =	vld [tilespmem:s7+$0xFFFFFFF0];
	v9 =	vshrl.u32 v4, $0xE  }
0x165: {  	v10 =	vshrl.u32 v5, $0xE  }
0x166: {  	v11 =	vshrl.u32 v6, $0xE  }
0x167: {  	v12 =	vld [tilespmem:s7+$0xFFFFFFE0];
	v13 =	vshrl.u32 v7, $0xE  }
0x168: {  	v2 =	vld [tilespmem:s7+$0xFFFFFFD0];
	v14 =	vshrl.u32 v8, $0xE  }
0x169: {  	v17 =	vshrl.u32 v1, $0xE;
	v15 =	vld.idx.msk [tilespmem:v9+s26+$0x0], $0xffff  }
0x16a: {  	v19 =	vand.u32 $0x3FFF, v4;
	v16 =	vadd.s32 $0x2800, v9;
	v18 =	vld.idx.msk [tilespmem:v10+s26+$0x0], $0xffff  }
0x16b: {  	v22 =	vand.u32 $0x3FFF, v5;
	v4 =	vand.u32 $0x7F, v9;
	v9 =	vand.u32 $0x7FF80, v16;
	v16 =	vld.idx.msk [tilespmem:v11+s26+$0x0], $0xffff  }
0x16c: {  	v6 =	vand.u32 $0x3FFF, v6;
	v20 =	vld.idx.msk [tilespmem:v13+s26+$0x0], $0xffff;
	v9 =	vor.u32 v4, v9;
	v4 =	vadd.s32 $0x2800, v11  }
0x16d: {  	v23 =	vld.idx.msk [tilespmem:v14+s26+$0x0], $0xffff;
	v11 =	vand.u32 $0x7F, v11;
	v5 =	vand.u32 $0x7FF80, v4  }
0x16e: {  	v21 =	vadd.s32 $0x2800, v10;
	v4 =	vld.idx.msk [tilespmem:v17+s26+$0x0], $0xffff;
	v11 =	vor.u32 v11, v5  }
0x16f: {  	v3 =	vshrl.u32 v12, $0xE;
	v21 =	vand.u32 $0x7FF80, v21;
	v5 =	vand.u32 $0x7F, v10;
	[tilespmem:v19+s0+$0x0] =	vst.idx.add.f32.msk $0xffff, v15  }
0x170: {  	v21 =	vor.u32 v5, v21;
	[tilespmem:v22+s0+$0x0] =	vst.idx.add.f32.msk $0xffff, v18  }
0x171: {  	v5 =	vadd.s32 $0x2800, v14;
	v14 =	vand.u32 $0x7F, v14;
	v15 =	vshrl.u32 v2, $0xE;
	[tilespmem:v6+s0+$0x0] =	vst.idx.add.f32.msk $0xffff, v16  }
0x172: {  	v19 =	vadd.s32 $0x2800, v19;
	v24 =	vld.idx.msk [tilespmem:v9+s26+$0x0], $0xffff;
	v9 =	vand.u32 $0x3FFF, v7;
	v7 =	vand.u32 $0x7FF80, v5  }
0x173: {  	v7 =	vor.u32 v14, v7;
	v14 =	vadd.s32 $0x2800, v6;
	v18 =	vld.idx.msk [tilespmem:v11+s26+$0x0], $0xffff  }
0x174: {  	v10 =	vld.idx.msk [tilespmem:v3+s26+$0x0], $0xffff  }
0x175: {  	v5 =	vand.u32 $0x3FFF, v8;
	v8 =	vadd.s32 $0x2800, v13;
	v16 =	vld.idx.msk [tilespmem:v21+s26+$0x0], $0xffff  }
0x176: {  	v13 =	vand.u32 $0x7F, v13;
	v8 =	vand.u32 $0x7FF80, v8;
	v6 =	vadd.s32 $0x2800, v17;
	v11 =	vld.idx.msk [tilespmem:v15+s26+$0x0], $0xffff  }
0x177: {  	[tilespmem:v19+s0+$0x0] =	vst.idx.add.f32.msk $0xffff, v24;
	v19 =	vor.u32 v13, v8;
	v13 =	vand.u32 $0x7F, v17;
	v17 =	vadd.s32 $0x2800, v3  }
0x178: {  	[tilespmem:v14+s0+$0x0] =	vst.idx.add.f32.msk $0xffff, v18;
	v14 =	vand.u32 $0x7FF80, v17;
	v17 =	vadd.s32 $0x2800, v22  }
0x179: {  	v12 =	vand.u32 $0x3FFF, v12;
	[tilespmem:v9+s0+$0x0] =	vst.idx.add.f32.msk $0xffff, v20  }
0x17a: {  	[tilespmem:v5+s0+$0x0] =	vst.idx.add.f32.msk $0xffff, v23  }
0x17b: {  	v6 =	vand.u32 $0x7FF80, v6;
	v7 =	vld.idx.msk [tilespmem:v7+s26+$0x0], $0xffff  }
0x17c: {  	s8 =	simm.s32 $0x0;
	v8 =	vand.u32 $0x7F, v15;
	v6 =	vor.u32 v13, v6;
	v13 =	vadd.s32 $0x2800, v15;
	v15 =	vld.idx.msk [tilespmem:v19+s26+$0x0], $0xffff  }
.LBB2_13:
0x17d: {  	s8 =	sadd.s32 $0x80, s8;
	[tilespmem:v17+s0+$0x0] =	vst.idx.add.f32.msk $0xffff, v16;
	s7 =	sadd.s32 $0x80, s7  }
0x17e: {  	p0 =	slt.u32 s8, $0x3E00;
	[tilespmem:v12+s0+$0x0] =	vst.idx.add.f32.msk $0xffff, v10  }
0x17f: {  	v16 =	vld [tilespmem:s7+$0xFFFFFFE0]  }
0x180: {  	v10 =	vld [tilespmem:s7+$0x30]  }
0x181: {  	v17 =	vand.u32 $0x3FFF, v1;
	v1 =	vld [tilespmem:s7+$0xFFFFFFF0]  }
0x182: {  	v3 =	vand.u32 $0x7F, v3;
	v18 =	vld [tilespmem:s7+$0x0]  }
0x183: {  	v2 =	vand.u32 $0x3FFF, v2;
	v13 =	vand.u32 $0x7FF80, v13;
	v3 =	vor.u32 v3, v14;
	v19 =	vld [tilespmem:s7+$0x10]  }
0x184: {  	v8 =	vor.u32 v8, v13;
	v14 =	vld [tilespmem:s7+$0x20]  }
0x185: {  	v13 =	vld [tilespmem:s7+$0xFFFFFFC0]  }
0x186: {  	[tilespmem:v17+s0+$0x0] =	vst.idx.add.f32.msk $0xffff, v4;
	v4 =	vadd.s32 $0x2800, v9  }
0x187: {  	v6 =	vld.idx.msk [tilespmem:v6+s26+$0x0], $0xffff  }
0x188: {  	v9 =	vadd.s32 $0x2800, v17;
	v3 =	vld.idx.msk [tilespmem:v3+s26+$0x0], $0xffff  }
0x189: {  	[tilespmem:v2+s0+$0x0] =	vst.idx.add.f32.msk $0xffff, v11;
	v11 =	vadd.s32 $0x2800, v12  }
0x18a: {  	v5 =	vadd.s32 $0x2800, v5;
	v12 =	vadd.s32 $0x2800, v2;
	v8 =	vld.idx.msk [tilespmem:v8+s26+$0x0], $0xffff  }
0x18b: {  	[tilespmem:v4+s0+$0x0] =	vst.idx.add.f32.msk $0xffff, v15  }
0x18c: {  	v4 =	vshrl.u32 v13, $0xE;
	v15 =	vand.u32 $0x3FFF, v13;
	v2 =	vld [tilespmem:s7+$0xFFFFFFD0]  }
0x18d: {  	v20 =	vshrl.u32 v10, $0xE;
	v13 =	vand.u32 $0x7F, v4;
	v17 =	vadd.s32 $0x2800, v4;
	[tilespmem:v9+s0+$0x0] =	vst.idx.add.f32.msk $0xffff, v6  }
0x18e: {  	v6 =	vand.u32 $0x7FF80, v17;
	v9 =	vshrl.u32 v14, $0xE;
	v17 =	vadd.s32 $0x2800, v20;
	[tilespmem:v11+s0+$0x0] =	vst.idx.add.f32.msk $0xffff, v3  }
0x18f: {  	v21 =	vshrl.u32 v19, $0xE;
	v3 =	vadd.s32 $0x2800, v9;
	v11 =	vand.u32 $0x7FF80, v17;
	[tilespmem:v5+s0+$0x0] =	vst.idx.add.f32.msk $0xffff, v7  }
0x190: {  	v5 =	vor.u32 v13, v6;
	v7 =	vshrl.u32 v18, $0xE;
	v13 =	vand.u32 $0x7FF80, v3;
	[tilespmem:v12+s0+$0x0] =	vst.idx.add.f32.msk $0xffff, v8  }
0x191: {  	v22 =	vand.u32 $0x3FFF, v10;
	v17 =	vand.u32 $0x3FFF, v14;
	v12 =	vld.idx.msk [tilespmem:v4+s26+$0x0], $0xffff;
	v4 =	vshrl.u32 v1, $0xE  }
0x192: {  	v3 =	vshrl.u32 v16, $0xE;
	v6 =	vand.u32 $0x7F, v4;
	v8 =	vadd.s32 $0x2800, v4;
	v23 =	vld.idx.msk [tilespmem:v20+s26+$0x0], $0xffff  }
0x193: {  	v14 =	vadd.s32 $0x2800, v3;
	v24 =	vshrl.u32 v2, $0xE;
	v10 =	vand.u32 $0x7FF80, v8;
	v25 =	vld.idx.msk [tilespmem:v9+s26+$0x0], $0xffff  }
0x194: {  	v8 =	vand.u32 $0x7F, v24;
	v9 =	vand.u32 $0x7F, v9;
	v6 =	vor.u32 v6, v10;
	v26 =	vld.idx.msk [tilespmem:v21+s26+$0x0], $0xffff  }
0x195: {  	v10 =	vadd.s32 $0x2800, v7;
	v28 =	vor.u32 v9, v13;
	v9 =	vand.u32 $0x7F, v20;
	v27 =	vld.idx.msk [tilespmem:v7+s26+$0x0], $0xffff  }
0x196: {  	v29 =	vadd.s32 $0x2800, v21;
	v20 =	vand.u32 $0x7FF80, v10;
	v11 =	vor.u32 v9, v11;
	v4 =	vld.idx.msk [tilespmem:v4+s26+$0x0], $0xffff  }
0x197: {  	v29 =	vand.u32 $0x7FF80, v29;
	v14 =	vand.u32 $0x7FF80, v14;
	v13 =	vadd.s32 $0x2800, v24;
	v10 =	vld.idx.msk [tilespmem:v3+s26+$0x0], $0xffff  }
0x198: {  	v7 =	vand.u32 $0x7F, v7;
	[tilespmem:v15+s0+$0x0] =	vst.idx.add.f32.msk $0xffff, v12;
	v12 =	vand.u32 $0x3FFF, v16  }
0x199: {  	v7 =	vor.u32 v7, v20;
	v30 =	vld.idx.msk [tilespmem:v5+s26+$0x0], $0xffff  }
0x19a: {  	v15 =	vadd.s32 $0x2800, v15;
	[tilespmem:v22+s0+$0x0] =	vst.idx.add.f32.msk $0xffff, v23  }
0x19b: {  	v9 =	vand.u32 $0x3FFF, v19;
	[tilespmem:v17+s0+$0x0] =	vst.idx.add.f32.msk $0xffff, v25  }
0x19c: {  	v5 =	vand.u32 $0x3FFF, v18;
	v18 =	vld.idx.msk [tilespmem:v28+s26+$0x0], $0xffff  }
0x19d: {  	v16 =	vld.idx.msk [tilespmem:v11+s26+$0x0], $0xffff  }
0x19e: {  	v19 =	vand.u32 $0x7F, v21;
	v20 =	vadd.s32 $0x2800, v17;
	v11 =	vld.idx.msk [tilespmem:v24+s26+$0x0], $0xffff  }
0x19f: {  	[tilespmem:v15+s0+$0x0] =	vst.idx.add.f32.msk $0xffff, v30;
	v15 =	vor.u32 v19, v29  }
.Ltmp5:
0x1a0: {  	v17 =	vadd.s32 $0x2800, v22;
	[tilespmem:v9+s0+$0x0] =	vst.idx.add.f32.msk $0xffff, v26;
	(pc) =	sbr.rel @p0 .LBB2_13-.Ltmp5, $4  }
0x1a1: {  	[tilespmem:v5+s0+$0x0] =	vst.idx.add.f32.msk $0xffff, v27  }
0x1a2: {  	v7 =	vld.idx.msk [tilespmem:v7+s26+$0x0], $0xffff  }
0x1a3: {  	[tilespmem:v20+s0+$0x0] =	vst.idx.add.f32.msk $0xffff, v18  }
0x1a4: {  	v15 =	vld.idx.msk [tilespmem:v15+s26+$0x0], $0xffff  }
0x1a5: {  	_ = 	snop  }
0x1a6: {  	v1 =	vand.u32 $0x3FFF, v1  }
0x1a7: {  	v2 =	vand.u32 $0x3FFF, v2  }
0x1a8: {  	v3 =	vand.u32 $0x7F, v3  }
0x1a9: {  	[tilespmem:v17+s0+$0x0] =	vst.idx.add.f32.msk $0xffff, v16;
	v13 =	vand.u32 $0x7FF80, v13;
	v3 =	vor.u32 v3, v14  }
0x1aa: {  	[tilespmem:v12+s0+$0x0] =	vst.idx.add.f32.msk $0xffff, v10;
	v8 =	vor.u32 v8, v13  }
0x1ab: {  	v5 =	vadd.s32 $0x2800, v5;
	[tilespmem:v1+s0+$0x0] =	vst.idx.add.f32.msk $0xffff, v4  }
0x1ac: {  	v4 =	vadd.s32 $0x2800, v9;
	[tilespmem:v2+s0+$0x0] =	vst.idx.add.f32.msk $0xffff, v11  }
0x1ad: {  	v1 =	vadd.s32 $0x2800, v1;
	v6 =	vld.idx.msk [tilespmem:v6+s26+$0x0], $0xffff  }
0x1ae: {  	v9 =	vadd.s32 $0x2800, v12;
	v3 =	vld.idx.msk [tilespmem:v3+s26+$0x0], $0xffff  }
0x1af: {  	v2 =	vadd.s32 $0x2800, v2;
	v8 =	vld.idx.msk [tilespmem:v8+s26+$0x0], $0xffff  }
0x1b0: {  	[tilespmem:v5+s0+$0x0] =	vst.idx.add.f32.msk $0xffff, v7  }
0x1b1: {  	[tilespmem:v4+s0+$0x0] =	vst.idx.add.f32.msk $0xffff, v15  }
0x1b2: {  	s7 =	sshll.u32 s6, $0x1;
	[tilespmem:v1+s0+$0x0] =	vst.idx.add.f32.msk $0xffff, v6  }
0x1b3: {  	s7 =	sadd.s32 $0x2, s7;
	[tilespmem:v9+s0+$0x0] =	vst.idx.add.f32.msk $0xffff, v3  }
0x1b4: {  	s8 =	smul.u32 $0x7D0, s7;
	[tilespmem:v2+s0+$0x0] =	vst.idx.add.f32.msk $0xffff, v8  }
0x1b5: {  	p0 =	seq.s32 s7, $0x14;
	_ =	swait.ge [sflag:s2], $0x3E80  }
0x1b6: {  	s8 =	simm.s32 @p0 $0x0;
	[sflag:s2] =	ssyncset.done $0x0  }
0x1b7: {  	s7 =	simm.s32 $0x1A6C0;
	s16 =	sadd.s32 s4, s8;
	[sflag:s2] =	ssyncadd.s32 $0xFFFFC180  }
0x1b8: {  	[tilespmem:s28], [sflag:$0x1] =	stream.linear.gather [hbm4b:s16+s3], $0x3E80, $0x38;
	[tilespmem:$0x1E500] =	vst v63  }
0x1b9: {  	v4 =	vld [tilespmem:s7+$0xFFFFFFC0]  }
0x1ba: {  	v5 =	vld [tilespmem:s7+$0x30]  }
0x1bb: {  	v6 =	vld [tilespmem:s7+$0x20]  }
0x1bc: {  	v7 =	vld [tilespmem:s7+$0x10]  }
0x1bd: {  	v8 =	vld [tilespmem:s7+$0x0]  }
0x1be: {  	v1 =	vld [tilespmem:s7+$0xFFFFFFF0];
	v9 =	vshrl.u32 v4, $0xE  }
0x1bf: {  	v10 =	vshrl.u32 v5, $0xE  }
0x1c0: {  	v11 =	vshrl.u32 v6, $0xE  }
0x1c1: {  	v12 =	vld [tilespmem:s7+$0xFFFFFFE0];
	v13 =	vshrl.u32 v7, $0xE  }
0x1c2: {  	v2 =	vld [tilespmem:s7+$0xFFFFFFD0];
	v14 =	vshrl.u32 v8, $0xE  }
0x1c3: {  	v17 =	vshrl.u32 v1, $0xE;
	v15 =	vld.idx.msk [tilespmem:v9+s26+$0x0], $0xffff  }
0x1c4: {  	v19 =	vand.u32 $0x3FFF, v4;
	v16 =	vadd.s32 $0x2800, v9;
	v18 =	vld.idx.msk [tilespmem:v10+s26+$0x0], $0xffff  }
0x1c5: {  	v22 =	vand.u32 $0x3FFF, v5;
	v4 =	vand.u32 $0x7F, v9;
	v9 =	vand.u32 $0x7FF80, v16;
	v16 =	vld.idx.msk [tilespmem:v11+s26+$0x0], $0xffff  }
0x1c6: {  	v6 =	vand.u32 $0x3FFF, v6;
	v20 =	vld.idx.msk [tilespmem:v13+s26+$0x0], $0xffff;
	v9 =	vor.u32 v4, v9;
	v4 =	vadd.s32 $0x2800, v11  }
0x1c7: {  	v23 =	vld.idx.msk [tilespmem:v14+s26+$0x0], $0xffff;
	v11 =	vand.u32 $0x7F, v11;
	v5 =	vand.u32 $0x7FF80, v4  }
0x1c8: {  	v21 =	vadd.s32 $0x2800, v10;
	v4 =	vld.idx.msk [tilespmem:v17+s26+$0x0], $0xffff;
	v11 =	vor.u32 v11, v5  }
0x1c9: {  	v3 =	vshrl.u32 v12, $0xE;
	v21 =	vand.u32 $0x7FF80, v21;
	v5 =	vand.u32 $0x7F, v10;
	[tilespmem:v19+s0+$0x0] =	vst.idx.add.f32.msk $0xffff, v15  }
0x1ca: {  	v21 =	vor.u32 v5, v21;
	[tilespmem:v22+s0+$0x0] =	vst.idx.add.f32.msk $0xffff, v18  }
0x1cb: {  	v5 =	vadd.s32 $0x2800, v14;
	v14 =	vand.u32 $0x7F, v14;
	v15 =	vshrl.u32 v2, $0xE;
	[tilespmem:v6+s0+$0x0] =	vst.idx.add.f32.msk $0xffff, v16  }
0x1cc: {  	v19 =	vadd.s32 $0x2800, v19;
	v24 =	vld.idx.msk [tilespmem:v9+s26+$0x0], $0xffff;
	v9 =	vand.u32 $0x3FFF, v7;
	v7 =	vand.u32 $0x7FF80, v5  }
0x1cd: {  	v7 =	vor.u32 v14, v7;
	v14 =	vadd.s32 $0x2800, v6;
	v18 =	vld.idx.msk [tilespmem:v11+s26+$0x0], $0xffff  }
0x1ce: {  	v10 =	vld.idx.msk [tilespmem:v3+s26+$0x0], $0xffff  }
0x1cf: {  	v5 =	vand.u32 $0x3FFF, v8;
	v8 =	vadd.s32 $0x2800, v13;
	v16 =	vld.idx.msk [tilespmem:v21+s26+$0x0], $0xffff  }
0x1d0: {  	v13 =	vand.u32 $0x7F, v13;
	v8 =	vand.u32 $0x7FF80, v8;
	v6 =	vadd.s32 $0x2800, v17;
	v11 =	vld.idx.msk [tilespmem:v15+s26+$0x0], $0xffff  }
0x1d1: {  	[tilespmem:v19+s0+$0x0] =	vst.idx.add.f32.msk $0xffff, v24;
	v19 =	vor.u32 v13, v8;
	v13 =	vand.u32 $0x7F, v17;
	v17 =	vadd.s32 $0x2800, v3  }
0x1d2: {  	[tilespmem:v14+s0+$0x0] =	vst.idx.add.f32.msk $0xffff, v18;
	v14 =	vand.u32 $0x7FF80, v17;
	v17 =	vadd.s32 $0x2800, v22  }
0x1d3: {  	v12 =	vand.u32 $0x3FFF, v12;
	[tilespmem:v9+s0+$0x0] =	vst.idx.add.f32.msk $0xffff, v20  }
0x1d4: {  	[tilespmem:v5+s0+$0x0] =	vst.idx.add.f32.msk $0xffff, v23  }
0x1d5: {  	v6 =	vand.u32 $0x7FF80, v6;
	v7 =	vld.idx.msk [tilespmem:v7+s26+$0x0], $0xffff  }
0x1d6: {  	s8 =	simm.s32 $0x0;
	v8 =	vand.u32 $0x7F, v15;
	v6 =	vor.u32 v13, v6;
	v13 =	vadd.s32 $0x2800, v15;
	v15 =	vld.idx.msk [tilespmem:v19+s26+$0x0], $0xffff  }
.LBB2_15:
0x1d7: {  	s8 =	sadd.s32 $0x80, s8;
	[tilespmem:v17+s0+$0x0] =	vst.idx.add.f32.msk $0xffff, v16;
	s7 =	sadd.s32 $0x80, s7  }
0x1d8: {  	p0 =	slt.u32 s8, $0x3E00;
	[tilespmem:v12+s0+$0x0] =	vst.idx.add.f32.msk $0xffff, v10  }
0x1d9: {  	v16 =	vld [tilespmem:s7+$0xFFFFFFE0]  }
0x1da: {  	v10 =	vld [tilespmem:s7+$0x30]  }
0x1db: {  	v17 =	vand.u32 $0x3FFF, v1;
	v1 =	vld [tilespmem:s7+$0xFFFFFFF0]  }
0x1dc: {  	v3 =	vand.u32 $0x7F, v3;
	v18 =	vld [tilespmem:s7+$0x0]  }
0x1dd: {  	v2 =	vand.u32 $0x3FFF, v2;
	v13 =	vand.u32 $0x7FF80, v13;
	v3 =	vor.u32 v3, v14;
	v19 =	vld [tilespmem:s7+$0x10]  }
0x1de: {  	v8 =	vor.u32 v8, v13;
	v14 =	vld [tilespmem:s7+$0x20]  }
0x1df: {  	v13 =	vld [tilespmem:s7+$0xFFFFFFC0]  }
0x1e0: {  	[tilespmem:v17+s0+$0x0] =	vst.idx.add.f32.msk $0xffff, v4;
	v4 =	vadd.s32 $0x2800, v9  }
0x1e1: {  	v6 =	vld.idx.msk [tilespmem:v6+s26+$0x0], $0xffff  }
0x1e2: {  	v9 =	vadd.s32 $0x2800, v17;
	v3 =	vld.idx.msk [tilespmem:v3+s26+$0x0], $0xffff  }
0x1e3: {  	[tilespmem:v2+s0+$0x0] =	vst.idx.add.f32.msk $0xffff, v11;
	v11 =	vadd.s32 $0x2800, v12  }
0x1e4: {  	v5 =	vadd.s32 $0x2800, v5;
	v12 =	vadd.s32 $0x2800, v2;
	v8 =	vld.idx.msk [tilespmem:v8+s26+$0x0], $0xffff  }
0x1e5: {  	[tilespmem:v4+s0+$0x0] =	vst.idx.add.f32.msk $0xffff, v15  }
0x1e6: {  	v4 =	vshrl.u32 v13, $0xE;
	v15 =	vand.u32 $0x3FFF, v13;
	v2 =	vld [tilespmem:s7+$0xFFFFFFD0]  }
0x1e7: {  	v20 =	vshrl.u32 v10, $0xE;
	v13 =	vand.u32 $0x7F, v4;
	v17 =	vadd.s32 $0x2800, v4;
	[tilespmem:v9+s0+$0x0] =	vst.idx.add.f32.msk $0xffff, v6  }
0x1e8: {  	v6 =	vand.u32 $0x7FF80, v17;
	v9 =	vshrl.u32 v14, $0xE;
	v17 =	vadd.s32 $0x2800, v20;
	[tilespmem:v11+s0+$0x0] =	vst.idx.add.f32.msk $0xffff, v3  }
0x1e9: {  	v21 =	vshrl.u32 v19, $0xE;
	v3 =	vadd.s32 $0x2800, v9;
	v11 =	vand.u32 $0x7FF80, v17;
	[tilespmem:v5+s0+$0x0] =	vst.idx.add.f32.msk $0xffff, v7  }
0x1ea: {  	v5 =	vor.u32 v13, v6;
	v7 =	vshrl.u32 v18, $0xE;
	v13 =	vand.u32 $0x7FF80, v3;
	[tilespmem:v12+s0+$0x0] =	vst.idx.add.f32.msk $0xffff, v8  }
0x1eb: {  	v22 =	vand.u32 $0x3FFF, v10;
	v17 =	vand.u32 $0x3FFF, v14;
	v12 =	vld.idx.msk [tilespmem:v4+s26+$0x0], $0xffff;
	v4 =	vshrl.u32 v1, $0xE  }
0x1ec: {  	v3 =	vshrl.u32 v16, $0xE;
	v6 =	vand.u32 $0x7F, v4;
	v8 =	vadd.s32 $0x2800, v4;
	v23 =	vld.idx.msk [tilespmem:v20+s26+$0x0], $0xffff  }
0x1ed: {  	v14 =	vadd.s32 $0x2800, v3;
	v24 =	vshrl.u32 v2, $0xE;
	v10 =	vand.u32 $0x7FF80, v8;
	v25 =	vld.idx.msk [tilespmem:v9+s26+$0x0], $0xffff  }
0x1ee: {  	v8 =	vand.u32 $0x7F, v24;
	v9 =	vand.u32 $0x7F, v9;
	v6 =	vor.u32 v6, v10;
	v26 =	vld.idx.msk [tilespmem:v21+s26+$0x0], $0xffff  }
0x1ef: {  	v10 =	vadd.s32 $0x2800, v7;
	v28 =	vor.u32 v9, v13;
	v9 =	vand.u32 $0x7F, v20;
	v27 =	vld.idx.msk [tilespmem:v7+s26+$0x0], $0xffff  }
0x1f0: {  	v29 =	vadd.s32 $0x2800, v21;
	v20 =	vand.u32 $0x7FF80, v10;
	v11 =	vor.u32 v9, v11;
	v4 =	vld.idx.msk [tilespmem:v4+s26+$0x0], $0xffff  }
0x1f1: {  	v29 =	vand.u32 $0x7FF80, v29;
	v14 =	vand.u32 $0x7FF80, v14;
	v13 =	vadd.s32 $0x2800, v24;
	v10 =	vld.idx.msk [tilespmem:v3+s26+$0x0], $0xffff  }
0x1f2: {  	v7 =	vand.u32 $0x7F, v7;
	[tilespmem:v15+s0+$0x0] =	vst.idx.add.f32.msk $0xffff, v12;
	v12 =	vand.u32 $0x3FFF, v16  }
0x1f3: {  	v7 =	vor.u32 v7, v20;
	v30 =	vld.idx.msk [tilespmem:v5+s26+$0x0], $0xffff  }
0x1f4: {  	v15 =	vadd.s32 $0x2800, v15;
	[tilespmem:v22+s0+$0x0] =	vst.idx.add.f32.msk $0xffff, v23  }
0x1f5: {  	v9 =	vand.u32 $0x3FFF, v19;
	[tilespmem:v17+s0+$0x0] =	vst.idx.add.f32.msk $0xffff, v25  }
0x1f6: {  	v5 =	vand.u32 $0x3FFF, v18;
	v18 =	vld.idx.msk [tilespmem:v28+s26+$0x0], $0xffff  }
0x1f7: {  	v16 =	vld.idx.msk [tilespmem:v11+s26+$0x0], $0xffff  }
0x1f8: {  	v19 =	vand.u32 $0x7F, v21;
	v20 =	vadd.s32 $0x2800, v17;
	v11 =	vld.idx.msk [tilespmem:v24+s26+$0x0], $0xffff  }
0x1f9: {  	[tilespmem:v15+s0+$0x0] =	vst.idx.add.f32.msk $0xffff, v30;
	v15 =	vor.u32 v19, v29  }
.Ltmp6:
0x1fa: {  	v17 =	vadd.s32 $0x2800, v22;
	[tilespmem:v9+s0+$0x0] =	vst.idx.add.f32.msk $0xffff, v26;
	(pc) =	sbr.rel @p0 .LBB2_15-.Ltmp6, $4  }
0x1fb: {  	[tilespmem:v5+s0+$0x0] =	vst.idx.add.f32.msk $0xffff, v27  }
0x1fc: {  	v7 =	vld.idx.msk [tilespmem:v7+s26+$0x0], $0xffff  }
0x1fd: {  	[tilespmem:v20+s0+$0x0] =	vst.idx.add.f32.msk $0xffff, v18  }
0x1fe: {  	v15 =	vld.idx.msk [tilespmem:v15+s26+$0x0], $0xffff  }
0x1ff: {  	_ = 	snop  }
0x200: {  	v1 =	vand.u32 $0x3FFF, v1  }
0x201: {  	v2 =	vand.u32 $0x3FFF, v2  }
0x202: {  	v3 =	vand.u32 $0x7F, v3  }
0x203: {  	[tilespmem:v17+s0+$0x0] =	vst.idx.add.f32.msk $0xffff, v16;
	v13 =	vand.u32 $0x7FF80, v13;
	v3 =	vor.u32 v3, v14  }
0x204: {  	[tilespmem:v12+s0+$0x0] =	vst.idx.add.f32.msk $0xffff, v10;
	v8 =	vor.u32 v8, v13  }
0x205: {  	v62 =	vadd.s32 $0x2800, v9;
	[tilespmem:v1+s0+$0x0] =	vst.idx.add.f32.msk $0xffff, v4  }
0x206: {  	v5 =	vadd.s32 $0x2800, v5;
	[tilespmem:v2+s0+$0x0] =	vst.idx.add.f32.msk $0xffff, v11  }
0x207: {  	v1 =	vadd.s32 $0x2800, v1;
	v6 =	vld.idx.msk [tilespmem:v6+s26+$0x0], $0xffff  }
0x208: {  	v63 =	vadd.s32 $0x2800, v12;
	s6 =	sadd.s32 $0x1, s6;
	v3 =	vld.idx.msk [tilespmem:v3+s26+$0x0], $0xffff  }
0x209: {  	p0 =	sne.s32 s6, $0xA;
	v2 =	vadd.s32 $0x2800, v2;
	v8 =	vld.idx.msk [tilespmem:v8+s26+$0x0], $0xffff  }
.Ltmp7:
0x20a: {  	[tilespmem:v62+s0+$0x0] =	vst.idx.add.f32.msk $0xffff, v15;
	(pc) =	sbr.rel @p0 .LBB2_12-.Ltmp7, $4  }
0x20b: {  	[tilespmem:v5+s0+$0x0] =	vst.idx.add.f32.msk $0xffff, v7  }
0x20c: {  	[tilespmem:v1+s0+$0x0] =	vst.idx.add.f32.msk $0xffff, v6  }
0x20d: {  	[tilespmem:v63+s0+$0x0] =	vst.idx.add.f32.msk $0xffff, v3  }
0x20e: {  	[tilespmem:v2+s0+$0x0] =	vst.idx.add.f32.msk $0xffff, v8  }
0x20f: {  	_ =	swait.ge [sflag:s24], $0x2800  }
0x210: {  	[sflag:s24] =	ssyncset.done $0x0  }
0x211: {  	[sflag:s24] =	ssyncadd.s32 $0xFFFFD800  }
0x212: {  	_ =	swait.ge [sflag:s24], $0x2800  }
0x213: {  	[sflag:s24] =	ssyncset.done $0x0  }
0x214: {  	s8 =	simm.s32 $0x14020;
	[sflag:s24] =	ssyncadd.s32 $0xFFFFD800  }
0x215: {  	v1 =	vld [tilespmem:s8+$0x10]  }
0x216: {  	s6 =	simm.s32 $0xA000;
	v2 =	vld [tilespmem:s8+$0xFFFFFFE0]  }
0x217: {  	v3 =	vld [tilespmem:s6+$0x30]  }
0x218: {  	s11 =	simm.s32 $0xF000;
	v4 =	vld [tilespmem:s8+$0xFFFFFFF0]  }
0x219: {  	v5 =	vld [tilespmem:s11+$0x30]  }
0x21a: {  	s7 =	simm.s32 $0x0;
	v6 =	vld [tilespmem:s8+$0x0]  }
0x21b: {  	v7 =	vld [tilespmem:s7+$0x30]  }
0x21c: {  	v8 =	vld [tilespmem:s6+$0x0]  }
0x21d: {  	v9 =	vld [tilespmem:s6+$0x10]  }
0x21e: {  	v10 =	vld [tilespmem:s11+$0x0]  }
0x21f: {  	v12 =	vld [tilespmem:s6+$0x20];
	v1 =	vadd.f32 v1, v1  }
0x220: {  	s9 =	simm.s32 $0xA040;
	v13 =	vld [tilespmem:s11+$0x20]  }
0x221: {  	s13 =	simm.s32 $0x14060;
	v15 =	vld [tilespmem:s9+$0x30];
	v3 =	vmul.f32 v3, v1  }
0x222: {  	v16 =	vld [tilespmem:s13+$0xFFFFFFE0]  }
0x223: {  	v11 =	vadd.f32 v2, v2;
	v2 =	vsub.f32 v5, v3;
	v3 =	vld [tilespmem:s11+$0x10]  }
0x224: {  	s10 =	simm.s32 $0xF040;
	v4 =	vadd.f32 v4, v4;
	v5 =	vld [tilespmem:s7+$0x0]  }
0x225: {  	v17 =	vld [tilespmem:s10+$0x30];
	v2 =	vsub.f32 v2, v7;
	v7 =	vmul.f32 v8, v11  }
0x226: {  	v9 =	vmul.f32 v9, v4;
	v8 =	vld [tilespmem:s7+$0x10]  }
0x227: {  	v18 =	vld [tilespmem:s13+$0xFFFFFFF0];
	v6 =	vadd.f32 v6, v6;
	[tilespmem:s7+$0x30] =	vst v2;
	v2 =	vsub.f32 v10, v7  }
0x228: {  	v3 =	vsub.f32 v3, v9;
	v9 =	vld [tilespmem:s7+$0x20]  }
0x229: {  	v20 =	vld [tilespmem:s13+$0x0];
	v2 =	vsub.f32 v2, v5;
	v5 =	vmul.f32 v12, v6  }
0x22a: {  	v21 =	vld [tilespmem:s9+$0x10]  }
0x22b: {  	v56 =	vld [tilespmem:s9+$0x20];
	[tilespmem:s7+$0x0] =	vst v2;
	v2 =	vsub.f32 v3, v8;
	v5 =	vsub.f32 v13, v5  }
0x22c: {  	v22 =	vld [tilespmem:s10+$0x10];
	[tilespmem:s6+$0x30] =	vst v0  }
0x22d: {  	v7 =	vld [tilespmem:s6+$0x2830];
	[tilespmem:s7+$0x10] =	vst v2;
	v2 =	vsub.f32 v5, v9  }
0x22e: {  	v3 =	vld [tilespmem:s11+$0x2830]  }
0x22f: {  	s15 =	simm.s32 $0x0;
	[tilespmem:s7+$0x20] =	vst v2;
	v2 =	vld [tilespmem:s13+$0x10]  }
0x230: {  	s12 =	sand.u32 $0x3FC0, s15;
	v8 =	vld [tilespmem:s7+$0x2830];
	[tilespmem:s6+$0x0] =	vst v0  }
0x231: {  	s8 =	sadd.s32 $0x2800, s12;
	v10 =	vld [tilespmem:s12+$0xC800]  }
0x232: {  	v9 =	vld [tilespmem:s8+$0xF000]  }
0x233: {  	v14 =	vld [tilespmem:s12+$0x2800]  }
0x234: {  	s8 =	simm.s32 $0x40;
	v1 =	vmul.f32 v7, v1;
	v7 =	vld [tilespmem:s9+$0x0];
	v19 =	vadd.f32 v2, v2  }
0x235: {  	v2 =	vld [tilespmem:s8+$0x30]  }
0x236: {  	v5 =	vld [tilespmem:s6+$0x2810];
	v15 =	vmul.f32 v15, v19  }
0x237: {  	v1 =	vsub.f32 v3, v1;
	v3 =	vld [tilespmem:s10+$0x0]  }
0x238: {  	v16 =	vadd.f32 v16, v16;
	v57 =	vld [tilespmem:s8+$0x0];
	v15 =	vsub.f32 v17, v15  }
0x239: {  	[tilespmem:s6+$0x10] =	vst v0;
	v60 =	vld [tilespmem:s8+$0x20];
	v8 =	vsub.f32 v1, v8  }
0x23a: {  	v55 =	vld [tilespmem:s11+$0x2810];
	v7 =	vmul.f32 v7, v16;
	v2 =	vsub.f32 v15, v2  }
0x23b: {  	[tilespmem:s7+$0x2830] =	vst v8;
	v8 =	vld [tilespmem:s10+$0x20]  }
0x23c: {  	v1 =	vadd.f32 v18, v18;
	v10 =	vmul.f32 v10, v11;
	v3 =	vsub.f32 v3, v7;
	v7 =	vld [tilespmem:s8+$0x10];
	[tilespmem:s8+$0x30] =	vst v2  }
0x23d: {  	[tilespmem:s12+$0xC800] =	vst v0;
	v58 =	vld [tilespmem:s9+$0x2830]  }
0x23e: {  	v61 =	vld [tilespmem:s7+$0x2810];
	v21 =	vmul.f32 v21, v1;
	v9 =	vsub.f32 v9, v10;
	v2 =	vadd.f32 v20, v20;
	[tilespmem:s9+$0x30] =	vst v0  }
0x23f: {  	[tilespmem:s6+$0x20] =	vst v0;
	v3 =	vsub.f32 v3, v57;
	v59 =	vld [tilespmem:s10+$0x2830]  }
0x240: {  	v54 =	vld [tilespmem:s6+$0x2820];
	[tilespmem:s6+$0x2830] =	vst v0;
	v11 =	vsub.f32 v22, v21;
	v9 =	vsub.f32 v9, v14;
	v17 =	vmul.f32 v56, v2  }
0x241: {  	[tilespmem:s8+$0x0] =	vst v3;
	v3 =	vld [tilespmem:s8+$0x2830]  }
0x242: {  	[tilespmem:s12+$0x2800] =	vst v9;
	v7 =	vsub.f32 v11, v7;
	v11 =	vld [tilespmem:s11+$0x2820];
	s11 =	simm.s32 $0x40;
	v8 =	vsub.f32 v8, v17;
	v10 =	vmul.f32 v58, v19  }
0x243: {  	v62 =	vld [tilespmem:s7+$0x2820];
	[tilespmem:s9+$0x0] =	vst v0;
	s15 =	sand.u32 $0x3FC0, s11  }
0x244: {  	v5 =	vmul.f32 v5, v4;
	[tilespmem:s8+$0x10] =	vst v7;
	v63 =	vld [tilespmem:s15+$0xC800];
	v8 =	vsub.f32 v8, v60;
	v10 =	vsub.f32 v59, v10  }
0x245: {  	v6 =	vmul.f32 v54, v6;
	s16 =	sadd.s32 $0x2800, s15;
	[tilespmem:s9+$0x10] =	vst v0;
	v7 =	vld [tilespmem:s9+$0x2810]  }
0x246: {  	v4 =	vld [tilespmem:s16+$0xF000];
	[tilespmem:s8+$0x20] =	vst v8;
	v8 =	vsub.f32 v55, v5;
	v3 =	vsub.f32 v10, v3  }
0x247: {  	v6 =	vsub.f32 v11, v6;
	v5 =	vld [tilespmem:s9+$0x2820];
	[tilespmem:s9+$0x20] =	vst v0  }
0x248: {  	v9 =	vsub.f32 v8, v61;
	[tilespmem:s8+$0x2830] =	vst v3;
	v3 =	vld [tilespmem:s10+$0x2810]  }
0x249: {  	s14 =	simm.s32 $0xF040;
	s13 =	simm.s32 $0x140A0;
	s12 =	simm.s32 $0xA040;
	v8 =	vsub.f32 v6, v62;
	v10 =	vmul.f32 v63, v16;
	v6 =	vld [tilespmem:s15+$0x2800];
	[tilespmem:s9+$0x2830] =	vst v0  }
.LBB2_18:
0x24a: {  	v11 =	vld [tilespmem:s13+$0x10];
	v1 =	vmul.f32 v7, v1;
	[tilespmem:s7+$0x2810] =	vst v9  }
0x24b: {  	s9 =	sadd.s32 $0x40, s9;
	v7 =	vld [tilespmem:s13+$0xFFFFFFE0];
	v4 =	vsub.f32 v4, v10;
	[tilespmem:s6+$0x2810] =	vst v0  }
0x24c: {  	v9 =	vld [tilespmem:s9+$0x30];
	v5 =	vmul.f32 v5, v2;
	[tilespmem:s7+$0x2820] =	vst v8;
	s7 =	smov.u32 s8  }
0x24d: {  	s10 =	sadd.s32 $0x40, s10;
	v2 =	vld [tilespmem:s13+$0xFFFFFFF0];
	v3 =	vsub.f32 v3, v1;
	[tilespmem:s6+$0x2820] =	vst v0;
	s6 =	smov.u32 s12;
	s12 =	smov.u32 s9  }
0x24e: {  	v8 =	vld [tilespmem:s10+$0x30];
	v1 =	vsub.f32 v4, v6;
	[tilespmem:s15+$0xC800] =	vst v0  }
0x24f: {  	s8 =	sadd.s32 $0x40, s8;
	v4 =	vld [tilespmem:s13+$0x0];
	v6 =	vadd.f32 v11, v11  }
0x250: {  	v10 =	vadd.f32 v7, v7;
	v7 =	vld [tilespmem:s8+$0x30];
	[tilespmem:s15+$0x2800] =	vst v1  }
0x251: {  	v11 =	vld [tilespmem:s9+$0x0];
	v9 =	vmul.f32 v9, v6  }
0x252: {  	v1 =	vadd.f32 v2, v2;
	v12 =	vld [tilespmem:s9+$0x10]  }
0x253: {  	v13 =	vld [tilespmem:s9+$0x20];
	v8 =	vsub.f32 v8, v9  }
0x254: {  	v9 =	vld [tilespmem:s10+$0x0];
	v2 =	vadd.f32 v4, v4  }
0x255: {  	v4 =	vld [tilespmem:s10+$0x10];
	v7 =	vsub.f32 v8, v7  }
0x256: {  	v8 =	vmul.f32 v11, v10;
	v11 =	vld [tilespmem:s10+$0x20]  }
0x257: {  	v14 =	vld [tilespmem:s8+$0x0];
	v12 =	vmul.f32 v12, v1;
	[tilespmem:s8+$0x30] =	vst v7  }
0x258: {  	v7 =	vmul.f32 v13, v2;
	v13 =	vld [tilespmem:s9+$0x2830]  }
0x259: {  	v8 =	vsub.f32 v9, v8;
	v9 =	vld [tilespmem:s8+$0x10];
	[tilespmem:s9+$0x30] =	vst v0  }
0x25a: {  	v4 =	vsub.f32 v4, v12;
	v12 =	vld [tilespmem:s10+$0x2830]  }
0x25b: {  	v7 =	vsub.f32 v11, v7;
	v11 =	vld [tilespmem:s8+$0x20]  }
0x25c: {  	v8 =	vsub.f32 v8, v14;
	v14 =	vld [tilespmem:s8+$0x2830]  }
0x25d: {  	v6 =	vmul.f32 v13, v6;
	v13 =	vld [tilespmem:s14+$0x2820];
	s14 =	smov.u32 s10  }
0x25e: {  	s11 =	sadd.s32 $0x40, s11;
	[tilespmem:s8+$0x0] =	vst v8;
	v4 =	vsub.f32 v4, v9;
	v8 =	vld [tilespmem:s7+$0x2810]  }
0x25f: {  	p0 =	slt.u32 s11, $0x27C0;
	s15 =	sand.u32 $0x3FC0, s11;
	[tilespmem:s9+$0x0] =	vst v0;
	v6 =	vsub.f32 v12, v6;
	v12 =	vld [tilespmem:s7+$0x2820]  }
0x260: {  	v15 =	vld [tilespmem:s15+$0xC800];
	[tilespmem:s8+$0x10] =	vst v4;
	v9 =	vsub.f32 v7, v11  }
.Ltmp8:
0x261: {  	s16 =	sadd.s32 $0x2800, s15;
	[tilespmem:s9+$0x10] =	vst v0;
	v7 =	vld [tilespmem:s9+$0x2810];
	v6 =	vsub.f32 v6, v14;
	(pc) =	sbr.rel @p0 .LBB2_18-.Ltmp8, $4  }
0x262: {  	v4 =	vld [tilespmem:s16+$0xF000];
	[tilespmem:s8+$0x20] =	vst v9;
	v11 =	vsub.f32 v13, v5  }
0x263: {  	v5 =	vld [tilespmem:s9+$0x2820];
	[tilespmem:s8+$0x2830] =	vst v6;
	v9 =	vsub.f32 v3, v8  }
0x264: {  	v3 =	vld [tilespmem:s10+$0x2810];
	[tilespmem:s9+$0x2830] =	vst v0;
	v8 =	vsub.f32 v11, v12  }
0x265: {  	s13 =	sadd.s32 $0x40, s13;
	v10 =	vmul.f32 v15, v10;
	v6 =	vld [tilespmem:s15+$0x2800];
	[tilespmem:s9+$0x20] =	vst v0  }
0x266: {  	v11 =	vld [tilespmem:s14+$0x2820]  }
0x267: {  	v12 =	vld [tilespmem:s8+$0x2810]  }
0x268: {  	v1 =	vmul.f32 v7, v1;
	[tilespmem:s7+$0x2810] =	vst v9  }
0x269: {  	v63 =	vld [tilespmem:s8+$0x2820];
	[tilespmem:s7+$0x2820] =	vst v8;
	v4 =	vsub.f32 v4, v10  }
0x26a: {  	[tilespmem:s15+$0xC800] =	vst v0;
	v2 =	vmul.f32 v5, v2;
	v1 =	vsub.f32 v3, v1  }
0x26b: {  	[tilespmem:s6+$0x2810] =	vst v0;
	v3 =	vsub.f32 v4, v6  }
0x26c: {  	[tilespmem:s6+$0x2820] =	vst v0;
	v2 =	vsub.f32 v11, v2;
	v1 =	vsub.f32 v1, v12  }
0x26d: {  	[tilespmem:s15+$0x2800] =	vst v3  }
0x26e: {  	v2 =	vsub.f32 v2, v63;
	[tilespmem:s8+$0x2810] =	vst v1  }
0x26f: {  	[tilespmem:s12+$0x2810] =	vst v0  }
0x270: {  	[tilespmem:s8+$0x2820] =	vst v2  }
0x271: {  	[tilespmem:s12+$0x2820] =	vst v0  }
0x272: {  	s6 =	simm.s32 $0x0;
	s7 =	rddreg [dreg:$0x9]  }
0x273: {  	[tilespmem:s29], [sflag:$0x3] =	stream.linear.gather [hbm4b:s7+s6], $0x2800, $0x38;
	[tilespmem:$0x1E500] =	vst v63  }
0x274: {  	s16 =	rddreg [dreg:$0xa]  }
0x275: {  	[tilespmem:s30], [sflag:$0x3] =	stream.linear.gather [hbm4b:s16+s6], $0x2800, $0x38;
	[tilespmem:$0x1E500] =	vst v63  }
.LBB2_20:
0x276: {  	s7 =	smul.u32 $0x7D00, s6;
	_ =	sdelay $0x1  }
0x277: {  	_ =	swait.ge [sflag:s31], $0x3E80;
	s7 =	sshrl.u32 s7, $0x3  }
0x278: {  	[sflag:s31] =	ssyncset.done $0x0;
	s7 =	sadd.s32 s4, s7  }
0x279: {  	[sflag:s31] =	ssyncadd.s32 $0xFFFFC180;
	s7 =	sadd.s32 $0x7D0, s7  }
0x27a: {  	[tilespmem:s1], [sflag:$0x2] =	stream.linear.gather [hbm4b:s7+s3], $0x3E80, $0x38;
	[tilespmem:$0x1E500] =	vst v63  }
0x27b: {  	s7 =	simm.s32 $0x16840  }
0x27c: {  	v4 =	vld [tilespmem:s7+$0xFFFFFFC0]  }
0x27d: {  	v5 =	vld [tilespmem:s7+$0x30]  }
0x27e: {  	v6 =	vld [tilespmem:s7+$0x20]  }
0x27f: {  	v7 =	vld [tilespmem:s7+$0x10]  }
0x280: {  	v8 =	vld [tilespmem:s7+$0x0]  }
0x281: {  	v1 =	vld [tilespmem:s7+$0xFFFFFFF0];
	v9 =	vshrl.u32 v4, $0xE  }
0x282: {  	v10 =	vshrl.u32 v5, $0xE  }
0x283: {  	v11 =	vshrl.u32 v6, $0xE  }
0x284: {  	v12 =	vld [tilespmem:s7+$0xFFFFFFE0];
	v13 =	vshrl.u32 v7, $0xE  }
0x285: {  	v2 =	vld [tilespmem:s7+$0xFFFFFFD0];
	v14 =	vshrl.u32 v8, $0xE  }
0x286: {  	v17 =	vshrl.u32 v1, $0xE;
	v15 =	vld.idx.msk [tilespmem:v9+s3+$0x0], $0xffff  }
0x287: {  	v19 =	vand.u32 $0x3FFF, v4;
	v16 =	vadd.s32 $0x2800, v9;
	v18 =	vld.idx.msk [tilespmem:v10+s3+$0x0], $0xffff  }
0x288: {  	v22 =	vand.u32 $0x3FFF, v5;
	v4 =	vand.u32 $0x7F, v9;
	v9 =	vand.u32 $0x7FF80, v16;
	v16 =	vld.idx.msk [tilespmem:v11+s3+$0x0], $0xffff  }
0x289: {  	v6 =	vand.u32 $0x3FFF, v6;
	v20 =	vld.idx.msk [tilespmem:v13+s3+$0x0], $0xffff;
	v9 =	vor.u32 v4, v9;
	v4 =	vadd.s32 $0x2800, v11  }
0x28a: {  	v23 =	vld.idx.msk [tilespmem:v14+s3+$0x0], $0xffff;
	v11 =	vand.u32 $0x7F, v11;
	v5 =	vand.u32 $0x7FF80, v4  }
0x28b: {  	v21 =	vadd.s32 $0x2800, v10;
	v4 =	vld.idx.msk [tilespmem:v17+s3+$0x0], $0xffff;
	v11 =	vor.u32 v11, v5  }
0x28c: {  	v3 =	vshrl.u32 v12, $0xE;
	v21 =	vand.u32 $0x7FF80, v21;
	v5 =	vand.u32 $0x7F, v10;
	[tilespmem:v19+s0+$0x0] =	vst.idx.add.f32.msk $0xffff, v15  }
0x28d: {  	v21 =	vor.u32 v5, v21;
	[tilespmem:v22+s0+$0x0] =	vst.idx.add.f32.msk $0xffff, v18  }
0x28e: {  	v5 =	vadd.s32 $0x2800, v14;
	v14 =	vand.u32 $0x7F, v14;
	v15 =	vshrl.u32 v2, $0xE;
	[tilespmem:v6+s0+$0x0] =	vst.idx.add.f32.msk $0xffff, v16  }
0x28f: {  	v19 =	vadd.s32 $0x2800, v19;
	v24 =	vld.idx.msk [tilespmem:v9+s3+$0x0], $0xffff;
	v9 =	vand.u32 $0x3FFF, v7;
	v7 =	vand.u32 $0x7FF80, v5  }
0x290: {  	v7 =	vor.u32 v14, v7;
	v14 =	vadd.s32 $0x2800, v6;
	v18 =	vld.idx.msk [tilespmem:v11+s3+$0x0], $0xffff  }
0x291: {  	v10 =	vld.idx.msk [tilespmem:v3+s3+$0x0], $0xffff  }
0x292: {  	v5 =	vand.u32 $0x3FFF, v8;
	v8 =	vadd.s32 $0x2800, v13;
	v16 =	vld.idx.msk [tilespmem:v21+s3+$0x0], $0xffff  }
0x293: {  	v13 =	vand.u32 $0x7F, v13;
	v8 =	vand.u32 $0x7FF80, v8;
	v6 =	vadd.s32 $0x2800, v17;
	v11 =	vld.idx.msk [tilespmem:v15+s3+$0x0], $0xffff  }
0x294: {  	[tilespmem:v19+s0+$0x0] =	vst.idx.add.f32.msk $0xffff, v24;
	v19 =	vor.u32 v13, v8;
	v13 =	vand.u32 $0x7F, v17;
	v17 =	vadd.s32 $0x2800, v3  }
0x295: {  	[tilespmem:v14+s0+$0x0] =	vst.idx.add.f32.msk $0xffff, v18;
	v14 =	vand.u32 $0x7FF80, v17;
	v17 =	vadd.s32 $0x2800, v22  }
0x296: {  	v12 =	vand.u32 $0x3FFF, v12;
	[tilespmem:v9+s0+$0x0] =	vst.idx.add.f32.msk $0xffff, v20  }
0x297: {  	[tilespmem:v5+s0+$0x0] =	vst.idx.add.f32.msk $0xffff, v23  }
0x298: {  	v6 =	vand.u32 $0x7FF80, v6;
	v7 =	vld.idx.msk [tilespmem:v7+s3+$0x0], $0xffff  }
0x299: {  	s8 =	simm.s32 $0x0;
	v8 =	vand.u32 $0x7F, v15;
	v6 =	vor.u32 v13, v6;
	v13 =	vadd.s32 $0x2800, v15;
	v15 =	vld.idx.msk [tilespmem:v19+s3+$0x0], $0xffff  }
.LBB2_21:
0x29a: {  	s8 =	sadd.s32 $0x80, s8;
	[tilespmem:v17+s0+$0x0] =	vst.idx.add.f32.msk $0xffff, v16;
	s7 =	sadd.s32 $0x80, s7  }
0x29b: {  	p0 =	slt.u32 s8, $0x3E00;
	[tilespmem:v12+s0+$0x0] =	vst.idx.add.f32.msk $0xffff, v10  }
0x29c: {  	v16 =	vld [tilespmem:s7+$0xFFFFFFE0]  }
0x29d: {  	v10 =	vld [tilespmem:s7+$0x30]  }
0x29e: {  	v17 =	vand.u32 $0x3FFF, v1;
	v1 =	vld [tilespmem:s7+$0xFFFFFFF0]  }
0x29f: {  	v3 =	vand.u32 $0x7F, v3;
	v18 =	vld [tilespmem:s7+$0x0]  }
0x2a0: {  	v2 =	vand.u32 $0x3FFF, v2;
	v13 =	vand.u32 $0x7FF80, v13;
	v3 =	vor.u32 v3, v14;
	v19 =	vld [tilespmem:s7+$0x10]  }
0x2a1: {  	v8 =	vor.u32 v8, v13;
	v14 =	vld [tilespmem:s7+$0x20]  }
0x2a2: {  	v13 =	vld [tilespmem:s7+$0xFFFFFFC0]  }
0x2a3: {  	[tilespmem:v17+s0+$0x0] =	vst.idx.add.f32.msk $0xffff, v4;
	v4 =	vadd.s32 $0x2800, v9  }
0x2a4: {  	v6 =	vld.idx.msk [tilespmem:v6+s3+$0x0], $0xffff  }
0x2a5: {  	v9 =	vadd.s32 $0x2800, v17;
	v3 =	vld.idx.msk [tilespmem:v3+s3+$0x0], $0xffff  }
0x2a6: {  	[tilespmem:v2+s0+$0x0] =	vst.idx.add.f32.msk $0xffff, v11;
	v11 =	vadd.s32 $0x2800, v12  }
0x2a7: {  	v5 =	vadd.s32 $0x2800, v5;
	v12 =	vadd.s32 $0x2800, v2;
	v8 =	vld.idx.msk [tilespmem:v8+s3+$0x0], $0xffff  }
0x2a8: {  	[tilespmem:v4+s0+$0x0] =	vst.idx.add.f32.msk $0xffff, v15  }
0x2a9: {  	v4 =	vshrl.u32 v13, $0xE;
	v15 =	vand.u32 $0x3FFF, v13;
	v2 =	vld [tilespmem:s7+$0xFFFFFFD0]  }
0x2aa: {  	v20 =	vshrl.u32 v10, $0xE;
	v13 =	vand.u32 $0x7F, v4;
	v17 =	vadd.s32 $0x2800, v4;
	[tilespmem:v9+s0+$0x0] =	vst.idx.add.f32.msk $0xffff, v6  }
0x2ab: {  	v6 =	vand.u32 $0x7FF80, v17;
	v9 =	vshrl.u32 v14, $0xE;
	v17 =	vadd.s32 $0x2800, v20;
	[tilespmem:v11+s0+$0x0] =	vst.idx.add.f32.msk $0xffff, v3  }
0x2ac: {  	v21 =	vshrl.u32 v19, $0xE;
	v3 =	vadd.s32 $0x2800, v9;
	v11 =	vand.u32 $0x7FF80, v17;
	[tilespmem:v5+s0+$0x0] =	vst.idx.add.f32.msk $0xffff, v7  }
0x2ad: {  	v5 =	vor.u32 v13, v6;
	v7 =	vshrl.u32 v18, $0xE;
	v13 =	vand.u32 $0x7FF80, v3;
	[tilespmem:v12+s0+$0x0] =	vst.idx.add.f32.msk $0xffff, v8  }
0x2ae: {  	v22 =	vand.u32 $0x3FFF, v10;
	v17 =	vand.u32 $0x3FFF, v14;
	v12 =	vld.idx.msk [tilespmem:v4+s3+$0x0], $0xffff;
	v4 =	vshrl.u32 v1, $0xE  }
0x2af: {  	v3 =	vshrl.u32 v16, $0xE;
	v6 =	vand.u32 $0x7F, v4;
	v8 =	vadd.s32 $0x2800, v4;
	v23 =	vld.idx.msk [tilespmem:v20+s3+$0x0], $0xffff  }
0x2b0: {  	v14 =	vadd.s32 $0x2800, v3;
	v24 =	vshrl.u32 v2, $0xE;
	v10 =	vand.u32 $0x7FF80, v8;
	v25 =	vld.idx.msk [tilespmem:v9+s3+$0x0], $0xffff  }
0x2b1: {  	v8 =	vand.u32 $0x7F, v24;
	v9 =	vand.u32 $0x7F, v9;
	v6 =	vor.u32 v6, v10;
	v26 =	vld.idx.msk [tilespmem:v21+s3+$0x0], $0xffff  }
0x2b2: {  	v10 =	vadd.s32 $0x2800, v7;
	v28 =	vor.u32 v9, v13;
	v9 =	vand.u32 $0x7F, v20;
	v27 =	vld.idx.msk [tilespmem:v7+s3+$0x0], $0xffff  }
0x2b3: {  	v29 =	vadd.s32 $0x2800, v21;
	v20 =	vand.u32 $0x7FF80, v10;
	v11 =	vor.u32 v9, v11;
	v4 =	vld.idx.msk [tilespmem:v4+s3+$0x0], $0xffff  }
0x2b4: {  	v29 =	vand.u32 $0x7FF80, v29;
	v14 =	vand.u32 $0x7FF80, v14;
	v13 =	vadd.s32 $0x2800, v24;
	v10 =	vld.idx.msk [tilespmem:v3+s3+$0x0], $0xffff  }
0x2b5: {  	v7 =	vand.u32 $0x7F, v7;
	[tilespmem:v15+s0+$0x0] =	vst.idx.add.f32.msk $0xffff, v12;
	v12 =	vand.u32 $0x3FFF, v16  }
0x2b6: {  	v7 =	vor.u32 v7, v20;
	v30 =	vld.idx.msk [tilespmem:v5+s3+$0x0], $0xffff  }
0x2b7: {  	v15 =	vadd.s32 $0x2800, v15;
	[tilespmem:v22+s0+$0x0] =	vst.idx.add.f32.msk $0xffff, v23  }
0x2b8: {  	v9 =	vand.u32 $0x3FFF, v19;
	[tilespmem:v17+s0+$0x0] =	vst.idx.add.f32.msk $0xffff, v25  }
0x2b9: {  	v5 =	vand.u32 $0x3FFF, v18;
	v18 =	vld.idx.msk [tilespmem:v28+s3+$0x0], $0xffff  }
0x2ba: {  	v16 =	vld.idx.msk [tilespmem:v11+s3+$0x0], $0xffff  }
0x2bb: {  	v19 =	vand.u32 $0x7F, v21;
	v20 =	vadd.s32 $0x2800, v17;
	v11 =	vld.idx.msk [tilespmem:v24+s3+$0x0], $0xffff  }
0x2bc: {  	[tilespmem:v15+s0+$0x0] =	vst.idx.add.f32.msk $0xffff, v30;
	v15 =	vor.u32 v19, v29  }
.Ltmp9:
0x2bd: {  	v17 =	vadd.s32 $0x2800, v22;
	[tilespmem:v9+s0+$0x0] =	vst.idx.add.f32.msk $0xffff, v26;
	(pc) =	sbr.rel @p0 .LBB2_21-.Ltmp9, $4  }
0x2be: {  	[tilespmem:v5+s0+$0x0] =	vst.idx.add.f32.msk $0xffff, v27  }
0x2bf: {  	v7 =	vld.idx.msk [tilespmem:v7+s3+$0x0], $0xffff  }
0x2c0: {  	[tilespmem:v20+s0+$0x0] =	vst.idx.add.f32.msk $0xffff, v18  }
0x2c1: {  	v15 =	vld.idx.msk [tilespmem:v15+s3+$0x0], $0xffff  }
0x2c2: {  	_ = 	snop  }
0x2c3: {  	v1 =	vand.u32 $0x3FFF, v1  }
0x2c4: {  	v2 =	vand.u32 $0x3FFF, v2  }
0x2c5: {  	v3 =	vand.u32 $0x7F, v3  }
0x2c6: {  	[tilespmem:v17+s0+$0x0] =	vst.idx.add.f32.msk $0xffff, v16;
	v13 =	vand.u32 $0x7FF80, v13;
	v3 =	vor.u32 v3, v14  }
0x2c7: {  	[tilespmem:v12+s0+$0x0] =	vst.idx.add.f32.msk $0xffff, v10;
	v8 =	vor.u32 v8, v13  }
0x2c8: {  	v5 =	vadd.s32 $0x2800, v5;
	[tilespmem:v1+s0+$0x0] =	vst.idx.add.f32.msk $0xffff, v4  }
0x2c9: {  	v4 =	vadd.s32 $0x2800, v9;
	[tilespmem:v2+s0+$0x0] =	vst.idx.add.f32.msk $0xffff, v11  }
0x2ca: {  	v1 =	vadd.s32 $0x2800, v1;
	v6 =	vld.idx.msk [tilespmem:v6+s3+$0x0], $0xffff  }
0x2cb: {  	v9 =	vadd.s32 $0x2800, v12;
	v3 =	vld.idx.msk [tilespmem:v3+s3+$0x0], $0xffff  }
0x2cc: {  	v2 =	vadd.s32 $0x2800, v2;
	v8 =	vld.idx.msk [tilespmem:v8+s3+$0x0], $0xffff  }
0x2cd: {  	[tilespmem:v5+s0+$0x0] =	vst.idx.add.f32.msk $0xffff, v7  }
0x2ce: {  	[tilespmem:v4+s0+$0x0] =	vst.idx.add.f32.msk $0xffff, v15  }
0x2cf: {  	s7 =	sshll.u32 s6, $0x1;
	[tilespmem:v1+s0+$0x0] =	vst.idx.add.f32.msk $0xffff, v6  }
0x2d0: {  	s7 =	sadd.s32 $0x2, s7;
	[tilespmem:v9+s0+$0x0] =	vst.idx.add.f32.msk $0xffff, v3  }
0x2d1: {  	s8 =	smul.u32 $0x7D0, s7;
	[tilespmem:v2+s0+$0x0] =	vst.idx.add.f32.msk $0xffff, v8  }
0x2d2: {  	p0 =	seq.s32 s7, $0x14;
	_ =	swait.ge [sflag:s2], $0x3E80  }
0x2d3: {  	s8 =	simm.s32 @p0 $0x0;
	[sflag:s2] =	ssyncset.done $0x0  }
0x2d4: {  	s7 =	simm.s32 $0x1A6C0;
	s16 =	sadd.s32 s4, s8;
	[sflag:s2] =	ssyncadd.s32 $0xFFFFC180  }
0x2d5: {  	[tilespmem:s28], [sflag:$0x1] =	stream.linear.gather [hbm4b:s16+s3], $0x3E80, $0x38;
	[tilespmem:$0x1E500] =	vst v63  }
0x2d6: {  	v4 =	vld [tilespmem:s7+$0xFFFFFFC0]  }
0x2d7: {  	v5 =	vld [tilespmem:s7+$0x30]  }
0x2d8: {  	v6 =	vld [tilespmem:s7+$0x20]  }
0x2d9: {  	v7 =	vld [tilespmem:s7+$0x10]  }
0x2da: {  	v8 =	vld [tilespmem:s7+$0x0]  }
0x2db: {  	v1 =	vld [tilespmem:s7+$0xFFFFFFF0];
	v9 =	vshrl.u32 v4, $0xE  }
0x2dc: {  	v10 =	vshrl.u32 v5, $0xE  }
0x2dd: {  	v11 =	vshrl.u32 v6, $0xE  }
0x2de: {  	v12 =	vld [tilespmem:s7+$0xFFFFFFE0];
	v13 =	vshrl.u32 v7, $0xE  }
0x2df: {  	v2 =	vld [tilespmem:s7+$0xFFFFFFD0];
	v14 =	vshrl.u32 v8, $0xE  }
0x2e0: {  	v17 =	vshrl.u32 v1, $0xE;
	v15 =	vld.idx.msk [tilespmem:v9+s3+$0x0], $0xffff  }
0x2e1: {  	v19 =	vand.u32 $0x3FFF, v4;
	v16 =	vadd.s32 $0x2800, v9;
	v18 =	vld.idx.msk [tilespmem:v10+s3+$0x0], $0xffff  }
0x2e2: {  	v22 =	vand.u32 $0x3FFF, v5;
	v4 =	vand.u32 $0x7F, v9;
	v9 =	vand.u32 $0x7FF80, v16;
	v16 =	vld.idx.msk [tilespmem:v11+s3+$0x0], $0xffff  }
0x2e3: {  	v6 =	vand.u32 $0x3FFF, v6;
	v20 =	vld.idx.msk [tilespmem:v13+s3+$0x0], $0xffff;
	v9 =	vor.u32 v4, v9;
	v4 =	vadd.s32 $0x2800, v11  }
0x2e4: {  	v23 =	vld.idx.msk [tilespmem:v14+s3+$0x0], $0xffff;
	v11 =	vand.u32 $0x7F, v11;
	v5 =	vand.u32 $0x7FF80, v4  }
0x2e5: {  	v21 =	vadd.s32 $0x2800, v10;
	v4 =	vld.idx.msk [tilespmem:v17+s3+$0x0], $0xffff;
	v11 =	vor.u32 v11, v5  }
0x2e6: {  	v3 =	vshrl.u32 v12, $0xE;
	v21 =	vand.u32 $0x7FF80, v21;
	v5 =	vand.u32 $0x7F, v10;
	[tilespmem:v19+s0+$0x0] =	vst.idx.add.f32.msk $0xffff, v15  }
0x2e7: {  	v21 =	vor.u32 v5, v21;
	[tilespmem:v22+s0+$0x0] =	vst.idx.add.f32.msk $0xffff, v18  }
0x2e8: {  	v5 =	vadd.s32 $0x2800, v14;
	v14 =	vand.u32 $0x7F, v14;
	v15 =	vshrl.u32 v2, $0xE;
	[tilespmem:v6+s0+$0x0] =	vst.idx.add.f32.msk $0xffff, v16  }
0x2e9: {  	v19 =	vadd.s32 $0x2800, v19;
	v24 =	vld.idx.msk [tilespmem:v9+s3+$0x0], $0xffff;
	v9 =	vand.u32 $0x3FFF, v7;
	v7 =	vand.u32 $0x7FF80, v5  }
0x2ea: {  	v7 =	vor.u32 v14, v7;
	v14 =	vadd.s32 $0x2800, v6;
	v18 =	vld.idx.msk [tilespmem:v11+s3+$0x0], $0xffff  }
0x2eb: {  	v10 =	vld.idx.msk [tilespmem:v3+s3+$0x0], $0xffff  }
0x2ec: {  	v5 =	vand.u32 $0x3FFF, v8;
	v8 =	vadd.s32 $0x2800, v13;
	v16 =	vld.idx.msk [tilespmem:v21+s3+$0x0], $0xffff  }
0x2ed: {  	v13 =	vand.u32 $0x7F, v13;
	v8 =	vand.u32 $0x7FF80, v8;
	v6 =	vadd.s32 $0x2800, v17;
	v11 =	vld.idx.msk [tilespmem:v15+s3+$0x0], $0xffff  }
0x2ee: {  	[tilespmem:v19+s0+$0x0] =	vst.idx.add.f32.msk $0xffff, v24;
	v19 =	vor.u32 v13, v8;
	v13 =	vand.u32 $0x7F, v17;
	v17 =	vadd.s32 $0x2800, v3  }
0x2ef: {  	[tilespmem:v14+s0+$0x0] =	vst.idx.add.f32.msk $0xffff, v18;
	v14 =	vand.u32 $0x7FF80, v17;
	v17 =	vadd.s32 $0x2800, v22  }
0x2f0: {  	v12 =	vand.u32 $0x3FFF, v12;
	[tilespmem:v9+s0+$0x0] =	vst.idx.add.f32.msk $0xffff, v20  }
0x2f1: {  	[tilespmem:v5+s0+$0x0] =	vst.idx.add.f32.msk $0xffff, v23  }
0x2f2: {  	v6 =	vand.u32 $0x7FF80, v6;
	v7 =	vld.idx.msk [tilespmem:v7+s3+$0x0], $0xffff  }
0x2f3: {  	s8 =	simm.s32 $0x0;
	v8 =	vand.u32 $0x7F, v15;
	v6 =	vor.u32 v13, v6;
	v13 =	vadd.s32 $0x2800, v15;
	v15 =	vld.idx.msk [tilespmem:v19+s3+$0x0], $0xffff  }
.LBB2_23:
0x2f4: {  	s8 =	sadd.s32 $0x80, s8;
	[tilespmem:v17+s0+$0x0] =	vst.idx.add.f32.msk $0xffff, v16;
	s7 =	sadd.s32 $0x80, s7  }
0x2f5: {  	p0 =	slt.u32 s8, $0x3E00;
	[tilespmem:v12+s0+$0x0] =	vst.idx.add.f32.msk $0xffff, v10  }
0x2f6: {  	v16 =	vld [tilespmem:s7+$0xFFFFFFE0]  }
0x2f7: {  	v10 =	vld [tilespmem:s7+$0x30]  }
0x2f8: {  	v17 =	vand.u32 $0x3FFF, v1;
	v1 =	vld [tilespmem:s7+$0xFFFFFFF0]  }
0x2f9: {  	v3 =	vand.u32 $0x7F, v3;
	v18 =	vld [tilespmem:s7+$0x0]  }
0x2fa: {  	v2 =	vand.u32 $0x3FFF, v2;
	v13 =	vand.u32 $0x7FF80, v13;
	v3 =	vor.u32 v3, v14;
	v19 =	vld [tilespmem:s7+$0x10]  }
0x2fb: {  	v8 =	vor.u32 v8, v13;
	v14 =	vld [tilespmem:s7+$0x20]  }
0x2fc: {  	v13 =	vld [tilespmem:s7+$0xFFFFFFC0]  }
0x2fd: {  	[tilespmem:v17+s0+$0x0] =	vst.idx.add.f32.msk $0xffff, v4;
	v4 =	vadd.s32 $0x2800, v9  }
0x2fe: {  	v6 =	vld.idx.msk [tilespmem:v6+s3+$0x0], $0xffff  }
0x2ff: {  	v9 =	vadd.s32 $0x2800, v17;
	v3 =	vld.idx.msk [tilespmem:v3+s3+$0x0], $0xffff  }
0x300: {  	[tilespmem:v2+s0+$0x0] =	vst.idx.add.f32.msk $0xffff, v11;
	v11 =	vadd.s32 $0x2800, v12  }
0x301: {  	v5 =	vadd.s32 $0x2800, v5;
	v12 =	vadd.s32 $0x2800, v2;
	v8 =	vld.idx.msk [tilespmem:v8+s3+$0x0], $0xffff  }
0x302: {  	[tilespmem:v4+s0+$0x0] =	vst.idx.add.f32.msk $0xffff, v15  }
0x303: {  	v4 =	vshrl.u32 v13, $0xE;
	v15 =	vand.u32 $0x3FFF, v13;
	v2 =	vld [tilespmem:s7+$0xFFFFFFD0]  }
0x304: {  	v20 =	vshrl.u32 v10, $0xE;
	v13 =	vand.u32 $0x7F, v4;
	v17 =	vadd.s32 $0x2800, v4;
	[tilespmem:v9+s0+$0x0] =	vst.idx.add.f32.msk $0xffff, v6  }
0x305: {  	v6 =	vand.u32 $0x7FF80, v17;
	v9 =	vshrl.u32 v14, $0xE;
	v17 =	vadd.s32 $0x2800, v20;
	[tilespmem:v11+s0+$0x0] =	vst.idx.add.f32.msk $0xffff, v3  }
0x306: {  	v21 =	vshrl.u32 v19, $0xE;
	v3 =	vadd.s32 $0x2800, v9;
	v11 =	vand.u32 $0x7FF80, v17;
	[tilespmem:v5+s0+$0x0] =	vst.idx.add.f32.msk $0xffff, v7  }
0x307: {  	v5 =	vor.u32 v13, v6;
	v7 =	vshrl.u32 v18, $0xE;
	v13 =	vand.u32 $0x7FF80, v3;
	[tilespmem:v12+s0+$0x0] =	vst.idx.add.f32.msk $0xffff, v8  }
0x308: {  	v22 =	vand.u32 $0x3FFF, v10;
	v17 =	vand.u32 $0x3FFF, v14;
	v12 =	vld.idx.msk [tilespmem:v4+s3+$0x0], $0xffff;
	v4 =	vshrl.u32 v1, $0xE  }
0x309: {  	v3 =	vshrl.u32 v16, $0xE;
	v6 =	vand.u32 $0x7F, v4;
	v8 =	vadd.s32 $0x2800, v4;
	v23 =	vld.idx.msk [tilespmem:v20+s3+$0x0], $0xffff  }
0x30a: {  	v14 =	vadd.s32 $0x2800, v3;
	v24 =	vshrl.u32 v2, $0xE;
	v10 =	vand.u32 $0x7FF80, v8;
	v25 =	vld.idx.msk [tilespmem:v9+s3+$0x0], $0xffff  }
0x30b: {  	v8 =	vand.u32 $0x7F, v24;
	v9 =	vand.u32 $0x7F, v9;
	v6 =	vor.u32 v6, v10;
	v26 =	vld.idx.msk [tilespmem:v21+s3+$0x0], $0xffff  }
0x30c: {  	v10 =	vadd.s32 $0x2800, v7;
	v28 =	vor.u32 v9, v13;
	v9 =	vand.u32 $0x7F, v20;
	v27 =	vld.idx.msk [tilespmem:v7+s3+$0x0], $0xffff  }
0x30d: {  	v29 =	vadd.s32 $0x2800, v21;
	v20 =	vand.u32 $0x7FF80, v10;
	v11 =	vor.u32 v9, v11;
	v4 =	vld.idx.msk [tilespmem:v4+s3+$0x0], $0xffff  }
0x30e: {  	v29 =	vand.u32 $0x7FF80, v29;
	v14 =	vand.u32 $0x7FF80, v14;
	v13 =	vadd.s32 $0x2800, v24;
	v10 =	vld.idx.msk [tilespmem:v3+s3+$0x0], $0xffff  }
0x30f: {  	v7 =	vand.u32 $0x7F, v7;
	[tilespmem:v15+s0+$0x0] =	vst.idx.add.f32.msk $0xffff, v12;
	v12 =	vand.u32 $0x3FFF, v16  }
0x310: {  	v7 =	vor.u32 v7, v20;
	v30 =	vld.idx.msk [tilespmem:v5+s3+$0x0], $0xffff  }
0x311: {  	v15 =	vadd.s32 $0x2800, v15;
	[tilespmem:v22+s0+$0x0] =	vst.idx.add.f32.msk $0xffff, v23  }
0x312: {  	v9 =	vand.u32 $0x3FFF, v19;
	[tilespmem:v17+s0+$0x0] =	vst.idx.add.f32.msk $0xffff, v25  }
0x313: {  	v5 =	vand.u32 $0x3FFF, v18;
	v18 =	vld.idx.msk [tilespmem:v28+s3+$0x0], $0xffff  }
0x314: {  	v16 =	vld.idx.msk [tilespmem:v11+s3+$0x0], $0xffff  }
0x315: {  	v19 =	vand.u32 $0x7F, v21;
	v20 =	vadd.s32 $0x2800, v17;
	v11 =	vld.idx.msk [tilespmem:v24+s3+$0x0], $0xffff  }
0x316: {  	[tilespmem:v15+s0+$0x0] =	vst.idx.add.f32.msk $0xffff, v30;
	v15 =	vor.u32 v19, v29  }
.Ltmp10:
0x317: {  	v17 =	vadd.s32 $0x2800, v22;
	[tilespmem:v9+s0+$0x0] =	vst.idx.add.f32.msk $0xffff, v26;
	(pc) =	sbr.rel @p0 .LBB2_23-.Ltmp10, $4  }
0x318: {  	[tilespmem:v5+s0+$0x0] =	vst.idx.add.f32.msk $0xffff, v27  }
0x319: {  	v7 =	vld.idx.msk [tilespmem:v7+s3+$0x0], $0xffff  }
0x31a: {  	[tilespmem:v20+s0+$0x0] =	vst.idx.add.f32.msk $0xffff, v18  }
0x31b: {  	v15 =	vld.idx.msk [tilespmem:v15+s3+$0x0], $0xffff  }
0x31c: {  	_ = 	snop  }
0x31d: {  	v1 =	vand.u32 $0x3FFF, v1  }
0x31e: {  	v2 =	vand.u32 $0x3FFF, v2  }
0x31f: {  	v3 =	vand.u32 $0x7F, v3  }
0x320: {  	[tilespmem:v17+s0+$0x0] =	vst.idx.add.f32.msk $0xffff, v16;
	v13 =	vand.u32 $0x7FF80, v13;
	v3 =	vor.u32 v3, v14  }
0x321: {  	[tilespmem:v12+s0+$0x0] =	vst.idx.add.f32.msk $0xffff, v10;
	v8 =	vor.u32 v8, v13  }
0x322: {  	v62 =	vadd.s32 $0x2800, v9;
	[tilespmem:v1+s0+$0x0] =	vst.idx.add.f32.msk $0xffff, v4  }
0x323: {  	v5 =	vadd.s32 $0x2800, v5;
	[tilespmem:v2+s0+$0x0] =	vst.idx.add.f32.msk $0xffff, v11  }
0x324: {  	v1 =	vadd.s32 $0x2800, v1;
	v6 =	vld.idx.msk [tilespmem:v6+s3+$0x0], $0xffff  }
0x325: {  	v63 =	vadd.s32 $0x2800, v12;
	s6 =	sadd.s32 $0x1, s6;
	v3 =	vld.idx.msk [tilespmem:v3+s3+$0x0], $0xffff  }
0x326: {  	p0 =	sne.s32 s6, $0xA;
	v2 =	vadd.s32 $0x2800, v2;
	v8 =	vld.idx.msk [tilespmem:v8+s3+$0x0], $0xffff  }
.Ltmp11:
0x327: {  	[tilespmem:v62+s0+$0x0] =	vst.idx.add.f32.msk $0xffff, v15;
	(pc) =	sbr.rel @p0 .LBB2_20-.Ltmp11, $4  }
0x328: {  	[tilespmem:v5+s0+$0x0] =	vst.idx.add.f32.msk $0xffff, v7  }
0x329: {  	[tilespmem:v1+s0+$0x0] =	vst.idx.add.f32.msk $0xffff, v6  }
0x32a: {  	[tilespmem:v63+s0+$0x0] =	vst.idx.add.f32.msk $0xffff, v3  }
0x32b: {  	[tilespmem:v2+s0+$0x0] =	vst.idx.add.f32.msk $0xffff, v8  }
0x32c: {  	_ =	swait.ge [sflag:s24], $0x2800  }
0x32d: {  	[sflag:s24] =	ssyncset.done $0x0  }
0x32e: {  	[sflag:s24] =	ssyncadd.s32 $0xFFFFD800  }
0x32f: {  	_ =	swait.ge [sflag:s24], $0x2800  }
0x330: {  	[sflag:s24] =	ssyncset.done $0x0  }
0x331: {  	s8 =	simm.s32 $0x14020;
	[sflag:s24] =	ssyncadd.s32 $0xFFFFD800  }
0x332: {  	v1 =	vld [tilespmem:s8+$0x10]  }
0x333: {  	s6 =	simm.s32 $0xA000;
	v2 =	vld [tilespmem:s8+$0xFFFFFFE0]  }
0x334: {  	v3 =	vld [tilespmem:s6+$0x30]  }
0x335: {  	s11 =	simm.s32 $0xF000;
	v4 =	vld [tilespmem:s8+$0xFFFFFFF0]  }
0x336: {  	v5 =	vld [tilespmem:s11+$0x30]  }
0x337: {  	s7 =	simm.s32 $0x5000;
	v6 =	vld [tilespmem:s8+$0x0]  }
0x338: {  	v7 =	vld [tilespmem:s7+$0x30]  }
0x339: {  	v8 =	vld [tilespmem:s6+$0x0]  }
0x33a: {  	v9 =	vld [tilespmem:s6+$0x10]  }
0x33b: {  	v10 =	vld [tilespmem:s11+$0x0]  }
0x33c: {  	v12 =	vld [tilespmem:s6+$0x20];
	v1 =	vadd.f32 v1, v1  }
0x33d: {  	s9 =	simm.s32 $0xA040;
	v13 =	vld [tilespmem:s11+$0x20]  }
0x33e: {  	s13 =	simm.s32 $0x14060;
	v15 =	vld [tilespmem:s9+$0x30];
	v3 =	vmul.f32 v3, v1  }
0x33f: {  	v16 =	vld [tilespmem:s13+$0xFFFFFFE0]  }
0x340: {  	v11 =	vadd.f32 v2, v2;
	v2 =	vsub.f32 v5, v3;
	v3 =	vld [tilespmem:s11+$0x10]  }
0x341: {  	s10 =	simm.s32 $0xF040;
	v4 =	vadd.f32 v4, v4;
	v5 =	vld [tilespmem:s7+$0x0]  }
0x342: {  	v17 =	vld [tilespmem:s10+$0x30];
	v2 =	vsub.f32 v2, v7;
	v7 =	vmul.f32 v8, v11  }
0x343: {  	v9 =	vmul.f32 v9, v4;
	v8 =	vld [tilespmem:s7+$0x10]  }
0x344: {  	v18 =	vld [tilespmem:s13+$0xFFFFFFF0];
	v6 =	vadd.f32 v6, v6;
	[tilespmem:s7+$0x30] =	vst v2;
	v2 =	vsub.f32 v10, v7  }
0x345: {  	v3 =	vsub.f32 v3, v9;
	v9 =	vld [tilespmem:s7+$0x20]  }
0x346: {  	v20 =	vld [tilespmem:s13+$0x0];
	v2 =	vsub.f32 v2, v5;
	v5 =	vmul.f32 v12, v6  }
0x347: {  	v21 =	vld [tilespmem:s9+$0x10]  }
0x348: {  	v56 =	vld [tilespmem:s9+$0x20];
	[tilespmem:s7+$0x0] =	vst v2;
	v2 =	vsub.f32 v3, v8;
	v5 =	vsub.f32 v13, v5  }
0x349: {  	s8 =	simm.s32 $0x5040;
	v22 =	vld [tilespmem:s10+$0x10]  }
0x34a: {  	v57 =	vld [tilespmem:s8+$0x0];
	[tilespmem:s7+$0x10] =	vst v2;
	v2 =	vsub.f32 v5, v9  }
0x34b: {  	v7 =	vld [tilespmem:s6+$0x2830]  }
0x34c: {  	[tilespmem:s7+$0x20] =	vst v2;
	v2 =	vld [tilespmem:s13+$0x10]  }
0x34d: {  	v60 =	vld [tilespmem:s8+$0x20];
	[tilespmem:s6+$0x30] =	vst v0  }
0x34e: {  	s16 =	simm.s32 $0x0;
	v3 =	vld [tilespmem:s11+$0x2830]  }
0x34f: {  	s12 =	sand.u32 $0x3FC0, s16;
	v8 =	vld [tilespmem:s7+$0x2830];
	[tilespmem:s6+$0x0] =	vst v0  }
0x350: {  	v10 =	vld [tilespmem:s12+$0xC800]  }
0x351: {  	v1 =	vmul.f32 v7, v1;
	v7 =	vld [tilespmem:s9+$0x0];
	v19 =	vadd.f32 v2, v2  }
0x352: {  	v2 =	vld [tilespmem:s8+$0x30]  }
0x353: {  	v9 =	vld [tilespmem:s12+$0x11800];
	v15 =	vmul.f32 v15, v19  }
0x354: {  	v1 =	vsub.f32 v3, v1;
	v3 =	vld [tilespmem:s10+$0x0]  }
0x355: {  	v16 =	vadd.f32 v16, v16;
	v14 =	vld [tilespmem:s12+$0x7800];
	v15 =	vsub.f32 v17, v15  }
0x356: {  	[tilespmem:s6+$0x10] =	vst v0;
	v5 =	vld [tilespmem:s6+$0x2810];
	v8 =	vsub.f32 v1, v8  }
0x357: {  	v55 =	vld [tilespmem:s11+$0x2810];
	v7 =	vmul.f32 v7, v16;
	v2 =	vsub.f32 v15, v2  }
0x358: {  	[tilespmem:s7+$0x2830] =	vst v8;
	v8 =	vld [tilespmem:s10+$0x20]  }
0x359: {  	v1 =	vadd.f32 v18, v18;
	v10 =	vmul.f32 v10, v11;
	v3 =	vsub.f32 v3, v7;
	v7 =	vld [tilespmem:s8+$0x10];
	[tilespmem:s8+$0x30] =	vst v2  }
0x35a: {  	[tilespmem:s12+$0xC800] =	vst v0;
	v58 =	vld [tilespmem:s9+$0x2830]  }
0x35b: {  	v61 =	vld [tilespmem:s7+$0x2810];
	v21 =	vmul.f32 v21, v1;
	v9 =	vsub.f32 v9, v10;
	v2 =	vadd.f32 v20, v20;
	[tilespmem:s9+$0x30] =	vst v0  }
0x35c: {  	[tilespmem:s6+$0x20] =	vst v0;
	v3 =	vsub.f32 v3, v57;
	v59 =	vld [tilespmem:s10+$0x2830]  }
0x35d: {  	v54 =	vld [tilespmem:s6+$0x2820];
	[tilespmem:s6+$0x2830] =	vst v0;
	v11 =	vsub.f32 v22, v21;
	v9 =	vsub.f32 v9, v14;
	v17 =	vmul.f32 v56, v2  }
0x35e: {  	[tilespmem:s8+$0x0] =	vst v3;
	v3 =	vld [tilespmem:s8+$0x2830]  }
0x35f: {  	[tilespmem:s12+$0x7800] =	vst v9;
	v7 =	vsub.f32 v11, v7;
	v11 =	vld [tilespmem:s11+$0x2820];
	s11 =	simm.s32 $0x40;
	v8 =	vsub.f32 v8, v17;
	v10 =	vmul.f32 v58, v19  }
0x360: {  	v62 =	vld [tilespmem:s7+$0x2820];
	[tilespmem:s9+$0x0] =	vst v0;
	s15 =	sand.u32 $0x3FC0, s11  }
0x361: {  	v5 =	vmul.f32 v5, v4;
	[tilespmem:s8+$0x10] =	vst v7;
	v63 =	vld [tilespmem:s15+$0xC800];
	v8 =	vsub.f32 v8, v60;
	v10 =	vsub.f32 v59, v10  }
0x362: {  	v6 =	vmul.f32 v54, v6;
	[tilespmem:s9+$0x10] =	vst v0;
	v7 =	vld [tilespmem:s9+$0x2810]  }
0x363: {  	v4 =	vld [tilespmem:s15+$0x11800];
	[tilespmem:s8+$0x20] =	vst v8;
	v8 =	vsub.f32 v55, v5;
	v3 =	vsub.f32 v10, v3  }
0x364: {  	v6 =	vsub.f32 v11, v6;
	v5 =	vld [tilespmem:s9+$0x2820];
	[tilespmem:s9+$0x20] =	vst v0  }
0x365: {  	v9 =	vsub.f32 v8, v61;
	[tilespmem:s8+$0x2830] =	vst v3;
	v3 =	vld [tilespmem:s10+$0x2810]  }
0x366: {  	s14 =	simm.s32 $0xF040;
	s13 =	simm.s32 $0x140A0;
	s12 =	simm.s32 $0xA040;
	v8 =	vsub.f32 v6, v62;
	v10 =	vmul.f32 v63, v16;
	v6 =	vld [tilespmem:s15+$0x7800];
	[tilespmem:s9+$0x2830] =	vst v0  }
.LBB2_26:
0x367: {  	v11 =	vld [tilespmem:s13+$0x10];
	v1 =	vmul.f32 v7, v1;
	[tilespmem:s7+$0x2810] =	vst v9  }
0x368: {  	s9 =	sadd.s32 $0x40, s9;
	v7 =	vld [tilespmem:s13+$0xFFFFFFE0];
	v4 =	vsub.f32 v4, v10;
	[tilespmem:s6+$0x2810] =	vst v0  }
0x369: {  	v9 =	vld [tilespmem:s9+$0x30];
	v5 =	vmul.f32 v5, v2;
	[tilespmem:s7+$0x2820] =	vst v8;
	s7 =	smov.u32 s8  }
0x36a: {  	s10 =	sadd.s32 $0x40, s10;
	v2 =	vld [tilespmem:s13+$0xFFFFFFF0];
	v3 =	vsub.f32 v3, v1;
	[tilespmem:s6+$0x2820] =	vst v0;
	s6 =	smov.u32 s12;
	s12 =	smov.u32 s9  }
0x36b: {  	v8 =	vld [tilespmem:s10+$0x30];
	v1 =	vsub.f32 v4, v6;
	[tilespmem:s15+$0xC800] =	vst v0  }
0x36c: {  	s8 =	sadd.s32 $0x40, s8;
	v4 =	vld [tilespmem:s13+$0x0];
	v6 =	vadd.f32 v11, v11  }
0x36d: {  	v10 =	vadd.f32 v7, v7;
	v7 =	vld [tilespmem:s8+$0x30];
	[tilespmem:s15+$0x7800] =	vst v1  }
0x36e: {  	v11 =	vld [tilespmem:s9+$0x0];
	v9 =	vmul.f32 v9, v6  }
0x36f: {  	v1 =	vadd.f32 v2, v2;
	v12 =	vld [tilespmem:s9+$0x10]  }
0x370: {  	v13 =	vld [tilespmem:s9+$0x20];
	v8 =	vsub.f32 v8, v9  }
0x371: {  	v9 =	vld [tilespmem:s10+$0x0];
	v2 =	vadd.f32 v4, v4  }
0x372: {  	v4 =	vld [tilespmem:s10+$0x10];
	v7 =	vsub.f32 v8, v7  }
0x373: {  	v8 =	vmul.f32 v11, v10;
	v11 =	vld [tilespmem:s10+$0x20]  }
0x374: {  	v14 =	vld [tilespmem:s8+$0x0];
	v12 =	vmul.f32 v12, v1;
	[tilespmem:s8+$0x30] =	vst v7  }
0x375: {  	v7 =	vmul.f32 v13, v2;
	v13 =	vld [tilespmem:s9+$0x2830]  }
0x376: {  	v8 =	vsub.f32 v9, v8;
	v9 =	vld [tilespmem:s8+$0x10];
	[tilespmem:s9+$0x30] =	vst v0  }
0x377: {  	v4 =	vsub.f32 v4, v12;
	v12 =	vld [tilespmem:s10+$0x2830]  }
0x378: {  	v7 =	vsub.f32 v11, v7;
	v11 =	vld [tilespmem:s8+$0x20]  }
0x379: {  	v8 =	vsub.f32 v8, v14;
	v14 =	vld [tilespmem:s8+$0x2830]  }
0x37a: {  	v6 =	vmul.f32 v13, v6;
	v13 =	vld [tilespmem:s14+$0x2820];
	s14 =	smov.u32 s10  }
0x37b: {  	s11 =	sadd.s32 $0x40, s11;
	[tilespmem:s8+$0x0] =	vst v8;
	v4 =	vsub.f32 v4, v9;
	v8 =	vld [tilespmem:s7+$0x2810]  }
0x37c: {  	p0 =	slt.u32 s11, $0x27C0;
	s15 =	sand.u32 $0x3FC0, s11;
	[tilespmem:s9+$0x0] =	vst v0;
	v6 =	vsub.f32 v12, v6;
	v12 =	vld [tilespmem:s7+$0x2820]  }
0x37d: {  	v15 =	vld [tilespmem:s15+$0xC800];
	[tilespmem:s8+$0x10] =	vst v4;
	v9 =	vsub.f32 v7, v11  }
.Ltmp12:
0x37e: {  	[tilespmem:s9+$0x10] =	vst v0;
	v7 =	vld [tilespmem:s9+$0x2810];
	v6 =	vsub.f32 v6, v14;
	(pc) =	sbr.rel @p0 .LBB2_26-.Ltmp12, $4  }
0x37f: {  	v4 =	vld [tilespmem:s15+$0x11800];
	[tilespmem:s8+$0x20] =	vst v9;
	v11 =	vsub.f32 v13, v5  }
0x380: {  	v5 =	vld [tilespmem:s9+$0x2820];
	[tilespmem:s8+$0x2830] =	vst v6;
	v9 =	vsub.f32 v3, v8  }
0x381: {  	v3 =	vld [tilespmem:s10+$0x2810];
	[tilespmem:s9+$0x2830] =	vst v0;
	v8 =	vsub.f32 v11, v12  }
0x382: {  	s13 =	sadd.s32 $0x40, s13;
	v10 =	vmul.f32 v15, v10;
	v6 =	vld [tilespmem:s15+$0x7800];
	[tilespmem:s9+$0x20] =	vst v0  }
0x383: {  	v11 =	vld [tilespmem:s14+$0x2820]  }
0x384: {  	v12 =	vld [tilespmem:s8+$0x2810]  }
0x385: {  	v1 =	vmul.f32 v7, v1;
	[tilespmem:s7+$0x2810] =	vst v9  }
0x386: {  	v63 =	vld [tilespmem:s8+$0x2820];
	[tilespmem:s7+$0x2820] =	vst v8;
	v4 =	vsub.f32 v4, v10  }
0x387: {  	[tilespmem:s15+$0xC800] =	vst v0;
	v2 =	vmul.f32 v5, v2;
	v1 =	vsub.f32 v3, v1  }
0x388: {  	[tilespmem:s6+$0x2810] =	vst v0;
	v3 =	vsub.f32 v4, v6  }
0x389: {  	[tilespmem:s6+$0x2820] =	vst v0;
	v2 =	vsub.f32 v11, v2;
	v1 =	vsub.f32 v1, v12  }
0x38a: {  	[tilespmem:s15+$0x7800] =	vst v3  }
0x38b: {  	v2 =	vsub.f32 v2, v63;
	[tilespmem:s8+$0x2810] =	vst v1  }
0x38c: {  	[tilespmem:s12+$0x2810] =	vst v0  }
0x38d: {  	[tilespmem:s8+$0x2820] =	vst v2  }
0x38e: {  	[tilespmem:s12+$0x2820] =	vst v0  }
0x38f: {  	s6 =	simm.s32 $0x0;
	s7 =	rddreg [dreg:$0xb]  }
0x390: {  	[tilespmem:s29], [sflag:$0x3] =	stream.linear.gather [hbm4b:s7+s6], $0x2800, $0x38;
	[tilespmem:$0x1E500] =	vst v63  }
0x391: {  	s16 =	rddreg [dreg:$0xc]  }
0x392: {  	[tilespmem:s30], [sflag:$0x3] =	stream.linear.gather [hbm4b:s16+s6], $0x2800, $0x38;
	[tilespmem:$0x1E500] =	vst v63  }
.LBB2_28:
0x393: {  	s7 =	smul.u32 $0x7D00, s6;
	_ =	sdelay $0x1  }
0x394: {  	_ =	swait.ge [sflag:s31], $0x3E80;
	s7 =	sshrl.u32 s7, $0x3  }
0x395: {  	[sflag:s31] =	ssyncset.done $0x0;
	s7 =	sadd.s32 s4, s7  }
0x396: {  	[sflag:s31] =	ssyncadd.s32 $0xFFFFC180;
	s7 =	sadd.s32 $0x7D0, s7  }
0x397: {  	[tilespmem:s1], [sflag:$0x2] =	stream.linear.gather [hbm4b:s7+s3], $0x3E80, $0x38;
	[tilespmem:$0x1E500] =	vst v63  }
0x398: {  	s7 =	simm.s32 $0x16840  }
0x399: {  	v4 =	vld [tilespmem:s7+$0xFFFFFFC0]  }
0x39a: {  	v5 =	vld [tilespmem:s7+$0x30]  }
0x39b: {  	v6 =	vld [tilespmem:s7+$0x20]  }
0x39c: {  	v7 =	vld [tilespmem:s7+$0x10]  }
0x39d: {  	v8 =	vld [tilespmem:s7+$0x0]  }
0x39e: {  	v1 =	vld [tilespmem:s7+$0xFFFFFFF0];
	v9 =	vshrl.u32 v4, $0xE  }
0x39f: {  	v10 =	vshrl.u32 v5, $0xE  }
0x3a0: {  	v11 =	vshrl.u32 v6, $0xE  }
0x3a1: {  	v12 =	vld [tilespmem:s7+$0xFFFFFFE0];
	v13 =	vshrl.u32 v7, $0xE  }
0x3a2: {  	v2 =	vld [tilespmem:s7+$0xFFFFFFD0];
	v14 =	vshrl.u32 v8, $0xE  }
0x3a3: {  	v17 =	vshrl.u32 v1, $0xE;
	v15 =	vld.idx.msk [tilespmem:v9+s26+$0x0], $0xffff  }
0x3a4: {  	v19 =	vand.u32 $0x3FFF, v4;
	v16 =	vadd.s32 $0x2800, v9;
	v18 =	vld.idx.msk [tilespmem:v10+s26+$0x0], $0xffff  }
0x3a5: {  	v22 =	vand.u32 $0x3FFF, v5;
	v4 =	vand.u32 $0x7F, v9;
	v9 =	vand.u32 $0x7FF80, v16;
	v16 =	vld.idx.msk [tilespmem:v11+s26+$0x0], $0xffff  }
0x3a6: {  	v6 =	vand.u32 $0x3FFF, v6;
	v20 =	vld.idx.msk [tilespmem:v13+s26+$0x0], $0xffff;
	v9 =	vor.u32 v4, v9;
	v4 =	vadd.s32 $0x2800, v11  }
0x3a7: {  	v23 =	vld.idx.msk [tilespmem:v14+s26+$0x0], $0xffff;
	v11 =	vand.u32 $0x7F, v11;
	v5 =	vand.u32 $0x7FF80, v4  }
0x3a8: {  	v21 =	vadd.s32 $0x2800, v10;
	v4 =	vld.idx.msk [tilespmem:v17+s26+$0x0], $0xffff;
	v11 =	vor.u32 v11, v5  }
0x3a9: {  	v3 =	vshrl.u32 v12, $0xE;
	v21 =	vand.u32 $0x7FF80, v21;
	v5 =	vand.u32 $0x7F, v10;
	[tilespmem:v19+s0+$0x0] =	vst.idx.add.f32.msk $0xffff, v15  }
0x3aa: {  	v21 =	vor.u32 v5, v21;
	[tilespmem:v22+s0+$0x0] =	vst.idx.add.f32.msk $0xffff, v18  }
0x3ab: {  	v5 =	vadd.s32 $0x2800, v14;
	v14 =	vand.u32 $0x7F, v14;
	v15 =	vshrl.u32 v2, $0xE;
	[tilespmem:v6+s0+$0x0] =	vst.idx.add.f32.msk $0xffff, v16  }
0x3ac: {  	v19 =	vadd.s32 $0x2800, v19;
	v24 =	vld.idx.msk [tilespmem:v9+s26+$0x0], $0xffff;
	v9 =	vand.u32 $0x3FFF, v7;
	v7 =	vand.u32 $0x7FF80, v5  }
0x3ad: {  	v7 =	vor.u32 v14, v7;
	v14 =	vadd.s32 $0x2800, v6;
	v18 =	vld.idx.msk [tilespmem:v11+s26+$0x0], $0xffff  }
0x3ae: {  	v10 =	vld.idx.msk [tilespmem:v3+s26+$0x0], $0xffff  }
0x3af: {  	v5 =	vand.u32 $0x3FFF, v8;
	v8 =	vadd.s32 $0x2800, v13;
	v16 =	vld.idx.msk [tilespmem:v21+s26+$0x0], $0xffff  }
0x3b0: {  	v13 =	vand.u32 $0x7F, v13;
	v8 =	vand.u32 $0x7FF80, v8;
	v6 =	vadd.s32 $0x2800, v17;
	v11 =	vld.idx.msk [tilespmem:v15+s26+$0x0], $0xffff  }
0x3b1: {  	[tilespmem:v19+s0+$0x0] =	vst.idx.add.f32.msk $0xffff, v24;
	v19 =	vor.u32 v13, v8;
	v13 =	vand.u32 $0x7F, v17;
	v17 =	vadd.s32 $0x2800, v3  }
0x3b2: {  	[tilespmem:v14+s0+$0x0] =	vst.idx.add.f32.msk $0xffff, v18;
	v14 =	vand.u32 $0x7FF80, v17;
	v17 =	vadd.s32 $0x2800, v22  }
0x3b3: {  	v12 =	vand.u32 $0x3FFF, v12;
	[tilespmem:v9+s0+$0x0] =	vst.idx.add.f32.msk $0xffff, v20  }
0x3b4: {  	[tilespmem:v5+s0+$0x0] =	vst.idx.add.f32.msk $0xffff, v23  }
0x3b5: {  	v6 =	vand.u32 $0x7FF80, v6;
	v7 =	vld.idx.msk [tilespmem:v7+s26+$0x0], $0xffff  }
0x3b6: {  	s8 =	simm.s32 $0x0;
	v8 =	vand.u32 $0x7F, v15;
	v6 =	vor.u32 v13, v6;
	v13 =	vadd.s32 $0x2800, v15;
	v15 =	vld.idx.msk [tilespmem:v19+s26+$0x0], $0xffff  }
.LBB2_29:
0x3b7: {  	s8 =	sadd.s32 $0x80, s8;
	[tilespmem:v17+s0+$0x0] =	vst.idx.add.f32.msk $0xffff, v16;
	s7 =	sadd.s32 $0x80, s7  }
0x3b8: {  	p0 =	slt.u32 s8, $0x3E00;
	[tilespmem:v12+s0+$0x0] =	vst.idx.add.f32.msk $0xffff, v10  }
0x3b9: {  	v16 =	vld [tilespmem:s7+$0xFFFFFFE0]  }
0x3ba: {  	v10 =	vld [tilespmem:s7+$0x30]  }
0x3bb: {  	v17 =	vand.u32 $0x3FFF, v1;
	v1 =	vld [tilespmem:s7+$0xFFFFFFF0]  }
0x3bc: {  	v3 =	vand.u32 $0x7F, v3;
	v18 =	vld [tilespmem:s7+$0x0]  }
0x3bd: {  	v2 =	vand.u32 $0x3FFF, v2;
	v13 =	vand.u32 $0x7FF80, v13;
	v3 =	vor.u32 v3, v14;
	v19 =	vld [tilespmem:s7+$0x10]  }
0x3be: {  	v8 =	vor.u32 v8, v13;
	v14 =	vld [tilespmem:s7+$0x20]  }
0x3bf: {  	v13 =	vld [tilespmem:s7+$0xFFFFFFC0]  }
0x3c0: {  	[tilespmem:v17+s0+$0x0] =	vst.idx.add.f32.msk $0xffff, v4;
	v4 =	vadd.s32 $0x2800, v9  }
0x3c1: {  	v6 =	vld.idx.msk [tilespmem:v6+s26+$0x0], $0xffff  }
0x3c2: {  	v9 =	vadd.s32 $0x2800, v17;
	v3 =	vld.idx.msk [tilespmem:v3+s26+$0x0], $0xffff  }
0x3c3: {  	[tilespmem:v2+s0+$0x0] =	vst.idx.add.f32.msk $0xffff, v11;
	v11 =	vadd.s32 $0x2800, v12  }
0x3c4: {  	v5 =	vadd.s32 $0x2800, v5;
	v12 =	vadd.s32 $0x2800, v2;
	v8 =	vld.idx.msk [tilespmem:v8+s26+$0x0], $0xffff  }
0x3c5: {  	[tilespmem:v4+s0+$0x0] =	vst.idx.add.f32.msk $0xffff, v15  }
0x3c6: {  	v4 =	vshrl.u32 v13, $0xE;
	v15 =	vand.u32 $0x3FFF, v13;
	v2 =	vld [tilespmem:s7+$0xFFFFFFD0]  }
0x3c7: {  	v20 =	vshrl.u32 v10, $0xE;
	v13 =	vand.u32 $0x7F, v4;
	v17 =	vadd.s32 $0x2800, v4;
	[tilespmem:v9+s0+$0x0] =	vst.idx.add.f32.msk $0xffff, v6  }
0x3c8: {  	v6 =	vand.u32 $0x7FF80, v17;
	v9 =	vshrl.u32 v14, $0xE;
	v17 =	vadd.s32 $0x2800, v20;
	[tilespmem:v11+s0+$0x0] =	vst.idx.add.f32.msk $0xffff, v3  }
0x3c9: {  	v21 =	vshrl.u32 v19, $0xE;
	v3 =	vadd.s32 $0x2800, v9;
	v11 =	vand.u32 $0x7FF80, v17;
	[tilespmem:v5+s0+$0x0] =	vst.idx.add.f32.msk $0xffff, v7  }
0x3ca: {  	v5 =	vor.u32 v13, v6;
	v7 =	vshrl.u32 v18, $0xE;
	v13 =	vand.u32 $0x7FF80, v3;
	[tilespmem:v12+s0+$0x0] =	vst.idx.add.f32.msk $0xffff, v8  }
0x3cb: {  	v22 =	vand.u32 $0x3FFF, v10;
	v17 =	vand.u32 $0x3FFF, v14;
	v12 =	vld.idx.msk [tilespmem:v4+s26+$0x0], $0xffff;
	v4 =	vshrl.u32 v1, $0xE  }
0x3cc: {  	v3 =	vshrl.u32 v16, $0xE;
	v6 =	vand.u32 $0x7F, v4;
	v8 =	vadd.s32 $0x2800, v4;
	v23 =	vld.idx.msk [tilespmem:v20+s26+$0x0], $0xffff  }
0x3cd: {  	v14 =	vadd.s32 $0x2800, v3;
	v24 =	vshrl.u32 v2, $0xE;
	v10 =	vand.u32 $0x7FF80, v8;
	v25 =	vld.idx.msk [tilespmem:v9+s26+$0x0], $0xffff  }
0x3ce: {  	v8 =	vand.u32 $0x7F, v24;
	v9 =	vand.u32 $0x7F, v9;
	v6 =	vor.u32 v6, v10;
	v26 =	vld.idx.msk [tilespmem:v21+s26+$0x0], $0xffff  }
0x3cf: {  	v10 =	vadd.s32 $0x2800, v7;
	v28 =	vor.u32 v9, v13;
	v9 =	vand.u32 $0x7F, v20;
	v27 =	vld.idx.msk [tilespmem:v7+s26+$0x0], $0xffff  }
0x3d0: {  	v29 =	vadd.s32 $0x2800, v21;
	v20 =	vand.u32 $0x7FF80, v10;
	v11 =	vor.u32 v9, v11;
	v4 =	vld.idx.msk [tilespmem:v4+s26+$0x0], $0xffff  }
0x3d1: {  	v29 =	vand.u32 $0x7FF80, v29;
	v14 =	vand.u32 $0x7FF80, v14;
	v13 =	vadd.s32 $0x2800, v24;
	v10 =	vld.idx.msk [tilespmem:v3+s26+$0x0], $0xffff  }
0x3d2: {  	v7 =	vand.u32 $0x7F, v7;
	[tilespmem:v15+s0+$0x0] =	vst.idx.add.f32.msk $0xffff, v12;
	v12 =	vand.u32 $0x3FFF, v16  }
0x3d3: {  	v7 =	vor.u32 v7, v20;
	v30 =	vld.idx.msk [tilespmem:v5+s26+$0x0], $0xffff  }
0x3d4: {  	v15 =	vadd.s32 $0x2800, v15;
	[tilespmem:v22+s0+$0x0] =	vst.idx.add.f32.msk $0xffff, v23  }
0x3d5: {  	v9 =	vand.u32 $0x3FFF, v19;
	[tilespmem:v17+s0+$0x0] =	vst.idx.add.f32.msk $0xffff, v25  }
0x3d6: {  	v5 =	vand.u32 $0x3FFF, v18;
	v18 =	vld.idx.msk [tilespmem:v28+s26+$0x0], $0xffff  }
0x3d7: {  	v16 =	vld.idx.msk [tilespmem:v11+s26+$0x0], $0xffff  }
0x3d8: {  	v19 =	vand.u32 $0x7F, v21;
	v20 =	vadd.s32 $0x2800, v17;
	v11 =	vld.idx.msk [tilespmem:v24+s26+$0x0], $0xffff  }
0x3d9: {  	[tilespmem:v15+s0+$0x0] =	vst.idx.add.f32.msk $0xffff, v30;
	v15 =	vor.u32 v19, v29  }
.Ltmp13:
0x3da: {  	v17 =	vadd.s32 $0x2800, v22;
	[tilespmem:v9+s0+$0x0] =	vst.idx.add.f32.msk $0xffff, v26;
	(pc) =	sbr.rel @p0 .LBB2_29-.Ltmp13, $4  }
0x3db: {  	[tilespmem:v5+s0+$0x0] =	vst.idx.add.f32.msk $0xffff, v27  }
0x3dc: {  	v7 =	vld.idx.msk [tilespmem:v7+s26+$0x0], $0xffff  }
0x3dd: {  	[tilespmem:v20+s0+$0x0] =	vst.idx.add.f32.msk $0xffff, v18  }
0x3de: {  	v15 =	vld.idx.msk [tilespmem:v15+s26+$0x0], $0xffff  }
0x3df: {  	_ = 	snop  }
0x3e0: {  	v1 =	vand.u32 $0x3FFF, v1  }
0x3e1: {  	v2 =	vand.u32 $0x3FFF, v2  }
0x3e2: {  	v3 =	vand.u32 $0x7F, v3  }
0x3e3: {  	[tilespmem:v17+s0+$0x0] =	vst.idx.add.f32.msk $0xffff, v16;
	v13 =	vand.u32 $0x7FF80, v13;
	v3 =	vor.u32 v3, v14  }
0x3e4: {  	[tilespmem:v12+s0+$0x0] =	vst.idx.add.f32.msk $0xffff, v10;
	v8 =	vor.u32 v8, v13  }
0x3e5: {  	v5 =	vadd.s32 $0x2800, v5;
	[tilespmem:v1+s0+$0x0] =	vst.idx.add.f32.msk $0xffff, v4  }
0x3e6: {  	v4 =	vadd.s32 $0x2800, v9;
	[tilespmem:v2+s0+$0x0] =	vst.idx.add.f32.msk $0xffff, v11  }
0x3e7: {  	v1 =	vadd.s32 $0x2800, v1;
	v6 =	vld.idx.msk [tilespmem:v6+s26+$0x0], $0xffff  }
0x3e8: {  	v9 =	vadd.s32 $0x2800, v12;
	v3 =	vld.idx.msk [tilespmem:v3+s26+$0x0], $0xffff  }
0x3e9: {  	v2 =	vadd.s32 $0x2800, v2;
	v8 =	vld.idx.msk [tilespmem:v8+s26+$0x0], $0xffff  }
0x3ea: {  	[tilespmem:v5+s0+$0x0] =	vst.idx.add.f32.msk $0xffff, v7  }
0x3eb: {  	[tilespmem:v4+s0+$0x0] =	vst.idx.add.f32.msk $0xffff, v15  }
0x3ec: {  	s7 =	sshll.u32 s6, $0x1;
	[tilespmem:v1+s0+$0x0] =	vst.idx.add.f32.msk $0xffff, v6  }
0x3ed: {  	s7 =	sadd.s32 $0x2, s7;
	[tilespmem:v9+s0+$0x0] =	vst.idx.add.f32.msk $0xffff, v3  }
0x3ee: {  	s8 =	smul.u32 $0x7D0, s7;
	[tilespmem:v2+s0+$0x0] =	vst.idx.add.f32.msk $0xffff, v8  }
0x3ef: {  	p0 =	seq.s32 s7, $0x14;
	_ =	swait.ge [sflag:s2], $0x3E80  }
0x3f0: {  	s8 =	simm.s32 @p0 $0x0;
	[sflag:s2] =	ssyncset.done $0x0  }
0x3f1: {  	s7 =	simm.s32 $0x1A6C0;
	s16 =	sadd.s32 s4, s8;
	[sflag:s2] =	ssyncadd.s32 $0xFFFFC180  }
0x3f2: {  	[tilespmem:s28], [sflag:$0x1] =	stream.linear.gather [hbm4b:s16+s3], $0x3E80, $0x38;
	[tilespmem:$0x1E500] =	vst v63  }
0x3f3: {  	v4 =	vld [tilespmem:s7+$0xFFFFFFC0]  }
0x3f4: {  	v5 =	vld [tilespmem:s7+$0x30]  }
0x3f5: {  	v6 =	vld [tilespmem:s7+$0x20]  }
0x3f6: {  	v7 =	vld [tilespmem:s7+$0x10]  }
0x3f7: {  	v8 =	vld [tilespmem:s7+$0x0]  }
0x3f8: {  	v1 =	vld [tilespmem:s7+$0xFFFFFFF0];
	v9 =	vshrl.u32 v4, $0xE  }
0x3f9: {  	v10 =	vshrl.u32 v5, $0xE  }
0x3fa: {  	v11 =	vshrl.u32 v6, $0xE  }
0x3fb: {  	v12 =	vld [tilespmem:s7+$0xFFFFFFE0];
	v13 =	vshrl.u32 v7, $0xE  }
0x3fc: {  	v2 =	vld [tilespmem:s7+$0xFFFFFFD0];
	v14 =	vshrl.u32 v8, $0xE  }
0x3fd: {  	v17 =	vshrl.u32 v1, $0xE;
	v15 =	vld.idx.msk [tilespmem:v9+s26+$0x0], $0xffff  }
0x3fe: {  	v19 =	vand.u32 $0x3FFF, v4;
	v16 =	vadd.s32 $0x2800, v9;
	v18 =	vld.idx.msk [tilespmem:v10+s26+$0x0], $0xffff  }
0x3ff: {  	v22 =	vand.u32 $0x3FFF, v5;
	v4 =	vand.u32 $0x7F, v9;
	v9 =	vand.u32 $0x7FF80, v16;
	v16 =	vld.idx.msk [tilespmem:v11+s26+$0x0], $0xffff  }
0x400: {  	v6 =	vand.u32 $0x3FFF, v6;
	v20 =	vld.idx.msk [tilespmem:v13+s26+$0x0], $0xffff;
	v9 =	vor.u32 v4, v9;
	v4 =	vadd.s32 $0x2800, v11  }
0x401: {  	v23 =	vld.idx.msk [tilespmem:v14+s26+$0x0], $0xffff;
	v11 =	vand.u32 $0x7F, v11;
	v5 =	vand.u32 $0x7FF80, v4  }
0x402: {  	v21 =	vadd.s32 $0x2800, v10;
	v4 =	vld.idx.msk [tilespmem:v17+s26+$0x0], $0xffff;
	v11 =	vor.u32 v11, v5  }
0x403: {  	v3 =	vshrl.u32 v12, $0xE;
	v21 =	vand.u32 $0x7FF80, v21;
	v5 =	vand.u32 $0x7F, v10;
	[tilespmem:v19+s0+$0x0] =	vst.idx.add.f32.msk $0xffff, v15  }
0x404: {  	v21 =	vor.u32 v5, v21;
	[tilespmem:v22+s0+$0x0] =	vst.idx.add.f32.msk $0xffff, v18  }
0x405: {  	v5 =	vadd.s32 $0x2800, v14;
	v14 =	vand.u32 $0x7F, v14;
	v15 =	vshrl.u32 v2, $0xE;
	[tilespmem:v6+s0+$0x0] =	vst.idx.add.f32.msk $0xffff, v16  }
0x406: {  	v19 =	vadd.s32 $0x2800, v19;
	v24 =	vld.idx.msk [tilespmem:v9+s26+$0x0], $0xffff;
	v9 =	vand.u32 $0x3FFF, v7;
	v7 =	vand.u32 $0x7FF80, v5  }
0x407: {  	v7 =	vor.u32 v14, v7;
	v14 =	vadd.s32 $0x2800, v6;
	v18 =	vld.idx.msk [tilespmem:v11+s26+$0x0], $0xffff  }
0x408: {  	v10 =	vld.idx.msk [tilespmem:v3+s26+$0x0], $0xffff  }
0x409: {  	v5 =	vand.u32 $0x3FFF, v8;
	v8 =	vadd.s32 $0x2800, v13;
	v16 =	vld.idx.msk [tilespmem:v21+s26+$0x0], $0xffff  }
0x40a: {  	v13 =	vand.u32 $0x7F, v13;
	v8 =	vand.u32 $0x7FF80, v8;
	v6 =	vadd.s32 $0x2800, v17;
	v11 =	vld.idx.msk [tilespmem:v15+s26+$0x0], $0xffff  }
0x40b: {  	[tilespmem:v19+s0+$0x0] =	vst.idx.add.f32.msk $0xffff, v24;
	v19 =	vor.u32 v13, v8;
	v13 =	vand.u32 $0x7F, v17;
	v17 =	vadd.s32 $0x2800, v3  }
0x40c: {  	[tilespmem:v14+s0+$0x0] =	vst.idx.add.f32.msk $0xffff, v18;
	v14 =	vand.u32 $0x7FF80, v17;
	v17 =	vadd.s32 $0x2800, v22  }
0x40d: {  	v12 =	vand.u32 $0x3FFF, v12;
	[tilespmem:v9+s0+$0x0] =	vst.idx.add.f32.msk $0xffff, v20  }
0x40e: {  	[tilespmem:v5+s0+$0x0] =	vst.idx.add.f32.msk $0xffff, v23  }
0x40f: {  	v6 =	vand.u32 $0x7FF80, v6;
	v7 =	vld.idx.msk [tilespmem:v7+s26+$0x0], $0xffff  }
0x410: {  	s8 =	simm.s32 $0x0;
	v8 =	vand.u32 $0x7F, v15;
	v6 =	vor.u32 v13, v6;
	v13 =	vadd.s32 $0x2800, v15;
	v15 =	vld.idx.msk [tilespmem:v19+s26+$0x0], $0xffff  }
.LBB2_31:
0x411: {  	s8 =	sadd.s32 $0x80, s8;
	[tilespmem:v17+s0+$0x0] =	vst.idx.add.f32.msk $0xffff, v16;
	s7 =	sadd.s32 $0x80, s7  }
0x412: {  	p0 =	slt.u32 s8, $0x3E00;
	[tilespmem:v12+s0+$0x0] =	vst.idx.add.f32.msk $0xffff, v10  }
0x413: {  	v16 =	vld [tilespmem:s7+$0xFFFFFFE0]  }
0x414: {  	v10 =	vld [tilespmem:s7+$0x30]  }
0x415: {  	v17 =	vand.u32 $0x3FFF, v1;
	v1 =	vld [tilespmem:s7+$0xFFFFFFF0]  }
0x416: {  	v3 =	vand.u32 $0x7F, v3;
	v18 =	vld [tilespmem:s7+$0x0]  }
0x417: {  	v2 =	vand.u32 $0x3FFF, v2;
	v13 =	vand.u32 $0x7FF80, v13;
	v3 =	vor.u32 v3, v14;
	v19 =	vld [tilespmem:s7+$0x10]  }
0x418: {  	v8 =	vor.u32 v8, v13;
	v14 =	vld [tilespmem:s7+$0x20]  }
0x419: {  	v13 =	vld [tilespmem:s7+$0xFFFFFFC0]  }
0x41a: {  	[tilespmem:v17+s0+$0x0] =	vst.idx.add.f32.msk $0xffff, v4;
	v4 =	vadd.s32 $0x2800, v9  }
0x41b: {  	v6 =	vld.idx.msk [tilespmem:v6+s26+$0x0], $0xffff  }
0x41c: {  	v9 =	vadd.s32 $0x2800, v17;
	v3 =	vld.idx.msk [tilespmem:v3+s26+$0x0], $0xffff  }
0x41d: {  	[tilespmem:v2+s0+$0x0] =	vst.idx.add.f32.msk $0xffff, v11;
	v11 =	vadd.s32 $0x2800, v12  }
0x41e: {  	v5 =	vadd.s32 $0x2800, v5;
	v12 =	vadd.s32 $0x2800, v2;
	v8 =	vld.idx.msk [tilespmem:v8+s26+$0x0], $0xffff  }
0x41f: {  	[tilespmem:v4+s0+$0x0] =	vst.idx.add.f32.msk $0xffff, v15  }
0x420: {  	v4 =	vshrl.u32 v13, $0xE;
	v15 =	vand.u32 $0x3FFF, v13;
	v2 =	vld [tilespmem:s7+$0xFFFFFFD0]  }
0x421: {  	v20 =	vshrl.u32 v10, $0xE;
	v13 =	vand.u32 $0x7F, v4;
	v17 =	vadd.s32 $0x2800, v4;
	[tilespmem:v9+s0+$0x0] =	vst.idx.add.f32.msk $0xffff, v6  }
0x422: {  	v6 =	vand.u32 $0x7FF80, v17;
	v9 =	vshrl.u32 v14, $0xE;
	v17 =	vadd.s32 $0x2800, v20;
	[tilespmem:v11+s0+$0x0] =	vst.idx.add.f32.msk $0xffff, v3  }
0x423: {  	v21 =	vshrl.u32 v19, $0xE;
	v3 =	vadd.s32 $0x2800, v9;
	v11 =	vand.u32 $0x7FF80, v17;
	[tilespmem:v5+s0+$0x0] =	vst.idx.add.f32.msk $0xffff, v7  }
0x424: {  	v5 =	vor.u32 v13, v6;
	v7 =	vshrl.u32 v18, $0xE;
	v13 =	vand.u32 $0x7FF80, v3;
	[tilespmem:v12+s0+$0x0] =	vst.idx.add.f32.msk $0xffff, v8  }
0x425: {  	v22 =	vand.u32 $0x3FFF, v10;
	v17 =	vand.u32 $0x3FFF, v14;
	v12 =	vld.idx.msk [tilespmem:v4+s26+$0x0], $0xffff;
	v4 =	vshrl.u32 v1, $0xE  }
0x426: {  	v3 =	vshrl.u32 v16, $0xE;
	v6 =	vand.u32 $0x7F, v4;
	v8 =	vadd.s32 $0x2800, v4;
	v23 =	vld.idx.msk [tilespmem:v20+s26+$0x0], $0xffff  }
0x427: {  	v14 =	vadd.s32 $0x2800, v3;
	v24 =	vshrl.u32 v2, $0xE;
	v10 =	vand.u32 $0x7FF80, v8;
	v25 =	vld.idx.msk [tilespmem:v9+s26+$0x0], $0xffff  }
0x428: {  	v8 =	vand.u32 $0x7F, v24;
	v9 =	vand.u32 $0x7F, v9;
	v6 =	vor.u32 v6, v10;
	v26 =	vld.idx.msk [tilespmem:v21+s26+$0x0], $0xffff  }
0x429: {  	v10 =	vadd.s32 $0x2800, v7;
	v28 =	vor.u32 v9, v13;
	v9 =	vand.u32 $0x7F, v20;
	v27 =	vld.idx.msk [tilespmem:v7+s26+$0x0], $0xffff  }
0x42a: {  	v29 =	vadd.s32 $0x2800, v21;
	v20 =	vand.u32 $0x7FF80, v10;
	v11 =	vor.u32 v9, v11;
	v4 =	vld.idx.msk [tilespmem:v4+s26+$0x0], $0xffff  }
0x42b: {  	v29 =	vand.u32 $0x7FF80, v29;
	v14 =	vand.u32 $0x7FF80, v14;
	v13 =	vadd.s32 $0x2800, v24;
	v10 =	vld.idx.msk [tilespmem:v3+s26+$0x0], $0xffff  }
0x42c: {  	v7 =	vand.u32 $0x7F, v7;
	[tilespmem:v15+s0+$0x0] =	vst.idx.add.f32.msk $0xffff, v12;
	v12 =	vand.u32 $0x3FFF, v16  }
0x42d: {  	v7 =	vor.u32 v7, v20;
	v30 =	vld.idx.msk [tilespmem:v5+s26+$0x0], $0xffff  }
0x42e: {  	v15 =	vadd.s32 $0x2800, v15;
	[tilespmem:v22+s0+$0x0] =	vst.idx.add.f32.msk $0xffff, v23  }
0x42f: {  	v9 =	vand.u32 $0x3FFF, v19;
	[tilespmem:v17+s0+$0x0] =	vst.idx.add.f32.msk $0xffff, v25  }
0x430: {  	v5 =	vand.u32 $0x3FFF, v18;
	v18 =	vld.idx.msk [tilespmem:v28+s26+$0x0], $0xffff  }
0x431: {  	v16 =	vld.idx.msk [tilespmem:v11+s26+$0x0], $0xffff  }
0x432: {  	v19 =	vand.u32 $0x7F, v21;
	v20 =	vadd.s32 $0x2800, v17;
	v11 =	vld.idx.msk [tilespmem:v24+s26+$0x0], $0xffff  }
0x433: {  	[tilespmem:v15+s0+$0x0] =	vst.idx.add.f32.msk $0xffff, v30;
	v15 =	vor.u32 v19, v29  }
.Ltmp14:
0x434: {  	v17 =	vadd.s32 $0x2800, v22;
	[tilespmem:v9+s0+$0x0] =	vst.idx.add.f32.msk $0xffff, v26;
	(pc) =	sbr.rel @p0 .LBB2_31-.Ltmp14, $4  }
0x435: {  	[tilespmem:v5+s0+$0x0] =	vst.idx.add.f32.msk $0xffff, v27  }
0x436: {  	v7 =	vld.idx.msk [tilespmem:v7+s26+$0x0], $0xffff  }
0x437: {  	[tilespmem:v20+s0+$0x0] =	vst.idx.add.f32.msk $0xffff, v18  }
0x438: {  	v15 =	vld.idx.msk [tilespmem:v15+s26+$0x0], $0xffff  }
0x439: {  	_ = 	snop  }
0x43a: {  	v1 =	vand.u32 $0x3FFF, v1  }
0x43b: {  	v2 =	vand.u32 $0x3FFF, v2  }
0x43c: {  	v3 =	vand.u32 $0x7F, v3  }
0x43d: {  	[tilespmem:v17+s0+$0x0] =	vst.idx.add.f32.msk $0xffff, v16;
	v13 =	vand.u32 $0x7FF80, v13;
	v3 =	vor.u32 v3, v14  }
0x43e: {  	[tilespmem:v12+s0+$0x0] =	vst.idx.add.f32.msk $0xffff, v10;
	v8 =	vor.u32 v8, v13  }
0x43f: {  	v62 =	vadd.s32 $0x2800, v9;
	[tilespmem:v1+s0+$0x0] =	vst.idx.add.f32.msk $0xffff, v4  }
0x440: {  	v5 =	vadd.s32 $0x2800, v5;
	[tilespmem:v2+s0+$0x0] =	vst.idx.add.f32.msk $0xffff, v11  }
0x441: {  	v1 =	vadd.s32 $0x2800, v1;
	v6 =	vld.idx.msk [tilespmem:v6+s26+$0x0], $0xffff  }
0x442: {  	v63 =	vadd.s32 $0x2800, v12;
	s6 =	sadd.s32 $0x1, s6;
	v3 =	vld.idx.msk [tilespmem:v3+s26+$0x0], $0xffff  }
0x443: {  	p0 =	sne.s32 s6, $0xA;
	v2 =	vadd.s32 $0x2800, v2;
	v8 =	vld.idx.msk [tilespmem:v8+s26+$0x0], $0xffff  }
.Ltmp15:
0x444: {  	[tilespmem:v62+s0+$0x0] =	vst.idx.add.f32.msk $0xffff, v15;
	(pc) =	sbr.rel @p0 .LBB2_28-.Ltmp15, $4  }
0x445: {  	[tilespmem:v5+s0+$0x0] =	vst.idx.add.f32.msk $0xffff, v7  }
0x446: {  	[tilespmem:v1+s0+$0x0] =	vst.idx.add.f32.msk $0xffff, v6  }
0x447: {  	[tilespmem:v63+s0+$0x0] =	vst.idx.add.f32.msk $0xffff, v3  }
0x448: {  	[tilespmem:v2+s0+$0x0] =	vst.idx.add.f32.msk $0xffff, v8  }
0x449: {  	_ =	swait.ge [sflag:s24], $0x2800  }
0x44a: {  	[sflag:s24] =	ssyncset.done $0x0  }
0x44b: {  	[sflag:s24] =	ssyncadd.s32 $0xFFFFD800  }
0x44c: {  	_ =	swait.ge [sflag:s24], $0x2800  }
0x44d: {  	[sflag:s24] =	ssyncset.done $0x0  }
0x44e: {  	s8 =	simm.s32 $0x14020;
	[sflag:s24] =	ssyncadd.s32 $0xFFFFD800  }
0x44f: {  	v1 =	vld [tilespmem:s8+$0x10]  }
0x450: {  	s6 =	simm.s32 $0xA000;
	v2 =	vld [tilespmem:s8+$0xFFFFFFE0]  }
0x451: {  	v3 =	vld [tilespmem:s6+$0x30]  }
0x452: {  	s11 =	simm.s32 $0xF000;
	v4 =	vld [tilespmem:s8+$0xFFFFFFF0]  }
0x453: {  	v5 =	vld [tilespmem:s11+$0x30]  }
0x454: {  	s7 =	simm.s32 $0x0;
	v6 =	vld [tilespmem:s8+$0x0]  }
0x455: {  	v7 =	vld [tilespmem:s7+$0x30]  }
0x456: {  	v8 =	vld [tilespmem:s6+$0x0]  }
0x457: {  	v9 =	vld [tilespmem:s6+$0x10]  }
0x458: {  	v10 =	vld [tilespmem:s11+$0x0]  }
0x459: {  	v12 =	vld [tilespmem:s6+$0x20];
	v1 =	vadd.f32 v1, v1  }
0x45a: {  	s9 =	simm.s32 $0xA040;
	v13 =	vld [tilespmem:s11+$0x20]  }
0x45b: {  	s13 =	simm.s32 $0x14060;
	v15 =	vld [tilespmem:s9+$0x30];
	v3 =	vmul.f32 v3, v1  }
0x45c: {  	v16 =	vld [tilespmem:s13+$0xFFFFFFE0]  }
0x45d: {  	v11 =	vadd.f32 v2, v2;
	v2 =	vsub.f32 v5, v3;
	v3 =	vld [tilespmem:s11+$0x10]  }
0x45e: {  	s10 =	simm.s32 $0xF040;
	v4 =	vadd.f32 v4, v4;
	v5 =	vld [tilespmem:s7+$0x0]  }
0x45f: {  	v17 =	vld [tilespmem:s10+$0x30];
	v2 =	vsub.f32 v2, v7;
	v7 =	vmul.f32 v8, v11  }
0x460: {  	v9 =	vmul.f32 v9, v4;
	v8 =	vld [tilespmem:s7+$0x10]  }
0x461: {  	v18 =	vld [tilespmem:s13+$0xFFFFFFF0];
	v6 =	vadd.f32 v6, v6;
	[tilespmem:s7+$0x30] =	vst v2;
	v2 =	vsub.f32 v10, v7  }
0x462: {  	v3 =	vsub.f32 v3, v9;
	v9 =	vld [tilespmem:s7+$0x20]  }
0x463: {  	v20 =	vld [tilespmem:s13+$0x0];
	v2 =	vsub.f32 v2, v5;
	v5 =	vmul.f32 v12, v6  }
0x464: {  	v21 =	vld [tilespmem:s9+$0x10]  }
0x465: {  	v56 =	vld [tilespmem:s9+$0x20];
	[tilespmem:s7+$0x0] =	vst v2;
	v2 =	vsub.f32 v3, v8;
	v5 =	vsub.f32 v13, v5  }
0x466: {  	v22 =	vld [tilespmem:s10+$0x10];
	[tilespmem:s6+$0x30] =	vst v0  }
0x467: {  	v7 =	vld [tilespmem:s6+$0x2830];
	[tilespmem:s7+$0x10] =	vst v2;
	v2 =	vsub.f32 v5, v9  }
0x468: {  	v3 =	vld [tilespmem:s11+$0x2830]  }
0x469: {  	s15 =	simm.s32 $0x0;
	[tilespmem:s7+$0x20] =	vst v2;
	v2 =	vld [tilespmem:s13+$0x10]  }
0x46a: {  	s12 =	sand.u32 $0x3FC0, s15;
	v8 =	vld [tilespmem:s7+$0x2830];
	[tilespmem:s6+$0x0] =	vst v0  }
0x46b: {  	s8 =	sadd.s32 $0x2800, s12;
	v10 =	vld [tilespmem:s12+$0xC800]  }
0x46c: {  	v9 =	vld [tilespmem:s8+$0xF000]  }
0x46d: {  	v14 =	vld [tilespmem:s12+$0x2800]  }
0x46e: {  	s8 =	simm.s32 $0x40;
	v1 =	vmul.f32 v7, v1;
	v7 =	vld [tilespmem:s9+$0x0];
	v19 =	vadd.f32 v2, v2  }
0x46f: {  	v2 =	vld [tilespmem:s8+$0x30]  }
0x470: {  	v5 =	vld [tilespmem:s6+$0x2810];
	v15 =	vmul.f32 v15, v19  }
0x471: {  	v1 =	vsub.f32 v3, v1;
	v3 =	vld [tilespmem:s10+$0x0]  }
0x472: {  	v16 =	vadd.f32 v16, v16;
	v57 =	vld [tilespmem:s8+$0x0];
	v15 =	vsub.f32 v17, v15  }
0x473: {  	[tilespmem:s6+$0x10] =	vst v0;
	v60 =	vld [tilespmem:s8+$0x20];
	v8 =	vsub.f32 v1, v8  }
0x474: {  	v55 =	vld [tilespmem:s11+$0x2810];
	v7 =	vmul.f32 v7, v16;
	v2 =	vsub.f32 v15, v2  }
0x475: {  	[tilespmem:s7+$0x2830] =	vst v8;
	v8 =	vld [tilespmem:s10+$0x20]  }
0x476: {  	v1 =	vadd.f32 v18, v18;
	v10 =	vmul.f32 v10, v11;
	v3 =	vsub.f32 v3, v7;
	v7 =	vld [tilespmem:s8+$0x10];
	[tilespmem:s8+$0x30] =	vst v2  }
0x477: {  	[tilespmem:s12+$0xC800] =	vst v0;
	v58 =	vld [tilespmem:s9+$0x2830]  }
0x478: {  	v61 =	vld [tilespmem:s7+$0x2810];
	v21 =	vmul.f32 v21, v1;
	v9 =	vsub.f32 v9, v10;
	v2 =	vadd.f32 v20, v20;
	[tilespmem:s9+$0x30] =	vst v0  }
0x479: {  	[tilespmem:s6+$0x20] =	vst v0;
	v3 =	vsub.f32 v3, v57;
	v59 =	vld [tilespmem:s10+$0x2830]  }
0x47a: {  	v54 =	vld [tilespmem:s6+$0x2820];
	[tilespmem:s6+$0x2830] =	vst v0;
	v11 =	vsub.f32 v22, v21;
	v9 =	vsub.f32 v9, v14;
	v17 =	vmul.f32 v56, v2  }
0x47b: {  	[tilespmem:s8+$0x0] =	vst v3;
	v3 =	vld [tilespmem:s8+$0x2830]  }
0x47c: {  	[tilespmem:s12+$0x2800] =	vst v9;
	v7 =	vsub.f32 v11, v7;
	v11 =	vld [tilespmem:s11+$0x2820];
	s11 =	simm.s32 $0x40;
	v8 =	vsub.f32 v8, v17;
	v10 =	vmul.f32 v58, v19  }
0x47d: {  	v62 =	vld [tilespmem:s7+$0x2820];
	[tilespmem:s9+$0x0] =	vst v0;
	s15 =	sand.u32 $0x3FC0, s11  }
0x47e: {  	v5 =	vmul.f32 v5, v4;
	[tilespmem:s8+$0x10] =	vst v7;
	v63 =	vld [tilespmem:s15+$0xC800];
	v8 =	vsub.f32 v8, v60;
	v10 =	vsub.f32 v59, v10  }
0x47f: {  	v6 =	vmul.f32 v54, v6;
	s16 =	sadd.s32 $0x2800, s15;
	[tilespmem:s9+$0x10] =	vst v0;
	v7 =	vld [tilespmem:s9+$0x2810]  }
0x480: {  	v4 =	vld [tilespmem:s16+$0xF000];
	[tilespmem:s8+$0x20] =	vst v8;
	v8 =	vsub.f32 v55, v5;
	v3 =	vsub.f32 v10, v3  }
0x481: {  	v6 =	vsub.f32 v11, v6;
	v5 =	vld [tilespmem:s9+$0x2820];
	[tilespmem:s9+$0x20] =	vst v0  }
0x482: {  	v9 =	vsub.f32 v8, v61;
	[tilespmem:s8+$0x2830] =	vst v3;
	v3 =	vld [tilespmem:s10+$0x2810]  }
0x483: {  	s14 =	simm.s32 $0xF040;
	s13 =	simm.s32 $0x140A0;
	s12 =	simm.s32 $0xA040;
	v8 =	vsub.f32 v6, v62;
	v10 =	vmul.f32 v63, v16;
	v6 =	vld [tilespmem:s15+$0x2800];
	[tilespmem:s9+$0x2830] =	vst v0  }
.LBB2_34:
0x484: {  	v11 =	vld [tilespmem:s13+$0x10];
	v1 =	vmul.f32 v7, v1;
	[tilespmem:s7+$0x2810] =	vst v9  }
0x485: {  	s9 =	sadd.s32 $0x40, s9;
	v7 =	vld [tilespmem:s13+$0xFFFFFFE0];
	v4 =	vsub.f32 v4, v10;
	[tilespmem:s6+$0x2810] =	vst v0  }
0x486: {  	v9 =	vld [tilespmem:s9+$0x30];
	v5 =	vmul.f32 v5, v2;
	[tilespmem:s7+$0x2820] =	vst v8;
	s7 =	smov.u32 s8  }
0x487: {  	s10 =	sadd.s32 $0x40, s10;
	v2 =	vld [tilespmem:s13+$0xFFFFFFF0];
	v3 =	vsub.f32 v3, v1;
	[tilespmem:s6+$0x2820] =	vst v0;
	s6 =	smov.u32 s12;
	s12 =	smov.u32 s9  }
0x488: {  	v8 =	vld [tilespmem:s10+$0x30];
	v1 =	vsub.f32 v4, v6;
	[tilespmem:s15+$0xC800] =	vst v0  }
0x489: {  	s8 =	sadd.s32 $0x40, s8;
	v4 =	vld [tilespmem:s13+$0x0];
	v6 =	vadd.f32 v11, v11  }
0x48a: {  	v10 =	vadd.f32 v7, v7;
	v7 =	vld [tilespmem:s8+$0x30];
	[tilespmem:s15+$0x2800] =	vst v1  }
0x48b: {  	v11 =	vld [tilespmem:s9+$0x0];
	v9 =	vmul.f32 v9, v6  }
0x48c: {  	v1 =	vadd.f32 v2, v2;
	v12 =	vld [tilespmem:s9+$0x10]  }
0x48d: {  	v13 =	vld [tilespmem:s9+$0x20];
	v8 =	vsub.f32 v8, v9  }
0x48e: {  	v9 =	vld [tilespmem:s10+$0x0];
	v2 =	vadd.f32 v4, v4  }
0x48f: {  	v4 =	vld [tilespmem:s10+$0x10];
	v7 =	vsub.f32 v8, v7  }
0x490: {  	v8 =	vmul.f32 v11, v10;
	v11 =	vld [tilespmem:s10+$0x20]  }
0x491: {  	v14 =	vld [tilespmem:s8+$0x0];
	v12 =	vmul.f32 v12, v1;
	[tilespmem:s8+$0x30] =	vst v7  }
0x492: {  	v7 =	vmul.f32 v13, v2;
	v13 =	vld [tilespmem:s9+$0x2830]  }
0x493: {  	v8 =	vsub.f32 v9, v8;
	v9 =	vld [tilespmem:s8+$0x10];
	[tilespmem:s9+$0x30] =	vst v0  }
0x494: {  	v4 =	vsub.f32 v4, v12;
	v12 =	vld [tilespmem:s10+$0x2830]  }
0x495: {  	v7 =	vsub.f32 v11, v7;
	v11 =	vld [tilespmem:s8+$0x20]  }
0x496: {  	v8 =	vsub.f32 v8, v14;
	v14 =	vld [tilespmem:s8+$0x2830]  }
0x497: {  	v6 =	vmul.f32 v13, v6;
	v13 =	vld [tilespmem:s14+$0x2820];
	s14 =	smov.u32 s10  }
0x498: {  	s11 =	sadd.s32 $0x40, s11;
	[tilespmem:s8+$0x0] =	vst v8;
	v4 =	vsub.f32 v4, v9;
	v8 =	vld [tilespmem:s7+$0x2810]  }
0x499: {  	p0 =	slt.u32 s11, $0x27C0;
	s15 =	sand.u32 $0x3FC0, s11;
	[tilespmem:s9+$0x0] =	vst v0;
	v6 =	vsub.f32 v12, v6;
	v12 =	vld [tilespmem:s7+$0x2820]  }
0x49a: {  	v15 =	vld [tilespmem:s15+$0xC800];
	[tilespmem:s8+$0x10] =	vst v4;
	v9 =	vsub.f32 v7, v11  }
.Ltmp16:
0x49b: {  	s16 =	sadd.s32 $0x2800, s15;
	[tilespmem:s9+$0x10] =	vst v0;
	v7 =	vld [tilespmem:s9+$0x2810];
	v6 =	vsub.f32 v6, v14;
	(pc) =	sbr.rel @p0 .LBB2_34-.Ltmp16, $4  }
0x49c: {  	v4 =	vld [tilespmem:s16+$0xF000];
	[tilespmem:s8+$0x20] =	vst v9;
	v11 =	vsub.f32 v13, v5  }
0x49d: {  	v5 =	vld [tilespmem:s9+$0x2820];
	[tilespmem:s8+$0x2830] =	vst v6;
	v9 =	vsub.f32 v3, v8  }
0x49e: {  	v3 =	vld [tilespmem:s10+$0x2810];
	[tilespmem:s9+$0x2830] =	vst v0;
	v8 =	vsub.f32 v11, v12  }
0x49f: {  	s13 =	sadd.s32 $0x40, s13;
	v10 =	vmul.f32 v15, v10;
	v6 =	vld [tilespmem:s15+$0x2800];
	[tilespmem:s9+$0x20] =	vst v0  }
0x4a0: {  	v11 =	vld [tilespmem:s14+$0x2820]  }
0x4a1: {  	v12 =	vld [tilespmem:s8+$0x2810]  }
0x4a2: {  	v1 =	vmul.f32 v7, v1;
	[tilespmem:s7+$0x2810] =	vst v9  }
0x4a3: {  	v63 =	vld [tilespmem:s8+$0x2820];
	[tilespmem:s7+$0x2820] =	vst v8;
	v4 =	vsub.f32 v4, v10  }
0x4a4: {  	[tilespmem:s15+$0xC800] =	vst v0;
	v2 =	vmul.f32 v5, v2;
	v1 =	vsub.f32 v3, v1  }
0x4a5: {  	[tilespmem:s6+$0x2810] =	vst v0;
	v3 =	vsub.f32 v4, v6  }
0x4a6: {  	[tilespmem:s6+$0x2820] =	vst v0;
	v2 =	vsub.f32 v11, v2;
	v1 =	vsub.f32 v1, v12  }
0x4a7: {  	[tilespmem:s15+$0x2800] =	vst v3  }
0x4a8: {  	v2 =	vsub.f32 v2, v63;
	[tilespmem:s8+$0x2810] =	vst v1  }
0x4a9: {  	[tilespmem:s12+$0x2810] =	vst v0  }
0x4aa: {  	[tilespmem:s8+$0x2820] =	vst v2  }
0x4ab: {  	[tilespmem:s12+$0x2820] =	vst v0  }
0x4ac: {  	s6 =	simm.s32 $0x0;
	s7 =	rddreg [dreg:$0xd]  }
0x4ad: {  	[tilespmem:s29], [sflag:$0x3] =	stream.linear.gather [hbm4b:s7+s6], $0x2800, $0x38;
	[tilespmem:$0x1E500] =	vst v63  }
0x4ae: {  	s16 =	rddreg [dreg:$0xe]  }
0x4af: {  	[tilespmem:s30], [sflag:$0x3] =	stream.linear.gather [hbm4b:s16+s6], $0x2800, $0x38;
	[tilespmem:$0x1E500] =	vst v63  }
.LBB2_36:
0x4b0: {  	s7 =	smul.u32 $0x7D00, s6;
	_ =	sdelay $0x1  }
0x4b1: {  	_ =	swait.ge [sflag:s31], $0x3E80;
	s7 =	sshrl.u32 s7, $0x3  }
0x4b2: {  	[sflag:s31] =	ssyncset.done $0x0;
	s7 =	sadd.s32 s4, s7  }
0x4b3: {  	[sflag:s31] =	ssyncadd.s32 $0xFFFFC180;
	s7 =	sadd.s32 $0x7D0, s7  }
0x4b4: {  	[tilespmem:s1], [sflag:$0x2] =	stream.linear.gather [hbm4b:s7+s3], $0x3E80, $0x38;
	[tilespmem:$0x1E500] =	vst v63  }
0x4b5: {  	s7 =	simm.s32 $0x16840  }
0x4b6: {  	v4 =	vld [tilespmem:s7+$0xFFFFFFC0]  }
0x4b7: {  	v5 =	vld [tilespmem:s7+$0x30]  }
0x4b8: {  	v6 =	vld [tilespmem:s7+$0x20]  }
0x4b9: {  	v7 =	vld [tilespmem:s7+$0x10]  }
0x4ba: {  	v8 =	vld [tilespmem:s7+$0x0]  }
0x4bb: {  	v1 =	vld [tilespmem:s7+$0xFFFFFFF0];
	v9 =	vshrl.u32 v4, $0xE  }
0x4bc: {  	v10 =	vshrl.u32 v5, $0xE  }
0x4bd: {  	v11 =	vshrl.u32 v6, $0xE  }
0x4be: {  	v12 =	vld [tilespmem:s7+$0xFFFFFFE0];
	v13 =	vshrl.u32 v7, $0xE  }
0x4bf: {  	v2 =	vld [tilespmem:s7+$0xFFFFFFD0];
	v14 =	vshrl.u32 v8, $0xE  }
0x4c0: {  	v17 =	vshrl.u32 v1, $0xE;
	v15 =	vld.idx.msk [tilespmem:v9+s3+$0x0], $0xffff  }
0x4c1: {  	v19 =	vand.u32 $0x3FFF, v4;
	v16 =	vadd.s32 $0x2800, v9;
	v18 =	vld.idx.msk [tilespmem:v10+s3+$0x0], $0xffff  }
0x4c2: {  	v22 =	vand.u32 $0x3FFF, v5;
	v4 =	vand.u32 $0x7F, v9;
	v9 =	vand.u32 $0x7FF80, v16;
	v16 =	vld.idx.msk [tilespmem:v11+s3+$0x0], $0xffff  }
0x4c3: {  	v6 =	vand.u32 $0x3FFF, v6;
	v20 =	vld.idx.msk [tilespmem:v13+s3+$0x0], $0xffff;
	v9 =	vor.u32 v4, v9;
	v4 =	vadd.s32 $0x2800, v11  }
0x4c4: {  	v23 =	vld.idx.msk [tilespmem:v14+s3+$0x0], $0xffff;
	v11 =	vand.u32 $0x7F, v11;
	v5 =	vand.u32 $0x7FF80, v4  }
0x4c5: {  	v21 =	vadd.s32 $0x2800, v10;
	v4 =	vld.idx.msk [tilespmem:v17+s3+$0x0], $0xffff;
	v11 =	vor.u32 v11, v5  }
0x4c6: {  	v3 =	vshrl.u32 v12, $0xE;
	v21 =	vand.u32 $0x7FF80, v21;
	v5 =	vand.u32 $0x7F, v10;
	[tilespmem:v19+s0+$0x0] =	vst.idx.add.f32.msk $0xffff, v15  }
0x4c7: {  	v21 =	vor.u32 v5, v21;
	[tilespmem:v22+s0+$0x0] =	vst.idx.add.f32.msk $0xffff, v18  }
0x4c8: {  	v5 =	vadd.s32 $0x2800, v14;
	v14 =	vand.u32 $0x7F, v14;
	v15 =	vshrl.u32 v2, $0xE;
	[tilespmem:v6+s0+$0x0] =	vst.idx.add.f32.msk $0xffff, v16  }
0x4c9: {  	v19 =	vadd.s32 $0x2800, v19;
	v24 =	vld.idx.msk [tilespmem:v9+s3+$0x0], $0xffff;
	v9 =	vand.u32 $0x3FFF, v7;
	v7 =	vand.u32 $0x7FF80, v5  }
0x4ca: {  	v7 =	vor.u32 v14, v7;
	v14 =	vadd.s32 $0x2800, v6;
	v18 =	vld.idx.msk [tilespmem:v11+s3+$0x0], $0xffff  }
0x4cb: {  	v10 =	vld.idx.msk [tilespmem:v3+s3+$0x0], $0xffff  }
0x4cc: {  	v5 =	vand.u32 $0x3FFF, v8;
	v8 =	vadd.s32 $0x2800, v13;
	v16 =	vld.idx.msk [tilespmem:v21+s3+$0x0], $0xffff  }
0x4cd: {  	v13 =	vand.u32 $0x7F, v13;
	v8 =	vand.u32 $0x7FF80, v8;
	v6 =	vadd.s32 $0x2800, v17;
	v11 =	vld.idx.msk [tilespmem:v15+s3+$0x0], $0xffff  }
0x4ce: {  	[tilespmem:v19+s0+$0x0] =	vst.idx.add.f32.msk $0xffff, v24;
	v19 =	vor.u32 v13, v8;
	v13 =	vand.u32 $0x7F, v17;
	v17 =	vadd.s32 $0x2800, v3  }
0x4cf: {  	[tilespmem:v14+s0+$0x0] =	vst.idx.add.f32.msk $0xffff, v18;
	v14 =	vand.u32 $0x7FF80, v17;
	v17 =	vadd.s32 $0x2800, v22  }
0x4d0: {  	v12 =	vand.u32 $0x3FFF, v12;
	[tilespmem:v9+s0+$0x0] =	vst.idx.add.f32.msk $0xffff, v20  }
0x4d1: {  	[tilespmem:v5+s0+$0x0] =	vst.idx.add.f32.msk $0xffff, v23  }
0x4d2: {  	v6 =	vand.u32 $0x7FF80, v6;
	v7 =	vld.idx.msk [tilespmem:v7+s3+$0x0], $0xffff  }
0x4d3: {  	s8 =	simm.s32 $0x0;
	v8 =	vand.u32 $0x7F, v15;
	v6 =	vor.u32 v13, v6;
	v13 =	vadd.s32 $0x2800, v15;
	v15 =	vld.idx.msk [tilespmem:v19+s3+$0x0], $0xffff  }
.LBB2_37:
0x4d4: {  	s8 =	sadd.s32 $0x80, s8;
	[tilespmem:v17+s0+$0x0] =	vst.idx.add.f32.msk $0xffff, v16;
	s7 =	sadd.s32 $0x80, s7  }
0x4d5: {  	p0 =	slt.u32 s8, $0x3E00;
	[tilespmem:v12+s0+$0x0] =	vst.idx.add.f32.msk $0xffff, v10  }
0x4d6: {  	v16 =	vld [tilespmem:s7+$0xFFFFFFE0]  }
0x4d7: {  	v10 =	vld [tilespmem:s7+$0x30]  }
0x4d8: {  	v17 =	vand.u32 $0x3FFF, v1;
	v1 =	vld [tilespmem:s7+$0xFFFFFFF0]  }
0x4d9: {  	v3 =	vand.u32 $0x7F, v3;
	v18 =	vld [tilespmem:s7+$0x0]  }
0x4da: {  	v2 =	vand.u32 $0x3FFF, v2;
	v13 =	vand.u32 $0x7FF80, v13;
	v3 =	vor.u32 v3, v14;
	v19 =	vld [tilespmem:s7+$0x10]  }
0x4db: {  	v8 =	vor.u32 v8, v13;
	v14 =	vld [tilespmem:s7+$0x20]  }
0x4dc: {  	v13 =	vld [tilespmem:s7+$0xFFFFFFC0]  }
0x4dd: {  	[tilespmem:v17+s0+$0x0] =	vst.idx.add.f32.msk $0xffff, v4;
	v4 =	vadd.s32 $0x2800, v9  }
0x4de: {  	v6 =	vld.idx.msk [tilespmem:v6+s3+$0x0], $0xffff  }
0x4df: {  	v9 =	vadd.s32 $0x2800, v17;
	v3 =	vld.idx.msk [tilespmem:v3+s3+$0x0], $0xffff  }
0x4e0: {  	[tilespmem:v2+s0+$0x0] =	vst.idx.add.f32.msk $0xffff, v11;
	v11 =	vadd.s32 $0x2800, v12  }
0x4e1: {  	v5 =	vadd.s32 $0x2800, v5;
	v12 =	vadd.s32 $0x2800, v2;
	v8 =	vld.idx.msk [tilespmem:v8+s3+$0x0], $0xffff  }
0x4e2: {  	[tilespmem:v4+s0+$0x0] =	vst.idx.add.f32.msk $0xffff, v15  }
0x4e3: {  	v4 =	vshrl.u32 v13, $0xE;
	v15 =	vand.u32 $0x3FFF, v13;
	v2 =	vld [tilespmem:s7+$0xFFFFFFD0]  }
0x4e4: {  	v20 =	vshrl.u32 v10, $0xE;
	v13 =	vand.u32 $0x7F, v4;
	v17 =	vadd.s32 $0x2800, v4;
	[tilespmem:v9+s0+$0x0] =	vst.idx.add.f32.msk $0xffff, v6  }
0x4e5: {  	v6 =	vand.u32 $0x7FF80, v17;
	v9 =	vshrl.u32 v14, $0xE;
	v17 =	vadd.s32 $0x2800, v20;
	[tilespmem:v11+s0+$0x0] =	vst.idx.add.f32.msk $0xffff, v3  }
0x4e6: {  	v21 =	vshrl.u32 v19, $0xE;
	v3 =	vadd.s32 $0x2800, v9;
	v11 =	vand.u32 $0x7FF80, v17;
	[tilespmem:v5+s0+$0x0] =	vst.idx.add.f32.msk $0xffff, v7  }
0x4e7: {  	v5 =	vor.u32 v13, v6;
	v7 =	vshrl.u32 v18, $0xE;
	v13 =	vand.u32 $0x7FF80, v3;
	[tilespmem:v12+s0+$0x0] =	vst.idx.add.f32.msk $0xffff, v8  }
0x4e8: {  	v22 =	vand.u32 $0x3FFF, v10;
	v17 =	vand.u32 $0x3FFF, v14;
	v12 =	vld.idx.msk [tilespmem:v4+s3+$0x0], $0xffff;
	v4 =	vshrl.u32 v1, $0xE  }
0x4e9: {  	v3 =	vshrl.u32 v16, $0xE;
	v6 =	vand.u32 $0x7F, v4;
	v8 =	vadd.s32 $0x2800, v4;
	v23 =	vld.idx.msk [tilespmem:v20+s3+$0x0], $0xffff  }
0x4ea: {  	v14 =	vadd.s32 $0x2800, v3;
	v24 =	vshrl.u32 v2, $0xE;
	v10 =	vand.u32 $0x7FF80, v8;
	v25 =	vld.idx.msk [tilespmem:v9+s3+$0x0], $0xffff  }
0x4eb: {  	v8 =	vand.u32 $0x7F, v24;
	v9 =	vand.u32 $0x7F, v9;
	v6 =	vor.u32 v6, v10;
	v26 =	vld.idx.msk [tilespmem:v21+s3+$0x0], $0xffff  }
0x4ec: {  	v10 =	vadd.s32 $0x2800, v7;
	v28 =	vor.u32 v9, v13;
	v9 =	vand.u32 $0x7F, v20;
	v27 =	vld.idx.msk [tilespmem:v7+s3+$0x0], $0xffff  }
0x4ed: {  	v29 =	vadd.s32 $0x2800, v21;
	v20 =	vand.u32 $0x7FF80, v10;
	v11 =	vor.u32 v9, v11;
	v4 =	vld.idx.msk [tilespmem:v4+s3+$0x0], $0xffff  }
0x4ee: {  	v29 =	vand.u32 $0x7FF80, v29;
	v14 =	vand.u32 $0x7FF80, v14;
	v13 =	vadd.s32 $0x2800, v24;
	v10 =	vld.idx.msk [tilespmem:v3+s3+$0x0], $0xffff  }
0x4ef: {  	v7 =	vand.u32 $0x7F, v7;
	[tilespmem:v15+s0+$0x0] =	vst.idx.add.f32.msk $0xffff, v12;
	v12 =	vand.u32 $0x3FFF, v16  }
0x4f0: {  	v7 =	vor.u32 v7, v20;
	v30 =	vld.idx.msk [tilespmem:v5+s3+$0x0], $0xffff  }
0x4f1: {  	v15 =	vadd.s32 $0x2800, v15;
	[tilespmem:v22+s0+$0x0] =	vst.idx.add.f32.msk $0xffff, v23  }
0x4f2: {  	v9 =	vand.u32 $0x3FFF, v19;
	[tilespmem:v17+s0+$0x0] =	vst.idx.add.f32.msk $0xffff, v25  }
0x4f3: {  	v5 =	vand.u32 $0x3FFF, v18;
	v18 =	vld.idx.msk [tilespmem:v28+s3+$0x0], $0xffff  }
0x4f4: {  	v16 =	vld.idx.msk [tilespmem:v11+s3+$0x0], $0xffff  }
0x4f5: {  	v19 =	vand.u32 $0x7F, v21;
	v20 =	vadd.s32 $0x2800, v17;
	v11 =	vld.idx.msk [tilespmem:v24+s3+$0x0], $0xffff  }
0x4f6: {  	[tilespmem:v15+s0+$0x0] =	vst.idx.add.f32.msk $0xffff, v30;
	v15 =	vor.u32 v19, v29  }
.Ltmp17:
0x4f7: {  	v17 =	vadd.s32 $0x2800, v22;
	[tilespmem:v9+s0+$0x0] =	vst.idx.add.f32.msk $0xffff, v26;
	(pc) =	sbr.rel @p0 .LBB2_37-.Ltmp17, $4  }
0x4f8: {  	[tilespmem:v5+s0+$0x0] =	vst.idx.add.f32.msk $0xffff, v27  }
0x4f9: {  	v7 =	vld.idx.msk [tilespmem:v7+s3+$0x0], $0xffff  }
0x4fa: {  	[tilespmem:v20+s0+$0x0] =	vst.idx.add.f32.msk $0xffff, v18  }
0x4fb: {  	v15 =	vld.idx.msk [tilespmem:v15+s3+$0x0], $0xffff  }
0x4fc: {  	_ = 	snop  }
0x4fd: {  	v1 =	vand.u32 $0x3FFF, v1  }
0x4fe: {  	v2 =	vand.u32 $0x3FFF, v2  }
0x4ff: {  	v3 =	vand.u32 $0x7F, v3  }
0x500: {  	[tilespmem:v17+s0+$0x0] =	vst.idx.add.f32.msk $0xffff, v16;
	v13 =	vand.u32 $0x7FF80, v13;
	v3 =	vor.u32 v3, v14  }
0x501: {  	[tilespmem:v12+s0+$0x0] =	vst.idx.add.f32.msk $0xffff, v10;
	v8 =	vor.u32 v8, v13  }
0x502: {  	v5 =	vadd.s32 $0x2800, v5;
	[tilespmem:v1+s0+$0x0] =	vst.idx.add.f32.msk $0xffff, v4  }
0x503: {  	v4 =	vadd.s32 $0x2800, v9;
	[tilespmem:v2+s0+$0x0] =	vst.idx.add.f32.msk $0xffff, v11  }
0x504: {  	v1 =	vadd.s32 $0x2800, v1;
	v6 =	vld.idx.msk [tilespmem:v6+s3+$0x0], $0xffff  }
0x505: {  	v9 =	vadd.s32 $0x2800, v12;
	v3 =	vld.idx.msk [tilespmem:v3+s3+$0x0], $0xffff  }
0x506: {  	v2 =	vadd.s32 $0x2800, v2;
	v8 =	vld.idx.msk [tilespmem:v8+s3+$0x0], $0xffff  }
0x507: {  	[tilespmem:v5+s0+$0x0] =	vst.idx.add.f32.msk $0xffff, v7  }
0x508: {  	[tilespmem:v4+s0+$0x0] =	vst.idx.add.f32.msk $0xffff, v15  }
0x509: {  	s7 =	sshll.u32 s6, $0x1;
	[tilespmem:v1+s0+$0x0] =	vst.idx.add.f32.msk $0xffff, v6  }
0x50a: {  	s7 =	sadd.s32 $0x2, s7;
	[tilespmem:v9+s0+$0x0] =	vst.idx.add.f32.msk $0xffff, v3  }
0x50b: {  	s8 =	smul.u32 $0x7D0, s7;
	[tilespmem:v2+s0+$0x0] =	vst.idx.add.f32.msk $0xffff, v8  }
0x50c: {  	p0 =	seq.s32 s7, $0x14;
	_ =	swait.ge [sflag:s2], $0x3E80  }
0x50d: {  	s8 =	simm.s32 @p0 $0x0;
	[sflag:s2] =	ssyncset.done $0x0  }
0x50e: {  	s7 =	simm.s32 $0x1A6C0;
	s16 =	sadd.s32 s4, s8;
	[sflag:s2] =	ssyncadd.s32 $0xFFFFC180  }
0x50f: {  	[tilespmem:s28], [sflag:$0x1] =	stream.linear.gather [hbm4b:s16+s3], $0x3E80, $0x38;
	[tilespmem:$0x1E500] =	vst v63  }
0x510: {  	v4 =	vld [tilespmem:s7+$0xFFFFFFC0]  }
0x511: {  	v5 =	vld [tilespmem:s7+$0x30]  }
0x512: {  	v6 =	vld [tilespmem:s7+$0x20]  }
0x513: {  	v7 =	vld [tilespmem:s7+$0x10]  }
0x514: {  	v8 =	vld [tilespmem:s7+$0x0]  }
0x515: {  	v1 =	vld [tilespmem:s7+$0xFFFFFFF0];
	v9 =	vshrl.u32 v4, $0xE  }
0x516: {  	v10 =	vshrl.u32 v5, $0xE  }
0x517: {  	v11 =	vshrl.u32 v6, $0xE  }
0x518: {  	v12 =	vld [tilespmem:s7+$0xFFFFFFE0];
	v13 =	vshrl.u32 v7, $0xE  }
0x519: {  	v2 =	vld [tilespmem:s7+$0xFFFFFFD0];
	v14 =	vshrl.u32 v8, $0xE  }
0x51a: {  	v17 =	vshrl.u32 v1, $0xE;
	v15 =	vld.idx.msk [tilespmem:v9+s3+$0x0], $0xffff  }
0x51b: {  	v19 =	vand.u32 $0x3FFF, v4;
	v16 =	vadd.s32 $0x2800, v9;
	v18 =	vld.idx.msk [tilespmem:v10+s3+$0x0], $0xffff  }
0x51c: {  	v22 =	vand.u32 $0x3FFF, v5;
	v4 =	vand.u32 $0x7F, v9;
	v9 =	vand.u32 $0x7FF80, v16;
	v16 =	vld.idx.msk [tilespmem:v11+s3+$0x0], $0xffff  }
0x51d: {  	v6 =	vand.u32 $0x3FFF, v6;
	v20 =	vld.idx.msk [tilespmem:v13+s3+$0x0], $0xffff;
	v9 =	vor.u32 v4, v9;
	v4 =	vadd.s32 $0x2800, v11  }
0x51e: {  	v23 =	vld.idx.msk [tilespmem:v14+s3+$0x0], $0xffff;
	v11 =	vand.u32 $0x7F, v11;
	v5 =	vand.u32 $0x7FF80, v4  }
0x51f: {  	v21 =	vadd.s32 $0x2800, v10;
	v4 =	vld.idx.msk [tilespmem:v17+s3+$0x0], $0xffff;
	v11 =	vor.u32 v11, v5  }
0x520: {  	v3 =	vshrl.u32 v12, $0xE;
	v21 =	vand.u32 $0x7FF80, v21;
	v5 =	vand.u32 $0x7F, v10;
	[tilespmem:v19+s0+$0x0] =	vst.idx.add.f32.msk $0xffff, v15  }
0x521: {  	v21 =	vor.u32 v5, v21;
	[tilespmem:v22+s0+$0x0] =	vst.idx.add.f32.msk $0xffff, v18  }
0x522: {  	v5 =	vadd.s32 $0x2800, v14;
	v14 =	vand.u32 $0x7F, v14;
	v15 =	vshrl.u32 v2, $0xE;
	[tilespmem:v6+s0+$0x0] =	vst.idx.add.f32.msk $0xffff, v16  }
0x523: {  	v19 =	vadd.s32 $0x2800, v19;
	v24 =	vld.idx.msk [tilespmem:v9+s3+$0x0], $0xffff;
	v9 =	vand.u32 $0x3FFF, v7;
	v7 =	vand.u32 $0x7FF80, v5  }
0x524: {  	v7 =	vor.u32 v14, v7;
	v14 =	vadd.s32 $0x2800, v6;
	v18 =	vld.idx.msk [tilespmem:v11+s3+$0x0], $0xffff  }
0x525: {  	v10 =	vld.idx.msk [tilespmem:v3+s3+$0x0], $0xffff  }
0x526: {  	v5 =	vand.u32 $0x3FFF, v8;
	v8 =	vadd.s32 $0x2800, v13;
	v16 =	vld.idx.msk [tilespmem:v21+s3+$0x0], $0xffff  }
0x527: {  	v13 =	vand.u32 $0x7F, v13;
	v8 =	vand.u32 $0x7FF80, v8;
	v6 =	vadd.s32 $0x2800, v17;
	v11 =	vld.idx.msk [tilespmem:v15+s3+$0x0], $0xffff  }
0x528: {  	[tilespmem:v19+s0+$0x0] =	vst.idx.add.f32.msk $0xffff, v24;
	v19 =	vor.u32 v13, v8;
	v13 =	vand.u32 $0x7F, v17;
	v17 =	vadd.s32 $0x2800, v3  }
0x529: {  	[tilespmem:v14+s0+$0x0] =	vst.idx.add.f32.msk $0xffff, v18;
	v14 =	vand.u32 $0x7FF80, v17;
	v17 =	vadd.s32 $0x2800, v22  }
0x52a: {  	v12 =	vand.u32 $0x3FFF, v12;
	[tilespmem:v9+s0+$0x0] =	vst.idx.add.f32.msk $0xffff, v20  }
0x52b: {  	[tilespmem:v5+s0+$0x0] =	vst.idx.add.f32.msk $0xffff, v23  }
0x52c: {  	v6 =	vand.u32 $0x7FF80, v6;
	v7 =	vld.idx.msk [tilespmem:v7+s3+$0x0], $0xffff  }
0x52d: {  	s8 =	simm.s32 $0x0;
	v8 =	vand.u32 $0x7F, v15;
	v6 =	vor.u32 v13, v6;
	v13 =	vadd.s32 $0x2800, v15;
	v15 =	vld.idx.msk [tilespmem:v19+s3+$0x0], $0xffff  }
.LBB2_39:
0x52e: {  	s8 =	sadd.s32 $0x80, s8;
	[tilespmem:v17+s0+$0x0] =	vst.idx.add.f32.msk $0xffff, v16;
	s7 =	sadd.s32 $0x80, s7  }
0x52f: {  	p0 =	slt.u32 s8, $0x3E00;
	[tilespmem:v12+s0+$0x0] =	vst.idx.add.f32.msk $0xffff, v10  }
0x530: {  	v16 =	vld [tilespmem:s7+$0xFFFFFFE0]  }
0x531: {  	v10 =	vld [tilespmem:s7+$0x30]  }
0x532: {  	v17 =	vand.u32 $0x3FFF, v1;
	v1 =	vld [tilespmem:s7+$0xFFFFFFF0]  }
0x533: {  	v3 =	vand.u32 $0x7F, v3;
	v18 =	vld [tilespmem:s7+$0x0]  }
0x534: {  	v2 =	vand.u32 $0x3FFF, v2;
	v13 =	vand.u32 $0x7FF80, v13;
	v3 =	vor.u32 v3, v14;
	v19 =	vld [tilespmem:s7+$0x10]  }
0x535: {  	v8 =	vor.u32 v8, v13;
	v14 =	vld [tilespmem:s7+$0x20]  }
0x536: {  	v13 =	vld [tilespmem:s7+$0xFFFFFFC0]  }
0x537: {  	[tilespmem:v17+s0+$0x0] =	vst.idx.add.f32.msk $0xffff, v4;
	v4 =	vadd.s32 $0x2800, v9  }
0x538: {  	v6 =	vld.idx.msk [tilespmem:v6+s3+$0x0], $0xffff  }
0x539: {  	v9 =	vadd.s32 $0x2800, v17;
	v3 =	vld.idx.msk [tilespmem:v3+s3+$0x0], $0xffff  }
0x53a: {  	[tilespmem:v2+s0+$0x0] =	vst.idx.add.f32.msk $0xffff, v11;
	v11 =	vadd.s32 $0x2800, v12  }
0x53b: {  	v5 =	vadd.s32 $0x2800, v5;
	v12 =	vadd.s32 $0x2800, v2;
	v8 =	vld.idx.msk [tilespmem:v8+s3+$0x0], $0xffff  }
0x53c: {  	[tilespmem:v4+s0+$0x0] =	vst.idx.add.f32.msk $0xffff, v15  }
0x53d: {  	v4 =	vshrl.u32 v13, $0xE;
	v15 =	vand.u32 $0x3FFF, v13;
	v2 =	vld [tilespmem:s7+$0xFFFFFFD0]  }
0x53e: {  	v20 =	vshrl.u32 v10, $0xE;
	v13 =	vand.u32 $0x7F, v4;
	v17 =	vadd.s32 $0x2800, v4;
	[tilespmem:v9+s0+$0x0] =	vst.idx.add.f32.msk $0xffff, v6  }
0x53f: {  	v6 =	vand.u32 $0x7FF80, v17;
	v9 =	vshrl.u32 v14, $0xE;
	v17 =	vadd.s32 $0x2800, v20;
	[tilespmem:v11+s0+$0x0] =	vst.idx.add.f32.msk $0xffff, v3  }
0x540: {  	v21 =	vshrl.u32 v19, $0xE;
	v3 =	vadd.s32 $0x2800, v9;
	v11 =	vand.u32 $0x7FF80, v17;
	[tilespmem:v5+s0+$0x0] =	vst.idx.add.f32.msk $0xffff, v7  }
0x541: {  	v5 =	vor.u32 v13, v6;
	v7 =	vshrl.u32 v18, $0xE;
	v13 =	vand.u32 $0x7FF80, v3;
	[tilespmem:v12+s0+$0x0] =	vst.idx.add.f32.msk $0xffff, v8  }
0x542: {  	v22 =	vand.u32 $0x3FFF, v10;
	v17 =	vand.u32 $0x3FFF, v14;
	v12 =	vld.idx.msk [tilespmem:v4+s3+$0x0], $0xffff;
	v4 =	vshrl.u32 v1, $0xE  }
0x543: {  	v3 =	vshrl.u32 v16, $0xE;
	v6 =	vand.u32 $0x7F, v4;
	v8 =	vadd.s32 $0x2800, v4;
	v23 =	vld.idx.msk [tilespmem:v20+s3+$0x0], $0xffff  }
0x544: {  	v14 =	vadd.s32 $0x2800, v3;
	v24 =	vshrl.u32 v2, $0xE;
	v10 =	vand.u32 $0x7FF80, v8;
	v25 =	vld.idx.msk [tilespmem:v9+s3+$0x0], $0xffff  }
0x545: {  	v8 =	vand.u32 $0x7F, v24;
	v9 =	vand.u32 $0x7F, v9;
	v6 =	vor.u32 v6, v10;
	v26 =	vld.idx.msk [tilespmem:v21+s3+$0x0], $0xffff  }
0x546: {  	v10 =	vadd.s32 $0x2800, v7;
	v28 =	vor.u32 v9, v13;
	v9 =	vand.u32 $0x7F, v20;
	v27 =	vld.idx.msk [tilespmem:v7+s3+$0x0], $0xffff  }
0x547: {  	v29 =	vadd.s32 $0x2800, v21;
	v20 =	vand.u32 $0x7FF80, v10;
	v11 =	vor.u32 v9, v11;
	v4 =	vld.idx.msk [tilespmem:v4+s3+$0x0], $0xffff  }
0x548: {  	v29 =	vand.u32 $0x7FF80, v29;
	v14 =	vand.u32 $0x7FF80, v14;
	v13 =	vadd.s32 $0x2800, v24;
	v10 =	vld.idx.msk [tilespmem:v3+s3+$0x0], $0xffff  }
0x549: {  	v7 =	vand.u32 $0x7F, v7;
	[tilespmem:v15+s0+$0x0] =	vst.idx.add.f32.msk $0xffff, v12;
	v12 =	vand.u32 $0x3FFF, v16  }
0x54a: {  	v7 =	vor.u32 v7, v20;
	v30 =	vld.idx.msk [tilespmem:v5+s3+$0x0], $0xffff  }
0x54b: {  	v15 =	vadd.s32 $0x2800, v15;
	[tilespmem:v22+s0+$0x0] =	vst.idx.add.f32.msk $0xffff, v23  }
0x54c: {  	v9 =	vand.u32 $0x3FFF, v19;
	[tilespmem:v17+s0+$0x0] =	vst.idx.add.f32.msk $0xffff, v25  }
0x54d: {  	v5 =	vand.u32 $0x3FFF, v18;
	v18 =	vld.idx.msk [tilespmem:v28+s3+$0x0], $0xffff  }
0x54e: {  	v16 =	vld.idx.msk [tilespmem:v11+s3+$0x0], $0xffff  }
0x54f: {  	v19 =	vand.u32 $0x7F, v21;
	v20 =	vadd.s32 $0x2800, v17;
	v11 =	vld.idx.msk [tilespmem:v24+s3+$0x0], $0xffff  }
0x550: {  	[tilespmem:v15+s0+$0x0] =	vst.idx.add.f32.msk $0xffff, v30;
	v15 =	vor.u32 v19, v29  }
.Ltmp18:
0x551: {  	v17 =	vadd.s32 $0x2800, v22;
	[tilespmem:v9+s0+$0x0] =	vst.idx.add.f32.msk $0xffff, v26;
	(pc) =	sbr.rel @p0 .LBB2_39-.Ltmp18, $4  }
0x552: {  	[tilespmem:v5+s0+$0x0] =	vst.idx.add.f32.msk $0xffff, v27  }
0x553: {  	v7 =	vld.idx.msk [tilespmem:v7+s3+$0x0], $0xffff  }
0x554: {  	[tilespmem:v20+s0+$0x0] =	vst.idx.add.f32.msk $0xffff, v18  }
0x555: {  	v15 =	vld.idx.msk [tilespmem:v15+s3+$0x0], $0xffff  }
0x556: {  	_ = 	snop  }
0x557: {  	v1 =	vand.u32 $0x3FFF, v1  }
0x558: {  	v2 =	vand.u32 $0x3FFF, v2  }
0x559: {  	v3 =	vand.u32 $0x7F, v3  }
0x55a: {  	[tilespmem:v17+s0+$0x0] =	vst.idx.add.f32.msk $0xffff, v16;
	v13 =	vand.u32 $0x7FF80, v13;
	v3 =	vor.u32 v3, v14  }
0x55b: {  	[tilespmem:v12+s0+$0x0] =	vst.idx.add.f32.msk $0xffff, v10;
	v8 =	vor.u32 v8, v13  }
0x55c: {  	v62 =	vadd.s32 $0x2800, v9;
	[tilespmem:v1+s0+$0x0] =	vst.idx.add.f32.msk $0xffff, v4  }
0x55d: {  	v5 =	vadd.s32 $0x2800, v5;
	[tilespmem:v2+s0+$0x0] =	vst.idx.add.f32.msk $0xffff, v11  }
0x55e: {  	v1 =	vadd.s32 $0x2800, v1;
	v6 =	vld.idx.msk [tilespmem:v6+s3+$0x0], $0xffff  }
0x55f: {  	v63 =	vadd.s32 $0x2800, v12;
	s6 =	sadd.s32 $0x1, s6;
	v3 =	vld.idx.msk [tilespmem:v3+s3+$0x0], $0xffff  }
0x560: {  	p0 =	sne.s32 s6, $0xA;
	v2 =	vadd.s32 $0x2800, v2;
	v8 =	vld.idx.msk [tilespmem:v8+s3+$0x0], $0xffff  }
.Ltmp19:
0x561: {  	[tilespmem:v62+s0+$0x0] =	vst.idx.add.f32.msk $0xffff, v15;
	(pc) =	sbr.rel @p0 .LBB2_36-.Ltmp19, $4  }
0x562: {  	[tilespmem:v5+s0+$0x0] =	vst.idx.add.f32.msk $0xffff, v7  }
0x563: {  	[tilespmem:v1+s0+$0x0] =	vst.idx.add.f32.msk $0xffff, v6  }
0x564: {  	[tilespmem:v63+s0+$0x0] =	vst.idx.add.f32.msk $0xffff, v3  }
0x565: {  	[tilespmem:v2+s0+$0x0] =	vst.idx.add.f32.msk $0xffff, v8  }
0x566: {  	_ =	swait.ge [sflag:s24], $0x2800  }
0x567: {  	[sflag:s24] =	ssyncset.done $0x0  }
0x568: {  	[sflag:s24] =	ssyncadd.s32 $0xFFFFD800  }
0x569: {  	_ =	swait.ge [sflag:s24], $0x2800  }
0x56a: {  	[sflag:s24] =	ssyncset.done $0x0  }
0x56b: {  	s8 =	simm.s32 $0x14020;
	[sflag:s24] =	ssyncadd.s32 $0xFFFFD800  }
0x56c: {  	v1 =	vld [tilespmem:s8+$0x10]  }
0x56d: {  	s6 =	simm.s32 $0xA000;
	v2 =	vld [tilespmem:s8+$0xFFFFFFE0]  }
0x56e: {  	v3 =	vld [tilespmem:s6+$0x30]  }
0x56f: {  	s11 =	simm.s32 $0xF000;
	v4 =	vld [tilespmem:s8+$0xFFFFFFF0]  }
0x570: {  	v5 =	vld [tilespmem:s11+$0x30]  }
0x571: {  	s7 =	simm.s32 $0x5000;
	v6 =	vld [tilespmem:s8+$0x0]  }
0x572: {  	v7 =	vld [tilespmem:s7+$0x30]  }
0x573: {  	v8 =	vld [tilespmem:s6+$0x0]  }
0x574: {  	v9 =	vld [tilespmem:s6+$0x10]  }
0x575: {  	v10 =	vld [tilespmem:s11+$0x0]  }
0x576: {  	v12 =	vld [tilespmem:s6+$0x20];
	v1 =	vadd.f32 v1, v1  }
0x577: {  	s9 =	simm.s32 $0xA040;
	v13 =	vld [tilespmem:s11+$0x20]  }
0x578: {  	s13 =	simm.s32 $0x14060;
	v15 =	vld [tilespmem:s9+$0x30];
	v3 =	vmul.f32 v3, v1  }
0x579: {  	v16 =	vld [tilespmem:s13+$0xFFFFFFE0]  }
0x57a: {  	v11 =	vadd.f32 v2, v2;
	v2 =	vsub.f32 v5, v3;
	v3 =	vld [tilespmem:s11+$0x10]  }
0x57b: {  	s10 =	simm.s32 $0xF040;
	v4 =	vadd.f32 v4, v4;
	v5 =	vld [tilespmem:s7+$0x0]  }
0x57c: {  	v17 =	vld [tilespmem:s10+$0x30];
	v2 =	vsub.f32 v2, v7;
	v7 =	vmul.f32 v8, v11  }
0x57d: {  	v9 =	vmul.f32 v9, v4;
	v8 =	vld [tilespmem:s7+$0x10]  }
0x57e: {  	v18 =	vld [tilespmem:s13+$0xFFFFFFF0];
	v6 =	vadd.f32 v6, v6;
	[tilespmem:s7+$0x30] =	vst v2;
	v2 =	vsub.f32 v10, v7  }
0x57f: {  	v3 =	vsub.f32 v3, v9;
	v9 =	vld [tilespmem:s7+$0x20]  }
0x580: {  	v20 =	vld [tilespmem:s13+$0x0];
	v2 =	vsub.f32 v2, v5;
	v5 =	vmul.f32 v12, v6  }
0x581: {  	v21 =	vld [tilespmem:s9+$0x10]  }
0x582: {  	v56 =	vld [tilespmem:s9+$0x20];
	[tilespmem:s7+$0x0] =	vst v2;
	v2 =	vsub.f32 v3, v8;
	v5 =	vsub.f32 v13, v5  }
0x583: {  	s8 =	simm.s32 $0x5040;
	v22 =	vld [tilespmem:s10+$0x10]  }
0x584: {  	v57 =	vld [tilespmem:s8+$0x0];
	[tilespmem:s7+$0x10] =	vst v2;
	v2 =	vsub.f32 v5, v9  }
0x585: {  	v7 =	vld [tilespmem:s6+$0x2830]  }
0x586: {  	[tilespmem:s7+$0x20] =	vst v2;
	v2 =	vld [tilespmem:s13+$0x10]  }
0x587: {  	v60 =	vld [tilespmem:s8+$0x20];
	[tilespmem:s6+$0x30] =	vst v0  }
0x588: {  	s16 =	simm.s32 $0x0;
	v3 =	vld [tilespmem:s11+$0x2830]  }
0x589: {  	s12 =	sand.u32 $0x3FC0, s16;
	v8 =	vld [tilespmem:s7+$0x2830];
	[tilespmem:s6+$0x0] =	vst v0  }
0x58a: {  	v10 =	vld [tilespmem:s12+$0xC800]  }
0x58b: {  	v1 =	vmul.f32 v7, v1;
	v7 =	vld [tilespmem:s9+$0x0];
	v19 =	vadd.f32 v2, v2  }
0x58c: {  	v2 =	vld [tilespmem:s8+$0x30]  }
0x58d: {  	v9 =	vld [tilespmem:s12+$0x11800];
	v15 =	vmul.f32 v15, v19  }
0x58e: {  	v1 =	vsub.f32 v3, v1;
	v3 =	vld [tilespmem:s10+$0x0]  }
0x58f: {  	v16 =	vadd.f32 v16, v16;
	v14 =	vld [tilespmem:s12+$0x7800];
	v15 =	vsub.f32 v17, v15  }
0x590: {  	[tilespmem:s6+$0x10] =	vst v0;
	v5 =	vld [tilespmem:s6+$0x2810];
	v8 =	vsub.f32 v1, v8  }
0x591: {  	v55 =	vld [tilespmem:s11+$0x2810];
	v7 =	vmul.f32 v7, v16;
	v2 =	vsub.f32 v15, v2  }
0x592: {  	[tilespmem:s7+$0x2830] =	vst v8;
	v8 =	vld [tilespmem:s10+$0x20]  }
0x593: {  	v1 =	vadd.f32 v18, v18;
	v10 =	vmul.f32 v10, v11;
	v3 =	vsub.f32 v3, v7;
	v7 =	vld [tilespmem:s8+$0x10];
	[tilespmem:s8+$0x30] =	vst v2  }
0x594: {  	[tilespmem:s12+$0xC800] =	vst v0;
	v58 =	vld [tilespmem:s9+$0x2830]  }
0x595: {  	v61 =	vld [tilespmem:s7+$0x2810];
	v21 =	vmul.f32 v21, v1;
	v9 =	vsub.f32 v9, v10;
	v2 =	vadd.f32 v20, v20;
	[tilespmem:s9+$0x30] =	vst v0  }
0x596: {  	[tilespmem:s6+$0x20] =	vst v0;
	v3 =	vsub.f32 v3, v57;
	v59 =	vld [tilespmem:s10+$0x2830]  }
0x597: {  	v54 =	vld [tilespmem:s6+$0x2820];
	[tilespmem:s6+$0x2830] =	vst v0;
	v11 =	vsub.f32 v22, v21;
	v9 =	vsub.f32 v9, v14;
	v17 =	vmul.f32 v56, v2  }
0x598: {  	[tilespmem:s8+$0x0] =	vst v3;
	v3 =	vld [tilespmem:s8+$0x2830]  }
0x599: {  	[tilespmem:s12+$0x7800] =	vst v9;
	v7 =	vsub.f32 v11, v7;
	v11 =	vld [tilespmem:s11+$0x2820];
	s11 =	simm.s32 $0x40;
	v8 =	vsub.f32 v8, v17;
	v10 =	vmul.f32 v58, v19  }
0x59a: {  	v62 =	vld [tilespmem:s7+$0x2820];
	[tilespmem:s9+$0x0] =	vst v0;
	s15 =	sand.u32 $0x3FC0, s11  }
0x59b: {  	v5 =	vmul.f32 v5, v4;
	[tilespmem:s8+$0x10] =	vst v7;
	v63 =	vld [tilespmem:s15+$0xC800];
	v8 =	vsub.f32 v8, v60;
	v10 =	vsub.f32 v59, v10  }
0x59c: {  	v6 =	vmul.f32 v54, v6;
	[tilespmem:s9+$0x10] =	vst v0;
	v7 =	vld [tilespmem:s9+$0x2810]  }
0x59d: {  	v4 =	vld [tilespmem:s15+$0x11800];
	[tilespmem:s8+$0x20] =	vst v8;
	v8 =	vsub.f32 v55, v5;
	v3 =	vsub.f32 v10, v3  }
0x59e: {  	v6 =	vsub.f32 v11, v6;
	v5 =	vld [tilespmem:s9+$0x2820];
	[tilespmem:s9+$0x20] =	vst v0  }
0x59f: {  	v9 =	vsub.f32 v8, v61;
	[tilespmem:s8+$0x2830] =	vst v3;
	v3 =	vld [tilespmem:s10+$0x2810]  }
0x5a0: {  	s14 =	simm.s32 $0xF040;
	s13 =	simm.s32 $0x140A0;
	s12 =	simm.s32 $0xA040;
	v8 =	vsub.f32 v6, v62;
	v10 =	vmul.f32 v63, v16;
	v6 =	vld [tilespmem:s15+$0x7800];
	[tilespmem:s9+$0x2830] =	vst v0  }
.LBB2_42:
0x5a1: {  	v11 =	vld [tilespmem:s13+$0x10];
	v1 =	vmul.f32 v7, v1;
	[tilespmem:s7+$0x2810] =	vst v9  }
0x5a2: {  	s9 =	sadd.s32 $0x40, s9;
	v7 =	vld [tilespmem:s13+$0xFFFFFFE0];
	v4 =	vsub.f32 v4, v10;
	[tilespmem:s6+$0x2810] =	vst v0  }
0x5a3: {  	v9 =	vld [tilespmem:s9+$0x30];
	v5 =	vmul.f32 v5, v2;
	[tilespmem:s7+$0x2820] =	vst v8;
	s7 =	smov.u32 s8  }
0x5a4: {  	s10 =	sadd.s32 $0x40, s10;
	v2 =	vld [tilespmem:s13+$0xFFFFFFF0];
	v3 =	vsub.f32 v3, v1;
	[tilespmem:s6+$0x2820] =	vst v0;
	s6 =	smov.u32 s12;
	s12 =	smov.u32 s9  }
0x5a5: {  	v8 =	vld [tilespmem:s10+$0x30];
	v1 =	vsub.f32 v4, v6;
	[tilespmem:s15+$0xC800] =	vst v0  }
0x5a6: {  	s8 =	sadd.s32 $0x40, s8;
	v4 =	vld [tilespmem:s13+$0x0];
	v6 =	vadd.f32 v11, v11  }
0x5a7: {  	v10 =	vadd.f32 v7, v7;
	v7 =	vld [tilespmem:s8+$0x30];
	[tilespmem:s15+$0x7800] =	vst v1  }
0x5a8: {  	v11 =	vld [tilespmem:s9+$0x0];
	v9 =	vmul.f32 v9, v6  }
0x5a9: {  	v1 =	vadd.f32 v2, v2;
	v12 =	vld [tilespmem:s9+$0x10]  }
0x5aa: {  	v13 =	vld [tilespmem:s9+$0x20];
	v8 =	vsub.f32 v8, v9  }
0x5ab: {  	v9 =	vld [tilespmem:s10+$0x0];
	v2 =	vadd.f32 v4, v4  }
0x5ac: {  	v4 =	vld [tilespmem:s10+$0x10];
	v7 =	vsub.f32 v8, v7  }
0x5ad: {  	v8 =	vmul.f32 v11, v10;
	v11 =	vld [tilespmem:s10+$0x20]  }
0x5ae: {  	v14 =	vld [tilespmem:s8+$0x0];
	v12 =	vmul.f32 v12, v1;
	[tilespmem:s8+$0x30] =	vst v7  }
0x5af: {  	v7 =	vmul.f32 v13, v2;
	v13 =	vld [tilespmem:s9+$0x2830]  }
0x5b0: {  	v8 =	vsub.f32 v9, v8;
	v9 =	vld [tilespmem:s8+$0x10];
	[tilespmem:s9+$0x30] =	vst v0  }
0x5b1: {  	v4 =	vsub.f32 v4, v12;
	v12 =	vld [tilespmem:s10+$0x2830]  }
0x5b2: {  	v7 =	vsub.f32 v11, v7;
	v11 =	vld [tilespmem:s8+$0x20]  }
0x5b3: {  	v8 =	vsub.f32 v8, v14;
	v14 =	vld [tilespmem:s8+$0x2830]  }
0x5b4: {  	v6 =	vmul.f32 v13, v6;
	v13 =	vld [tilespmem:s14+$0x2820];
	s14 =	smov.u32 s10  }
0x5b5: {  	s11 =	sadd.s32 $0x40, s11;
	[tilespmem:s8+$0x0] =	vst v8;
	v4 =	vsub.f32 v4, v9;
	v8 =	vld [tilespmem:s7+$0x2810]  }
0x5b6: {  	p0 =	slt.u32 s11, $0x27C0;
	s15 =	sand.u32 $0x3FC0, s11;
	[tilespmem:s9+$0x0] =	vst v0;
	v6 =	vsub.f32 v12, v6;
	v12 =	vld [tilespmem:s7+$0x2820]  }
0x5b7: {  	v15 =	vld [tilespmem:s15+$0xC800];
	[tilespmem:s8+$0x10] =	vst v4;
	v9 =	vsub.f32 v7, v11  }
.Ltmp20:
0x5b8: {  	[tilespmem:s9+$0x10] =	vst v0;
	v7 =	vld [tilespmem:s9+$0x2810];
	v6 =	vsub.f32 v6, v14;
	(pc) =	sbr.rel @p0 .LBB2_42-.Ltmp20, $4  }
0x5b9: {  	v4 =	vld [tilespmem:s15+$0x11800];
	[tilespmem:s8+$0x20] =	vst v9;
	v11 =	vsub.f32 v13, v5  }
0x5ba: {  	v5 =	vld [tilespmem:s9+$0x2820];
	[tilespmem:s8+$0x2830] =	vst v6;
	v9 =	vsub.f32 v3, v8  }
0x5bb: {  	v3 =	vld [tilespmem:s10+$0x2810];
	[tilespmem:s9+$0x2830] =	vst v0;
	v8 =	vsub.f32 v11, v12  }
0x5bc: {  	s13 =	sadd.s32 $0x40, s13;
	v10 =	vmul.f32 v15, v10;
	v6 =	vld [tilespmem:s15+$0x7800];
	[tilespmem:s9+$0x20] =	vst v0  }
0x5bd: {  	v11 =	vld [tilespmem:s14+$0x2820]  }
0x5be: {  	v12 =	vld [tilespmem:s8+$0x2810]  }
0x5bf: {  	v1 =	vmul.f32 v7, v1;
	[tilespmem:s7+$0x2810] =	vst v9  }
0x5c0: {  	v63 =	vld [tilespmem:s8+$0x2820];
	[tilespmem:s7+$0x2820] =	vst v8;
	v4 =	vsub.f32 v4, v10  }
0x5c1: {  	[tilespmem:s15+$0xC800] =	vst v0;
	v2 =	vmul.f32 v5, v2;
	v1 =	vsub.f32 v3, v1  }
0x5c2: {  	[tilespmem:s6+$0x2810] =	vst v0;
	v3 =	vsub.f32 v4, v6  }
0x5c3: {  	[tilespmem:s6+$0x2820] =	vst v0;
	v2 =	vsub.f32 v11, v2;
	v1 =	vsub.f32 v1, v12  }
0x5c4: {  	[tilespmem:s15+$0x7800] =	vst v3  }
0x5c5: {  	v2 =	vsub.f32 v2, v63;
	[tilespmem:s8+$0x2810] =	vst v1  }
0x5c6: {  	[tilespmem:s12+$0x2810] =	vst v0  }
0x5c7: {  	[tilespmem:s8+$0x2820] =	vst v2  }
0x5c8: {  	s6 =	simm.s32 $0x0;
	[tilespmem:s12+$0x2820] =	vst v0  }
0x5c9: {  	[tilespmem:s29], [sflag:$0x3] =	stream.linear.gather [hbm4b:s17+s6], $0x2800, $0x38;
	[tilespmem:$0x1E500] =	vst v63  }
0x5ca: {  	_ = 	snop  }
0x5cb: {  	[tilespmem:s30], [sflag:$0x3] =	stream.linear.gather [hbm4b:s18+s6], $0x2800, $0x38;
	[tilespmem:$0x1E500] =	vst v63  }
.LBB2_44:
0x5cc: {  	s7 =	smul.u32 $0x7D00, s6;
	_ =	sdelay $0x1  }
0x5cd: {  	_ =	swait.ge [sflag:s31], $0x3E80;
	s7 =	sshrl.u32 s7, $0x3  }
0x5ce: {  	[sflag:s31] =	ssyncset.done $0x0;
	s7 =	sadd.s32 s4, s7  }
0x5cf: {  	[sflag:s31] =	ssyncadd.s32 $0xFFFFC180;
	s7 =	sadd.s32 $0x7D0, s7  }
0x5d0: {  	[tilespmem:s1], [sflag:$0x2] =	stream.linear.gather [hbm4b:s7+s3], $0x3E80, $0x38;
	[tilespmem:$0x1E500] =	vst v63  }
0x5d1: {  	s7 =	simm.s32 $0x16840  }
0x5d2: {  	v4 =	vld [tilespmem:s7+$0xFFFFFFC0]  }
0x5d3: {  	v5 =	vld [tilespmem:s7+$0x30]  }
0x5d4: {  	v6 =	vld [tilespmem:s7+$0x20]  }
0x5d5: {  	v7 =	vld [tilespmem:s7+$0x10]  }
0x5d6: {  	v8 =	vld [tilespmem:s7+$0x0]  }
0x5d7: {  	v1 =	vld [tilespmem:s7+$0xFFFFFFF0];
	v9 =	vshrl.u32 v4, $0xE  }
0x5d8: {  	v10 =	vshrl.u32 v5, $0xE  }
0x5d9: {  	v11 =	vshrl.u32 v6, $0xE  }
0x5da: {  	v12 =	vld [tilespmem:s7+$0xFFFFFFE0];
	v13 =	vshrl.u32 v7, $0xE  }
0x5db: {  	v2 =	vld [tilespmem:s7+$0xFFFFFFD0];
	v14 =	vshrl.u32 v8, $0xE  }
0x5dc: {  	v17 =	vshrl.u32 v1, $0xE;
	v15 =	vld.idx.msk [tilespmem:v9+s26+$0x0], $0xffff  }
0x5dd: {  	v19 =	vand.u32 $0x3FFF, v4;
	v16 =	vadd.s32 $0x2800, v9;
	v18 =	vld.idx.msk [tilespmem:v10+s26+$0x0], $0xffff  }
0x5de: {  	v22 =	vand.u32 $0x3FFF, v5;
	v4 =	vand.u32 $0x7F, v9;
	v9 =	vand.u32 $0x7FF80, v16;
	v16 =	vld.idx.msk [tilespmem:v11+s26+$0x0], $0xffff  }
0x5df: {  	v6 =	vand.u32 $0x3FFF, v6;
	v20 =	vld.idx.msk [tilespmem:v13+s26+$0x0], $0xffff;
	v9 =	vor.u32 v4, v9;
	v4 =	vadd.s32 $0x2800, v11  }
0x5e0: {  	v23 =	vld.idx.msk [tilespmem:v14+s26+$0x0], $0xffff;
	v11 =	vand.u32 $0x7F, v11;
	v5 =	vand.u32 $0x7FF80, v4  }
0x5e1: {  	v21 =	vadd.s32 $0x2800, v10;
	v4 =	vld.idx.msk [tilespmem:v17+s26+$0x0], $0xffff;
	v11 =	vor.u32 v11, v5  }
0x5e2: {  	v3 =	vshrl.u32 v12, $0xE;
	v21 =	vand.u32 $0x7FF80, v21;
	v5 =	vand.u32 $0x7F, v10;
	[tilespmem:v19+s0+$0x0] =	vst.idx.add.f32.msk $0xffff, v15  }
0x5e3: {  	v21 =	vor.u32 v5, v21;
	[tilespmem:v22+s0+$0x0] =	vst.idx.add.f32.msk $0xffff, v18  }
0x5e4: {  	v5 =	vadd.s32 $0x2800, v14;
	v14 =	vand.u32 $0x7F, v14;
	v15 =	vshrl.u32 v2, $0xE;
	[tilespmem:v6+s0+$0x0] =	vst.idx.add.f32.msk $0xffff, v16  }
0x5e5: {  	v19 =	vadd.s32 $0x2800, v19;
	v24 =	vld.idx.msk [tilespmem:v9+s26+$0x0], $0xffff;
	v9 =	vand.u32 $0x3FFF, v7;
	v7 =	vand.u32 $0x7FF80, v5  }
0x5e6: {  	v7 =	vor.u32 v14, v7;
	v14 =	vadd.s32 $0x2800, v6;
	v18 =	vld.idx.msk [tilespmem:v11+s26+$0x0], $0xffff  }
0x5e7: {  	v10 =	vld.idx.msk [tilespmem:v3+s26+$0x0], $0xffff  }
0x5e8: {  	v5 =	vand.u32 $0x3FFF, v8;
	v8 =	vadd.s32 $0x2800, v13;
	v16 =	vld.idx.msk [tilespmem:v21+s26+$0x0], $0xffff  }
0x5e9: {  	v13 =	vand.u32 $0x7F, v13;
	v8 =	vand.u32 $0x7FF80, v8;
	v6 =	vadd.s32 $0x2800, v17;
	v11 =	vld.idx.msk [tilespmem:v15+s26+$0x0], $0xffff  }
0x5ea: {  	[tilespmem:v19+s0+$0x0] =	vst.idx.add.f32.msk $0xffff, v24;
	v19 =	vor.u32 v13, v8;
	v13 =	vand.u32 $0x7F, v17;
	v17 =	vadd.s32 $0x2800, v3  }
0x5eb: {  	[tilespmem:v14+s0+$0x0] =	vst.idx.add.f32.msk $0xffff, v18;
	v14 =	vand.u32 $0x7FF80, v17;
	v17 =	vadd.s32 $0x2800, v22  }
0x5ec: {  	v12 =	vand.u32 $0x3FFF, v12;
	[tilespmem:v9+s0+$0x0] =	vst.idx.add.f32.msk $0xffff, v20  }
0x5ed: {  	[tilespmem:v5+s0+$0x0] =	vst.idx.add.f32.msk $0xffff, v23  }
0x5ee: {  	v6 =	vand.u32 $0x7FF80, v6;
	v7 =	vld.idx.msk [tilespmem:v7+s26+$0x0], $0xffff  }
0x5ef: {  	s8 =	simm.s32 $0x0;
	v8 =	vand.u32 $0x7F, v15;
	v6 =	vor.u32 v13, v6;
	v13 =	vadd.s32 $0x2800, v15;
	v15 =	vld.idx.msk [tilespmem:v19+s26+$0x0], $0xffff  }
.LBB2_45:
0x5f0: {  	s8 =	sadd.s32 $0x80, s8;
	[tilespmem:v17+s0+$0x0] =	vst.idx.add.f32.msk $0xffff, v16;
	s7 =	sadd.s32 $0x80, s7  }
0x5f1: {  	p0 =	slt.u32 s8, $0x3E00;
	[tilespmem:v12+s0+$0x0] =	vst.idx.add.f32.msk $0xffff, v10  }
0x5f2: {  	v16 =	vld [tilespmem:s7+$0xFFFFFFE0]  }
0x5f3: {  	v10 =	vld [tilespmem:s7+$0x30]  }
0x5f4: {  	v17 =	vand.u32 $0x3FFF, v1;
	v1 =	vld [tilespmem:s7+$0xFFFFFFF0]  }
0x5f5: {  	v3 =	vand.u32 $0x7F, v3;
	v18 =	vld [tilespmem:s7+$0x0]  }
0x5f6: {  	v2 =	vand.u32 $0x3FFF, v2;
	v13 =	vand.u32 $0x7FF80, v13;
	v3 =	vor.u32 v3, v14;
	v19 =	vld [tilespmem:s7+$0x10]  }
0x5f7: {  	v8 =	vor.u32 v8, v13;
	v14 =	vld [tilespmem:s7+$0x20]  }
0x5f8: {  	v13 =	vld [tilespmem:s7+$0xFFFFFFC0]  }
0x5f9: {  	[tilespmem:v17+s0+$0x0] =	vst.idx.add.f32.msk $0xffff, v4;
	v4 =	vadd.s32 $0x2800, v9  }
0x5fa: {  	v6 =	vld.idx.msk [tilespmem:v6+s26+$0x0], $0xffff  }
0x5fb: {  	v9 =	vadd.s32 $0x2800, v17;
	v3 =	vld.idx.msk [tilespmem:v3+s26+$0x0], $0xffff  }
0x5fc: {  	[tilespmem:v2+s0+$0x0] =	vst.idx.add.f32.msk $0xffff, v11;
	v11 =	vadd.s32 $0x2800, v12  }
0x5fd: {  	v5 =	vadd.s32 $0x2800, v5;
	v12 =	vadd.s32 $0x2800, v2;
	v8 =	vld.idx.msk [tilespmem:v8+s26+$0x0], $0xffff  }
0x5fe: {  	[tilespmem:v4+s0+$0x0] =	vst.idx.add.f32.msk $0xffff, v15  }
0x5ff: {  	v4 =	vshrl.u32 v13, $0xE;
	v15 =	vand.u32 $0x3FFF, v13;
	v2 =	vld [tilespmem:s7+$0xFFFFFFD0]  }
0x600: {  	v20 =	vshrl.u32 v10, $0xE;
	v13 =	vand.u32 $0x7F, v4;
	v17 =	vadd.s32 $0x2800, v4;
	[tilespmem:v9+s0+$0x0] =	vst.idx.add.f32.msk $0xffff, v6  }
0x601: {  	v6 =	vand.u32 $0x7FF80, v17;
	v9 =	vshrl.u32 v14, $0xE;
	v17 =	vadd.s32 $0x2800, v20;
	[tilespmem:v11+s0+$0x0] =	vst.idx.add.f32.msk $0xffff, v3  }
0x602: {  	v21 =	vshrl.u32 v19, $0xE;
	v3 =	vadd.s32 $0x2800, v9;
	v11 =	vand.u32 $0x7FF80, v17;
	[tilespmem:v5+s0+$0x0] =	vst.idx.add.f32.msk $0xffff, v7  }
0x603: {  	v5 =	vor.u32 v13, v6;
	v7 =	vshrl.u32 v18, $0xE;
	v13 =	vand.u32 $0x7FF80, v3;
	[tilespmem:v12+s0+$0x0] =	vst.idx.add.f32.msk $0xffff, v8  }
0x604: {  	v22 =	vand.u32 $0x3FFF, v10;
	v17 =	vand.u32 $0x3FFF, v14;
	v12 =	vld.idx.msk [tilespmem:v4+s26+$0x0], $0xffff;
	v4 =	vshrl.u32 v1, $0xE  }
0x605: {  	v3 =	vshrl.u32 v16, $0xE;
	v6 =	vand.u32 $0x7F, v4;
	v8 =	vadd.s32 $0x2800, v4;
	v23 =	vld.idx.msk [tilespmem:v20+s26+$0x0], $0xffff  }
0x606: {  	v14 =	vadd.s32 $0x2800, v3;
	v24 =	vshrl.u32 v2, $0xE;
	v10 =	vand.u32 $0x7FF80, v8;
	v25 =	vld.idx.msk [tilespmem:v9+s26+$0x0], $0xffff  }
0x607: {  	v8 =	vand.u32 $0x7F, v24;
	v9 =	vand.u32 $0x7F, v9;
	v6 =	vor.u32 v6, v10;
	v26 =	vld.idx.msk [tilespmem:v21+s26+$0x0], $0xffff  }
0x608: {  	v10 =	vadd.s32 $0x2800, v7;
	v28 =	vor.u32 v9, v13;
	v9 =	vand.u32 $0x7F, v20;
	v27 =	vld.idx.msk [tilespmem:v7+s26+$0x0], $0xffff  }
0x609: {  	v29 =	vadd.s32 $0x2800, v21;
	v20 =	vand.u32 $0x7FF80, v10;
	v11 =	vor.u32 v9, v11;
	v4 =	vld.idx.msk [tilespmem:v4+s26+$0x0], $0xffff  }
0x60a: {  	v29 =	vand.u32 $0x7FF80, v29;
	v14 =	vand.u32 $0x7FF80, v14;
	v13 =	vadd.s32 $0x2800, v24;
	v10 =	vld.idx.msk [tilespmem:v3+s26+$0x0], $0xffff  }
0x60b: {  	v7 =	vand.u32 $0x7F, v7;
	[tilespmem:v15+s0+$0x0] =	vst.idx.add.f32.msk $0xffff, v12;
	v12 =	vand.u32 $0x3FFF, v16  }
0x60c: {  	v7 =	vor.u32 v7, v20;
	v30 =	vld.idx.msk [tilespmem:v5+s26+$0x0], $0xffff  }
0x60d: {  	v15 =	vadd.s32 $0x2800, v15;
	[tilespmem:v22+s0+$0x0] =	vst.idx.add.f32.msk $0xffff, v23  }
0x60e: {  	v9 =	vand.u32 $0x3FFF, v19;
	[tilespmem:v17+s0+$0x0] =	vst.idx.add.f32.msk $0xffff, v25  }
0x60f: {  	v5 =	vand.u32 $0x3FFF, v18;
	v18 =	vld.idx.msk [tilespmem:v28+s26+$0x0], $0xffff  }
0x610: {  	v16 =	vld.idx.msk [tilespmem:v11+s26+$0x0], $0xffff  }
0x611: {  	v19 =	vand.u32 $0x7F, v21;
	v20 =	vadd.s32 $0x2800, v17;
	v11 =	vld.idx.msk [tilespmem:v24+s26+$0x0], $0xffff  }
0x612: {  	[tilespmem:v15+s0+$0x0] =	vst.idx.add.f32.msk $0xffff, v30;
	v15 =	vor.u32 v19, v29  }
.Ltmp21:
0x613: {  	v17 =	vadd.s32 $0x2800, v22;
	[tilespmem:v9+s0+$0x0] =	vst.idx.add.f32.msk $0xffff, v26;
	(pc) =	sbr.rel @p0 .LBB2_45-.Ltmp21, $4  }
0x614: {  	[tilespmem:v5+s0+$0x0] =	vst.idx.add.f32.msk $0xffff, v27  }
0x615: {  	v7 =	vld.idx.msk [tilespmem:v7+s26+$0x0], $0xffff  }
0x616: {  	[tilespmem:v20+s0+$0x0] =	vst.idx.add.f32.msk $0xffff, v18  }
0x617: {  	v15 =	vld.idx.msk [tilespmem:v15+s26+$0x0], $0xffff  }
0x618: {  	_ = 	snop  }
0x619: {  	v1 =	vand.u32 $0x3FFF, v1  }
0x61a: {  	v2 =	vand.u32 $0x3FFF, v2  }
0x61b: {  	v3 =	vand.u32 $0x7F, v3  }
0x61c: {  	[tilespmem:v17+s0+$0x0] =	vst.idx.add.f32.msk $0xffff, v16;
	v13 =	vand.u32 $0x7FF80, v13;
	v3 =	vor.u32 v3, v14  }
0x61d: {  	[tilespmem:v12+s0+$0x0] =	vst.idx.add.f32.msk $0xffff, v10;
	v8 =	vor.u32 v8, v13  }
0x61e: {  	v5 =	vadd.s32 $0x2800, v5;
	[tilespmem:v1+s0+$0x0] =	vst.idx.add.f32.msk $0xffff, v4  }
0x61f: {  	v4 =	vadd.s32 $0x2800, v9;
	[tilespmem:v2+s0+$0x0] =	vst.idx.add.f32.msk $0xffff, v11  }
0x620: {  	v1 =	vadd.s32 $0x2800, v1;
	v6 =	vld.idx.msk [tilespmem:v6+s26+$0x0], $0xffff  }
0x621: {  	v9 =	vadd.s32 $0x2800, v12;
	v3 =	vld.idx.msk [tilespmem:v3+s26+$0x0], $0xffff  }
0x622: {  	v2 =	vadd.s32 $0x2800, v2;
	v8 =	vld.idx.msk [tilespmem:v8+s26+$0x0], $0xffff  }
0x623: {  	[tilespmem:v5+s0+$0x0] =	vst.idx.add.f32.msk $0xffff, v7  }
0x624: {  	[tilespmem:v4+s0+$0x0] =	vst.idx.add.f32.msk $0xffff, v15  }
0x625: {  	s7 =	sshll.u32 s6, $0x1;
	[tilespmem:v1+s0+$0x0] =	vst.idx.add.f32.msk $0xffff, v6  }
0x626: {  	s7 =	sadd.s32 $0x2, s7;
	[tilespmem:v9+s0+$0x0] =	vst.idx.add.f32.msk $0xffff, v3  }
0x627: {  	s8 =	smul.u32 $0x7D0, s7;
	[tilespmem:v2+s0+$0x0] =	vst.idx.add.f32.msk $0xffff, v8  }
0x628: {  	p0 =	seq.s32 s7, $0x14;
	_ =	swait.ge [sflag:s2], $0x3E80  }
0x629: {  	s8 =	simm.s32 @p0 $0x0;
	[sflag:s2] =	ssyncset.done $0x0  }
0x62a: {  	s7 =	simm.s32 $0x1A6C0;
	s16 =	sadd.s32 s4, s8;
	[sflag:s2] =	ssyncadd.s32 $0xFFFFC180  }
0x62b: {  	[tilespmem:s28], [sflag:$0x1] =	stream.linear.gather [hbm4b:s16+s3], $0x3E80, $0x38;
	[tilespmem:$0x1E500] =	vst v63  }
0x62c: {  	v4 =	vld [tilespmem:s7+$0xFFFFFFC0]  }
0x62d: {  	v5 =	vld [tilespmem:s7+$0x30]  }
0x62e: {  	v6 =	vld [tilespmem:s7+$0x20]  }
0x62f: {  	v7 =	vld [tilespmem:s7+$0x10]  }
0x630: {  	v8 =	vld [tilespmem:s7+$0x0]  }
0x631: {  	v1 =	vld [tilespmem:s7+$0xFFFFFFF0];
	v9 =	vshrl.u32 v4, $0xE  }
0x632: {  	v10 =	vshrl.u32 v5, $0xE  }
0x633: {  	v11 =	vshrl.u32 v6, $0xE  }
0x634: {  	v12 =	vld [tilespmem:s7+$0xFFFFFFE0];
	v13 =	vshrl.u32 v7, $0xE  }
0x635: {  	v2 =	vld [tilespmem:s7+$0xFFFFFFD0];
	v14 =	vshrl.u32 v8, $0xE  }
0x636: {  	v17 =	vshrl.u32 v1, $0xE;
	v15 =	vld.idx.msk [tilespmem:v9+s26+$0x0], $0xffff  }
0x637: {  	v19 =	vand.u32 $0x3FFF, v4;
	v16 =	vadd.s32 $0x2800, v9;
	v18 =	vld.idx.msk [tilespmem:v10+s26+$0x0], $0xffff  }
0x638: {  	v22 =	vand.u32 $0x3FFF, v5;
	v4 =	vand.u32 $0x7F, v9;
	v9 =	vand.u32 $0x7FF80, v16;
	v16 =	vld.idx.msk [tilespmem:v11+s26+$0x0], $0xffff  }
0x639: {  	v6 =	vand.u32 $0x3FFF, v6;
	v20 =	vld.idx.msk [tilespmem:v13+s26+$0x0], $0xffff;
	v9 =	vor.u32 v4, v9;
	v4 =	vadd.s32 $0x2800, v11  }
0x63a: {  	v23 =	vld.idx.msk [tilespmem:v14+s26+$0x0], $0xffff;
	v11 =	vand.u32 $0x7F, v11;
	v5 =	vand.u32 $0x7FF80, v4  }
0x63b: {  	v21 =	vadd.s32 $0x2800, v10;
	v4 =	vld.idx.msk [tilespmem:v17+s26+$0x0], $0xffff;
	v11 =	vor.u32 v11, v5  }
0x63c: {  	v3 =	vshrl.u32 v12, $0xE;
	v21 =	vand.u32 $0x7FF80, v21;
	v5 =	vand.u32 $0x7F, v10;
	[tilespmem:v19+s0+$0x0] =	vst.idx.add.f32.msk $0xffff, v15  }
0x63d: {  	v21 =	vor.u32 v5, v21;
	[tilespmem:v22+s0+$0x0] =	vst.idx.add.f32.msk $0xffff, v18  }
0x63e: {  	v5 =	vadd.s32 $0x2800, v14;
	v14 =	vand.u32 $0x7F, v14;
	v15 =	vshrl.u32 v2, $0xE;
	[tilespmem:v6+s0+$0x0] =	vst.idx.add.f32.msk $0xffff, v16  }
0x63f: {  	v19 =	vadd.s32 $0x2800, v19;
	v24 =	vld.idx.msk [tilespmem:v9+s26+$0x0], $0xffff;
	v9 =	vand.u32 $0x3FFF, v7;
	v7 =	vand.u32 $0x7FF80, v5  }
0x640: {  	v7 =	vor.u32 v14, v7;
	v14 =	vadd.s32 $0x2800, v6;
	v18 =	vld.idx.msk [tilespmem:v11+s26+$0x0], $0xffff  }
0x641: {  	v10 =	vld.idx.msk [tilespmem:v3+s26+$0x0], $0xffff  }
0x642: {  	v5 =	vand.u32 $0x3FFF, v8;
	v8 =	vadd.s32 $0x2800, v13;
	v16 =	vld.idx.msk [tilespmem:v21+s26+$0x0], $0xffff  }
0x643: {  	v13 =	vand.u32 $0x7F, v13;
	v8 =	vand.u32 $0x7FF80, v8;
	v6 =	vadd.s32 $0x2800, v17;
	v11 =	vld.idx.msk [tilespmem:v15+s26+$0x0], $0xffff  }
0x644: {  	[tilespmem:v19+s0+$0x0] =	vst.idx.add.f32.msk $0xffff, v24;
	v19 =	vor.u32 v13, v8;
	v13 =	vand.u32 $0x7F, v17;
	v17 =	vadd.s32 $0x2800, v3  }
0x645: {  	[tilespmem:v14+s0+$0x0] =	vst.idx.add.f32.msk $0xffff, v18;
	v14 =	vand.u32 $0x7FF80, v17;
	v17 =	vadd.s32 $0x2800, v22  }
0x646: {  	v12 =	vand.u32 $0x3FFF, v12;
	[tilespmem:v9+s0+$0x0] =	vst.idx.add.f32.msk $0xffff, v20  }
0x647: {  	[tilespmem:v5+s0+$0x0] =	vst.idx.add.f32.msk $0xffff, v23  }
0x648: {  	v6 =	vand.u32 $0x7FF80, v6;
	v7 =	vld.idx.msk [tilespmem:v7+s26+$0x0], $0xffff  }
0x649: {  	s8 =	simm.s32 $0x0;
	v8 =	vand.u32 $0x7F, v15;
	v6 =	vor.u32 v13, v6;
	v13 =	vadd.s32 $0x2800, v15;
	v15 =	vld.idx.msk [tilespmem:v19+s26+$0x0], $0xffff  }
.LBB2_47:
0x64a: {  	s8 =	sadd.s32 $0x80, s8;
	[tilespmem:v17+s0+$0x0] =	vst.idx.add.f32.msk $0xffff, v16;
	s7 =	sadd.s32 $0x80, s7  }
0x64b: {  	p0 =	slt.u32 s8, $0x3E00;
	[tilespmem:v12+s0+$0x0] =	vst.idx.add.f32.msk $0xffff, v10  }
0x64c: {  	v16 =	vld [tilespmem:s7+$0xFFFFFFE0]  }
0x64d: {  	v10 =	vld [tilespmem:s7+$0x30]  }
0x64e: {  	v17 =	vand.u32 $0x3FFF, v1;
	v1 =	vld [tilespmem:s7+$0xFFFFFFF0]  }
0x64f: {  	v3 =	vand.u32 $0x7F, v3;
	v18 =	vld [tilespmem:s7+$0x0]  }
0x650: {  	v2 =	vand.u32 $0x3FFF, v2;
	v13 =	vand.u32 $0x7FF80, v13;
	v3 =	vor.u32 v3, v14;
	v19 =	vld [tilespmem:s7+$0x10]  }
0x651: {  	v8 =	vor.u32 v8, v13;
	v14 =	vld [tilespmem:s7+$0x20]  }
0x652: {  	v13 =	vld [tilespmem:s7+$0xFFFFFFC0]  }
0x653: {  	[tilespmem:v17+s0+$0x0] =	vst.idx.add.f32.msk $0xffff, v4;
	v4 =	vadd.s32 $0x2800, v9  }
0x654: {  	v6 =	vld.idx.msk [tilespmem:v6+s26+$0x0], $0xffff  }
0x655: {  	v9 =	vadd.s32 $0x2800, v17;
	v3 =	vld.idx.msk [tilespmem:v3+s26+$0x0], $0xffff  }
0x656: {  	[tilespmem:v2+s0+$0x0] =	vst.idx.add.f32.msk $0xffff, v11;
	v11 =	vadd.s32 $0x2800, v12  }
0x657: {  	v5 =	vadd.s32 $0x2800, v5;
	v12 =	vadd.s32 $0x2800, v2;
	v8 =	vld.idx.msk [tilespmem:v8+s26+$0x0], $0xffff  }
0x658: {  	[tilespmem:v4+s0+$0x0] =	vst.idx.add.f32.msk $0xffff, v15  }
0x659: {  	v4 =	vshrl.u32 v13, $0xE;
	v15 =	vand.u32 $0x3FFF, v13;
	v2 =	vld [tilespmem:s7+$0xFFFFFFD0]  }
0x65a: {  	v20 =	vshrl.u32 v10, $0xE;
	v13 =	vand.u32 $0x7F, v4;
	v17 =	vadd.s32 $0x2800, v4;
	[tilespmem:v9+s0+$0x0] =	vst.idx.add.f32.msk $0xffff, v6  }
0x65b: {  	v6 =	vand.u32 $0x7FF80, v17;
	v9 =	vshrl.u32 v14, $0xE;
	v17 =	vadd.s32 $0x2800, v20;
	[tilespmem:v11+s0+$0x0] =	vst.idx.add.f32.msk $0xffff, v3  }
0x65c: {  	v21 =	vshrl.u32 v19, $0xE;
	v3 =	vadd.s32 $0x2800, v9;
	v11 =	vand.u32 $0x7FF80, v17;
	[tilespmem:v5+s0+$0x0] =	vst.idx.add.f32.msk $0xffff, v7  }
0x65d: {  	v5 =	vor.u32 v13, v6;
	v7 =	vshrl.u32 v18, $0xE;
	v13 =	vand.u32 $0x7FF80, v3;
	[tilespmem:v12+s0+$0x0] =	vst.idx.add.f32.msk $0xffff, v8  }
0x65e: {  	v22 =	vand.u32 $0x3FFF, v10;
	v17 =	vand.u32 $0x3FFF, v14;
	v12 =	vld.idx.msk [tilespmem:v4+s26+$0x0], $0xffff;
	v4 =	vshrl.u32 v1, $0xE  }
0x65f: {  	v3 =	vshrl.u32 v16, $0xE;
	v6 =	vand.u32 $0x7F, v4;
	v8 =	vadd.s32 $0x2800, v4;
	v23 =	vld.idx.msk [tilespmem:v20+s26+$0x0], $0xffff  }
0x660: {  	v14 =	vadd.s32 $0x2800, v3;
	v24 =	vshrl.u32 v2, $0xE;
	v10 =	vand.u32 $0x7FF80, v8;
	v25 =	vld.idx.msk [tilespmem:v9+s26+$0x0], $0xffff  }
0x661: {  	v8 =	vand.u32 $0x7F, v24;
	v9 =	vand.u32 $0x7F, v9;
	v6 =	vor.u32 v6, v10;
	v26 =	vld.idx.msk [tilespmem:v21+s26+$0x0], $0xffff  }
0x662: {  	v10 =	vadd.s32 $0x2800, v7;
	v28 =	vor.u32 v9, v13;
	v9 =	vand.u32 $0x7F, v20;
	v27 =	vld.idx.msk [tilespmem:v7+s26+$0x0], $0xffff  }
0x663: {  	v29 =	vadd.s32 $0x2800, v21;
	v20 =	vand.u32 $0x7FF80, v10;
	v11 =	vor.u32 v9, v11;
	v4 =	vld.idx.msk [tilespmem:v4+s26+$0x0], $0xffff  }
0x664: {  	v29 =	vand.u32 $0x7FF80, v29;
	v14 =	vand.u32 $0x7FF80, v14;
	v13 =	vadd.s32 $0x2800, v24;
	v10 =	vld.idx.msk [tilespmem:v3+s26+$0x0], $0xffff  }
0x665: {  	v7 =	vand.u32 $0x7F, v7;
	[tilespmem:v15+s0+$0x0] =	vst.idx.add.f32.msk $0xffff, v12;
	v12 =	vand.u32 $0x3FFF, v16  }
0x666: {  	v7 =	vor.u32 v7, v20;
	v30 =	vld.idx.msk [tilespmem:v5+s26+$0x0], $0xffff  }
0x667: {  	v15 =	vadd.s32 $0x2800, v15;
	[tilespmem:v22+s0+$0x0] =	vst.idx.add.f32.msk $0xffff, v23  }
0x668: {  	v9 =	vand.u32 $0x3FFF, v19;
	[tilespmem:v17+s0+$0x0] =	vst.idx.add.f32.msk $0xffff, v25  }
0x669: {  	v5 =	vand.u32 $0x3FFF, v18;
	v18 =	vld.idx.msk [tilespmem:v28+s26+$0x0], $0xffff  }
0x66a: {  	v16 =	vld.idx.msk [tilespmem:v11+s26+$0x0], $0xffff  }
0x66b: {  	v19 =	vand.u32 $0x7F, v21;
	v20 =	vadd.s32 $0x2800, v17;
	v11 =	vld.idx.msk [tilespmem:v24+s26+$0x0], $0xffff  }
0x66c: {  	[tilespmem:v15+s0+$0x0] =	vst.idx.add.f32.msk $0xffff, v30;
	v15 =	vor.u32 v19, v29  }
.Ltmp22:
0x66d: {  	v17 =	vadd.s32 $0x2800, v22;
	[tilespmem:v9+s0+$0x0] =	vst.idx.add.f32.msk $0xffff, v26;
	(pc) =	sbr.rel @p0 .LBB2_47-.Ltmp22, $4  }
0x66e: {  	[tilespmem:v5+s0+$0x0] =	vst.idx.add.f32.msk $0xffff, v27  }
0x66f: {  	v7 =	vld.idx.msk [tilespmem:v7+s26+$0x0], $0xffff  }
0x670: {  	[tilespmem:v20+s0+$0x0] =	vst.idx.add.f32.msk $0xffff, v18  }
0x671: {  	v15 =	vld.idx.msk [tilespmem:v15+s26+$0x0], $0xffff  }
0x672: {  	_ = 	snop  }
0x673: {  	v1 =	vand.u32 $0x3FFF, v1  }
0x674: {  	v2 =	vand.u32 $0x3FFF, v2  }
0x675: {  	v3 =	vand.u32 $0x7F, v3  }
0x676: {  	[tilespmem:v17+s0+$0x0] =	vst.idx.add.f32.msk $0xffff, v16;
	v13 =	vand.u32 $0x7FF80, v13;
	v3 =	vor.u32 v3, v14  }
0x677: {  	[tilespmem:v12+s0+$0x0] =	vst.idx.add.f32.msk $0xffff, v10;
	v8 =	vor.u32 v8, v13  }
0x678: {  	v62 =	vadd.s32 $0x2800, v9;
	[tilespmem:v1+s0+$0x0] =	vst.idx.add.f32.msk $0xffff, v4  }
0x679: {  	v5 =	vadd.s32 $0x2800, v5;
	[tilespmem:v2+s0+$0x0] =	vst.idx.add.f32.msk $0xffff, v11  }
0x67a: {  	v1 =	vadd.s32 $0x2800, v1;
	v6 =	vld.idx.msk [tilespmem:v6+s26+$0x0], $0xffff  }
0x67b: {  	v63 =	vadd.s32 $0x2800, v12;
	s6 =	sadd.s32 $0x1, s6;
	v3 =	vld.idx.msk [tilespmem:v3+s26+$0x0], $0xffff  }
0x67c: {  	p0 =	sne.s32 s6, $0xA;
	v2 =	vadd.s32 $0x2800, v2;
	v8 =	vld.idx.msk [tilespmem:v8+s26+$0x0], $0xffff  }
.Ltmp23:
0x67d: {  	[tilespmem:v62+s0+$0x0] =	vst.idx.add.f32.msk $0xffff, v15;
	(pc) =	sbr.rel @p0 .LBB2_44-.Ltmp23, $4  }
0x67e: {  	[tilespmem:v5+s0+$0x0] =	vst.idx.add.f32.msk $0xffff, v7  }
0x67f: {  	[tilespmem:v1+s0+$0x0] =	vst.idx.add.f32.msk $0xffff, v6  }
0x680: {  	[tilespmem:v63+s0+$0x0] =	vst.idx.add.f32.msk $0xffff, v3  }
0x681: {  	[tilespmem:v2+s0+$0x0] =	vst.idx.add.f32.msk $0xffff, v8  }
0x682: {  	_ =	swait.ge [sflag:s24], $0x2800  }
0x683: {  	[sflag:s24] =	ssyncset.done $0x0  }
0x684: {  	[sflag:s24] =	ssyncadd.s32 $0xFFFFD800  }
0x685: {  	_ =	swait.ge [sflag:s24], $0x2800  }
0x686: {  	[sflag:s24] =	ssyncset.done $0x0  }
0x687: {  	s8 =	simm.s32 $0x14020;
	[sflag:s24] =	ssyncadd.s32 $0xFFFFD800  }
0x688: {  	v1 =	vld [tilespmem:s8+$0x10]  }
0x689: {  	s6 =	simm.s32 $0xA000;
	v2 =	vld [tilespmem:s8+$0xFFFFFFE0]  }
0x68a: {  	v3 =	vld [tilespmem:s6+$0x30]  }
0x68b: {  	s11 =	simm.s32 $0xF000;
	v4 =	vld [tilespmem:s8+$0xFFFFFFF0]  }
0x68c: {  	v5 =	vld [tilespmem:s11+$0x30]  }
0x68d: {  	s7 =	simm.s32 $0x0;
	v6 =	vld [tilespmem:s8+$0x0]  }
0x68e: {  	v7 =	vld [tilespmem:s7+$0x30]  }
0x68f: {  	v8 =	vld [tilespmem:s6+$0x0]  }
0x690: {  	v9 =	vld [tilespmem:s6+$0x10]  }
0x691: {  	v10 =	vld [tilespmem:s11+$0x0]  }
0x692: {  	v12 =	vld [tilespmem:s6+$0x20];
	v1 =	vadd.f32 v1, v1  }
0x693: {  	s9 =	simm.s32 $0xA040;
	v13 =	vld [tilespmem:s11+$0x20]  }
0x694: {  	s13 =	simm.s32 $0x14060;
	v15 =	vld [tilespmem:s9+$0x30];
	v3 =	vmul.f32 v3, v1  }
0x695: {  	v16 =	vld [tilespmem:s13+$0xFFFFFFE0]  }
0x696: {  	v11 =	vadd.f32 v2, v2;
	v2 =	vsub.f32 v5, v3;
	v3 =	vld [tilespmem:s11+$0x10]  }
0x697: {  	s10 =	simm.s32 $0xF040;
	v4 =	vadd.f32 v4, v4;
	v5 =	vld [tilespmem:s7+$0x0]  }
0x698: {  	v17 =	vld [tilespmem:s10+$0x30];
	v2 =	vsub.f32 v2, v7;
	v7 =	vmul.f32 v8, v11  }
0x699: {  	v9 =	vmul.f32 v9, v4;
	v8 =	vld [tilespmem:s7+$0x10]  }
0x69a: {  	v18 =	vld [tilespmem:s13+$0xFFFFFFF0];
	v6 =	vadd.f32 v6, v6;
	[tilespmem:s7+$0x30] =	vst v2;
	v2 =	vsub.f32 v10, v7  }
0x69b: {  	v3 =	vsub.f32 v3, v9;
	v9 =	vld [tilespmem:s7+$0x20]  }
0x69c: {  	v20 =	vld [tilespmem:s13+$0x0];
	v2 =	vsub.f32 v2, v5;
	v5 =	vmul.f32 v12, v6  }
0x69d: {  	v21 =	vld [tilespmem:s9+$0x10]  }
0x69e: {  	v56 =	vld [tilespmem:s9+$0x20];
	[tilespmem:s7+$0x0] =	vst v2;
	v2 =	vsub.f32 v3, v8;
	v5 =	vsub.f32 v13, v5  }
0x69f: {  	v22 =	vld [tilespmem:s10+$0x10];
	[tilespmem:s6+$0x30] =	vst v0  }
0x6a0: {  	v7 =	vld [tilespmem:s6+$0x2830];
	[tilespmem:s7+$0x10] =	vst v2;
	v2 =	vsub.f32 v5, v9  }
0x6a1: {  	v3 =	vld [tilespmem:s11+$0x2830]  }
0x6a2: {  	s15 =	simm.s32 $0x0;
	[tilespmem:s7+$0x20] =	vst v2;
	v2 =	vld [tilespmem:s13+$0x10]  }
0x6a3: {  	s12 =	sand.u32 $0x3FC0, s15;
	v8 =	vld [tilespmem:s7+$0x2830];
	[tilespmem:s6+$0x0] =	vst v0  }
0x6a4: {  	s8 =	sadd.s32 $0x2800, s12;
	v10 =	vld [tilespmem:s12+$0xC800]  }
0x6a5: {  	v9 =	vld [tilespmem:s8+$0xF000]  }
0x6a6: {  	v14 =	vld [tilespmem:s12+$0x2800]  }
0x6a7: {  	s8 =	simm.s32 $0x40;
	v1 =	vmul.f32 v7, v1;
	v7 =	vld [tilespmem:s9+$0x0];
	v19 =	vadd.f32 v2, v2  }
0x6a8: {  	v2 =	vld [tilespmem:s8+$0x30]  }
0x6a9: {  	v5 =	vld [tilespmem:s6+$0x2810];
	v15 =	vmul.f32 v15, v19  }
0x6aa: {  	v1 =	vsub.f32 v3, v1;
	v3 =	vld [tilespmem:s10+$0x0]  }
0x6ab: {  	v16 =	vadd.f32 v16, v16;
	v57 =	vld [tilespmem:s8+$0x0];
	v15 =	vsub.f32 v17, v15  }
0x6ac: {  	[tilespmem:s6+$0x10] =	vst v0;
	v60 =	vld [tilespmem:s8+$0x20];
	v8 =	vsub.f32 v1, v8  }
0x6ad: {  	v55 =	vld [tilespmem:s11+$0x2810];
	v7 =	vmul.f32 v7, v16;
	v2 =	vsub.f32 v15, v2  }
0x6ae: {  	[tilespmem:s7+$0x2830] =	vst v8;
	v8 =	vld [tilespmem:s10+$0x20]  }
0x6af: {  	v1 =	vadd.f32 v18, v18;
	v10 =	vmul.f32 v10, v11;
	v3 =	vsub.f32 v3, v7;
	v7 =	vld [tilespmem:s8+$0x10];
	[tilespmem:s8+$0x30] =	vst v2  }
0x6b0: {  	[tilespmem:s12+$0xC800] =	vst v0;
	v58 =	vld [tilespmem:s9+$0x2830]  }
0x6b1: {  	v61 =	vld [tilespmem:s7+$0x2810];
	v21 =	vmul.f32 v21, v1;
	v9 =	vsub.f32 v9, v10;
	v2 =	vadd.f32 v20, v20;
	[tilespmem:s9+$0x30] =	vst v0  }
0x6b2: {  	[tilespmem:s6+$0x20] =	vst v0;
	v3 =	vsub.f32 v3, v57;
	v59 =	vld [tilespmem:s10+$0x2830]  }
0x6b3: {  	v54 =	vld [tilespmem:s6+$0x2820];
	[tilespmem:s6+$0x2830] =	vst v0;
	v11 =	vsub.f32 v22, v21;
	v9 =	vsub.f32 v9, v14;
	v17 =	vmul.f32 v56, v2  }
0x6b4: {  	[tilespmem:s8+$0x0] =	vst v3;
	v3 =	vld [tilespmem:s8+$0x2830]  }
0x6b5: {  	[tilespmem:s12+$0x2800] =	vst v9;
	v7 =	vsub.f32 v11, v7;
	v11 =	vld [tilespmem:s11+$0x2820];
	s11 =	simm.s32 $0x40;
	v8 =	vsub.f32 v8, v17;
	v10 =	vmul.f32 v58, v19  }
0x6b6: {  	v62 =	vld [tilespmem:s7+$0x2820];
	[tilespmem:s9+$0x0] =	vst v0;
	s15 =	sand.u32 $0x3FC0, s11  }
0x6b7: {  	v5 =	vmul.f32 v5, v4;
	[tilespmem:s8+$0x10] =	vst v7;
	v63 =	vld [tilespmem:s15+$0xC800];
	v8 =	vsub.f32 v8, v60;
	v10 =	vsub.f32 v59, v10  }
0x6b8: {  	v6 =	vmul.f32 v54, v6;
	s16 =	sadd.s32 $0x2800, s15;
	[tilespmem:s9+$0x10] =	vst v0;
	v7 =	vld [tilespmem:s9+$0x2810]  }
0x6b9: {  	v4 =	vld [tilespmem:s16+$0xF000];
	[tilespmem:s8+$0x20] =	vst v8;
	v8 =	vsub.f32 v55, v5;
	v3 =	vsub.f32 v10, v3  }
0x6ba: {  	v6 =	vsub.f32 v11, v6;
	v5 =	vld [tilespmem:s9+$0x2820];
	[tilespmem:s9+$0x20] =	vst v0  }
0x6bb: {  	v9 =	vsub.f32 v8, v61;
	[tilespmem:s8+$0x2830] =	vst v3;
	v3 =	vld [tilespmem:s10+$0x2810]  }
0x6bc: {  	s14 =	simm.s32 $0xF040;
	s13 =	simm.s32 $0x140A0;
	s12 =	simm.s32 $0xA040;
	v8 =	vsub.f32 v6, v62;
	v10 =	vmul.f32 v63, v16;
	v6 =	vld [tilespmem:s15+$0x2800];
	[tilespmem:s9+$0x2830] =	vst v0  }
.LBB2_50:
0x6bd: {  	v11 =	vld [tilespmem:s13+$0x10];
	v1 =	vmul.f32 v7, v1;
	[tilespmem:s7+$0x2810] =	vst v9  }
0x6be: {  	s9 =	sadd.s32 $0x40, s9;
	v7 =	vld [tilespmem:s13+$0xFFFFFFE0];
	v4 =	vsub.f32 v4, v10;
	[tilespmem:s6+$0x2810] =	vst v0  }
0x6bf: {  	v9 =	vld [tilespmem:s9+$0x30];
	v5 =	vmul.f32 v5, v2;
	[tilespmem:s7+$0x2820] =	vst v8;
	s7 =	smov.u32 s8  }
0x6c0: {  	s10 =	sadd.s32 $0x40, s10;
	v2 =	vld [tilespmem:s13+$0xFFFFFFF0];
	v3 =	vsub.f32 v3, v1;
	[tilespmem:s6+$0x2820] =	vst v0;
	s6 =	smov.u32 s12;
	s12 =	smov.u32 s9  }
0x6c1: {  	v8 =	vld [tilespmem:s10+$0x30];
	v1 =	vsub.f32 v4, v6;
	[tilespmem:s15+$0xC800] =	vst v0  }
0x6c2: {  	s8 =	sadd.s32 $0x40, s8;
	v4 =	vld [tilespmem:s13+$0x0];
	v6 =	vadd.f32 v11, v11  }
0x6c3: {  	v10 =	vadd.f32 v7, v7;
	v7 =	vld [tilespmem:s8+$0x30];
	[tilespmem:s15+$0x2800] =	vst v1  }
0x6c4: {  	v11 =	vld [tilespmem:s9+$0x0];
	v9 =	vmul.f32 v9, v6  }
0x6c5: {  	v1 =	vadd.f32 v2, v2;
	v12 =	vld [tilespmem:s9+$0x10]  }
0x6c6: {  	v13 =	vld [tilespmem:s9+$0x20];
	v8 =	vsub.f32 v8, v9  }
0x6c7: {  	v9 =	vld [tilespmem:s10+$0x0];
	v2 =	vadd.f32 v4, v4  }
0x6c8: {  	v4 =	vld [tilespmem:s10+$0x10];
	v7 =	vsub.f32 v8, v7  }
0x6c9: {  	v8 =	vmul.f32 v11, v10;
	v11 =	vld [tilespmem:s10+$0x20]  }
0x6ca: {  	v14 =	vld [tilespmem:s8+$0x0];
	v12 =	vmul.f32 v12, v1;
	[tilespmem:s8+$0x30] =	vst v7  }
0x6cb: {  	v7 =	vmul.f32 v13, v2;
	v13 =	vld [tilespmem:s9+$0x2830]  }
0x6cc: {  	v8 =	vsub.f32 v9, v8;
	v9 =	vld [tilespmem:s8+$0x10];
	[tilespmem:s9+$0x30] =	vst v0  }
0x6cd: {  	v4 =	vsub.f32 v4, v12;
	v12 =	vld [tilespmem:s10+$0x2830]  }
0x6ce: {  	v7 =	vsub.f32 v11, v7;
	v11 =	vld [tilespmem:s8+$0x20]  }
0x6cf: {  	v8 =	vsub.f32 v8, v14;
	v14 =	vld [tilespmem:s8+$0x2830]  }
0x6d0: {  	v6 =	vmul.f32 v13, v6;
	v13 =	vld [tilespmem:s14+$0x2820];
	s14 =	smov.u32 s10  }
0x6d1: {  	s11 =	sadd.s32 $0x40, s11;
	[tilespmem:s8+$0x0] =	vst v8;
	v4 =	vsub.f32 v4, v9;
	v8 =	vld [tilespmem:s7+$0x2810]  }
0x6d2: {  	p0 =	slt.u32 s11, $0x27C0;
	s15 =	sand.u32 $0x3FC0, s11;
	[tilespmem:s9+$0x0] =	vst v0;
	v6 =	vsub.f32 v12, v6;
	v12 =	vld [tilespmem:s7+$0x2820]  }
0x6d3: {  	v15 =	vld [tilespmem:s15+$0xC800];
	[tilespmem:s8+$0x10] =	vst v4;
	v9 =	vsub.f32 v7, v11  }
.Ltmp24:
0x6d4: {  	s16 =	sadd.s32 $0x2800, s15;
	[tilespmem:s9+$0x10] =	vst v0;
	v7 =	vld [tilespmem:s9+$0x2810];
	v6 =	vsub.f32 v6, v14;
	(pc) =	sbr.rel @p0 .LBB2_50-.Ltmp24, $4  }
0x6d5: {  	v4 =	vld [tilespmem:s16+$0xF000];
	[tilespmem:s8+$0x20] =	vst v9;
	v11 =	vsub.f32 v13, v5  }
0x6d6: {  	v5 =	vld [tilespmem:s9+$0x2820];
	[tilespmem:s8+$0x2830] =	vst v6;
	v9 =	vsub.f32 v3, v8  }
0x6d7: {  	v3 =	vld [tilespmem:s10+$0x2810];
	[tilespmem:s9+$0x2830] =	vst v0;
	v8 =	vsub.f32 v11, v12  }
0x6d8: {  	s13 =	sadd.s32 $0x40, s13;
	v10 =	vmul.f32 v15, v10;
	v6 =	vld [tilespmem:s15+$0x2800];
	[tilespmem:s9+$0x20] =	vst v0  }
0x6d9: {  	v11 =	vld [tilespmem:s14+$0x2820]  }
0x6da: {  	v12 =	vld [tilespmem:s8+$0x2810]  }
0x6db: {  	v1 =	vmul.f32 v7, v1;
	[tilespmem:s7+$0x2810] =	vst v9  }
0x6dc: {  	v63 =	vld [tilespmem:s8+$0x2820];
	[tilespmem:s7+$0x2820] =	vst v8;
	v4 =	vsub.f32 v4, v10  }
0x6dd: {  	[tilespmem:s15+$0xC800] =	vst v0;
	v2 =	vmul.f32 v5, v2;
	v1 =	vsub.f32 v3, v1  }
0x6de: {  	[tilespmem:s6+$0x2810] =	vst v0;
	v3 =	vsub.f32 v4, v6  }
0x6df: {  	[tilespmem:s6+$0x2820] =	vst v0;
	v2 =	vsub.f32 v11, v2;
	v1 =	vsub.f32 v1, v12  }
0x6e0: {  	[tilespmem:s15+$0x2800] =	vst v3  }
0x6e1: {  	v2 =	vsub.f32 v2, v63;
	[tilespmem:s8+$0x2810] =	vst v1  }
0x6e2: {  	[tilespmem:s12+$0x2810] =	vst v0  }
0x6e3: {  	[tilespmem:s8+$0x2820] =	vst v2  }
0x6e4: {  	s6 =	simm.s32 $0x0;
	[tilespmem:s12+$0x2820] =	vst v0  }
0x6e5: {  	[tilespmem:s29], [sflag:$0x3] =	stream.linear.gather [hbm4b:s19+s6], $0x2800, $0x38;
	[tilespmem:$0x1E500] =	vst v63  }
0x6e6: {  	_ = 	snop  }
0x6e7: {  	[tilespmem:s30], [sflag:$0x3] =	stream.linear.gather [hbm4b:s20+s6], $0x2800, $0x38;
	[tilespmem:$0x1E500] =	vst v63  }
.LBB2_52:
0x6e8: {  	s7 =	smul.u32 $0x7D00, s6;
	_ =	sdelay $0x1  }
0x6e9: {  	_ =	swait.ge [sflag:s31], $0x3E80;
	s7 =	sshrl.u32 s7, $0x3  }
0x6ea: {  	[sflag:s31] =	ssyncset.done $0x0;
	s7 =	sadd.s32 s4, s7  }
0x6eb: {  	[sflag:s31] =	ssyncadd.s32 $0xFFFFC180;
	s7 =	sadd.s32 $0x7D0, s7  }
0x6ec: {  	[tilespmem:s1], [sflag:$0x2] =	stream.linear.gather [hbm4b:s7+s3], $0x3E80, $0x38;
	[tilespmem:$0x1E500] =	vst v63  }
0x6ed: {  	s7 =	simm.s32 $0x16840  }
0x6ee: {  	v4 =	vld [tilespmem:s7+$0xFFFFFFC0]  }
0x6ef: {  	v5 =	vld [tilespmem:s7+$0x30]  }
0x6f0: {  	v6 =	vld [tilespmem:s7+$0x20]  }
0x6f1: {  	v7 =	vld [tilespmem:s7+$0x10]  }
0x6f2: {  	v8 =	vld [tilespmem:s7+$0x0]  }
0x6f3: {  	v1 =	vld [tilespmem:s7+$0xFFFFFFF0];
	v9 =	vshrl.u32 v4, $0xE  }
0x6f4: {  	v10 =	vshrl.u32 v5, $0xE  }
0x6f5: {  	v11 =	vshrl.u32 v6, $0xE  }
0x6f6: {  	v12 =	vld [tilespmem:s7+$0xFFFFFFE0];
	v13 =	vshrl.u32 v7, $0xE  }
0x6f7: {  	v2 =	vld [tilespmem:s7+$0xFFFFFFD0];
	v14 =	vshrl.u32 v8, $0xE  }
0x6f8: {  	v17 =	vshrl.u32 v1, $0xE;
	v15 =	vld.idx.msk [tilespmem:v9+s3+$0x0], $0xffff  }
0x6f9: {  	v19 =	vand.u32 $0x3FFF, v4;
	v16 =	vadd.s32 $0x2800, v9;
	v18 =	vld.idx.msk [tilespmem:v10+s3+$0x0], $0xffff  }
0x6fa: {  	v22 =	vand.u32 $0x3FFF, v5;
	v4 =	vand.u32 $0x7F, v9;
	v9 =	vand.u32 $0x7FF80, v16;
	v16 =	vld.idx.msk [tilespmem:v11+s3+$0x0], $0xffff  }
0x6fb: {  	v6 =	vand.u32 $0x3FFF, v6;
	v20 =	vld.idx.msk [tilespmem:v13+s3+$0x0], $0xffff;
	v9 =	vor.u32 v4, v9;
	v4 =	vadd.s32 $0x2800, v11  }
0x6fc: {  	v23 =	vld.idx.msk [tilespmem:v14+s3+$0x0], $0xffff;
	v11 =	vand.u32 $0x7F, v11;
	v5 =	vand.u32 $0x7FF80, v4  }
0x6fd: {  	v21 =	vadd.s32 $0x2800, v10;
	v4 =	vld.idx.msk [tilespmem:v17+s3+$0x0], $0xffff;
	v11 =	vor.u32 v11, v5  }
0x6fe: {  	v3 =	vshrl.u32 v12, $0xE;
	v21 =	vand.u32 $0x7FF80, v21;
	v5 =	vand.u32 $0x7F, v10;
	[tilespmem:v19+s0+$0x0] =	vst.idx.add.f32.msk $0xffff, v15  }
0x6ff: {  	v21 =	vor.u32 v5, v21;
	[tilespmem:v22+s0+$0x0] =	vst.idx.add.f32.msk $0xffff, v18  }
0x700: {  	v5 =	vadd.s32 $0x2800, v14;
	v14 =	vand.u32 $0x7F, v14;
	v15 =	vshrl.u32 v2, $0xE;
	[tilespmem:v6+s0+$0x0] =	vst.idx.add.f32.msk $0xffff, v16  }
0x701: {  	v19 =	vadd.s32 $0x2800, v19;
	v24 =	vld.idx.msk [tilespmem:v9+s3+$0x0], $0xffff;
	v9 =	vand.u32 $0x3FFF, v7;
	v7 =	vand.u32 $0x7FF80, v5  }
0x702: {  	v7 =	vor.u32 v14, v7;
	v14 =	vadd.s32 $0x2800, v6;
	v18 =	vld.idx.msk [tilespmem:v11+s3+$0x0], $0xffff  }
0x703: {  	v10 =	vld.idx.msk [tilespmem:v3+s3+$0x0], $0xffff  }
0x704: {  	v5 =	vand.u32 $0x3FFF, v8;
	v8 =	vadd.s32 $0x2800, v13;
	v16 =	vld.idx.msk [tilespmem:v21+s3+$0x0], $0xffff  }
0x705: {  	v13 =	vand.u32 $0x7F, v13;
	v8 =	vand.u32 $0x7FF80, v8;
	v6 =	vadd.s32 $0x2800, v17;
	v11 =	vld.idx.msk [tilespmem:v15+s3+$0x0], $0xffff  }
0x706: {  	[tilespmem:v19+s0+$0x0] =	vst.idx.add.f32.msk $0xffff, v24;
	v19 =	vor.u32 v13, v8;
	v13 =	vand.u32 $0x7F, v17;
	v17 =	vadd.s32 $0x2800, v3  }
0x707: {  	[tilespmem:v14+s0+$0x0] =	vst.idx.add.f32.msk $0xffff, v18;
	v14 =	vand.u32 $0x7FF80, v17;
	v17 =	vadd.s32 $0x2800, v22  }
0x708: {  	v12 =	vand.u32 $0x3FFF, v12;
	[tilespmem:v9+s0+$0x0] =	vst.idx.add.f32.msk $0xffff, v20  }
0x709: {  	[tilespmem:v5+s0+$0x0] =	vst.idx.add.f32.msk $0xffff, v23  }
0x70a: {  	v6 =	vand.u32 $0x7FF80, v6;
	v7 =	vld.idx.msk [tilespmem:v7+s3+$0x0], $0xffff  }
0x70b: {  	s8 =	simm.s32 $0x0;
	v8 =	vand.u32 $0x7F, v15;
	v6 =	vor.u32 v13, v6;
	v13 =	vadd.s32 $0x2800, v15;
	v15 =	vld.idx.msk [tilespmem:v19+s3+$0x0], $0xffff  }
.LBB2_53:
0x70c: {  	s8 =	sadd.s32 $0x80, s8;
	[tilespmem:v17+s0+$0x0] =	vst.idx.add.f32.msk $0xffff, v16;
	s7 =	sadd.s32 $0x80, s7  }
0x70d: {  	p0 =	slt.u32 s8, $0x3E00;
	[tilespmem:v12+s0+$0x0] =	vst.idx.add.f32.msk $0xffff, v10  }
0x70e: {  	v16 =	vld [tilespmem:s7+$0xFFFFFFE0]  }
0x70f: {  	v10 =	vld [tilespmem:s7+$0x30]  }
0x710: {  	v17 =	vand.u32 $0x3FFF, v1;
	v1 =	vld [tilespmem:s7+$0xFFFFFFF0]  }
0x711: {  	v3 =	vand.u32 $0x7F, v3;
	v18 =	vld [tilespmem:s7+$0x0]  }
0x712: {  	v2 =	vand.u32 $0x3FFF, v2;
	v13 =	vand.u32 $0x7FF80, v13;
	v3 =	vor.u32 v3, v14;
	v19 =	vld [tilespmem:s7+$0x10]  }
0x713: {  	v8 =	vor.u32 v8, v13;
	v14 =	vld [tilespmem:s7+$0x20]  }
0x714: {  	v13 =	vld [tilespmem:s7+$0xFFFFFFC0]  }
0x715: {  	[tilespmem:v17+s0+$0x0] =	vst.idx.add.f32.msk $0xffff, v4;
	v4 =	vadd.s32 $0x2800, v9  }
0x716: {  	v6 =	vld.idx.msk [tilespmem:v6+s3+$0x0], $0xffff  }
0x717: {  	v9 =	vadd.s32 $0x2800, v17;
	v3 =	vld.idx.msk [tilespmem:v3+s3+$0x0], $0xffff  }
0x718: {  	[tilespmem:v2+s0+$0x0] =	vst.idx.add.f32.msk $0xffff, v11;
	v11 =	vadd.s32 $0x2800, v12  }
0x719: {  	v5 =	vadd.s32 $0x2800, v5;
	v12 =	vadd.s32 $0x2800, v2;
	v8 =	vld.idx.msk [tilespmem:v8+s3+$0x0], $0xffff  }
0x71a: {  	[tilespmem:v4+s0+$0x0] =	vst.idx.add.f32.msk $0xffff, v15  }
0x71b: {  	v4 =	vshrl.u32 v13, $0xE;
	v15 =	vand.u32 $0x3FFF, v13;
	v2 =	vld [tilespmem:s7+$0xFFFFFFD0]  }
0x71c: {  	v20 =	vshrl.u32 v10, $0xE;
	v13 =	vand.u32 $0x7F, v4;
	v17 =	vadd.s32 $0x2800, v4;
	[tilespmem:v9+s0+$0x0] =	vst.idx.add.f32.msk $0xffff, v6  }
0x71d: {  	v6 =	vand.u32 $0x7FF80, v17;
	v9 =	vshrl.u32 v14, $0xE;
	v17 =	vadd.s32 $0x2800, v20;
	[tilespmem:v11+s0+$0x0] =	vst.idx.add.f32.msk $0xffff, v3  }
0x71e: {  	v21 =	vshrl.u32 v19, $0xE;
	v3 =	vadd.s32 $0x2800, v9;
	v11 =	vand.u32 $0x7FF80, v17;
	[tilespmem:v5+s0+$0x0] =	vst.idx.add.f32.msk $0xffff, v7  }
0x71f: {  	v5 =	vor.u32 v13, v6;
	v7 =	vshrl.u32 v18, $0xE;
	v13 =	vand.u32 $0x7FF80, v3;
	[tilespmem:v12+s0+$0x0] =	vst.idx.add.f32.msk $0xffff, v8  }
0x720: {  	v22 =	vand.u32 $0x3FFF, v10;
	v17 =	vand.u32 $0x3FFF, v14;
	v12 =	vld.idx.msk [tilespmem:v4+s3+$0x0], $0xffff;
	v4 =	vshrl.u32 v1, $0xE  }
0x721: {  	v3 =	vshrl.u32 v16, $0xE;
	v6 =	vand.u32 $0x7F, v4;
	v8 =	vadd.s32 $0x2800, v4;
	v23 =	vld.idx.msk [tilespmem:v20+s3+$0x0], $0xffff  }
0x722: {  	v14 =	vadd.s32 $0x2800, v3;
	v24 =	vshrl.u32 v2, $0xE;
	v10 =	vand.u32 $0x7FF80, v8;
	v25 =	vld.idx.msk [tilespmem:v9+s3+$0x0], $0xffff  }
0x723: {  	v8 =	vand.u32 $0x7F, v24;
	v9 =	vand.u32 $0x7F, v9;
	v6 =	vor.u32 v6, v10;
	v26 =	vld.idx.msk [tilespmem:v21+s3+$0x0], $0xffff  }
0x724: {  	v10 =	vadd.s32 $0x2800, v7;
	v28 =	vor.u32 v9, v13;
	v9 =	vand.u32 $0x7F, v20;
	v27 =	vld.idx.msk [tilespmem:v7+s3+$0x0], $0xffff  }
0x725: {  	v29 =	vadd.s32 $0x2800, v21;
	v20 =	vand.u32 $0x7FF80, v10;
	v11 =	vor.u32 v9, v11;
	v4 =	vld.idx.msk [tilespmem:v4+s3+$0x0], $0xffff  }
0x726: {  	v29 =	vand.u32 $0x7FF80, v29;
	v14 =	vand.u32 $0x7FF80, v14;
	v13 =	vadd.s32 $0x2800, v24;
	v10 =	vld.idx.msk [tilespmem:v3+s3+$0x0], $0xffff  }
0x727: {  	v7 =	vand.u32 $0x7F, v7;
	[tilespmem:v15+s0+$0x0] =	vst.idx.add.f32.msk $0xffff, v12;
	v12 =	vand.u32 $0x3FFF, v16  }
0x728: {  	v7 =	vor.u32 v7, v20;
	v30 =	vld.idx.msk [tilespmem:v5+s3+$0x0], $0xffff  }
0x729: {  	v15 =	vadd.s32 $0x2800, v15;
	[tilespmem:v22+s0+$0x0] =	vst.idx.add.f32.msk $0xffff, v23  }
0x72a: {  	v9 =	vand.u32 $0x3FFF, v19;
	[tilespmem:v17+s0+$0x0] =	vst.idx.add.f32.msk $0xffff, v25  }
0x72b: {  	v5 =	vand.u32 $0x3FFF, v18;
	v18 =	vld.idx.msk [tilespmem:v28+s3+$0x0], $0xffff  }
0x72c: {  	v16 =	vld.idx.msk [tilespmem:v11+s3+$0x0], $0xffff  }
0x72d: {  	v19 =	vand.u32 $0x7F, v21;
	v20 =	vadd.s32 $0x2800, v17;
	v11 =	vld.idx.msk [tilespmem:v24+s3+$0x0], $0xffff  }
0x72e: {  	[tilespmem:v15+s0+$0x0] =	vst.idx.add.f32.msk $0xffff, v30;
	v15 =	vor.u32 v19, v29  }
.Ltmp25:
0x72f: {  	v17 =	vadd.s32 $0x2800, v22;
	[tilespmem:v9+s0+$0x0] =	vst.idx.add.f32.msk $0xffff, v26;
	(pc) =	sbr.rel @p0 .LBB2_53-.Ltmp25, $4  }
0x730: {  	[tilespmem:v5+s0+$0x0] =	vst.idx.add.f32.msk $0xffff, v27  }
0x731: {  	v7 =	vld.idx.msk [tilespmem:v7+s3+$0x0], $0xffff  }
0x732: {  	[tilespmem:v20+s0+$0x0] =	vst.idx.add.f32.msk $0xffff, v18  }
0x733: {  	v15 =	vld.idx.msk [tilespmem:v15+s3+$0x0], $0xffff  }
0x734: {  	_ = 	snop  }
0x735: {  	v1 =	vand.u32 $0x3FFF, v1  }
0x736: {  	v2 =	vand.u32 $0x3FFF, v2  }
0x737: {  	v3 =	vand.u32 $0x7F, v3  }
0x738: {  	[tilespmem:v17+s0+$0x0] =	vst.idx.add.f32.msk $0xffff, v16;
	v13 =	vand.u32 $0x7FF80, v13;
	v3 =	vor.u32 v3, v14  }
0x739: {  	[tilespmem:v12+s0+$0x0] =	vst.idx.add.f32.msk $0xffff, v10;
	v8 =	vor.u32 v8, v13  }
0x73a: {  	v5 =	vadd.s32 $0x2800, v5;
	[tilespmem:v1+s0+$0x0] =	vst.idx.add.f32.msk $0xffff, v4  }
0x73b: {  	v4 =	vadd.s32 $0x2800, v9;
	[tilespmem:v2+s0+$0x0] =	vst.idx.add.f32.msk $0xffff, v11  }
0x73c: {  	v1 =	vadd.s32 $0x2800, v1;
	v6 =	vld.idx.msk [tilespmem:v6+s3+$0x0], $0xffff  }
0x73d: {  	v9 =	vadd.s32 $0x2800, v12;
	v3 =	vld.idx.msk [tilespmem:v3+s3+$0x0], $0xffff  }
0x73e: {  	v2 =	vadd.s32 $0x2800, v2;
	v8 =	vld.idx.msk [tilespmem:v8+s3+$0x0], $0xffff  }
0x73f: {  	[tilespmem:v5+s0+$0x0] =	vst.idx.add.f32.msk $0xffff, v7  }
0x740: {  	[tilespmem:v4+s0+$0x0] =	vst.idx.add.f32.msk $0xffff, v15  }
0x741: {  	s7 =	sshll.u32 s6, $0x1;
	[tilespmem:v1+s0+$0x0] =	vst.idx.add.f32.msk $0xffff, v6  }
0x742: {  	s7 =	sadd.s32 $0x2, s7;
	[tilespmem:v9+s0+$0x0] =	vst.idx.add.f32.msk $0xffff, v3  }
0x743: {  	s8 =	smul.u32 $0x7D0, s7;
	[tilespmem:v2+s0+$0x0] =	vst.idx.add.f32.msk $0xffff, v8  }
0x744: {  	p0 =	seq.s32 s7, $0x14;
	_ =	swait.ge [sflag:s2], $0x3E80  }
0x745: {  	s8 =	simm.s32 @p0 $0x0;
	[sflag:s2] =	ssyncset.done $0x0  }
0x746: {  	s7 =	simm.s32 $0x1A6C0;
	s16 =	sadd.s32 s4, s8;
	[sflag:s2] =	ssyncadd.s32 $0xFFFFC180  }
0x747: {  	[tilespmem:s28], [sflag:$0x1] =	stream.linear.gather [hbm4b:s16+s3], $0x3E80, $0x38;
	[tilespmem:$0x1E500] =	vst v63  }
0x748: {  	v4 =	vld [tilespmem:s7+$0xFFFFFFC0]  }
0x749: {  	v5 =	vld [tilespmem:s7+$0x30]  }
0x74a: {  	v6 =	vld [tilespmem:s7+$0x20]  }
0x74b: {  	v7 =	vld [tilespmem:s7+$0x10]  }
0x74c: {  	v8 =	vld [tilespmem:s7+$0x0]  }
0x74d: {  	v1 =	vld [tilespmem:s7+$0xFFFFFFF0];
	v9 =	vshrl.u32 v4, $0xE  }
0x74e: {  	v10 =	vshrl.u32 v5, $0xE  }
0x74f: {  	v11 =	vshrl.u32 v6, $0xE  }
0x750: {  	v12 =	vld [tilespmem:s7+$0xFFFFFFE0];
	v13 =	vshrl.u32 v7, $0xE  }
0x751: {  	v2 =	vld [tilespmem:s7+$0xFFFFFFD0];
	v14 =	vshrl.u32 v8, $0xE  }
0x752: {  	v17 =	vshrl.u32 v1, $0xE;
	v15 =	vld.idx.msk [tilespmem:v9+s3+$0x0], $0xffff  }
0x753: {  	v19 =	vand.u32 $0x3FFF, v4;
	v16 =	vadd.s32 $0x2800, v9;
	v18 =	vld.idx.msk [tilespmem:v10+s3+$0x0], $0xffff  }
0x754: {  	v22 =	vand.u32 $0x3FFF, v5;
	v4 =	vand.u32 $0x7F, v9;
	v9 =	vand.u32 $0x7FF80, v16;
	v16 =	vld.idx.msk [tilespmem:v11+s3+$0x0], $0xffff  }
0x755: {  	v6 =	vand.u32 $0x3FFF, v6;
	v20 =	vld.idx.msk [tilespmem:v13+s3+$0x0], $0xffff;
	v9 =	vor.u32 v4, v9;
	v4 =	vadd.s32 $0x2800, v11  }
0x756: {  	v23 =	vld.idx.msk [tilespmem:v14+s3+$0x0], $0xffff;
	v11 =	vand.u32 $0x7F, v11;
	v5 =	vand.u32 $0x7FF80, v4  }
0x757: {  	v21 =	vadd.s32 $0x2800, v10;
	v4 =	vld.idx.msk [tilespmem:v17+s3+$0x0], $0xffff;
	v11 =	vor.u32 v11, v5  }
0x758: {  	v3 =	vshrl.u32 v12, $0xE;
	v21 =	vand.u32 $0x7FF80, v21;
	v5 =	vand.u32 $0x7F, v10;
	[tilespmem:v19+s0+$0x0] =	vst.idx.add.f32.msk $0xffff, v15  }
0x759: {  	v21 =	vor.u32 v5, v21;
	[tilespmem:v22+s0+$0x0] =	vst.idx.add.f32.msk $0xffff, v18  }
0x75a: {  	v5 =	vadd.s32 $0x2800, v14;
	v14 =	vand.u32 $0x7F, v14;
	v15 =	vshrl.u32 v2, $0xE;
	[tilespmem:v6+s0+$0x0] =	vst.idx.add.f32.msk $0xffff, v16  }
0x75b: {  	v19 =	vadd.s32 $0x2800, v19;
	v24 =	vld.idx.msk [tilespmem:v9+s3+$0x0], $0xffff;
	v9 =	vand.u32 $0x3FFF, v7;
	v7 =	vand.u32 $0x7FF80, v5  }
0x75c: {  	v7 =	vor.u32 v14, v7;
	v14 =	vadd.s32 $0x2800, v6;
	v18 =	vld.idx.msk [tilespmem:v11+s3+$0x0], $0xffff  }
0x75d: {  	v10 =	vld.idx.msk [tilespmem:v3+s3+$0x0], $0xffff  }
0x75e: {  	v5 =	vand.u32 $0x3FFF, v8;
	v8 =	vadd.s32 $0x2800, v13;
	v16 =	vld.idx.msk [tilespmem:v21+s3+$0x0], $0xffff  }
0x75f: {  	v13 =	vand.u32 $0x7F, v13;
	v8 =	vand.u32 $0x7FF80, v8;
	v6 =	vadd.s32 $0x2800, v17;
	v11 =	vld.idx.msk [tilespmem:v15+s3+$0x0], $0xffff  }
0x760: {  	[tilespmem:v19+s0+$0x0] =	vst.idx.add.f32.msk $0xffff, v24;
	v19 =	vor.u32 v13, v8;
	v13 =	vand.u32 $0x7F, v17;
	v17 =	vadd.s32 $0x2800, v3  }
0x761: {  	[tilespmem:v14+s0+$0x0] =	vst.idx.add.f32.msk $0xffff, v18;
	v14 =	vand.u32 $0x7FF80, v17;
	v17 =	vadd.s32 $0x2800, v22  }
0x762: {  	v12 =	vand.u32 $0x3FFF, v12;
	[tilespmem:v9+s0+$0x0] =	vst.idx.add.f32.msk $0xffff, v20  }
0x763: {  	[tilespmem:v5+s0+$0x0] =	vst.idx.add.f32.msk $0xffff, v23  }
0x764: {  	v6 =	vand.u32 $0x7FF80, v6;
	v7 =	vld.idx.msk [tilespmem:v7+s3+$0x0], $0xffff  }
0x765: {  	s8 =	simm.s32 $0x0;
	v8 =	vand.u32 $0x7F, v15;
	v6 =	vor.u32 v13, v6;
	v13 =	vadd.s32 $0x2800, v15;
	v15 =	vld.idx.msk [tilespmem:v19+s3+$0x0], $0xffff  }
.LBB2_55:
0x766: {  	s8 =	sadd.s32 $0x80, s8;
	[tilespmem:v17+s0+$0x0] =	vst.idx.add.f32.msk $0xffff, v16;
	s7 =	sadd.s32 $0x80, s7  }
0x767: {  	p0 =	slt.u32 s8, $0x3E00;
	[tilespmem:v12+s0+$0x0] =	vst.idx.add.f32.msk $0xffff, v10  }
0x768: {  	v16 =	vld [tilespmem:s7+$0xFFFFFFE0]  }
0x769: {  	v10 =	vld [tilespmem:s7+$0x30]  }
0x76a: {  	v17 =	vand.u32 $0x3FFF, v1;
	v1 =	vld [tilespmem:s7+$0xFFFFFFF0]  }
0x76b: {  	v3 =	vand.u32 $0x7F, v3;
	v18 =	vld [tilespmem:s7+$0x0]  }
0x76c: {  	v2 =	vand.u32 $0x3FFF, v2;
	v13 =	vand.u32 $0x7FF80, v13;
	v3 =	vor.u32 v3, v14;
	v19 =	vld [tilespmem:s7+$0x10]  }
0x76d: {  	v8 =	vor.u32 v8, v13;
	v14 =	vld [tilespmem:s7+$0x20]  }
0x76e: {  	v13 =	vld [tilespmem:s7+$0xFFFFFFC0]  }
0x76f: {  	[tilespmem:v17+s0+$0x0] =	vst.idx.add.f32.msk $0xffff, v4;
	v4 =	vadd.s32 $0x2800, v9  }
0x770: {  	v6 =	vld.idx.msk [tilespmem:v6+s3+$0x0], $0xffff  }
0x771: {  	v9 =	vadd.s32 $0x2800, v17;
	v3 =	vld.idx.msk [tilespmem:v3+s3+$0x0], $0xffff  }
0x772: {  	[tilespmem:v2+s0+$0x0] =	vst.idx.add.f32.msk $0xffff, v11;
	v11 =	vadd.s32 $0x2800, v12  }
0x773: {  	v5 =	vadd.s32 $0x2800, v5;
	v12 =	vadd.s32 $0x2800, v2;
	v8 =	vld.idx.msk [tilespmem:v8+s3+$0x0], $0xffff  }
0x774: {  	[tilespmem:v4+s0+$0x0] =	vst.idx.add.f32.msk $0xffff, v15  }
0x775: {  	v4 =	vshrl.u32 v13, $0xE;
	v15 =	vand.u32 $0x3FFF, v13;
	v2 =	vld [tilespmem:s7+$0xFFFFFFD0]  }
0x776: {  	v20 =	vshrl.u32 v10, $0xE;
	v13 =	vand.u32 $0x7F, v4;
	v17 =	vadd.s32 $0x2800, v4;
	[tilespmem:v9+s0+$0x0] =	vst.idx.add.f32.msk $0xffff, v6  }
0x777: {  	v6 =	vand.u32 $0x7FF80, v17;
	v9 =	vshrl.u32 v14, $0xE;
	v17 =	vadd.s32 $0x2800, v20;
	[tilespmem:v11+s0+$0x0] =	vst.idx.add.f32.msk $0xffff, v3  }
0x778: {  	v21 =	vshrl.u32 v19, $0xE;
	v3 =	vadd.s32 $0x2800, v9;
	v11 =	vand.u32 $0x7FF80, v17;
	[tilespmem:v5+s0+$0x0] =	vst.idx.add.f32.msk $0xffff, v7  }
0x779: {  	v5 =	vor.u32 v13, v6;
	v7 =	vshrl.u32 v18, $0xE;
	v13 =	vand.u32 $0x7FF80, v3;
	[tilespmem:v12+s0+$0x0] =	vst.idx.add.f32.msk $0xffff, v8  }
0x77a: {  	v22 =	vand.u32 $0x3FFF, v10;
	v17 =	vand.u32 $0x3FFF, v14;
	v12 =	vld.idx.msk [tilespmem:v4+s3+$0x0], $0xffff;
	v4 =	vshrl.u32 v1, $0xE  }
0x77b: {  	v3 =	vshrl.u32 v16, $0xE;
	v6 =	vand.u32 $0x7F, v4;
	v8 =	vadd.s32 $0x2800, v4;
	v23 =	vld.idx.msk [tilespmem:v20+s3+$0x0], $0xffff  }
0x77c: {  	v14 =	vadd.s32 $0x2800, v3;
	v24 =	vshrl.u32 v2, $0xE;
	v10 =	vand.u32 $0x7FF80, v8;
	v25 =	vld.idx.msk [tilespmem:v9+s3+$0x0], $0xffff  }
0x77d: {  	v8 =	vand.u32 $0x7F, v24;
	v9 =	vand.u32 $0x7F, v9;
	v6 =	vor.u32 v6, v10;
	v26 =	vld.idx.msk [tilespmem:v21+s3+$0x0], $0xffff  }
0x77e: {  	v10 =	vadd.s32 $0x2800, v7;
	v28 =	vor.u32 v9, v13;
	v9 =	vand.u32 $0x7F, v20;
	v27 =	vld.idx.msk [tilespmem:v7+s3+$0x0], $0xffff  }
0x77f: {  	v29 =	vadd.s32 $0x2800, v21;
	v20 =	vand.u32 $0x7FF80, v10;
	v11 =	vor.u32 v9, v11;
	v4 =	vld.idx.msk [tilespmem:v4+s3+$0x0], $0xffff  }
0x780: {  	v29 =	vand.u32 $0x7FF80, v29;
	v14 =	vand.u32 $0x7FF80, v14;
	v13 =	vadd.s32 $0x2800, v24;
	v10 =	vld.idx.msk [tilespmem:v3+s3+$0x0], $0xffff  }
0x781: {  	v7 =	vand.u32 $0x7F, v7;
	[tilespmem:v15+s0+$0x0] =	vst.idx.add.f32.msk $0xffff, v12;
	v12 =	vand.u32 $0x3FFF, v16  }
0x782: {  	v7 =	vor.u32 v7, v20;
	v30 =	vld.idx.msk [tilespmem:v5+s3+$0x0], $0xffff  }
0x783: {  	v15 =	vadd.s32 $0x2800, v15;
	[tilespmem:v22+s0+$0x0] =	vst.idx.add.f32.msk $0xffff, v23  }
0x784: {  	v9 =	vand.u32 $0x3FFF, v19;
	[tilespmem:v17+s0+$0x0] =	vst.idx.add.f32.msk $0xffff, v25  }
0x785: {  	v5 =	vand.u32 $0x3FFF, v18;
	v18 =	vld.idx.msk [tilespmem:v28+s3+$0x0], $0xffff  }
0x786: {  	v16 =	vld.idx.msk [tilespmem:v11+s3+$0x0], $0xffff  }
0x787: {  	v19 =	vand.u32 $0x7F, v21;
	v20 =	vadd.s32 $0x2800, v17;
	v11 =	vld.idx.msk [tilespmem:v24+s3+$0x0], $0xffff  }
0x788: {  	[tilespmem:v15+s0+$0x0] =	vst.idx.add.f32.msk $0xffff, v30;
	v15 =	vor.u32 v19, v29  }
.Ltmp26:
0x789: {  	v17 =	vadd.s32 $0x2800, v22;
	[tilespmem:v9+s0+$0x0] =	vst.idx.add.f32.msk $0xffff, v26;
	(pc) =	sbr.rel @p0 .LBB2_55-.Ltmp26, $4  }
0x78a: {  	[tilespmem:v5+s0+$0x0] =	vst.idx.add.f32.msk $0xffff, v27  }
0x78b: {  	v7 =	vld.idx.msk [tilespmem:v7+s3+$0x0], $0xffff  }
0x78c: {  	[tilespmem:v20+s0+$0x0] =	vst.idx.add.f32.msk $0xffff, v18  }
0x78d: {  	v15 =	vld.idx.msk [tilespmem:v15+s3+$0x0], $0xffff  }
0x78e: {  	_ = 	snop  }
0x78f: {  	v1 =	vand.u32 $0x3FFF, v1  }
0x790: {  	v2 =	vand.u32 $0x3FFF, v2  }
0x791: {  	v3 =	vand.u32 $0x7F, v3  }
0x792: {  	[tilespmem:v17+s0+$0x0] =	vst.idx.add.f32.msk $0xffff, v16;
	v13 =	vand.u32 $0x7FF80, v13;
	v3 =	vor.u32 v3, v14  }
0x793: {  	[tilespmem:v12+s0+$0x0] =	vst.idx.add.f32.msk $0xffff, v10;
	v8 =	vor.u32 v8, v13  }
0x794: {  	v62 =	vadd.s32 $0x2800, v9;
	[tilespmem:v1+s0+$0x0] =	vst.idx.add.f32.msk $0xffff, v4  }
0x795: {  	v5 =	vadd.s32 $0x2800, v5;
	[tilespmem:v2+s0+$0x0] =	vst.idx.add.f32.msk $0xffff, v11  }
0x796: {  	v1 =	vadd.s32 $0x2800, v1;
	v6 =	vld.idx.msk [tilespmem:v6+s3+$0x0], $0xffff  }
0x797: {  	v63 =	vadd.s32 $0x2800, v12;
	s6 =	sadd.s32 $0x1, s6;
	v3 =	vld.idx.msk [tilespmem:v3+s3+$0x0], $0xffff  }
0x798: {  	p0 =	sne.s32 s6, $0xA;
	v2 =	vadd.s32 $0x2800, v2;
	v8 =	vld.idx.msk [tilespmem:v8+s3+$0x0], $0xffff  }
.Ltmp27:
0x799: {  	[tilespmem:v62+s0+$0x0] =	vst.idx.add.f32.msk $0xffff, v15;
	(pc) =	sbr.rel @p0 .LBB2_52-.Ltmp27, $4  }
0x79a: {  	[tilespmem:v5+s0+$0x0] =	vst.idx.add.f32.msk $0xffff, v7  }
0x79b: {  	[tilespmem:v1+s0+$0x0] =	vst.idx.add.f32.msk $0xffff, v6  }
0x79c: {  	[tilespmem:v63+s0+$0x0] =	vst.idx.add.f32.msk $0xffff, v3  }
0x79d: {  	[tilespmem:v2+s0+$0x0] =	vst.idx.add.f32.msk $0xffff, v8  }
0x79e: {  	_ =	swait.ge [sflag:s24], $0x2800  }
0x79f: {  	[sflag:s24] =	ssyncset.done $0x0  }
0x7a0: {  	[sflag:s24] =	ssyncadd.s32 $0xFFFFD800  }
0x7a1: {  	_ =	swait.ge [sflag:s24], $0x2800  }
0x7a2: {  	[sflag:s24] =	ssyncset.done $0x0  }
0x7a3: {  	s8 =	simm.s32 $0x14020;
	[sflag:s24] =	ssyncadd.s32 $0xFFFFD800  }
0x7a4: {  	s6 =	simm.s32 $0xA000;
	v4 =	vld [tilespmem:s8+$0x10]  }
0x7a5: {  	v1 =	vld [tilespmem:s6+$0x30]  }
0x7a6: {  	s11 =	simm.s32 $0xF000;
	v5 =	vld [tilespmem:s8+$0xFFFFFFE0]  }
0x7a7: {  	v2 =	vld [tilespmem:s11+$0x30]  }
0x7a8: {  	s7 =	simm.s32 $0x5000;
	v3 =	vld [tilespmem:s6+$0x0]  }
0x7a9: {  	v6 =	vld [tilespmem:s7+$0x30]  }
0x7aa: {  	v7 =	vld [tilespmem:s8+$0xFFFFFFF0]  }
0x7ab: {  	v8 =	vld [tilespmem:s6+$0x10]  }
0x7ac: {  	v9 =	vld [tilespmem:s11+$0x0]  }
0x7ad: {  	v10 =	vld [tilespmem:s7+$0x0]  }
0x7ae: {  	v11 =	vld [tilespmem:s8+$0x0]  }
0x7af: {  	s13 =	simm.s32 $0x14060;
	v12 =	vld [tilespmem:s6+$0x20]  }
0x7b0: {  	s10 =	simm.s32 $0xF040;
	v15 =	vld [tilespmem:s13+$0x10]  }
0x7b1: {  	s9 =	simm.s32 $0x5040;
	v17 =	vld [tilespmem:s10+$0x30]  }
0x7b2: {  	v18 =	vld [tilespmem:s9+$0x30];
	v1 =	vmul.f32 v1, v4  }
0x7b3: {  	v55 =	vld [tilespmem:s10+$0x0]  }
0x7b4: {  	v58 =	vld [tilespmem:s10+$0x20];
	v1 =	vsub.f32 v2, v1  }
0x7b5: {  	v2 =	vld [tilespmem:s11+$0x10]  }
0x7b6: {  	v59 =	vld [tilespmem:s9+$0x10];
	v3 =	vmul.f32 v3, v5;
	v1 =	vsub.f32 v1, v6  }
0x7b7: {  	s8 =	simm.s32 $0xA040;
	v6 =	vld [tilespmem:s7+$0x10]  }
0x7b8: {  	v19 =	vld [tilespmem:s8+$0x0];
	v8 =	vmul.f32 v8, v7;
	[tilespmem:s7+$0x30] =	vst v1;
	v1 =	vsub.f32 v9, v3  }
0x7b9: {  	v3 =	vld [tilespmem:s11+$0x20]  }
0x7ba: {  	v20 =	vld [tilespmem:s8+$0x10];
	v2 =	vsub.f32 v2, v8;
	v1 =	vsub.f32 v1, v10  }
0x7bb: {  	v9 =	vld [tilespmem:s6+$0x2830];
	[tilespmem:s6+$0x30] =	vst v0  }
0x7bc: {  	v8 =	vld [tilespmem:s11+$0x2830];
	[tilespmem:s7+$0x0] =	vst v1;
	v1 =	vsub.f32 v2, v6;
	v2 =	vmul.f32 v12, v11  }
0x7bd: {  	v10 =	vld [tilespmem:s7+$0x20]  }
0x7be: {  	s16 =	simm.s32 $0x0;
	[tilespmem:s7+$0x10] =	vst v1;
	v1 =	vsub.f32 v3, v2;
	v2 =	vld [tilespmem:s8+$0x30]  }
0x7bf: {  	s12 =	sand.u32 $0x3FC0, s16;
	v6 =	vld [tilespmem:s7+$0x2830];
	[tilespmem:s6+$0x0] =	vst v0  }
0x7c0: {  	v54 =	vld [tilespmem:s12+$0xC800]  }
0x7c1: {  	v14 =	vld [tilespmem:s12+$0x11800]  }
0x7c2: {  	v3 =	vld [tilespmem:s13+$0xFFFFFFF0]  }
0x7c3: {  	v4 =	vmul.f32 v9, v4;
	v9 =	vld [tilespmem:s8+$0x20];
	v2 =	vmul.f32 v2, v15  }
0x7c4: {  	v13 =	vld [tilespmem:s6+$0x2810];
	v1 =	vsub.f32 v1, v10  }
0x7c5: {  	v10 =	vld [tilespmem:s12+$0x7800];
	v17 =	vsub.f32 v17, v2  }
0x7c6: {  	v4 =	vsub.f32 v8, v4;
	[tilespmem:s7+$0x20] =	vst v1;
	v1 =	vld [tilespmem:s13+$0xFFFFFFE0]  }
0x7c7: {  	v8 =	vld [tilespmem:s10+$0x10];
	v5 =	vmul.f32 v54, v5;
	v17 =	vsub.f32 v17, v18  }
0x7c8: {  	v4 =	vsub.f32 v4, v6;
	v6 =	vld [tilespmem:s9+$0x0]  }
0x7c9: {  	v16 =	vld [tilespmem:s6+$0x2820];
	v5 =	vsub.f32 v14, v5;
	[tilespmem:s9+$0x30] =	vst v17  }
0x7ca: {  	[tilespmem:s7+$0x2830] =	vst v4;
	v56 =	vld [tilespmem:s8+$0x2830]  }
0x7cb: {  	v2 =	vld [tilespmem:s13+$0x0];
	v57 =	vmul.f32 v19, v1;
	v4 =	vsub.f32 v5, v10;
	[tilespmem:s8+$0x30] =	vst v0  }
0x7cc: {  	[tilespmem:s6+$0x20] =	vst v0;
	v5 =	vld [tilespmem:s10+$0x2830]  }
0x7cd: {  	v61 =	vld [tilespmem:s11+$0x2820];
	v10 =	vsub.f32 v55, v57;
	[tilespmem:s12+$0x7800] =	vst v4;
	v4 =	vmul.f32 v20, v3  }
0x7ce: {  	[tilespmem:s12+$0xC800] =	vst v0;
	v60 =	vld [tilespmem:s9+$0x2830]  }
0x7cf: {  	[tilespmem:s6+$0x10] =	vst v0;
	v6 =	vsub.f32 v10, v6;
	v10 =	vld [tilespmem:s9+$0x20];
	v4 =	vsub.f32 v8, v4;
	v12 =	vmul.f32 v56, v15  }
0x7d0: {  	[tilespmem:s6+$0x2830] =	vst v0;
	v9 =	vmul.f32 v9, v2;
	v8 =	vld [tilespmem:s11+$0x2810]  }
0x7d1: {  	v62 =	vld [tilespmem:s7+$0x2810];
	s11 =	simm.s32 $0x40;
	[tilespmem:s9+$0x0] =	vst v6;
	v4 =	vsub.f32 v4, v59;
	v5 =	vsub.f32 v5, v12  }
0x7d2: {  	v63 =	vld [tilespmem:s7+$0x2820];
	s15 =	sand.u32 $0x3FC0, s11;
	v6 =	vsub.f32 v58, v9;
	[tilespmem:s8+$0x0] =	vst v0  }
0x7d3: {  	v7 =	vmul.f32 v13, v7;
	v11 =	vmul.f32 v16, v11;
	[tilespmem:s9+$0x10] =	vst v4;
	v9 =	vsub.f32 v5, v60;
	v5 =	vld [tilespmem:s15+$0xC800]  }
0x7d4: {  	v10 =	vsub.f32 v6, v10;
	v6 =	vld [tilespmem:s8+$0x2810];
	[tilespmem:s8+$0x10] =	vst v0  }
0x7d5: {  	v8 =	vsub.f32 v8, v7;
	v7 =	vld [tilespmem:s15+$0x11800];
	[tilespmem:s9+$0x2830] =	vst v9;
	v9 =	vsub.f32 v61, v11  }
0x7d6: {  	v4 =	vld [tilespmem:s15+$0x7800];
	[tilespmem:s9+$0x20] =	vst v10  }
0x7d7: {  	s14 =	simm.s32 $0xA040;
	s13 =	simm.s32 $0xF040;
	s12 =	simm.s32 $0x140A0;
	v10 =	vsub.f32 v8, v62;
	v8 =	vld [tilespmem:s8+$0x2820];
	[tilespmem:s8+$0x2830] =	vst v0;
	v9 =	vsub.f32 v9, v63  }
.LBB2_58:
0x7d8: {  	v11 =	vld [tilespmem:s12+$0x10];
	v5 =	vmul.f32 v5, v1;
	[tilespmem:s8+$0x20] =	vst v0;
	s14 =	sadd.s32 $0x40, s14  }
0x7d9: {  	v12 =	vld [tilespmem:s14+$0x30];
	v13 =	vmul.f32 v6, v3;
	[tilespmem:s7+$0x2810] =	vst v10  }
0x7da: {  	s10 =	sadd.s32 $0x40, s10;
	v1 =	vld [tilespmem:s12+$0xFFFFFFE0];
	v3 =	vsub.f32 v7, v5;
	[tilespmem:s6+$0x2810] =	vst v0  }
0x7db: {  	v5 =	vld [tilespmem:s10+$0x30];
	[tilespmem:s7+$0x2820] =	vst v9;
	s7 =	smov.u32 s9  }
0x7dc: {  	s9 =	sadd.s32 $0x40, s9;
	v6 =	vld [tilespmem:s14+$0x0];
	v4 =	vsub.f32 v3, v4;
	v8 =	vmul.f32 v8, v2;
	[tilespmem:s6+$0x2820] =	vst v0;
	s6 =	smov.u32 s8;
	s8 =	smov.u32 s14  }
0x7dd: {  	v7 =	vld [tilespmem:s9+$0x30];
	[tilespmem:s15+$0xC800] =	vst v0  }
0x7de: {  	v3 =	vld [tilespmem:s12+$0xFFFFFFF0];
	v9 =	vmul.f32 v12, v11;
	[tilespmem:s15+$0x7800] =	vst v4  }
0x7df: {  	v4 =	vld [tilespmem:s14+$0x10]  }
0x7e0: {  	v2 =	vld [tilespmem:s12+$0x0];
	v5 =	vsub.f32 v5, v9  }
0x7e1: {  	v6 =	vmul.f32 v6, v1;
	v9 =	vld [tilespmem:s14+$0x20]  }
0x7e2: {  	v10 =	vld [tilespmem:s10+$0x0];
	v5 =	vsub.f32 v5, v7  }
0x7e3: {  	v7 =	vld [tilespmem:s10+$0x10]  }
0x7e4: {  	v4 =	vmul.f32 v4, v3;
	v12 =	vld [tilespmem:s10+$0x20];
	[tilespmem:s9+$0x30] =	vst v5  }
0x7e5: {  	v5 =	vld [tilespmem:s14+$0x2830]  }
0x7e6: {  	v14 =	vld [tilespmem:s9+$0x0];
	v9 =	vmul.f32 v9, v2;
	[tilespmem:s14+$0x30] =	vst v0  }
0x7e7: {  	v6 =	vsub.f32 v10, v6;
	v10 =	vld [tilespmem:s10+$0x2830]  }
0x7e8: {  	v4 =	vsub.f32 v7, v4;
	v7 =	vld [tilespmem:s9+$0x10]  }
0x7e9: {  	v9 =	vsub.f32 v12, v9;
	v12 =	vld [tilespmem:s9+$0x2830]  }
0x7ea: {  	v15 =	vld [tilespmem:s9+$0x20];
	v5 =	vmul.f32 v5, v11  }
0x7eb: {  	v6 =	vsub.f32 v6, v14;
	v11 =	vld [tilespmem:s13+$0x2810]  }
0x7ec: {  	v5 =	vsub.f32 v10, v5;
	v10 =	vld [tilespmem:s13+$0x2820];
	s13 =	smov.u32 s10  }
0x7ed: {  	s11 =	sadd.s32 $0x40, s11;
	[tilespmem:s9+$0x0] =	vst v6;
	v4 =	vsub.f32 v4, v7;
	v14 =	vld [tilespmem:s7+$0x2810]  }
0x7ee: {  	p0 =	slt.u32 s11, $0x27C0;
	s15 =	sand.u32 $0x3FC0, s11;
	[tilespmem:s14+$0x0] =	vst v0;
	v7 =	vsub.f32 v5, v12;
	v12 =	vld [tilespmem:s7+$0x2820]  }
.Ltmp28:
0x7ef: {  	v5 =	vld [tilespmem:s15+$0xC800];
	[tilespmem:s9+$0x10] =	vst v4;
	v9 =	vsub.f32 v9, v15;
	(pc) =	sbr.rel @p0 .LBB2_58-.Ltmp28, $4  }
0x7f0: {  	v6 =	vld [tilespmem:s14+$0x2810];
	[tilespmem:s9+$0x2830] =	vst v7;
	v11 =	vsub.f32 v11, v13  }
0x7f1: {  	v7 =	vld [tilespmem:s15+$0x11800];
	[tilespmem:s14+$0x2830] =	vst v0;
	v13 =	vsub.f32 v10, v8  }
0x7f2: {  	v4 =	vld [tilespmem:s15+$0x7800];
	[tilespmem:s9+$0x20] =	vst v9;
	v10 =	vsub.f32 v11, v14  }
0x7f3: {  	s12 =	sadd.s32 $0x40, s12;
	[tilespmem:s14+$0x10] =	vst v0;
	v8 =	vld [tilespmem:s14+$0x2820];
	v9 =	vsub.f32 v13, v12  }
0x7f4: {  	v11 =	vld [tilespmem:s13+$0x2810]  }
0x7f5: {  	[tilespmem:s8+$0x20] =	vst v0;
	v62 =	vld [tilespmem:s9+$0x2810]  }
0x7f6: {  	v1 =	vmul.f32 v5, v1;
	v12 =	vld [tilespmem:s13+$0x2820]  }
0x7f7: {  	[tilespmem:s7+$0x2810] =	vst v10;
	v3 =	vmul.f32 v6, v3  }
0x7f8: {  	[tilespmem:s15+$0xC800] =	vst v0;
	v63 =	vld [tilespmem:s9+$0x2820];
	v1 =	vsub.f32 v7, v1  }
0x7f9: {  	[tilespmem:s6+$0x2810] =	vst v0;
	v2 =	vmul.f32 v8, v2;
	v3 =	vsub.f32 v11, v3  }
0x7fa: {  	[tilespmem:s7+$0x2820] =	vst v9;
	v1 =	vsub.f32 v1, v4  }
0x7fb: {  	[tilespmem:s6+$0x2820] =	vst v0;
	v2 =	vsub.f32 v12, v2;
	v3 =	vsub.f32 v3, v62  }
0x7fc: {  	[tilespmem:s15+$0x7800] =	vst v1  }
0x7fd: {  	v1 =	vsub.f32 v2, v63;
	[tilespmem:s9+$0x2810] =	vst v3  }
0x7fe: {  	[tilespmem:s8+$0x2810] =	vst v0  }
0x7ff: {  	[tilespmem:s9+$0x2820] =	vst v1  }
0x800: {  	[tilespmem:s8+$0x2820] =	vst v0  }
0x801: {  	_ =	swait.ge [sflag:s31], $0x3E80  }
0x802: {  	[sflag:s31] =	ssyncset.done $0x0  }
0x803: {  	[sflag:s31] =	ssyncadd.s32 $0xFFFFC180  }
0x804: {  	[hbm4b:s21+s3] =	stream.linear.scatter [tilespmem:s26], [sflag:$0x4], $0x2800, $0x38;
	[tilespmem:$0x1E500] =	vst v63  }
0x805: {  	s5 =	sadd.s32 $0x1, s5;
	_ =	swait.ge [sflag:s25], $0x2800  }
0x806: {  	p0 =	sne.s32 s5, s23;
	[sflag:s25] =	ssyncset.done $0x0  }
.Ltmp29:
0x807: {  	s16 =	simm.s32 $0x7800;
	[sflag:s25] =	ssyncadd.s32 $0xFFFFD800;
	(pc) =	sbr.rel @p0 .LBB2_1-.Ltmp29, $4  }
0x808: {  	[hbm4b:s22+s3] =	stream.linear.scatter [tilespmem:s16], [sflag:$0x4], $0x2800, $0x38;
	[tilespmem:$0x1E500] =	vst v63  }
0x809: {  	_ =	swait.ge [sflag:s25], $0x2800  }
0x80a: {  	[sflag:s25] =	ssyncset.done $0x0  }
0x80b: {  	[sflag:s25] =	ssyncadd.s32 $0xFFFFD800  }
0x80c: {  	_ =	sfence.sel $0x180000  }
0x80d: {  	[bflag:$0x0] =	sbarrier.arrive $0xFFFF  }
0x80e: {  	_ =	strace $0x9000004A  }
0x80f: {  	s0 =	stileid.u32;
	[bflag:$0x2] =	sbarrier.arrive $0xFFFF  }
0x810: {  	p0 =	sne.s32 s0, $0x0;
	s0 =	rddreg [dreg:$0x2]  }
0x811: {  	s0 =	sadd.s32 @!p0 $0x100000, s0  }
0x812: {  	[sflag:s0] =	ssyncadd.tile.s32 @!p0 $0x1;
	_ =	shalt  }
.Lfunc_end2:
_tile_overlayer_lowered:
.L_overlay_start_2:
0x813: {  	(tag) =	ssettag $0x2  }
0x814: {  	s0 =	rddreg [dreg:$0x0];
	s2 =	stileid.u32  }
0x815: {  	s1 =	rddreg [dreg:$0x1];
	p0 =	sne.s32 s2, $0x0  }
0x816: {  	s3 =	rddreg [dreg:$0x2];
	[bflag:$0x3] =	sbarrier.arrive $0xFFFF;
	s2 =	simm.s32 @!p0 $0x1C04  }
0x817: {  	[timem:s3], [sflag:s2] =	dma.local @!p0 [hbm:s0], s1  }
0x818: {  	s0 =	simm.s32 @!p0 $0x4  }
0x819: {  	_ =	swait.ge @!p0 [sflag:s0], s1  }
0x81a: {  	s1 =	ssub.s32 @!p0 $0x0, s1;
	[sflag:s0] =	ssyncset.done @!p0 $0x0  }
0x81b: {  	[sflag:s0] =	ssyncadd.s32 @!p0 s1  }
0x81c: {  	[bflag:$0x3] =	sbarrier.arrive $0xFFFF  }
0x81d: {  	_ =	shalt  }

</sc_bundles>
